<compile_context>
chip_gen: v7x
topology: tpu7x:2x2x1
jax: 0.10.2.dev20260603
libtpu: 0.0.44.dev20260713+nightly
codegen_flags: <defaults>
</compile_context>

<pallas_src>
import functools

import jax
import jax.numpy as jnp
from jax import lax
from jax.experimental import pallas as pl
from jax.experimental.pallas import tpu as pltpu
from jax.experimental.pallas import tpu_sc as plsc

N_NODES = 10000
N_PAD = 10240
N_EDGES = 320000
E_PAD = 327680
NC = 2
NS = 16
NW = NC * NS
E_PER_W = E_PAD // NW
CHUNK = 128
N_CHUNKS = E_PER_W // CHUNK
STRIPE = N_PAD // NS
D1 = 128
D2 = 64
NUM_CLASSES_OUT = 40

_mesh = functools.partial(
    plsc.VectorSubcoreMesh, core_axis_name="c", subcore_axis_name="s")
_SC_PARAMS = pltpu.CompilerParams(needs_layout_passes=False)
_SC_AGG_PARAMS = pltpu.CompilerParams(
    needs_layout_passes=False, use_tc_tiling_on_sc=False)



@functools.partial(
    pl.kernel,
    out_type=jax.ShapeDtypeStruct((NW, N_PAD), jnp.float32),
    mesh=_mesh(),
    compiler_params=_SC_PARAMS,
    scratch_types=[
        pltpu.VMEM((E_PER_W // 128, 128), jnp.int32),
        pltpu.VMEM((N_PAD,), jnp.float32),
    ],
)
def _degree_kernel(dst_hbm, out_hbm, idx_v, deg_v):
    rows = E_PER_W // 128
    c = lax.axis_index("c")
    s = lax.axis_index("s")
    wid = s * NC + c
    pltpu.sync_copy(dst_hbm.at[pl.ds(wid * rows, rows)], idx_v)

    zeros16 = jnp.zeros((16,), jnp.float32)

    def zero_body(i, carry):
        deg_v[pl.ds(pl.multiple_of(i * 16, 16), 16)] = zeros16
        return carry

    lax.fori_loop(0, N_PAD // 16, zero_body, 0)

    ones16 = jnp.ones((16,), jnp.float32)

    def add_body(r, carry):
        for j in range(128 // 16):
            idx16 = idx_v[r, pl.ds(j * 16, 16)]
            plsc.addupdate_scatter(deg_v, [idx16], ones16)
        return carry

    lax.fori_loop(0, rows, add_body, 0)
    pltpu.sync_copy(deg_v, out_hbm.at[wid])


def _make_aggregate_local(chunk=128, nbuf=4, n_spans=2):
    d = 64
    span = E_PER_W // chunk // n_spans

    @functools.partial(
        pl.kernel,
        out_type=jax.ShapeDtypeStruct((NC, N_PAD, d), jnp.float32),
        mesh=_mesh(),
        compiler_params=_SC_AGG_PARAMS,
        scratch_types=[
            pltpu.VMEM((span, chunk), jnp.int32),
            pltpu.VMEM((span, chunk), jnp.int32),
            [pltpu.VMEM((chunk, d), jnp.float32)] * nbuf,
            pltpu.VMEM_SHARED((N_PAD, d), jnp.float32),
            pltpu.VMEM_SHARED((N_PAD, d), jnp.float32),
            [pltpu.SemaphoreType.DMA] * nbuf,
        ],
    )
    def agg(h_hbm, src_hbm, dst_hbm, zero_hbm, out_hbm,
            sidx_v, didx_v, rows_bufs, tab_sh, acc_sh, sems):
        c = lax.axis_index("c")
        s = lax.axis_index("s")
        wid = s * NC + c

        pltpu.sync_copy(h_hbm.at[pl.ds(s * STRIPE, STRIPE)],
                        tab_sh.at[pl.ds(s * STRIPE, STRIPE)])
        pltpu.sync_copy(zero_hbm, acc_sh.at[pl.ds(s * STRIPE, STRIPE)])
        plsc.subcore_barrier()

        def start_gather(k, buf, sem):
            pltpu.async_copy(tab_sh.at[sidx_v.at[k]], buf, sem)

        def wait_gather(buf, sem):
            pltpu.make_async_copy(tab_sh.at[pl.ds(0, chunk)], buf, sem).wait()

        def run_span(row0):
            pltpu.sync_copy(src_hbm.at[pl.ds(row0, span)], sidx_v)
            pltpu.sync_copy(dst_hbm.at[pl.ds(row0, span)], didx_v)
            for b in range(nbuf):
                start_gather(b, rows_bufs[b], sems[b])

            def ring_body(j, carry):
                k0 = j * nbuf
                for b in range(nbuf):
                    k = k0 + b
                    wait_gather(rows_bufs[b], sems[b])
                    pltpu.sync_copy(
                        rows_bufs[b], acc_sh.at[didx_v.at[k]], add=True)

                    @pl.when(k + nbuf < span)
                    def _():
                        start_gather(k + nbuf, rows_bufs[b], sems[b])

                return carry

            lax.fori_loop(0, span // nbuf, ring_body, 0)

        for i in range(n_spans):
            run_span(wid * (E_PER_W // chunk) + i * span)
        plsc.subcore_barrier()

        pltpu.sync_copy(acc_sh.at[pl.ds(s * STRIPE, STRIPE)],
                        out_hbm.at[c, pl.ds(s * STRIPE, STRIPE)])

    return agg


_aggregate_local = _make_aggregate_local()



def _mm_scale_body(parts_ref, x_ref, w_ref, oa_ref, ob_ref, dis_ref):
    deg = jnp.sum(parts_ref[...], axis=0) + 1.0
    dis = 1.0 / jnp.sqrt(deg)
    dis_ref[...] = dis
    h = jnp.dot(x_ref[...], w_ref[...],
                preferred_element_type=jnp.float32,
                precision=lax.Precision.HIGHEST)
    hh = h * dis[:, None]
    oa_ref[...] = hh[:, :D2]
    ob_ref[...] = hh[:, D2:]


def _layer2_body(pa_ref, pb_ref, ha_ref, hb_ref, dis_ref, b_ref, w_ref,
                 o_ref):
    dis = dis_ref[...][:, None]
    acc = jnp.concatenate(
        [pa_ref[0] + pa_ref[1] + ha_ref[...],
         pb_ref[0] + pb_ref[1] + hb_ref[...]], axis=1)
    out1 = jnp.maximum(acc * dis + b_ref[...][None, :], 0.0)
    h2 = jnp.dot(out1, w_ref[...],
                 preferred_element_type=jnp.float32,
                 precision=lax.Precision.HIGHEST)
    o_ref[...] = h2 * dis


def _final_body(q_ref, hh_ref, dis_ref, b_ref, o_ref):
    acc = q_ref[0] + q_ref[1] + hh_ref[...]
    res = acc * dis_ref[...][:, None]
    o_ref[...] = res[:, :NUM_CLASSES_OUT] + b_ref[...][None, :]


_BLK = 512
_GRID = N_PAD // _BLK
_FBLK = 400


def _row_specs(d):
    return [
        pl.BlockSpec((NC, _BLK, d), lambda i: (0, i, 0)),
        pl.BlockSpec((_BLK, d), lambda i: (i, 0)),
        pl.BlockSpec((_BLK,), lambda i: (i,)),
    ]


def kernel(x, edge_index, W1, b1, W2, b2):
    ei = edge_index.astype(jnp.int32)
    e3 = jnp.pad(ei, ((0, 0), (0, E_PAD - N_EDGES)),
                 constant_values=N_PAD - 1).reshape(2, -1, 128)
    src2, dst2 = e3[0], e3[1]
    xp = jnp.pad(x, ((0, N_PAD - N_NODES), (0, 0)))
    W2p = jnp.pad(W2, ((0, 0), (0, D2 - W2.shape[1])))
    zero2 = jnp.zeros((STRIPE, D2), jnp.float32)

    deg_parts = _degree_kernel(dst2)

    hh1a, hh1b, dis = pl.pallas_call(
        _mm_scale_body,
        grid=(_GRID,),
        in_specs=[
            pl.BlockSpec((NW, _BLK), lambda i: (0, i)),
            pl.BlockSpec((_BLK, D1), lambda i: (i, 0)),
            pl.BlockSpec((D1, D1), lambda i: (0, 0)),
        ],
        out_specs=[
            pl.BlockSpec((_BLK, D2), lambda i: (i, 0)),
            pl.BlockSpec((_BLK, D2), lambda i: (i, 0)),
            pl.BlockSpec((_BLK,), lambda i: (i,)),
        ],
        out_shape=[
            jax.ShapeDtypeStruct((N_PAD, D2), jnp.float32),
            jax.ShapeDtypeStruct((N_PAD, D2), jnp.float32),
            jax.ShapeDtypeStruct((N_PAD,), jnp.float32),
        ],
    )(deg_parts, xp, W1)

    p1a = _aggregate_local(hh1a, src2, dst2, zero2)
    p1b = _aggregate_local(hh1b, src2, dst2, zero2)

    hh2 = pl.pallas_call(
        _layer2_body,
        grid=(_GRID,),
        in_specs=[
            pl.BlockSpec((NC, _BLK, D2), lambda i: (0, i, 0)),
            pl.BlockSpec((NC, _BLK, D2), lambda i: (0, i, 0)),
            pl.BlockSpec((_BLK, D2), lambda i: (i, 0)),
            pl.BlockSpec((_BLK, D2), lambda i: (i, 0)),
            pl.BlockSpec((_BLK,), lambda i: (i,)),
            pl.BlockSpec((D1,), lambda i: (0,)),
            pl.BlockSpec((D1, D2), lambda i: (0, 0)),
        ],
        out_specs=pl.BlockSpec((_BLK, D2), lambda i: (i, 0)),
        out_shape=jax.ShapeDtypeStruct((N_PAD, D2), jnp.float32),
    )(p1a, p1b, hh1a, hh1b, dis, b1, W2p)

    p2 = _aggregate_local(hh2, src2, dst2, zero2)

    out = pl.pallas_call(
        _final_body,
        grid=(_GRID,),
        in_specs=[
            pl.BlockSpec((NC, _BLK, D2), lambda i: (0, i, 0)),
            pl.BlockSpec((_BLK, D2), lambda i: (i, 0)),
            pl.BlockSpec((_BLK,), lambda i: (i,)),
            pl.BlockSpec((NUM_CLASSES_OUT,), lambda i: (0,)),
        ],
        out_specs=pl.BlockSpec((_BLK, NUM_CLASSES_OUT), lambda i: (i, 0)),
        out_shape=jax.ShapeDtypeStruct((N_PAD, NUM_CLASSES_OUT),
                                       jnp.float32),
    )(p2, hh2, dis, b2)

    return out[:N_NODES]

# --- scband reference (transcript-rebuilt; emitter-appended) ---
"""Pipeline reference for scband-simple-gcn-55662776156345 (READ-ONLY COPY).

The authoritative reference and input builder live on the scoring server;
editing this copy changes nothing except your own understanding.
"""

import jax, jax.numpy as jnp
import numpy as np

N_NODES = 10000
IN_DIM = 128
HID_DIM = 128
NUM_CLASSES = 40
N_EDGES = 320000


def gcn_conv(x, edge_index, W, b, num_nodes):
    # PyG-style GCNConv: add self-loops, symmetric normalization, linear transform,
    # scatter-add aggregation, bias.
    src = edge_index[0]
    dst = edge_index[1]
    loop = jnp.arange(num_nodes, dtype=edge_index.dtype)
    src = jnp.concatenate([src, loop])
    dst = jnp.concatenate([dst, loop])
    deg = jnp.zeros((num_nodes,), dtype=x.dtype).at[dst].add(1.0)
    deg_inv_sqrt = jnp.where(deg > 0, deg ** -0.5, 0.0)
    norm = deg_inv_sqrt[src] * deg_inv_sqrt[dst]
    h = x @ W
    msg = h[src] * norm[:, None]
    out = jax.ops.segment_sum(msg, dst, num_segments=num_nodes)
    return out + b


def setup_inputs(seed: int = 0) -> dict:
    key = jax.random.key(seed)
    k1, k2, k3, k4, k5, k6 = jax.random.split(key, 6)
    x = jax.random.normal(k1, (N_NODES, IN_DIM), dtype=jnp.float32)
    edge_index = jax.random.randint(k2, (2, N_EDGES), 0, N_NODES, dtype=jnp.int64)
    g1 = 1.0 / np.sqrt(IN_DIM)
    g2 = 1.0 / np.sqrt(HID_DIM)
    W1 = jax.random.uniform(k3, (IN_DIM, HID_DIM), dtype=jnp.float32, minval=-g1, maxval=g1)
    b1 = jnp.zeros((HID_DIM,), dtype=jnp.float32)
    W2 = jax.random.uniform(k4, (HID_DIM, NUM_CLASSES), dtype=jnp.float32, minval=-g2, maxval=g2)
    b2 = jnp.zeros((NUM_CLASSES,), dtype=jnp.float32)
    return {"x": x, "edge_index": edge_index, "W1": W1, "b1": b1, "W2": W2, "b2": b2}


def reference(x, edge_index, W1, b1, W2, b2):
    # SimpleGCN.forward (dropout in eval mode -> identity)
    h = gcn_conv(x, edge_index, W1, b1, N_NODES)
    h = jax.nn.relu(h)
    out = gcn_conv(h, edge_index, W2, b2, N_NODES)
    return out

if __name__ == "__main__":
    import jax
    _d = setup_inputs()
    print(jax.jit(kernel)(*tuple(_d.values())))

</pallas_src>

<mosaic_0001>
#map = affine_map<(d0, d1) -> (0, 0)>
#map1 = affine_map<(d0, d1) -> (0, 0, 0)>
module attributes {stable_mosaic.version = 14 : i64} {
  func.func @agg(%arg0: i32, %arg1: i32, %arg2: memref<10240x64xf32, #tpu.memory_space<hbm>>, %arg3: memref<2560x128xi32, #tpu.memory_space<hbm>>, %arg4: memref<2560x128xi32, #tpu.memory_space<hbm>>, %arg5: memref<640x64xf32, #tpu.memory_space<hbm>>, %arg6: memref<2x10240x64xf32, #tpu.memory_space<hbm>>, %arg7: memref<40x128xi32, #tpu.memory_space<vmem>>, %arg8: memref<40x128xi32, #tpu.memory_space<vmem>>, %arg9: memref<128x64xf32, #tpu.memory_space<vmem>>, %arg10: memref<128x64xf32, #tpu.memory_space<vmem>>, %arg11: memref<128x64xf32, #tpu.memory_space<vmem>>, %arg12: memref<128x64xf32, #tpu.memory_space<vmem>>, %arg13: memref<10240x64xf32, #tpu.memory_space<vmem_shared>>, %arg14: memref<10240x64xf32, #tpu.memory_space<vmem_shared>>, %arg15: memref<!tpu.dma_semaphore, #tpu.memory_space<semaphore_mem>>, %arg16: memref<!tpu.dma_semaphore, #tpu.memory_space<semaphore_mem>>, %arg17: memref<!tpu.dma_semaphore, #tpu.memory_space<semaphore_mem>>, %arg18: memref<!tpu.dma_semaphore, #tpu.memory_space<semaphore_mem>>) attributes {dimension_semantics = [#tpu.dimension_semantics<core_parallel>, #tpu.dimension_semantics<subcore_parallel>], iteration_bounds = array<i64: 2, 16>, scalar_prefetch = 0 : i64, scratch_operands = 12 : i64, tpu.core_type = #tpu.core_type<sc_vector_subcore>, window_params = [{transform_indices = #map}, {transform_indices = #map}, {transform_indices = #map}, {transform_indices = #map}, {transform_indices = #map1}]} {
    %mul3A = arith.constant 2 : i32
    %mul3A_0 = arith.muli %arg1, %mul3A : i32
    %add3A = arith.addi %mul3A_0, %arg0 : i32
    %mul3A_1 = arith.constant 640 : i32
    %mul3A_2 = arith.muli %arg1, %mul3A_1 : i32
    %mul3A_3 = arith.constant 640 : i32
    %mul3A_4 = arith.muli %arg1, %mul3A_3 : i32
    "tpu.region"() ({
      %run_scoped3A = tpu.sem_alloc : memref<!tpu.dma_semaphore, #tpu.memory_space<semaphore_mem>>
      %dma_start3A_86 = arith.constant 0 : i32
      %dma_start3A_87 = tpu.memref_slice %arg13[%mul3A_4, %dma_start3A_86] : memref<10240x64xf32, #tpu.memory_space<vmem_shared>> -> memref<640x64xf32, #tpu.memory_space<vmem_shared>>
      %dma_start3A_88 = arith.constant 0 : i32
      %dma_start3A_89 = tpu.memref_slice %arg2[%mul3A_2, %dma_start3A_88] : memref<10240x64xf32, #tpu.memory_space<hbm>> -> memref<640x64xf32, #tpu.memory_space<hbm>>
      tpu.enqueue_dma source(%dma_start3A_89 : memref<640x64xf32, #tpu.memory_space<hbm>>) target(%dma_start3A_87 : memref<640x64xf32, #tpu.memory_space<vmem_shared>>) target_semaphore(%run_scoped3A : memref<!tpu.dma_semaphore, #tpu.memory_space<semaphore_mem>>)
      %dma_wait3A = arith.constant 0 : i32
      %dma_wait3A_90 = tpu.memref_slice %arg13[%mul3A_4, %dma_wait3A] : memref<10240x64xf32, #tpu.memory_space<vmem_shared>> -> memref<640x64xf32, #tpu.memory_space<vmem_shared>>
      %dma_wait3A_91 = arith.constant 0 : i32
      %dma_wait3A_92 = tpu.memref_slice %arg2[%mul3A_2, %dma_wait3A_91] : memref<10240x64xf32, #tpu.memory_space<hbm>> -> memref<640x64xf32, #tpu.memory_space<hbm>>
      tpu.wait_dma2 semaphore(%run_scoped3A : memref<!tpu.dma_semaphore, #tpu.memory_space<semaphore_mem>>) src(%dma_wait3A_92 : memref<640x64xf32, #tpu.memory_space<hbm>>) dst(%dma_wait3A_90 : memref<640x64xf32, #tpu.memory_space<vmem_shared>>)
      tpu.yield
    }) : () -> ()
    %mul3A_5 = arith.constant 640 : i32
    %mul3A_6 = arith.muli %arg1, %mul3A_5 : i32
    "tpu.region"() ({
      %run_scoped3A = tpu.sem_alloc : memref<!tpu.dma_semaphore, #tpu.memory_space<semaphore_mem>>
      %dma_start3A_86 = arith.constant 0 : i32
      %dma_start3A_87 = tpu.memref_slice %arg14[%mul3A_6, %dma_start3A_86] : memref<10240x64xf32, #tpu.memory_space<vmem_shared>> -> memref<640x64xf32, #tpu.memory_space<vmem_shared>>
      tpu.enqueue_dma source(%arg5 : memref<640x64xf32, #tpu.memory_space<hbm>>) target(%dma_start3A_87 : memref<640x64xf32, #tpu.memory_space<vmem_shared>>) target_semaphore(%run_scoped3A : memref<!tpu.dma_semaphore, #tpu.memory_space<semaphore_mem>>)
      %dma_wait3A = arith.constant 0 : i32
      %dma_wait3A_88 = tpu.memref_slice %arg14[%mul3A_6, %dma_wait3A] : memref<10240x64xf32, #tpu.memory_space<vmem_shared>> -> memref<640x64xf32, #tpu.memory_space<vmem_shared>>
      tpu.wait_dma2 semaphore(%run_scoped3A : memref<!tpu.dma_semaphore, #tpu.memory_space<semaphore_mem>>) src(%arg5 : memref<640x64xf32, #tpu.memory_space<hbm>>) dst(%dma_wait3A_88 : memref<640x64xf32, #tpu.memory_space<vmem_shared>>)
      tpu.yield
    }) : () -> ()
    %barrier3A = arith.constant 0 : index
    tpu.barrier barrier_id(%barrier3A)
    %mul3A_7 = arith.constant 80 : i32
    %mul3A_8 = arith.muli %add3A, %mul3A_7 : i32
    %add3A_9 = arith.constant 0 : i32
    %add3A_10 = arith.addi %mul3A_8, %add3A_9 : i32
    "tpu.region"() ({
      %run_scoped3A = tpu.sem_alloc : memref<!tpu.dma_semaphore, #tpu.memory_space<semaphore_mem>>
      %dma_start3A_86 = arith.constant 0 : i32
      %dma_start3A_87 = tpu.memref_slice %arg3[%add3A_10, %dma_start3A_86] : memref<2560x128xi32, #tpu.memory_space<hbm>> -> memref<40x128xi32, #tpu.memory_space<hbm>>
      %dma_start3A_88 = arith.constant 0 : i32
      %dma_start3A_89 = tpu.memref_slice %arg3[%add3A_10, %dma_start3A_88] : memref<2560x128xi32, #tpu.memory_space<hbm>> -> memref<40x128xi32, #tpu.memory_space<hbm>>
      tpu.enqueue_dma source(%dma_start3A_89 : memref<40x128xi32, #tpu.memory_space<hbm>>) target(%arg7 : memref<40x128xi32, #tpu.memory_space<vmem>>) target_semaphore(%run_scoped3A : memref<!tpu.dma_semaphore, #tpu.memory_space<semaphore_mem>>)
      %dma_wait3A = arith.constant 0 : i32
      %dma_wait3A_90 = tpu.memref_slice %arg3[%add3A_10, %dma_wait3A] : memref<2560x128xi32, #tpu.memory_space<hbm>> -> memref<40x128xi32, #tpu.memory_space<hbm>>
      %dma_wait3A_91 = arith.constant 0 : i32
      %dma_wait3A_92 = tpu.memref_slice %arg3[%add3A_10, %dma_wait3A_91] : memref<2560x128xi32, #tpu.memory_space<hbm>> -> memref<40x128xi32, #tpu.memory_space<hbm>>
      tpu.wait_dma2 semaphore(%run_scoped3A : memref<!tpu.dma_semaphore, #tpu.memory_space<semaphore_mem>>) src(%dma_wait3A_92 : memref<40x128xi32, #tpu.memory_space<hbm>>) dst(%arg7 : memref<40x128xi32, #tpu.memory_space<vmem>>)
      tpu.yield
    }) : () -> ()
    "tpu.region"() ({
      %run_scoped3A = tpu.sem_alloc : memref<!tpu.dma_semaphore, #tpu.memory_space<semaphore_mem>>
      %dma_start3A_86 = arith.constant 0 : i32
      %dma_start3A_87 = tpu.memref_slice %arg4[%add3A_10, %dma_start3A_86] : memref<2560x128xi32, #tpu.memory_space<hbm>> -> memref<40x128xi32, #tpu.memory_space<hbm>>
      %dma_start3A_88 = arith.constant 0 : i32
      %dma_start3A_89 = tpu.memref_slice %arg4[%add3A_10, %dma_start3A_88] : memref<2560x128xi32, #tpu.memory_space<hbm>> -> memref<40x128xi32, #tpu.memory_space<hbm>>
      tpu.enqueue_dma source(%dma_start3A_89 : memref<40x128xi32, #tpu.memory_space<hbm>>) target(%arg8 : memref<40x128xi32, #tpu.memory_space<vmem>>) target_semaphore(%run_scoped3A : memref<!tpu.dma_semaphore, #tpu.memory_space<semaphore_mem>>)
      %dma_wait3A = arith.constant 0 : i32
      %dma_wait3A_90 = tpu.memref_slice %arg4[%add3A_10, %dma_wait3A] : memref<2560x128xi32, #tpu.memory_space<hbm>> -> memref<40x128xi32, #tpu.memory_space<hbm>>
      %dma_wait3A_91 = arith.constant 0 : i32
      %dma_wait3A_92 = tpu.memref_slice %arg4[%add3A_10, %dma_wait3A_91] : memref<2560x128xi32, #tpu.memory_space<hbm>> -> memref<40x128xi32, #tpu.memory_space<hbm>>
      tpu.wait_dma2 semaphore(%run_scoped3A : memref<!tpu.dma_semaphore, #tpu.memory_space<semaphore_mem>>) src(%dma_wait3A_92 : memref<40x128xi32, #tpu.memory_space<hbm>>) dst(%arg8 : memref<40x128xi32, #tpu.memory_space<vmem>>)
      tpu.yield
    }) : () -> ()
    %dma_start3A = arith.constant 0 : i32
    %dma_start3A_11 = arith.constant 0 : i32
    %dma_start3A_12 = tpu.memref_slice %arg7[%dma_start3A, %dma_start3A_11] : memref<40x128xi32, #tpu.memory_space<vmem>> -> memref<1x128xi32, #tpu.memory_space<vmem>>
    %dma_start3A_13 = tpu.memref_squeeze %dma_start3A_12 : memref<1x128xi32, #tpu.memory_space<vmem>> -> memref<128xi32, #tpu.memory_space<vmem>>
    %dma_start3A_14 = arith.constant 0 : i32
    %dma_start3A_15 = arith.constant 0 : i32
    %dma_start3A_16 = tpu.memref_slice %arg13[%dma_start3A_14, %dma_start3A_15] : memref<10240x64xf32, #tpu.memory_space<vmem_shared>> -> memref<10240x64xf32, #tpu.memory_space<vmem_shared>>
    tpu.enqueue_indirect_dma source(%dma_start3A_16 : memref<10240x64xf32, #tpu.memory_space<vmem_shared>>) target(%arg9 : memref<128x64xf32, #tpu.memory_space<vmem>>) offsets(%dma_start3A_13 : memref<128xi32, #tpu.memory_space<vmem>>) semaphore(%arg15 : memref<!tpu.dma_semaphore, #tpu.memory_space<semaphore_mem>>)
    %dma_start3A_17 = arith.constant 1 : i32
    %dma_start3A_18 = arith.constant 0 : i32
    %dma_start3A_19 = tpu.memref_slice %arg7[%dma_start3A_17, %dma_start3A_18] : memref<40x128xi32, #tpu.memory_space<vmem>> -> memref<1x128xi32, #tpu.memory_space<vmem>>
    %dma_start3A_20 = tpu.memref_squeeze %dma_start3A_19 : memref<1x128xi32, #tpu.memory_space<vmem>> -> memref<128xi32, #tpu.memory_space<vmem>>
    %dma_start3A_21 = arith.constant 0 : i32
    %dma_start3A_22 = arith.constant 0 : i32
    %dma_start3A_23 = tpu.memref_slice %arg13[%dma_start3A_21, %dma_start3A_22] : memref<10240x64xf32, #tpu.memory_space<vmem_shared>> -> memref<10240x64xf32, #tpu.memory_space<vmem_shared>>
    tpu.enqueue_indirect_dma source(%dma_start3A_23 : memref<10240x64xf32, #tpu.memory_space<vmem_shared>>) target(%arg10 : memref<128x64xf32, #tpu.memory_space<vmem>>) offsets(%dma_start3A_20 : memref<128xi32, #tpu.memory_space<vmem>>) semaphore(%arg16 : memref<!tpu.dma_semaphore, #tpu.memory_space<semaphore_mem>>)
    %dma_start3A_24 = arith.constant 2 : i32
    %dma_start3A_25 = arith.constant 0 : i32
    %dma_start3A_26 = tpu.memref_slice %arg7[%dma_start3A_24, %dma_start3A_25] : memref<40x128xi32, #tpu.memory_space<vmem>> -> memref<1x128xi32, #tpu.memory_space<vmem>>
    %dma_start3A_27 = tpu.memref_squeeze %dma_start3A_26 : memref<1x128xi32, #tpu.memory_space<vmem>> -> memref<128xi32, #tpu.memory_space<vmem>>
    %dma_start3A_28 = arith.constant 0 : i32
    %dma_start3A_29 = arith.constant 0 : i32
    %dma_start3A_30 = tpu.memref_slice %arg13[%dma_start3A_28, %dma_start3A_29] : memref<10240x64xf32, #tpu.memory_space<vmem_shared>> -> memref<10240x64xf32, #tpu.memory_space<vmem_shared>>
    tpu.enqueue_indirect_dma source(%dma_start3A_30 : memref<10240x64xf32, #tpu.memory_space<vmem_shared>>) target(%arg11 : memref<128x64xf32, #tpu.memory_space<vmem>>) offsets(%dma_start3A_27 : memref<128xi32, #tpu.memory_space<vmem>>) semaphore(%arg17 : memref<!tpu.dma_semaphore, #tpu.memory_space<semaphore_mem>>)
    %dma_start3A_31 = arith.constant 3 : i32
    %dma_start3A_32 = arith.constant 0 : i32
    %dma_start3A_33 = tpu.memref_slice %arg7[%dma_start3A_31, %dma_start3A_32] : memref<40x128xi32, #tpu.memory_space<vmem>> -> memref<1x128xi32, #tpu.memory_space<vmem>>
    %dma_start3A_34 = tpu.memref_squeeze %dma_start3A_33 : memref<1x128xi32, #tpu.memory_space<vmem>> -> memref<128xi32, #tpu.memory_space<vmem>>
    %dma_start3A_35 = arith.constant 0 : i32
    %dma_start3A_36 = arith.constant 0 : i32
    %dma_start3A_37 = tpu.memref_slice %arg13[%dma_start3A_35, %dma_start3A_36] : memref<10240x64xf32, #tpu.memory_space<vmem_shared>> -> memref<10240x64xf32, #tpu.memory_space<vmem_shared>>
    tpu.enqueue_indirect_dma source(%dma_start3A_37 : memref<10240x64xf32, #tpu.memory_space<vmem_shared>>) target(%arg12 : memref<128x64xf32, #tpu.memory_space<vmem>>) offsets(%dma_start3A_34 : memref<128xi32, #tpu.memory_space<vmem>>) semaphore(%arg18 : memref<!tpu.dma_semaphore, #tpu.memory_space<semaphore_mem>>)
    %scan3A = arith.constant 0 : i32
    %scan3A_38 = arith.constant 0 : i32
    %scan3A_39 = arith.constant 10 : i32
    %scan3A_40 = arith.addi %scan3A_38, %scan3A_39 : i32
    %scan3A_41 = arith.constant 1 : i32
    scf.for %scan3A_86 = %scan3A_38 to %scan3A_40 step %scan3A_41  : i32 {
      %mul3A_87 = arith.constant 4 : i32
      %mul3A_88 = arith.muli %scan3A_86, %mul3A_87 : i32
      %add3A_89 = arith.constant 0 : i32
      %add3A_90 = arith.addi %mul3A_88, %add3A_89 : i32
      %dma_wait3A = arith.constant 0 : i32
      %dma_wait3A_91 = arith.constant 0 : i32
      %dma_wait3A_92 = tpu.memref_slice %arg13[%dma_wait3A, %dma_wait3A_91] : memref<10240x64xf32, #tpu.memory_space<vmem_shared>> -> memref<128x64xf32, #tpu.memory_space<vmem_shared>>
      %dma_wait3A_93 = arith.constant 0 : i32
      %dma_wait3A_94 = arith.constant 0 : i32
      %dma_wait3A_95 = tpu.memref_slice %arg13[%dma_wait3A_93, %dma_wait3A_94] : memref<10240x64xf32, #tpu.memory_space<vmem_shared>> -> memref<128x64xf32, #tpu.memory_space<vmem_shared>>
      tpu.wait_dma2 semaphore(%arg15 : memref<!tpu.dma_semaphore, #tpu.memory_space<semaphore_mem>>) src(%dma_wait3A_95 : memref<128x64xf32, #tpu.memory_space<vmem_shared>>) dst(%arg9 : memref<128x64xf32, #tpu.memory_space<vmem>>)
      "tpu.region"() ({
        %run_scoped3A = tpu.sem_alloc : memref<!tpu.dma_semaphore, #tpu.memory_space<semaphore_mem>>
        %dma_start3A_145 = arith.constant 0 : i32
        %dma_start3A_146 = tpu.memref_slice %arg8[%add3A_90, %dma_start3A_145] : memref<40x128xi32, #tpu.memory_space<vmem>> -> memref<1x128xi32, #tpu.memory_space<vmem>>
        %dma_start3A_147 = tpu.memref_squeeze %dma_start3A_146 : memref<1x128xi32, #tpu.memory_space<vmem>> -> memref<128xi32, #tpu.memory_space<vmem>>
        %dma_start3A_148 = arith.constant 0 : i32
        %dma_start3A_149 = arith.constant 0 : i32
        %dma_start3A_150 = tpu.memref_slice %arg14[%dma_start3A_148, %dma_start3A_149] : memref<10240x64xf32, #tpu.memory_space<vmem_shared>> -> memref<10240x64xf32, #tpu.memory_space<vmem_shared>>
        tpu.enqueue_indirect_dma source(%arg9 : memref<128x64xf32, #tpu.memory_space<vmem>>) target(%dma_start3A_150 : memref<10240x64xf32, #tpu.memory_space<vmem_shared>>) offsets(%dma_start3A_147 : memref<128xi32, #tpu.memory_space<vmem>>) semaphore(%run_scoped3A : memref<!tpu.dma_semaphore, #tpu.memory_space<semaphore_mem>>) {add = true}
        %dma_wait3A_151 = arith.constant 0 : i32
        %dma_wait3A_152 = tpu.memref_slice %arg8[%add3A_90, %dma_wait3A_151] : memref<40x128xi32, #tpu.memory_space<vmem>> -> memref<1x128xi32, #tpu.memory_space<vmem>>
        %dma_wait3A_153 = tpu.memref_squeeze %dma_wait3A_152 : memref<1x128xi32, #tpu.memory_space<vmem>> -> memref<128xi32, #tpu.memory_space<vmem>>
        %dma_wait3A_154 = arith.constant 0 : i32
        %dma_wait3A_155 = arith.constant 0 : i32
        %dma_wait3A_156 = tpu.memref_slice %arg14[%dma_wait3A_154, %dma_wait3A_155] : memref<10240x64xf32, #tpu.memory_space<vmem_shared>> -> memref<10240x64xf32, #tpu.memory_space<vmem_shared>>
        tpu.wait_indirect_dma semaphore(%run_scoped3A : memref<!tpu.dma_semaphore, #tpu.memory_space<semaphore_mem>>) src(%arg9 : memref<128x64xf32, #tpu.memory_space<vmem>>) dst(%dma_wait3A_156 : memref<10240x64xf32, #tpu.memory_space<vmem_shared>>)
        tpu.yield
      }) : () -> ()
      %add3A_96 = arith.constant 4 : i32
      %add3A_97 = arith.addi %add3A_90, %add3A_96 : i32
      %lt3A = arith.constant 40 : i32
      %lt3A_98 = arith.cmpi slt, %add3A_97, %lt3A : i32
      %convert_element_type3A = arith.extui %lt3A_98 : i1 to i32
      %cond3A = arith.constant 0 : i32
      %cond3A_99 = arith.cmpi ne, %convert_element_type3A, %cond3A : i32
      scf.if %cond3A_99 {
        %add3A_145 = arith.constant 4 : i32
        %add3A_146 = arith.addi %add3A_90, %add3A_145 : i32
        %dma_start3A_147 = arith.constant 0 : i32
        %dma_start3A_148 = tpu.memref_slice %arg7[%add3A_146, %dma_start3A_147] : memref<40x128xi32, #tpu.memory_space<vmem>> -> memref<1x128xi32, #tpu.memory_space<vmem>>
        %dma_start3A_149 = tpu.memref_squeeze %dma_start3A_148 : memref<1x128xi32, #tpu.memory_space<vmem>> -> memref<128xi32, #tpu.memory_space<vmem>>
        %dma_start3A_150 = arith.constant 0 : i32
        %dma_start3A_151 = arith.constant 0 : i32
        %dma_start3A_152 = tpu.memref_slice %arg13[%dma_start3A_150, %dma_start3A_151] : memref<10240x64xf32, #tpu.memory_space<vmem_shared>> -> memref<10240x64xf32, #tpu.memory_space<vmem_shared>>
        tpu.enqueue_indirect_dma source(%dma_start3A_152 : memref<10240x64xf32, #tpu.memory_space<vmem_shared>>) target(%arg9 : memref<128x64xf32, #tpu.memory_space<vmem>>) offsets(%dma_start3A_149 : memref<128xi32, #tpu.memory_space<vmem>>) semaphore(%arg15 : memref<!tpu.dma_semaphore, #tpu.memory_space<semaphore_mem>>)
      } else {
      }
      %add3A_100 = arith.constant 1 : i32
      %add3A_101 = arith.addi %mul3A_88, %add3A_100 : i32
      %dma_wait3A_102 = arith.constant 0 : i32
      %dma_wait3A_103 = arith.constant 0 : i32
      %dma_wait3A_104 = tpu.memref_slice %arg13[%dma_wait3A_102, %dma_wait3A_103] : memref<10240x64xf32, #tpu.memory_space<vmem_shared>> -> memref<128x64xf32, #tpu.memory_space<vmem_shared>>
      %dma_wait3A_105 = arith.constant 0 : i32
      %dma_wait3A_106 = arith.constant 0 : i32
      %dma_wait3A_107 = tpu.memref_slice %arg13[%dma_wait3A_105, %dma_wait3A_106] : memref<10240x64xf32, #tpu.memory_space<vmem_shared>> -> memref<128x64xf32, #tpu.memory_space<vmem_shared>>
      tpu.wait_dma2 semaphore(%arg16 : memref<!tpu.dma_semaphore, #tpu.memory_space<semaphore_mem>>) src(%dma_wait3A_107 : memref<128x64xf32, #tpu.memory_space<vmem_shared>>) dst(%arg10 : memref<128x64xf32, #tpu.memory_space<vmem>>)
      "tpu.region"() ({
        %run_scoped3A = tpu.sem_alloc : memref<!tpu.dma_semaphore, #tpu.memory_space<semaphore_mem>>
        %dma_start3A_145 = arith.constant 0 : i32
        %dma_start3A_146 = tpu.memref_slice %arg8[%add3A_101, %dma_start3A_145] : memref<40x128xi32, #tpu.memory_space<vmem>> -> memref<1x128xi32, #tpu.memory_space<vmem>>
        %dma_start3A_147 = tpu.memref_squeeze %dma_start3A_146 : memref<1x128xi32, #tpu.memory_space<vmem>> -> memref<128xi32, #tpu.memory_space<vmem>>
        %dma_start3A_148 = arith.constant 0 : i32
        %dma_start3A_149 = arith.constant 0 : i32
        %dma_start3A_150 = tpu.memref_slice %arg14[%dma_start3A_148, %dma_start3A_149] : memref<10240x64xf32, #tpu.memory_space<vmem_shared>> -> memref<10240x64xf32, #tpu.memory_space<vmem_shared>>
        tpu.enqueue_indirect_dma source(%arg10 : memref<128x64xf32, #tpu.memory_space<vmem>>) target(%dma_start3A_150 : memref<10240x64xf32, #tpu.memory_space<vmem_shared>>) offsets(%dma_start3A_147 : memref<128xi32, #tpu.memory_space<vmem>>) semaphore(%run_scoped3A : memref<!tpu.dma_semaphore, #tpu.memory_space<semaphore_mem>>) {add = true}
        %dma_wait3A_151 = arith.constant 0 : i32
        %dma_wait3A_152 = tpu.memref_slice %arg8[%add3A_101, %dma_wait3A_151] : memref<40x128xi32, #tpu.memory_space<vmem>> -> memref<1x128xi32, #tpu.memory_space<vmem>>
        %dma_wait3A_153 = tpu.memref_squeeze %dma_wait3A_152 : memref<1x128xi32, #tpu.memory_space<vmem>> -> memref<128xi32, #tpu.memory_space<vmem>>
        %dma_wait3A_154 = arith.constant 0 : i32
        %dma_wait3A_155 = arith.constant 0 : i32
        %dma_wait3A_156 = tpu.memref_slice %arg14[%dma_wait3A_154, %dma_wait3A_155] : memref<10240x64xf32, #tpu.memory_space<vmem_shared>> -> memref<10240x64xf32, #tpu.memory_space<vmem_shared>>
        tpu.wait_indirect_dma semaphore(%run_scoped3A : memref<!tpu.dma_semaphore, #tpu.memory_space<semaphore_mem>>) src(%arg10 : memref<128x64xf32, #tpu.memory_space<vmem>>) dst(%dma_wait3A_156 : memref<10240x64xf32, #tpu.memory_space<vmem_shared>>)
        tpu.yield
      }) : () -> ()
      %add3A_108 = arith.constant 4 : i32
      %add3A_109 = arith.addi %add3A_101, %add3A_108 : i32
      %lt3A_110 = arith.constant 40 : i32
      %lt3A_111 = arith.cmpi slt, %add3A_109, %lt3A_110 : i32
      %convert_element_type3A_112 = arith.extui %lt3A_111 : i1 to i32
      %cond3A_113 = arith.constant 0 : i32
      %cond3A_114 = arith.cmpi ne, %convert_element_type3A_112, %cond3A_113 : i32
      scf.if %cond3A_114 {
        %add3A_145 = arith.constant 4 : i32
        %add3A_146 = arith.addi %add3A_101, %add3A_145 : i32
        %dma_start3A_147 = arith.constant 0 : i32
        %dma_start3A_148 = tpu.memref_slice %arg7[%add3A_146, %dma_start3A_147] : memref<40x128xi32, #tpu.memory_space<vmem>> -> memref<1x128xi32, #tpu.memory_space<vmem>>
        %dma_start3A_149 = tpu.memref_squeeze %dma_start3A_148 : memref<1x128xi32, #tpu.memory_space<vmem>> -> memref<128xi32, #tpu.memory_space<vmem>>
        %dma_start3A_150 = arith.constant 0 : i32
        %dma_start3A_151 = arith.constant 0 : i32
        %dma_start3A_152 = tpu.memref_slice %arg13[%dma_start3A_150, %dma_start3A_151] : memref<10240x64xf32, #tpu.memory_space<vmem_shared>> -> memref<10240x64xf32, #tpu.memory_space<vmem_shared>>
        tpu.enqueue_indirect_dma source(%dma_start3A_152 : memref<10240x64xf32, #tpu.memory_space<vmem_shared>>) target(%arg10 : memref<128x64xf32, #tpu.memory_space<vmem>>) offsets(%dma_start3A_149 : memref<128xi32, #tpu.memory_space<vmem>>) semaphore(%arg16 : memref<!tpu.dma_semaphore, #tpu.memory_space<semaphore_mem>>)
      } else {
      }
      %add3A_115 = arith.constant 2 : i32
      %add3A_116 = arith.addi %mul3A_88, %add3A_115 : i32
      %dma_wait3A_117 = arith.constant 0 : i32
      %dma_wait3A_118 = arith.constant 0 : i32
      %dma_wait3A_119 = tpu.memref_slice %arg13[%dma_wait3A_117, %dma_wait3A_118] : memref<10240x64xf32, #tpu.memory_space<vmem_shared>> -> memref<128x64xf32, #tpu.memory_space<vmem_shared>>
      %dma_wait3A_120 = arith.constant 0 : i32
      %dma_wait3A_121 = arith.constant 0 : i32
      %dma_wait3A_122 = tpu.memref_slice %arg13[%dma_wait3A_120, %dma_wait3A_121] : memref<10240x64xf32, #tpu.memory_space<vmem_shared>> -> memref<128x64xf32, #tpu.memory_space<vmem_shared>>
      tpu.wait_dma2 semaphore(%arg17 : memref<!tpu.dma_semaphore, #tpu.memory_space<semaphore_mem>>) src(%dma_wait3A_122 : memref<128x64xf32, #tpu.memory_space<vmem_shared>>) dst(%arg11 : memref<128x64xf32, #tpu.memory_space<vmem>>)
      "tpu.region"() ({
        %run_scoped3A = tpu.sem_alloc : memref<!tpu.dma_semaphore, #tpu.memory_space<semaphore_mem>>
        %dma_start3A_145 = arith.constant 0 : i32
        %dma_start3A_146 = tpu.memref_slice %arg8[%add3A_116, %dma_start3A_145] : memref<40x128xi32, #tpu.memory_space<vmem>> -> memref<1x128xi32, #tpu.memory_space<vmem>>
        %dma_start3A_147 = tpu.memref_squeeze %dma_start3A_146 : memref<1x128xi32, #tpu.memory_space<vmem>> -> memref<128xi32, #tpu.memory_space<vmem>>
        %dma_start3A_148 = arith.constant 0 : i32
        %dma_start3A_149 = arith.constant 0 : i32
        %dma_start3A_150 = tpu.memref_slice %arg14[%dma_start3A_148, %dma_start3A_149] : memref<10240x64xf32, #tpu.memory_space<vmem_shared>> -> memref<10240x64xf32, #tpu.memory_space<vmem_shared>>
        tpu.enqueue_indirect_dma source(%arg11 : memref<128x64xf32, #tpu.memory_space<vmem>>) target(%dma_start3A_150 : memref<10240x64xf32, #tpu.memory_space<vmem_shared>>) offsets(%dma_start3A_147 : memref<128xi32, #tpu.memory_space<vmem>>) semaphore(%run_scoped3A : memref<!tpu.dma_semaphore, #tpu.memory_space<semaphore_mem>>) {add = true}
        %dma_wait3A_151 = arith.constant 0 : i32
        %dma_wait3A_152 = tpu.memref_slice %arg8[%add3A_116, %dma_wait3A_151] : memref<40x128xi32, #tpu.memory_space<vmem>> -> memref<1x128xi32, #tpu.memory_space<vmem>>
        %dma_wait3A_153 = tpu.memref_squeeze %dma_wait3A_152 : memref<1x128xi32, #tpu.memory_space<vmem>> -> memref<128xi32, #tpu.memory_space<vmem>>
        %dma_wait3A_154 = arith.constant 0 : i32
        %dma_wait3A_155 = arith.constant 0 : i32
        %dma_wait3A_156 = tpu.memref_slice %arg14[%dma_wait3A_154, %dma_wait3A_155] : memref<10240x64xf32, #tpu.memory_space<vmem_shared>> -> memref<10240x64xf32, #tpu.memory_space<vmem_shared>>
        tpu.wait_indirect_dma semaphore(%run_scoped3A : memref<!tpu.dma_semaphore, #tpu.memory_space<semaphore_mem>>) src(%arg11 : memref<128x64xf32, #tpu.memory_space<vmem>>) dst(%dma_wait3A_156 : memref<10240x64xf32, #tpu.memory_space<vmem_shared>>)
        tpu.yield
      }) : () -> ()
      %add3A_123 = arith.constant 4 : i32
      %add3A_124 = arith.addi %add3A_116, %add3A_123 : i32
      %lt3A_125 = arith.constant 40 : i32
      %lt3A_126 = arith.cmpi slt, %add3A_124, %lt3A_125 : i32
      %convert_element_type3A_127 = arith.extui %lt3A_126 : i1 to i32
      %cond3A_128 = arith.constant 0 : i32
      %cond3A_129 = arith.cmpi ne, %convert_element_type3A_127, %cond3A_128 : i32
      scf.if %cond3A_129 {
        %add3A_145 = arith.constant 4 : i32
        %add3A_146 = arith.addi %add3A_116, %add3A_145 : i32
        %dma_start3A_147 = arith.constant 0 : i32
        %dma_start3A_148 = tpu.memref_slice %arg7[%add3A_146, %dma_start3A_147] : memref<40x128xi32, #tpu.memory_space<vmem>> -> memref<1x128xi32, #tpu.memory_space<vmem>>
        %dma_start3A_149 = tpu.memref_squeeze %dma_start3A_148 : memref<1x128xi32, #tpu.memory_space<vmem>> -> memref<128xi32, #tpu.memory_space<vmem>>
        %dma_start3A_150 = arith.constant 0 : i32
        %dma_start3A_151 = arith.constant 0 : i32
        %dma_start3A_152 = tpu.memref_slice %arg13[%dma_start3A_150, %dma_start3A_151] : memref<10240x64xf32, #tpu.memory_space<vmem_shared>> -> memref<10240x64xf32, #tpu.memory_space<vmem_shared>>
        tpu.enqueue_indirect_dma source(%dma_start3A_152 : memref<10240x64xf32, #tpu.memory_space<vmem_shared>>) target(%arg11 : memref<128x64xf32, #tpu.memory_space<vmem>>) offsets(%dma_start3A_149 : memref<128xi32, #tpu.memory_space<vmem>>) semaphore(%arg17 : memref<!tpu.dma_semaphore, #tpu.memory_space<semaphore_mem>>)
      } else {
      }
      %add3A_130 = arith.constant 3 : i32
      %add3A_131 = arith.addi %mul3A_88, %add3A_130 : i32
      %dma_wait3A_132 = arith.constant 0 : i32
      %dma_wait3A_133 = arith.constant 0 : i32
      %dma_wait3A_134 = tpu.memref_slice %arg13[%dma_wait3A_132, %dma_wait3A_133] : memref<10240x64xf32, #tpu.memory_space<vmem_shared>> -> memref<128x64xf32, #tpu.memory_space<vmem_shared>>
      %dma_wait3A_135 = arith.constant 0 : i32
      %dma_wait3A_136 = arith.constant 0 : i32
      %dma_wait3A_137 = tpu.memref_slice %arg13[%dma_wait3A_135, %dma_wait3A_136] : memref<10240x64xf32, #tpu.memory_space<vmem_shared>> -> memref<128x64xf32, #tpu.memory_space<vmem_shared>>
      tpu.wait_dma2 semaphore(%arg18 : memref<!tpu.dma_semaphore, #tpu.memory_space<semaphore_mem>>) src(%dma_wait3A_137 : memref<128x64xf32, #tpu.memory_space<vmem_shared>>) dst(%arg12 : memref<128x64xf32, #tpu.memory_space<vmem>>)
      "tpu.region"() ({
        %run_scoped3A = tpu.sem_alloc : memref<!tpu.dma_semaphore, #tpu.memory_space<semaphore_mem>>
        %dma_start3A_145 = arith.constant 0 : i32
        %dma_start3A_146 = tpu.memref_slice %arg8[%add3A_131, %dma_start3A_145] : memref<40x128xi32, #tpu.memory_space<vmem>> -> memref<1x128xi32, #tpu.memory_space<vmem>>
        %dma_start3A_147 = tpu.memref_squeeze %dma_start3A_146 : memref<1x128xi32, #tpu.memory_space<vmem>> -> memref<128xi32, #tpu.memory_space<vmem>>
        %dma_start3A_148 = arith.constant 0 : i32
        %dma_start3A_149 = arith.constant 0 : i32
        %dma_start3A_150 = tpu.memref_slice %arg14[%dma_start3A_148, %dma_start3A_149] : memref<10240x64xf32, #tpu.memory_space<vmem_shared>> -> memref<10240x64xf32, #tpu.memory_space<vmem_shared>>
        tpu.enqueue_indirect_dma source(%arg12 : memref<128x64xf32, #tpu.memory_space<vmem>>) target(%dma_start3A_150 : memref<10240x64xf32, #tpu.memory_space<vmem_shared>>) offsets(%dma_start3A_147 : memref<128xi32, #tpu.memory_space<vmem>>) semaphore(%run_scoped3A : memref<!tpu.dma_semaphore, #tpu.memory_space<semaphore_mem>>) {add = true}
        %dma_wait3A_151 = arith.constant 0 : i32
        %dma_wait3A_152 = tpu.memref_slice %arg8[%add3A_131, %dma_wait3A_151] : memref<40x128xi32, #tpu.memory_space<vmem>> -> memref<1x128xi32, #tpu.memory_space<vmem>>
        %dma_wait3A_153 = tpu.memref_squeeze %dma_wait3A_152 : memref<1x128xi32, #tpu.memory_space<vmem>> -> memref<128xi32, #tpu.memory_space<vmem>>
        %dma_wait3A_154 = arith.constant 0 : i32
        %dma_wait3A_155 = arith.constant 0 : i32
        %dma_wait3A_156 = tpu.memref_slice %arg14[%dma_wait3A_154, %dma_wait3A_155] : memref<10240x64xf32, #tpu.memory_space<vmem_shared>> -> memref<10240x64xf32, #tpu.memory_space<vmem_shared>>
        tpu.wait_indirect_dma semaphore(%run_scoped3A : memref<!tpu.dma_semaphore, #tpu.memory_space<semaphore_mem>>) src(%arg12 : memref<128x64xf32, #tpu.memory_space<vmem>>) dst(%dma_wait3A_156 : memref<10240x64xf32, #tpu.memory_space<vmem_shared>>)
        tpu.yield
      }) : () -> ()
      %add3A_138 = arith.constant 4 : i32
      %add3A_139 = arith.addi %add3A_131, %add3A_138 : i32
      %lt3A_140 = arith.constant 40 : i32
      %lt3A_141 = arith.cmpi slt, %add3A_139, %lt3A_140 : i32
      %convert_element_type3A_142 = arith.extui %lt3A_141 : i1 to i32
      %cond3A_143 = arith.constant 0 : i32
      %cond3A_144 = arith.cmpi ne, %convert_element_type3A_142, %cond3A_143 : i32
      scf.if %cond3A_144 {
        %add3A_145 = arith.constant 4 : i32
        %add3A_146 = arith.addi %add3A_131, %add3A_145 : i32
        %dma_start3A_147 = arith.constant 0 : i32
        %dma_start3A_148 = tpu.memref_slice %arg7[%add3A_146, %dma_start3A_147] : memref<40x128xi32, #tpu.memory_space<vmem>> -> memref<1x128xi32, #tpu.memory_space<vmem>>
        %dma_start3A_149 = tpu.memref_squeeze %dma_start3A_148 : memref<1x128xi32, #tpu.memory_space<vmem>> -> memref<128xi32, #tpu.memory_space<vmem>>
        %dma_start3A_150 = arith.constant 0 : i32
        %dma_start3A_151 = arith.constant 0 : i32
        %dma_start3A_152 = tpu.memref_slice %arg13[%dma_start3A_150, %dma_start3A_151] : memref<10240x64xf32, #tpu.memory_space<vmem_shared>> -> memref<10240x64xf32, #tpu.memory_space<vmem_shared>>
        tpu.enqueue_indirect_dma source(%dma_start3A_152 : memref<10240x64xf32, #tpu.memory_space<vmem_shared>>) target(%arg12 : memref<128x64xf32, #tpu.memory_space<vmem>>) offsets(%dma_start3A_149 : memref<128xi32, #tpu.memory_space<vmem>>) semaphore(%arg18 : memref<!tpu.dma_semaphore, #tpu.memory_space<semaphore_mem>>)
      } else {
      }
    }
    %scan3A_42 = arith.constant 10 : i32
    %mul3A_43 = arith.constant 80 : i32
    %mul3A_44 = arith.muli %add3A, %mul3A_43 : i32
    %add3A_45 = arith.constant 40 : i32
    %add3A_46 = arith.addi %mul3A_44, %add3A_45 : i32
    "tpu.region"() ({
      %run_scoped3A = tpu.sem_alloc : memref<!tpu.dma_semaphore, #tpu.memory_space<semaphore_mem>>
      %dma_start3A_86 = arith.constant 0 : i32
      %dma_start3A_87 = tpu.memref_slice %arg3[%add3A_46, %dma_start3A_86] : memref<2560x128xi32, #tpu.memory_space<hbm>> -> memref<40x128xi32, #tpu.memory_space<hbm>>
      %dma_start3A_88 = arith.constant 0 : i32
      %dma_start3A_89 = tpu.memref_slice %arg3[%add3A_46, %dma_start3A_88] : memref<2560x128xi32, #tpu.memory_space<hbm>> -> memref<40x128xi32, #tpu.memory_space<hbm>>
      tpu.enqueue_dma source(%dma_start3A_89 : memref<40x128xi32, #tpu.memory_space<hbm>>) target(%arg7 : memref<40x128xi32, #tpu.memory_space<vmem>>) target_semaphore(%run_scoped3A : memref<!tpu.dma_semaphore, #tpu.memory_space<semaphore_mem>>)
      %dma_wait3A = arith.constant 0 : i32
      %dma_wait3A_90 = tpu.memref_slice %arg3[%add3A_46, %dma_wait3A] : memref<2560x128xi32, #tpu.memory_space<hbm>> -> memref<40x128xi32, #tpu.memory_space<hbm>>
      %dma_wait3A_91 = arith.constant 0 : i32
      %dma_wait3A_92 = tpu.memref_slice %arg3[%add3A_46, %dma_wait3A_91] : memref<2560x128xi32, #tpu.memory_space<hbm>> -> memref<40x128xi32, #tpu.memory_space<hbm>>
      tpu.wait_dma2 semaphore(%run_scoped3A : memref<!tpu.dma_semaphore, #tpu.memory_space<semaphore_mem>>) src(%dma_wait3A_92 : memref<40x128xi32, #tpu.memory_space<hbm>>) dst(%arg7 : memref<40x128xi32, #tpu.memory_space<vmem>>)
      tpu.yield
    }) : () -> ()
    "tpu.region"() ({
      %run_scoped3A = tpu.sem_alloc : memref<!tpu.dma_semaphore, #tpu.memory_space<semaphore_mem>>
      %dma_start3A_86 = arith.constant 0 : i32
      %dma_start3A_87 = tpu.memref_slice %arg4[%add3A_46, %dma_start3A_86] : memref<2560x128xi32, #tpu.memory_space<hbm>> -> memref<40x128xi32, #tpu.memory_space<hbm>>
      %dma_start3A_88 = arith.constant 0 : i32
      %dma_start3A_89 = tpu.memref_slice %arg4[%add3A_46, %dma_start3A_88] : memref<2560x128xi32, #tpu.memory_space<hbm>> -> memref<40x128xi32, #tpu.memory_space<hbm>>
      tpu.enqueue_dma source(%dma_start3A_89 : memref<40x128xi32, #tpu.memory_space<hbm>>) target(%arg8 : memref<40x128xi32, #tpu.memory_space<vmem>>) target_semaphore(%run_scoped3A : memref<!tpu.dma_semaphore, #tpu.memory_space<semaphore_mem>>)
      %dma_wait3A = arith.constant 0 : i32
      %dma_wait3A_90 = tpu.memref_slice %arg4[%add3A_46, %dma_wait3A] : memref<2560x128xi32, #tpu.memory_space<hbm>> -> memref<40x128xi32, #tpu.memory_space<hbm>>
      %dma_wait3A_91 = arith.constant 0 : i32
      %dma_wait3A_92 = tpu.memref_slice %arg4[%add3A_46, %dma_wait3A_91] : memref<2560x128xi32, #tpu.memory_space<hbm>> -> memref<40x128xi32, #tpu.memory_space<hbm>>
      tpu.wait_dma2 semaphore(%run_scoped3A : memref<!tpu.dma_semaphore, #tpu.memory_space<semaphore_mem>>) src(%dma_wait3A_92 : memref<40x128xi32, #tpu.memory_space<hbm>>) dst(%arg8 : memref<40x128xi32, #tpu.memory_space<vmem>>)
      tpu.yield
    }) : () -> ()
    %dma_start3A_47 = arith.constant 0 : i32
    %dma_start3A_48 = arith.constant 0 : i32
    %dma_start3A_49 = tpu.memref_slice %arg7[%dma_start3A_47, %dma_start3A_48] : memref<40x128xi32, #tpu.memory_space<vmem>> -> memref<1x128xi32, #tpu.memory_space<vmem>>
    %dma_start3A_50 = tpu.memref_squeeze %dma_start3A_49 : memref<1x128xi32, #tpu.memory_space<vmem>> -> memref<128xi32, #tpu.memory_space<vmem>>
    %dma_start3A_51 = arith.constant 0 : i32
    %dma_start3A_52 = arith.constant 0 : i32
    %dma_start3A_53 = tpu.memref_slice %arg13[%dma_start3A_51, %dma_start3A_52] : memref<10240x64xf32, #tpu.memory_space<vmem_shared>> -> memref<10240x64xf32, #tpu.memory_space<vmem_shared>>
    tpu.enqueue_indirect_dma source(%dma_start3A_53 : memref<10240x64xf32, #tpu.memory_space<vmem_shared>>) target(%arg9 : memref<128x64xf32, #tpu.memory_space<vmem>>) offsets(%dma_start3A_50 : memref<128xi32, #tpu.memory_space<vmem>>) semaphore(%arg15 : memref<!tpu.dma_semaphore, #tpu.memory_space<semaphore_mem>>)
    %dma_start3A_54 = arith.constant 1 : i32
    %dma_start3A_55 = arith.constant 0 : i32
    %dma_start3A_56 = tpu.memref_slice %arg7[%dma_start3A_54, %dma_start3A_55] : memref<40x128xi32, #tpu.memory_space<vmem>> -> memref<1x128xi32, #tpu.memory_space<vmem>>
    %dma_start3A_57 = tpu.memref_squeeze %dma_start3A_56 : memref<1x128xi32, #tpu.memory_space<vmem>> -> memref<128xi32, #tpu.memory_space<vmem>>
    %dma_start3A_58 = arith.constant 0 : i32
    %dma_start3A_59 = arith.constant 0 : i32
    %dma_start3A_60 = tpu.memref_slice %arg13[%dma_start3A_58, %dma_start3A_59] : memref<10240x64xf32, #tpu.memory_space<vmem_shared>> -> memref<10240x64xf32, #tpu.memory_space<vmem_shared>>
    tpu.enqueue_indirect_dma source(%dma_start3A_60 : memref<10240x64xf32, #tpu.memory_space<vmem_shared>>) target(%arg10 : memref<128x64xf32, #tpu.memory_space<vmem>>) offsets(%dma_start3A_57 : memref<128xi32, #tpu.memory_space<vmem>>) semaphore(%arg16 : memref<!tpu.dma_semaphore, #tpu.memory_space<semaphore_mem>>)
    %dma_start3A_61 = arith.constant 2 : i32
    %dma_start3A_62 = arith.constant 0 : i32
    %dma_start3A_63 = tpu.memref_slice %arg7[%dma_start3A_61, %dma_start3A_62] : memref<40x128xi32, #tpu.memory_space<vmem>> -> memref<1x128xi32, #tpu.memory_space<vmem>>
    %dma_start3A_64 = tpu.memref_squeeze %dma_start3A_63 : memref<1x128xi32, #tpu.memory_space<vmem>> -> memref<128xi32, #tpu.memory_space<vmem>>
    %dma_start3A_65 = arith.constant 0 : i32
    %dma_start3A_66 = arith.constant 0 : i32
    %dma_start3A_67 = tpu.memref_slice %arg13[%dma_start3A_65, %dma_start3A_66] : memref<10240x64xf32, #tpu.memory_space<vmem_shared>> -> memref<10240x64xf32, #tpu.memory_space<vmem_shared>>
    tpu.enqueue_indirect_dma source(%dma_start3A_67 : memref<10240x64xf32, #tpu.memory_space<vmem_shared>>) target(%arg11 : memref<128x64xf32, #tpu.memory_space<vmem>>) offsets(%dma_start3A_64 : memref<128xi32, #tpu.memory_space<vmem>>) semaphore(%arg17 : memref<!tpu.dma_semaphore, #tpu.memory_space<semaphore_mem>>)
    %dma_start3A_68 = arith.constant 3 : i32
    %dma_start3A_69 = arith.constant 0 : i32
    %dma_start3A_70 = tpu.memref_slice %arg7[%dma_start3A_68, %dma_start3A_69] : memref<40x128xi32, #tpu.memory_space<vmem>> -> memref<1x128xi32, #tpu.memory_space<vmem>>
    %dma_start3A_71 = tpu.memref_squeeze %dma_start3A_70 : memref<1x128xi32, #tpu.memory_space<vmem>> -> memref<128xi32, #tpu.memory_space<vmem>>
    %dma_start3A_72 = arith.constant 0 : i32
    %dma_start3A_73 = arith.constant 0 : i32
    %dma_start3A_74 = tpu.memref_slice %arg13[%dma_start3A_72, %dma_start3A_73] : memref<10240x64xf32, #tpu.memory_space<vmem_shared>> -> memref<10240x64xf32, #tpu.memory_space<vmem_shared>>
    tpu.enqueue_indirect_dma source(%dma_start3A_74 : memref<10240x64xf32, #tpu.memory_space<vmem_shared>>) target(%arg12 : memref<128x64xf32, #tpu.memory_space<vmem>>) offsets(%dma_start3A_71 : memref<128xi32, #tpu.memory_space<vmem>>) semaphore(%arg18 : memref<!tpu.dma_semaphore, #tpu.memory_space<semaphore_mem>>)
    %scan3A_75 = arith.constant 0 : i32
    %scan3A_76 = arith.constant 0 : i32
    %scan3A_77 = arith.constant 10 : i32
    %scan3A_78 = arith.addi %scan3A_76, %scan3A_77 : i32
    %scan3A_79 = arith.constant 1 : i32
    scf.for %scan3A_86 = %scan3A_76 to %scan3A_78 step %scan3A_79  : i32 {
      %mul3A_87 = arith.constant 4 : i32
      %mul3A_88 = arith.muli %scan3A_86, %mul3A_87 : i32
      %add3A_89 = arith.constant 0 : i32
      %add3A_90 = arith.addi %mul3A_88, %add3A_89 : i32
      %dma_wait3A = arith.constant 0 : i32
      %dma_wait3A_91 = arith.constant 0 : i32
      %dma_wait3A_92 = tpu.memref_slice %arg13[%dma_wait3A, %dma_wait3A_91] : memref<10240x64xf32, #tpu.memory_space<vmem_shared>> -> memref<128x64xf32, #tpu.memory_space<vmem_shared>>
      %dma_wait3A_93 = arith.constant 0 : i32
      %dma_wait3A_94 = arith.constant 0 : i32
      %dma_wait3A_95 = tpu.memref_slice %arg13[%dma_wait3A_93, %dma_wait3A_94] : memref<10240x64xf32, #tpu.memory_space<vmem_shared>> -> memref<128x64xf32, #tpu.memory_space<vmem_shared>>
      tpu.wait_dma2 semaphore(%arg15 : memref<!tpu.dma_semaphore, #tpu.memory_space<semaphore_mem>>) src(%dma_wait3A_95 : memref<128x64xf32, #tpu.memory_space<vmem_shared>>) dst(%arg9 : memref<128x64xf32, #tpu.memory_space<vmem>>)
      "tpu.region"() ({
        %run_scoped3A = tpu.sem_alloc : memref<!tpu.dma_semaphore, #tpu.memory_space<semaphore_mem>>
        %dma_start3A_145 = arith.constant 0 : i32
        %dma_start3A_146 = tpu.memref_slice %arg8[%add3A_90, %dma_start3A_145] : memref<40x128xi32, #tpu.memory_space<vmem>> -> memref<1x128xi32, #tpu.memory_space<vmem>>
        %dma_start3A_147 = tpu.memref_squeeze %dma_start3A_146 : memref<1x128xi32, #tpu.memory_space<vmem>> -> memref<128xi32, #tpu.memory_space<vmem>>
        %dma_start3A_148 = arith.constant 0 : i32
        %dma_start3A_149 = arith.constant 0 : i32
        %dma_start3A_150 = tpu.memref_slice %arg14[%dma_start3A_148, %dma_start3A_149] : memref<10240x64xf32, #tpu.memory_space<vmem_shared>> -> memref<10240x64xf32, #tpu.memory_space<vmem_shared>>
        tpu.enqueue_indirect_dma source(%arg9 : memref<128x64xf32, #tpu.memory_space<vmem>>) target(%dma_start3A_150 : memref<10240x64xf32, #tpu.memory_space<vmem_shared>>) offsets(%dma_start3A_147 : memref<128xi32, #tpu.memory_space<vmem>>) semaphore(%run_scoped3A : memref<!tpu.dma_semaphore, #tpu.memory_space<semaphore_mem>>) {add = true}
        %dma_wait3A_151 = arith.constant 0 : i32
        %dma_wait3A_152 = tpu.memref_slice %arg8[%add3A_90, %dma_wait3A_151] : memref<40x128xi32, #tpu.memory_space<vmem>> -> memref<1x128xi32, #tpu.memory_space<vmem>>
        %dma_wait3A_153 = tpu.memref_squeeze %dma_wait3A_152 : memref<1x128xi32, #tpu.memory_space<vmem>> -> memref<128xi32, #tpu.memory_space<vmem>>
        %dma_wait3A_154 = arith.constant 0 : i32
        %dma_wait3A_155 = arith.constant 0 : i32
        %dma_wait3A_156 = tpu.memref_slice %arg14[%dma_wait3A_154, %dma_wait3A_155] : memref<10240x64xf32, #tpu.memory_space<vmem_shared>> -> memref<10240x64xf32, #tpu.memory_space<vmem_shared>>
        tpu.wait_indirect_dma semaphore(%run_scoped3A : memref<!tpu.dma_semaphore, #tpu.memory_space<semaphore_mem>>) src(%arg9 : memref<128x64xf32, #tpu.memory_space<vmem>>) dst(%dma_wait3A_156 : memref<10240x64xf32, #tpu.memory_space<vmem_shared>>)
        tpu.yield
      }) : () -> ()
      %add3A_96 = arith.constant 4 : i32
      %add3A_97 = arith.addi %add3A_90, %add3A_96 : i32
      %lt3A = arith.constant 40 : i32
      %lt3A_98 = arith.cmpi slt, %add3A_97, %lt3A : i32
      %convert_element_type3A = arith.extui %lt3A_98 : i1 to i32
      %cond3A = arith.constant 0 : i32
      %cond3A_99 = arith.cmpi ne, %convert_element_type3A, %cond3A : i32
      scf.if %cond3A_99 {
        %add3A_145 = arith.constant 4 : i32
        %add3A_146 = arith.addi %add3A_90, %add3A_145 : i32
        %dma_start3A_147 = arith.constant 0 : i32
        %dma_start3A_148 = tpu.memref_slice %arg7[%add3A_146, %dma_start3A_147] : memref<40x128xi32, #tpu.memory_space<vmem>> -> memref<1x128xi32, #tpu.memory_space<vmem>>
        %dma_start3A_149 = tpu.memref_squeeze %dma_start3A_148 : memref<1x128xi32, #tpu.memory_space<vmem>> -> memref<128xi32, #tpu.memory_space<vmem>>
        %dma_start3A_150 = arith.constant 0 : i32
        %dma_start3A_151 = arith.constant 0 : i32
        %dma_start3A_152 = tpu.memref_slice %arg13[%dma_start3A_150, %dma_start3A_151] : memref<10240x64xf32, #tpu.memory_space<vmem_shared>> -> memref<10240x64xf32, #tpu.memory_space<vmem_shared>>
        tpu.enqueue_indirect_dma source(%dma_start3A_152 : memref<10240x64xf32, #tpu.memory_space<vmem_shared>>) target(%arg9 : memref<128x64xf32, #tpu.memory_space<vmem>>) offsets(%dma_start3A_149 : memref<128xi32, #tpu.memory_space<vmem>>) semaphore(%arg15 : memref<!tpu.dma_semaphore, #tpu.memory_space<semaphore_mem>>)
      } else {
      }
      %add3A_100 = arith.constant 1 : i32
      %add3A_101 = arith.addi %mul3A_88, %add3A_100 : i32
      %dma_wait3A_102 = arith.constant 0 : i32
      %dma_wait3A_103 = arith.constant 0 : i32
      %dma_wait3A_104 = tpu.memref_slice %arg13[%dma_wait3A_102, %dma_wait3A_103] : memref<10240x64xf32, #tpu.memory_space<vmem_shared>> -> memref<128x64xf32, #tpu.memory_space<vmem_shared>>
      %dma_wait3A_105 = arith.constant 0 : i32
      %dma_wait3A_106 = arith.constant 0 : i32
      %dma_wait3A_107 = tpu.memref_slice %arg13[%dma_wait3A_105, %dma_wait3A_106] : memref<10240x64xf32, #tpu.memory_space<vmem_shared>> -> memref<128x64xf32, #tpu.memory_space<vmem_shared>>
      tpu.wait_dma2 semaphore(%arg16 : memref<!tpu.dma_semaphore, #tpu.memory_space<semaphore_mem>>) src(%dma_wait3A_107 : memref<128x64xf32, #tpu.memory_space<vmem_shared>>) dst(%arg10 : memref<128x64xf32, #tpu.memory_space<vmem>>)
      "tpu.region"() ({
        %run_scoped3A = tpu.sem_alloc : memref<!tpu.dma_semaphore, #tpu.memory_space<semaphore_mem>>
        %dma_start3A_145 = arith.constant 0 : i32
        %dma_start3A_146 = tpu.memref_slice %arg8[%add3A_101, %dma_start3A_145] : memref<40x128xi32, #tpu.memory_space<vmem>> -> memref<1x128xi32, #tpu.memory_space<vmem>>
        %dma_start3A_147 = tpu.memref_squeeze %dma_start3A_146 : memref<1x128xi32, #tpu.memory_space<vmem>> -> memref<128xi32, #tpu.memory_space<vmem>>
        %dma_start3A_148 = arith.constant 0 : i32
        %dma_start3A_149 = arith.constant 0 : i32
        %dma_start3A_150 = tpu.memref_slice %arg14[%dma_start3A_148, %dma_start3A_149] : memref<10240x64xf32, #tpu.memory_space<vmem_shared>> -> memref<10240x64xf32, #tpu.memory_space<vmem_shared>>
        tpu.enqueue_indirect_dma source(%arg10 : memref<128x64xf32, #tpu.memory_space<vmem>>) target(%dma_start3A_150 : memref<10240x64xf32, #tpu.memory_space<vmem_shared>>) offsets(%dma_start3A_147 : memref<128xi32, #tpu.memory_space<vmem>>) semaphore(%run_scoped3A : memref<!tpu.dma_semaphore, #tpu.memory_space<semaphore_mem>>) {add = true}
        %dma_wait3A_151 = arith.constant 0 : i32
        %dma_wait3A_152 = tpu.memref_slice %arg8[%add3A_101, %dma_wait3A_151] : memref<40x128xi32, #tpu.memory_space<vmem>> -> memref<1x128xi32, #tpu.memory_space<vmem>>
        %dma_wait3A_153 = tpu.memref_squeeze %dma_wait3A_152 : memref<1x128xi32, #tpu.memory_space<vmem>> -> memref<128xi32, #tpu.memory_space<vmem>>
        %dma_wait3A_154 = arith.constant 0 : i32
        %dma_wait3A_155 = arith.constant 0 : i32
        %dma_wait3A_156 = tpu.memref_slice %arg14[%dma_wait3A_154, %dma_wait3A_155] : memref<10240x64xf32, #tpu.memory_space<vmem_shared>> -> memref<10240x64xf32, #tpu.memory_space<vmem_shared>>
        tpu.wait_indirect_dma semaphore(%run_scoped3A : memref<!tpu.dma_semaphore, #tpu.memory_space<semaphore_mem>>) src(%arg10 : memref<128x64xf32, #tpu.memory_space<vmem>>) dst(%dma_wait3A_156 : memref<10240x64xf32, #tpu.memory_space<vmem_shared>>)
        tpu.yield
      }) : () -> ()
      %add3A_108 = arith.constant 4 : i32
      %add3A_109 = arith.addi %add3A_101, %add3A_108 : i32
      %lt3A_110 = arith.constant 40 : i32
      %lt3A_111 = arith.cmpi slt, %add3A_109, %lt3A_110 : i32
      %convert_element_type3A_112 = arith.extui %lt3A_111 : i1 to i32
      %cond3A_113 = arith.constant 0 : i32
      %cond3A_114 = arith.cmpi ne, %convert_element_type3A_112, %cond3A_113 : i32
      scf.if %cond3A_114 {
        %add3A_145 = arith.constant 4 : i32
        %add3A_146 = arith.addi %add3A_101, %add3A_145 : i32
        %dma_start3A_147 = arith.constant 0 : i32
        %dma_start3A_148 = tpu.memref_slice %arg7[%add3A_146, %dma_start3A_147] : memref<40x128xi32, #tpu.memory_space<vmem>> -> memref<1x128xi32, #tpu.memory_space<vmem>>
        %dma_start3A_149 = tpu.memref_squeeze %dma_start3A_148 : memref<1x128xi32, #tpu.memory_space<vmem>> -> memref<128xi32, #tpu.memory_space<vmem>>
        %dma_start3A_150 = arith.constant 0 : i32
        %dma_start3A_151 = arith.constant 0 : i32
        %dma_start3A_152 = tpu.memref_slice %arg13[%dma_start3A_150, %dma_start3A_151] : memref<10240x64xf32, #tpu.memory_space<vmem_shared>> -> memref<10240x64xf32, #tpu.memory_space<vmem_shared>>
        tpu.enqueue_indirect_dma source(%dma_start3A_152 : memref<10240x64xf32, #tpu.memory_space<vmem_shared>>) target(%arg10 : memref<128x64xf32, #tpu.memory_space<vmem>>) offsets(%dma_start3A_149 : memref<128xi32, #tpu.memory_space<vmem>>) semaphore(%arg16 : memref<!tpu.dma_semaphore, #tpu.memory_space<semaphore_mem>>)
      } else {
      }
      %add3A_115 = arith.constant 2 : i32
      %add3A_116 = arith.addi %mul3A_88, %add3A_115 : i32
      %dma_wait3A_117 = arith.constant 0 : i32
      %dma_wait3A_118 = arith.constant 0 : i32
      %dma_wait3A_119 = tpu.memref_slice %arg13[%dma_wait3A_117, %dma_wait3A_118] : memref<10240x64xf32, #tpu.memory_space<vmem_shared>> -> memref<128x64xf32, #tpu.memory_space<vmem_shared>>
      %dma_wait3A_120 = arith.constant 0 : i32
      %dma_wait3A_121 = arith.constant 0 : i32
      %dma_wait3A_122 = tpu.memref_slice %arg13[%dma_wait3A_120, %dma_wait3A_121] : memref<10240x64xf32, #tpu.memory_space<vmem_shared>> -> memref<128x64xf32, #tpu.memory_space<vmem_shared>>
      tpu.wait_dma2 semaphore(%arg17 : memref<!tpu.dma_semaphore, #tpu.memory_space<semaphore_mem>>) src(%dma_wait3A_122 : memref<128x64xf32, #tpu.memory_space<vmem_shared>>) dst(%arg11 : memref<128x64xf32, #tpu.memory_space<vmem>>)
      "tpu.region"() ({
        %run_scoped3A = tpu.sem_alloc : memref<!tpu.dma_semaphore, #tpu.memory_space<semaphore_mem>>
        %dma_start3A_145 = arith.constant 0 : i32
        %dma_start3A_146 = tpu.memref_slice %arg8[%add3A_116, %dma_start3A_145] : memref<40x128xi32, #tpu.memory_space<vmem>> -> memref<1x128xi32, #tpu.memory_space<vmem>>
        %dma_start3A_147 = tpu.memref_squeeze %dma_start3A_146 : memref<1x128xi32, #tpu.memory_space<vmem>> -> memref<128xi32, #tpu.memory_space<vmem>>
        %dma_start3A_148 = arith.constant 0 : i32
        %dma_start3A_149 = arith.constant 0 : i32
        %dma_start3A_150 = tpu.memref_slice %arg14[%dma_start3A_148, %dma_start3A_149] : memref<10240x64xf32, #tpu.memory_space<vmem_shared>> -> memref<10240x64xf32, #tpu.memory_space<vmem_shared>>
        tpu.enqueue_indirect_dma source(%arg11 : memref<128x64xf32, #tpu.memory_space<vmem>>) target(%dma_start3A_150 : memref<10240x64xf32, #tpu.memory_space<vmem_shared>>) offsets(%dma_start3A_147 : memref<128xi32, #tpu.memory_space<vmem>>) semaphore(%run_scoped3A : memref<!tpu.dma_semaphore, #tpu.memory_space<semaphore_mem>>) {add = true}
        %dma_wait3A_151 = arith.constant 0 : i32
        %dma_wait3A_152 = tpu.memref_slice %arg8[%add3A_116, %dma_wait3A_151] : memref<40x128xi32, #tpu.memory_space<vmem>> -> memref<1x128xi32, #tpu.memory_space<vmem>>
        %dma_wait3A_153 = tpu.memref_squeeze %dma_wait3A_152 : memref<1x128xi32, #tpu.memory_space<vmem>> -> memref<128xi32, #tpu.memory_space<vmem>>
        %dma_wait3A_154 = arith.constant 0 : i32
        %dma_wait3A_155 = arith.constant 0 : i32
        %dma_wait3A_156 = tpu.memref_slice %arg14[%dma_wait3A_154, %dma_wait3A_155] : memref<10240x64xf32, #tpu.memory_space<vmem_shared>> -> memref<10240x64xf32, #tpu.memory_space<vmem_shared>>
        tpu.wait_indirect_dma semaphore(%run_scoped3A : memref<!tpu.dma_semaphore, #tpu.memory_space<semaphore_mem>>) src(%arg11 : memref<128x64xf32, #tpu.memory_space<vmem>>) dst(%dma_wait3A_156 : memref<10240x64xf32, #tpu.memory_space<vmem_shared>>)
        tpu.yield
      }) : () -> ()
      %add3A_123 = arith.constant 4 : i32
      %add3A_124 = arith.addi %add3A_116, %add3A_123 : i32
      %lt3A_125 = arith.constant 40 : i32
      %lt3A_126 = arith.cmpi slt, %add3A_124, %lt3A_125 : i32
      %convert_element_type3A_127 = arith.extui %lt3A_126 : i1 to i32
      %cond3A_128 = arith.constant 0 : i32
      %cond3A_129 = arith.cmpi ne, %convert_element_type3A_127, %cond3A_128 : i32
      scf.if %cond3A_129 {
        %add3A_145 = arith.constant 4 : i32
        %add3A_146 = arith.addi %add3A_116, %add3A_145 : i32
        %dma_start3A_147 = arith.constant 0 : i32
        %dma_start3A_148 = tpu.memref_slice %arg7[%add3A_146, %dma_start3A_147] : memref<40x128xi32, #tpu.memory_space<vmem>> -> memref<1x128xi32, #tpu.memory_space<vmem>>
        %dma_start3A_149 = tpu.memref_squeeze %dma_start3A_148 : memref<1x128xi32, #tpu.memory_space<vmem>> -> memref<128xi32, #tpu.memory_space<vmem>>
        %dma_start3A_150 = arith.constant 0 : i32
        %dma_start3A_151 = arith.constant 0 : i32
        %dma_start3A_152 = tpu.memref_slice %arg13[%dma_start3A_150, %dma_start3A_151] : memref<10240x64xf32, #tpu.memory_space<vmem_shared>> -> memref<10240x64xf32, #tpu.memory_space<vmem_shared>>
        tpu.enqueue_indirect_dma source(%dma_start3A_152 : memref<10240x64xf32, #tpu.memory_space<vmem_shared>>) target(%arg11 : memref<128x64xf32, #tpu.memory_space<vmem>>) offsets(%dma_start3A_149 : memref<128xi32, #tpu.memory_space<vmem>>) semaphore(%arg17 : memref<!tpu.dma_semaphore, #tpu.memory_space<semaphore_mem>>)
      } else {
      }
      %add3A_130 = arith.constant 3 : i32
      %add3A_131 = arith.addi %mul3A_88, %add3A_130 : i32
      %dma_wait3A_132 = arith.constant 0 : i32
      %dma_wait3A_133 = arith.constant 0 : i32
      %dma_wait3A_134 = tpu.memref_slice %arg13[%dma_wait3A_132, %dma_wait3A_133] : memref<10240x64xf32, #tpu.memory_space<vmem_shared>> -> memref<128x64xf32, #tpu.memory_space<vmem_shared>>
      %dma_wait3A_135 = arith.constant 0 : i32
      %dma_wait3A_136 = arith.constant 0 : i32
      %dma_wait3A_137 = tpu.memref_slice %arg13[%dma_wait3A_135, %dma_wait3A_136] : memref<10240x64xf32, #tpu.memory_space<vmem_shared>> -> memref<128x64xf32, #tpu.memory_space<vmem_shared>>
      tpu.wait_dma2 semaphore(%arg18 : memref<!tpu.dma_semaphore, #tpu.memory_space<semaphore_mem>>) src(%dma_wait3A_137 : memref<128x64xf32, #tpu.memory_space<vmem_shared>>) dst(%arg12 : memref<128x64xf32, #tpu.memory_space<vmem>>)
      "tpu.region"() ({
        %run_scoped3A = tpu.sem_alloc : memref<!tpu.dma_semaphore, #tpu.memory_space<semaphore_mem>>
        %dma_start3A_145 = arith.constant 0 : i32
        %dma_start3A_146 = tpu.memref_slice %arg8[%add3A_131, %dma_start3A_145] : memref<40x128xi32, #tpu.memory_space<vmem>> -> memref<1x128xi32, #tpu.memory_space<vmem>>
        %dma_start3A_147 = tpu.memref_squeeze %dma_start3A_146 : memref<1x128xi32, #tpu.memory_space<vmem>> -> memref<128xi32, #tpu.memory_space<vmem>>
        %dma_start3A_148 = arith.constant 0 : i32
        %dma_start3A_149 = arith.constant 0 : i32
        %dma_start3A_150 = tpu.memref_slice %arg14[%dma_start3A_148, %dma_start3A_149] : memref<10240x64xf32, #tpu.memory_space<vmem_shared>> -> memref<10240x64xf32, #tpu.memory_space<vmem_shared>>
        tpu.enqueue_indirect_dma source(%arg12 : memref<128x64xf32, #tpu.memory_space<vmem>>) target(%dma_start3A_150 : memref<10240x64xf32, #tpu.memory_space<vmem_shared>>) offsets(%dma_start3A_147 : memref<128xi32, #tpu.memory_space<vmem>>) semaphore(%run_scoped3A : memref<!tpu.dma_semaphore, #tpu.memory_space<semaphore_mem>>) {add = true}
        %dma_wait3A_151 = arith.constant 0 : i32
        %dma_wait3A_152 = tpu.memref_slice %arg8[%add3A_131, %dma_wait3A_151] : memref<40x128xi32, #tpu.memory_space<vmem>> -> memref<1x128xi32, #tpu.memory_space<vmem>>
        %dma_wait3A_153 = tpu.memref_squeeze %dma_wait3A_152 : memref<1x128xi32, #tpu.memory_space<vmem>> -> memref<128xi32, #tpu.memory_space<vmem>>
        %dma_wait3A_154 = arith.constant 0 : i32
        %dma_wait3A_155 = arith.constant 0 : i32
        %dma_wait3A_156 = tpu.memref_slice %arg14[%dma_wait3A_154, %dma_wait3A_155] : memref<10240x64xf32, #tpu.memory_space<vmem_shared>> -> memref<10240x64xf32, #tpu.memory_space<vmem_shared>>
        tpu.wait_indirect_dma semaphore(%run_scoped3A : memref<!tpu.dma_semaphore, #tpu.memory_space<semaphore_mem>>) src(%arg12 : memref<128x64xf32, #tpu.memory_space<vmem>>) dst(%dma_wait3A_156 : memref<10240x64xf32, #tpu.memory_space<vmem_shared>>)
        tpu.yield
      }) : () -> ()
      %add3A_138 = arith.constant 4 : i32
      %add3A_139 = arith.addi %add3A_131, %add3A_138 : i32
      %lt3A_140 = arith.constant 40 : i32
      %lt3A_141 = arith.cmpi slt, %add3A_139, %lt3A_140 : i32
      %convert_element_type3A_142 = arith.extui %lt3A_141 : i1 to i32
      %cond3A_143 = arith.constant 0 : i32
      %cond3A_144 = arith.cmpi ne, %convert_element_type3A_142, %cond3A_143 : i32
      scf.if %cond3A_144 {
        %add3A_145 = arith.constant 4 : i32
        %add3A_146 = arith.addi %add3A_131, %add3A_145 : i32
        %dma_start3A_147 = arith.constant 0 : i32
        %dma_start3A_148 = tpu.memref_slice %arg7[%add3A_146, %dma_start3A_147] : memref<40x128xi32, #tpu.memory_space<vmem>> -> memref<1x128xi32, #tpu.memory_space<vmem>>
        %dma_start3A_149 = tpu.memref_squeeze %dma_start3A_148 : memref<1x128xi32, #tpu.memory_space<vmem>> -> memref<128xi32, #tpu.memory_space<vmem>>
        %dma_start3A_150 = arith.constant 0 : i32
        %dma_start3A_151 = arith.constant 0 : i32
        %dma_start3A_152 = tpu.memref_slice %arg13[%dma_start3A_150, %dma_start3A_151] : memref<10240x64xf32, #tpu.memory_space<vmem_shared>> -> memref<10240x64xf32, #tpu.memory_space<vmem_shared>>
        tpu.enqueue_indirect_dma source(%dma_start3A_152 : memref<10240x64xf32, #tpu.memory_space<vmem_shared>>) target(%arg12 : memref<128x64xf32, #tpu.memory_space<vmem>>) offsets(%dma_start3A_149 : memref<128xi32, #tpu.memory_space<vmem>>) semaphore(%arg18 : memref<!tpu.dma_semaphore, #tpu.memory_space<semaphore_mem>>)
      } else {
      }
    }
    %scan3A_80 = arith.constant 10 : i32
    %barrier3A_81 = arith.constant 0 : index
    tpu.barrier barrier_id(%barrier3A_81)
    %mul3A_82 = arith.constant 640 : i32
    %mul3A_83 = arith.muli %arg1, %mul3A_82 : i32
    %mul3A_84 = arith.constant 640 : i32
    %mul3A_85 = arith.muli %arg1, %mul3A_84 : i32
    "tpu.region"() ({
      %run_scoped3A = tpu.sem_alloc : memref<!tpu.dma_semaphore, #tpu.memory_space<semaphore_mem>>
      %dma_start3A_86 = arith.constant 0 : i32
      %dma_start3A_87 = tpu.memref_slice %arg6[%arg0, %mul3A_85, %dma_start3A_86] : memref<2x10240x64xf32, #tpu.memory_space<hbm>> -> memref<1x640x64xf32, #tpu.memory_space<hbm>>
      %dma_start3A_88 = tpu.memref_squeeze %dma_start3A_87 : memref<1x640x64xf32, #tpu.memory_space<hbm>> -> memref<640x64xf32, #tpu.memory_space<hbm>>
      %dma_start3A_89 = arith.constant 0 : i32
      %dma_start3A_90 = tpu.memref_slice %arg14[%mul3A_83, %dma_start3A_89] : memref<10240x64xf32, #tpu.memory_space<vmem_shared>> -> memref<640x64xf32, #tpu.memory_space<vmem_shared>>
      tpu.enqueue_dma source(%dma_start3A_90 : memref<640x64xf32, #tpu.memory_space<vmem_shared>>) target(%dma_start3A_88 : memref<640x64xf32, #tpu.memory_space<hbm>>) target_semaphore(%run_scoped3A : memref<!tpu.dma_semaphore, #tpu.memory_space<semaphore_mem>>)
      %dma_wait3A = arith.constant 0 : i32
      %dma_wait3A_91 = tpu.memref_slice %arg6[%arg0, %mul3A_85, %dma_wait3A] : memref<2x10240x64xf32, #tpu.memory_space<hbm>> -> memref<1x640x64xf32, #tpu.memory_space<hbm>>
      %dma_wait3A_92 = tpu.memref_squeeze %dma_wait3A_91 : memref<1x640x64xf32, #tpu.memory_space<hbm>> -> memref<640x64xf32, #tpu.memory_space<hbm>>
      %dma_wait3A_93 = arith.constant 0 : i32
      %dma_wait3A_94 = tpu.memref_slice %arg14[%mul3A_83, %dma_wait3A_93] : memref<10240x64xf32, #tpu.memory_space<vmem_shared>> -> memref<640x64xf32, #tpu.memory_space<vmem_shared>>
      tpu.wait_dma2 semaphore(%run_scoped3A : memref<!tpu.dma_semaphore, #tpu.memory_space<semaphore_mem>>) src(%dma_wait3A_94 : memref<640x64xf32, #tpu.memory_space<vmem_shared>>) dst(%dma_wait3A_92 : memref<640x64xf32, #tpu.memory_space<hbm>>)
      tpu.yield
    }) : () -> ()
    return
  }
}

#map = affine_map<(d0, d1) -> (0, 0)>
module attributes {stable_mosaic.version = 14 : i64} {
  func.func @_degree_kernel(%arg0: i32, %arg1: i32, %arg2: memref<2560x128xi32, #tpu.memory_space<hbm>>, %arg3: memref<32x10240xf32, #tpu.memory_space<hbm>>, %arg4: memref<80x128xi32, #tpu.memory_space<vmem>>, %arg5: memref<10240xf32, #tpu.memory_space<vmem>>) attributes {dimension_semantics = [#tpu.dimension_semantics<core_parallel>, #tpu.dimension_semantics<subcore_parallel>], iteration_bounds = array<i64: 2, 16>, scalar_prefetch = 0 : i64, scratch_operands = 2 : i64, tpu.core_type = #tpu.core_type<sc_vector_subcore>, window_params = [{transform_indices = #map}, {transform_indices = #map}]} {
    %mul3A = arith.constant 2 : i32
    %mul3A_0 = arith.muli %arg1, %mul3A : i32
    %add3A = arith.addi %mul3A_0, %arg0 : i32
    %mul3A_1 = arith.constant 80 : i32
    %mul3A_2 = arith.muli %add3A, %mul3A_1 : i32
    "tpu.region"() ({
      %run_scoped3A = tpu.sem_alloc : memref<!tpu.dma_semaphore, #tpu.memory_space<semaphore_mem>>
      %dma_start3A = arith.constant 0 : i32
      %dma_start3A_17 = tpu.memref_slice %arg2[%mul3A_2, %dma_start3A] : memref<2560x128xi32, #tpu.memory_space<hbm>> -> memref<80x128xi32, #tpu.memory_space<hbm>>
      %dma_start3A_18 = arith.constant 0 : i32
      %dma_start3A_19 = tpu.memref_slice %arg2[%mul3A_2, %dma_start3A_18] : memref<2560x128xi32, #tpu.memory_space<hbm>> -> memref<80x128xi32, #tpu.memory_space<hbm>>
      tpu.enqueue_dma source(%dma_start3A_19 : memref<80x128xi32, #tpu.memory_space<hbm>>) target(%arg4 : memref<80x128xi32, #tpu.memory_space<vmem>>) target_semaphore(%run_scoped3A : memref<!tpu.dma_semaphore, #tpu.memory_space<semaphore_mem>>)
      %dma_wait3A = arith.constant 0 : i32
      %dma_wait3A_20 = tpu.memref_slice %arg2[%mul3A_2, %dma_wait3A] : memref<2560x128xi32, #tpu.memory_space<hbm>> -> memref<80x128xi32, #tpu.memory_space<hbm>>
      %dma_wait3A_21 = arith.constant 0 : i32
      %dma_wait3A_22 = tpu.memref_slice %arg2[%mul3A_2, %dma_wait3A_21] : memref<2560x128xi32, #tpu.memory_space<hbm>> -> memref<80x128xi32, #tpu.memory_space<hbm>>
      tpu.wait_dma2 semaphore(%run_scoped3A : memref<!tpu.dma_semaphore, #tpu.memory_space<semaphore_mem>>) src(%dma_wait3A_22 : memref<80x128xi32, #tpu.memory_space<hbm>>) dst(%arg4 : memref<80x128xi32, #tpu.memory_space<vmem>>)
      tpu.yield
    }) : () -> ()
    %broadcast_in_dim3A = arith.constant 0.000000e+00 : f32
    %broadcast_in_dim3A_3 = vector.broadcast %broadcast_in_dim3A : f32 to vector<16xf32>
    %scan3A = arith.constant 0 : i32
    %scan3A_4 = arith.constant 0 : i32
    %scan3A_5 = arith.constant 640 : i32
    %scan3A_6 = arith.addi %scan3A_4, %scan3A_5 : i32
    %scan3A_7 = arith.constant 1 : i32
    scf.for %scan3A_17 = %scan3A_4 to %scan3A_6 step %scan3A_7  : i32 {
      %mul3A_18 = arith.constant 16 : i32
      %mul3A_19 = arith.muli %scan3A_17, %mul3A_18 : i32
      %multiple_of3A = tpu.assume_multiple %mul3A_19, 16 : i32
      %swap3A = arith.index_cast %multiple_of3A : i32 to index
      %swap3A_20 = tpu.vector_load %arg5[%swap3A] {strides = array<i32>} : memref<10240xf32, #tpu.memory_space<vmem>>, vector<16xf32>,
      tpu.vector_store %arg5[%swap3A], %broadcast_in_dim3A_3 {strides = array<i32>} : memref<10240xf32, #tpu.memory_space<vmem>>, vector<16xf32>,
    }
    %scan3A_8 = arith.constant 640 : i32
    %broadcast_in_dim3A_9 = arith.constant 1.000000e+00 : f32
    %broadcast_in_dim3A_10 = vector.broadcast %broadcast_in_dim3A_9 : f32 to vector<16xf32>
    %scan3A_11 = arith.constant 0 : i32
    %scan3A_12 = arith.constant 0 : i32
    %scan3A_13 = arith.constant 80 : i32
    %scan3A_14 = arith.addi %scan3A_12, %scan3A_13 : i32
    %scan3A_15 = arith.constant 1 : i32
    scf.for %scan3A_17 = %scan3A_12 to %scan3A_14 step %scan3A_15  : i32 {
      %get3A = arith.index_cast %scan3A_17 : i32 to index
      %get3A_18 = arith.constant 0 : index
      %get3A_19 = tpu.vector_load %arg4[%get3A, %get3A_18] {strides = array<i32>} : memref<80x128xi32, #tpu.memory_space<vmem>>, vector<16xi32>,
      tpu.vector_store_idx %arg5[%get3A_19], %broadcast_in_dim3A_10 {add = true} : memref<10240xf32, #tpu.memory_space<vmem>>[vector<16xi32>], vector<16xf32>,
      %get3A_20 = arith.index_cast %scan3A_17 : i32 to index
      %get3A_21 = arith.constant 16 : index
      %get3A_22 = tpu.vector_load %arg4[%get3A_20, %get3A_21] {strides = array<i32>} : memref<80x128xi32, #tpu.memory_space<vmem>>, vector<16xi32>,
      tpu.vector_store_idx %arg5[%get3A_22], %broadcast_in_dim3A_10 {add = true} : memref<10240xf32, #tpu.memory_space<vmem>>[vector<16xi32>], vector<16xf32>,
      %get3A_23 = arith.index_cast %scan3A_17 : i32 to index
      %get3A_24 = arith.constant 32 : index
      %get3A_25 = tpu.vector_load %arg4[%get3A_23, %get3A_24] {strides = array<i32>} : memref<80x128xi32, #tpu.memory_space<vmem>>, vector<16xi32>,
      tpu.vector_store_idx %arg5[%get3A_25], %broadcast_in_dim3A_10 {add = true} : memref<10240xf32, #tpu.memory_space<vmem>>[vector<16xi32>], vector<16xf32>,
      %get3A_26 = arith.index_cast %scan3A_17 : i32 to index
      %get3A_27 = arith.constant 48 : index
      %get3A_28 = tpu.vector_load %arg4[%get3A_26, %get3A_27] {strides = array<i32>} : memref<80x128xi32, #tpu.memory_space<vmem>>, vector<16xi32>,
      tpu.vector_store_idx %arg5[%get3A_28], %broadcast_in_dim3A_10 {add = true} : memref<10240xf32, #tpu.memory_space<vmem>>[vector<16xi32>], vector<16xf32>,
      %get3A_29 = arith.index_cast %scan3A_17 : i32 to index
      %get3A_30 = arith.constant 64 : index
      %get3A_31 = tpu.vector_load %arg4[%get3A_29, %get3A_30] {strides = array<i32>} : memref<80x128xi32, #tpu.memory_space<vmem>>, vector<16xi32>,
      tpu.vector_store_idx %arg5[%get3A_31], %broadcast_in_dim3A_10 {add = true} : memref<10240xf32, #tpu.memory_space<vmem>>[vector<16xi32>], vector<16xf32>,
      %get3A_32 = arith.index_cast %scan3A_17 : i32 to index
      %get3A_33 = arith.constant 80 : index
      %get3A_34 = tpu.vector_load %arg4[%get3A_32, %get3A_33] {strides = array<i32>} : memref<80x128xi32, #tpu.memory_space<vmem>>, vector<16xi32>,
      tpu.vector_store_idx %arg5[%get3A_34], %broadcast_in_dim3A_10 {add = true} : memref<10240xf32, #tpu.memory_space<vmem>>[vector<16xi32>], vector<16xf32>,
      %get3A_35 = arith.index_cast %scan3A_17 : i32 to index
      %get3A_36 = arith.constant 96 : index
      %get3A_37 = tpu.vector_load %arg4[%get3A_35, %get3A_36] {strides = array<i32>} : memref<80x128xi32, #tpu.memory_space<vmem>>, vector<16xi32>,
      tpu.vector_store_idx %arg5[%get3A_37], %broadcast_in_dim3A_10 {add = true} : memref<10240xf32, #tpu.memory_space<vmem>>[vector<16xi32>], vector<16xf32>,
      %get3A_38 = arith.index_cast %scan3A_17 : i32 to index
      %get3A_39 = arith.constant 112 : index
      %get3A_40 = tpu.vector_load %arg4[%get3A_38, %get3A_39] {strides = array<i32>} : memref<80x128xi32, #tpu.memory_space<vmem>>, vector<16xi32>,
      tpu.vector_store_idx %arg5[%get3A_40], %broadcast_in_dim3A_10 {add = true} : memref<10240xf32, #tpu.memory_space<vmem>>[vector<16xi32>], vector<16xf32>,
    }
    %scan3A_16 = arith.constant 80 : i32
    "tpu.region"() ({
      %run_scoped3A = tpu.sem_alloc : memref<!tpu.dma_semaphore, #tpu.memory_space<semaphore_mem>>
      %dma_start3A = arith.constant 0 : i32
      %dma_start3A_17 = tpu.memref_slice %arg3[%add3A, %dma_start3A] : memref<32x10240xf32, #tpu.memory_space<hbm>> -> memref<1x10240xf32, #tpu.memory_space<hbm>>
      %dma_start3A_18 = tpu.memref_squeeze %dma_start3A_17 : memref<1x10240xf32, #tpu.memory_space<hbm>> -> memref<10240xf32, #tpu.memory_space<hbm>>
      %dma_start3A_19 = arith.constant 0 : i32
      %dma_start3A_20 = tpu.memref_slice %arg3[%add3A, %dma_start3A_19] : memref<32x10240xf32, #tpu.memory_space<hbm>> -> memref<1x10240xf32, #tpu.memory_space<hbm>>
      %dma_start3A_21 = tpu.memref_squeeze %dma_start3A_20 : memref<1x10240xf32, #tpu.memory_space<hbm>> -> memref<10240xf32, #tpu.memory_space<hbm>>
      tpu.enqueue_dma source(%arg5 : memref<10240xf32, #tpu.memory_space<vmem>>) target(%dma_start3A_21 : memref<10240xf32, #tpu.memory_space<hbm>>) target_semaphore(%run_scoped3A : memref<!tpu.dma_semaphore, #tpu.memory_space<semaphore_mem>>)
      %dma_wait3A = arith.constant 0 : i32
      %dma_wait3A_22 = tpu.memref_slice %arg3[%add3A, %dma_wait3A] : memref<32x10240xf32, #tpu.memory_space<hbm>> -> memref<1x10240xf32, #tpu.memory_space<hbm>>
      %dma_wait3A_23 = tpu.memref_squeeze %dma_wait3A_22 : memref<1x10240xf32, #tpu.memory_space<hbm>> -> memref<10240xf32, #tpu.memory_space<hbm>>
      %dma_wait3A_24 = arith.constant 0 : i32
      %dma_wait3A_25 = tpu.memref_slice %arg3[%add3A, %dma_wait3A_24] : memref<32x10240xf32, #tpu.memory_space<hbm>> -> memref<1x10240xf32, #tpu.memory_space<hbm>>
      %dma_wait3A_26 = tpu.memref_squeeze %dma_wait3A_25 : memref<1x10240xf32, #tpu.memory_space<hbm>> -> memref<10240xf32, #tpu.memory_space<hbm>>
      tpu.wait_dma2 semaphore(%run_scoped3A : memref<!tpu.dma_semaphore, #tpu.memory_space<semaphore_mem>>) src(%arg5 : memref<10240xf32, #tpu.memory_space<vmem>>) dst(%dma_wait3A_26 : memref<10240xf32, #tpu.memory_space<hbm>>)
      tpu.yield
    }) : () -> ()
    return
  }
}

#map = affine_map<(d0, d1) -> (0, 0)>
#map1 = affine_map<(d0, d1) -> (0, 0, 0)>
module attributes {stable_mosaic.version = 14 : i64} {
  func.func @agg(%arg0: i32, %arg1: i32, %arg2: memref<10240x64xf32, #tpu.memory_space<hbm>>, %arg3: memref<2560x128xi32, #tpu.memory_space<hbm>>, %arg4: memref<2560x128xi32, #tpu.memory_space<hbm>>, %arg5: memref<640x64xf32, #tpu.memory_space<hbm>>, %arg6: memref<2x10240x64xf32, #tpu.memory_space<hbm>>, %arg7: memref<40x128xi32, #tpu.memory_space<vmem>>, %arg8: memref<40x128xi32, #tpu.memory_space<vmem>>, %arg9: memref<128x64xf32, #tpu.memory_space<vmem>>, %arg10: memref<128x64xf32, #tpu.memory_space<vmem>>, %arg11: memref<128x64xf32, #tpu.memory_space<vmem>>, %arg12: memref<128x64xf32, #tpu.memory_space<vmem>>, %arg13: memref<10240x64xf32, #tpu.memory_space<vmem_shared>>, %arg14: memref<10240x64xf32, #tpu.memory_space<vmem_shared>>, %arg15: memref<!tpu.dma_semaphore, #tpu.memory_space<semaphore_mem>>, %arg16: memref<!tpu.dma_semaphore, #tpu.memory_space<semaphore_mem>>, %arg17: memref<!tpu.dma_semaphore, #tpu.memory_space<semaphore_mem>>, %arg18: memref<!tpu.dma_semaphore, #tpu.memory_space<semaphore_mem>>) attributes {dimension_semantics = [#tpu.dimension_semantics<core_parallel>, #tpu.dimension_semantics<subcore_parallel>], iteration_bounds = array<i64: 2, 16>, scalar_prefetch = 0 : i64, scratch_operands = 12 : i64, tpu.core_type = #tpu.core_type<sc_vector_subcore>, window_params = [{transform_indices = #map}, {transform_indices = #map}, {transform_indices = #map}, {transform_indices = #map}, {transform_indices = #map1}]} {
    %mul3A = arith.constant 2 : i32
    %mul3A_0 = arith.muli %arg1, %mul3A : i32
    %add3A = arith.addi %mul3A_0, %arg0 : i32
    %mul3A_1 = arith.constant 640 : i32
    %mul3A_2 = arith.muli %arg1, %mul3A_1 : i32
    %mul3A_3 = arith.constant 640 : i32
    %mul3A_4 = arith.muli %arg1, %mul3A_3 : i32
    "tpu.region"() ({
      %run_scoped3A = tpu.sem_alloc : memref<!tpu.dma_semaphore, #tpu.memory_space<semaphore_mem>>
      %dma_start3A_86 = arith.constant 0 : i32
      %dma_start3A_87 = tpu.memref_slice %arg13[%mul3A_4, %dma_start3A_86] : memref<10240x64xf32, #tpu.memory_space<vmem_shared>> -> memref<640x64xf32, #tpu.memory_space<vmem_shared>>
      %dma_start3A_88 = arith.constant 0 : i32
      %dma_start3A_89 = tpu.memref_slice %arg2[%mul3A_2, %dma_start3A_88] : memref<10240x64xf32, #tpu.memory_space<hbm>> -> memref<640x64xf32, #tpu.memory_space<hbm>>
      tpu.enqueue_dma source(%dma_start3A_89 : memref<640x64xf32, #tpu.memory_space<hbm>>) target(%dma_start3A_87 : memref<640x64xf32, #tpu.memory_space<vmem_shared>>) target_semaphore(%run_scoped3A : memref<!tpu.dma_semaphore, #tpu.memory_space<semaphore_mem>>)
      %dma_wait3A = arith.constant 0 : i32
      %dma_wait3A_90 = tpu.memref_slice %arg13[%mul3A_4, %dma_wait3A] : memref<10240x64xf32, #tpu.memory_space<vmem_shared>> -> memref<640x64xf32, #tpu.memory_space<vmem_shared>>
      %dma_wait3A_91 = arith.constant 0 : i32
      %dma_wait3A_92 = tpu.memref_slice %arg2[%mul3A_2, %dma_wait3A_91] : memref<10240x64xf32, #tpu.memory_space<hbm>> -> memref<640x64xf32, #tpu.memory_space<hbm>>
      tpu.wait_dma2 semaphore(%run_scoped3A : memref<!tpu.dma_semaphore, #tpu.memory_space<semaphore_mem>>) src(%dma_wait3A_92 : memref<640x64xf32, #tpu.memory_space<hbm>>) dst(%dma_wait3A_90 : memref<640x64xf32, #tpu.memory_space<vmem_shared>>)
      tpu.yield
    }) : () -> ()
    %mul3A_5 = arith.constant 640 : i32
    %mul3A_6 = arith.muli %arg1, %mul3A_5 : i32
    "tpu.region"() ({
      %run_scoped3A = tpu.sem_alloc : memref<!tpu.dma_semaphore, #tpu.memory_space<semaphore_mem>>
      %dma_start3A_86 = arith.constant 0 : i32
      %dma_start3A_87 = tpu.memref_slice %arg14[%mul3A_6, %dma_start3A_86] : memref<10240x64xf32, #tpu.memory_space<vmem_shared>> -> memref<640x64xf32, #tpu.memory_space<vmem_shared>>
      tpu.enqueue_dma source(%arg5 : memref<640x64xf32, #tpu.memory_space<hbm>>) target(%dma_start3A_87 : memref<640x64xf32, #tpu.memory_space<vmem_shared>>) target_semaphore(%run_scoped3A : memref<!tpu.dma_semaphore, #tpu.memory_space<semaphore_mem>>)
      %dma_wait3A = arith.constant 0 : i32
      %dma_wait3A_88 = tpu.memref_slice %arg14[%mul3A_6, %dma_wait3A] : memref<10240x64xf32, #tpu.memory_space<vmem_shared>> -> memref<640x64xf32, #tpu.memory_space<vmem_shared>>
      tpu.wait_dma2 semaphore(%run_scoped3A : memref<!tpu.dma_semaphore, #tpu.memory_space<semaphore_mem>>) src(%arg5 : memref<640x64xf32, #tpu.memory_space<hbm>>) dst(%dma_wait3A_88 : memref<640x64xf32, #tpu.memory_space<vmem_shared>>)
      tpu.yield
    }) : () -> ()
    %barrier3A = arith.constant 0 : index
    tpu.barrier barrier_id(%barrier3A)
    %mul3A_7 = arith.constant 80 : i32
    %mul3A_8 = arith.muli %add3A, %mul3A_7 : i32
    %add3A_9 = arith.constant 0 : i32
    %add3A_10 = arith.addi %mul3A_8, %add3A_9 : i32
    "tpu.region"() ({
      %run_scoped3A = tpu.sem_alloc : memref<!tpu.dma_semaphore, #tpu.memory_space<semaphore_mem>>
      %dma_start3A_86 = arith.constant 0 : i32
      %dma_start3A_87 = tpu.memref_slice %arg3[%add3A_10, %dma_start3A_86] : memref<2560x128xi32, #tpu.memory_space<hbm>> -> memref<40x128xi32, #tpu.memory_space<hbm>>
      %dma_start3A_88 = arith.constant 0 : i32
      %dma_start3A_89 = tpu.memref_slice %arg3[%add3A_10, %dma_start3A_88] : memref<2560x128xi32, #tpu.memory_space<hbm>> -> memref<40x128xi32, #tpu.memory_space<hbm>>
      tpu.enqueue_dma source(%dma_start3A_89 : memref<40x128xi32, #tpu.memory_space<hbm>>) target(%arg7 : memref<40x128xi32, #tpu.memory_space<vmem>>) target_semaphore(%run_scoped3A : memref<!tpu.dma_semaphore, #tpu.memory_space<semaphore_mem>>)
      %dma_wait3A = arith.constant 0 : i32
      %dma_wait3A_90 = tpu.memref_slice %arg3[%add3A_10, %dma_wait3A] : memref<2560x128xi32, #tpu.memory_space<hbm>> -> memref<40x128xi32, #tpu.memory_space<hbm>>
      %dma_wait3A_91 = arith.constant 0 : i32
      %dma_wait3A_92 = tpu.memref_slice %arg3[%add3A_10, %dma_wait3A_91] : memref<2560x128xi32, #tpu.memory_space<hbm>> -> memref<40x128xi32, #tpu.memory_space<hbm>>
      tpu.wait_dma2 semaphore(%run_scoped3A : memref<!tpu.dma_semaphore, #tpu.memory_space<semaphore_mem>>) src(%dma_wait3A_92 : memref<40x128xi32, #tpu.memory_space<hbm>>) dst(%arg7 : memref<40x128xi32, #tpu.memory_space<vmem>>)
      tpu.yield
    }) : () -> ()
    "tpu.region"() ({
      %run_scoped3A = tpu.sem_alloc : memref<!tpu.dma_semaphore, #tpu.memory_space<semaphore_mem>>
      %dma_start3A_86 = arith.constant 0 : i32
      %dma_start3A_87 = tpu.memref_slice %arg4[%add3A_10, %dma_start3A_86] : memref<2560x128xi32, #tpu.memory_space<hbm>> -> memref<40x128xi32, #tpu.memory_space<hbm>>
      %dma_start3A_88 = arith.constant 0 : i32
      %dma_start3A_89 = tpu.memref_slice %arg4[%add3A_10, %dma_start3A_88] : memref<2560x128xi32, #tpu.memory_space<hbm>> -> memref<40x128xi32, #tpu.memory_space<hbm>>
      tpu.enqueue_dma source(%dma_start3A_89 : memref<40x128xi32, #tpu.memory_space<hbm>>) target(%arg8 : memref<40x128xi32, #tpu.memory_space<vmem>>) target_semaphore(%run_scoped3A : memref<!tpu.dma_semaphore, #tpu.memory_space<semaphore_mem>>)
      %dma_wait3A = arith.constant 0 : i32
      %dma_wait3A_90 = tpu.memref_slice %arg4[%add3A_10, %dma_wait3A] : memref<2560x128xi32, #tpu.memory_space<hbm>> -> memref<40x128xi32, #tpu.memory_space<hbm>>
      %dma_wait3A_91 = arith.constant 0 : i32
      %dma_wait3A_92 = tpu.memref_slice %arg4[%add3A_10, %dma_wait3A_91] : memref<2560x128xi32, #tpu.memory_space<hbm>> -> memref<40x128xi32, #tpu.memory_space<hbm>>
      tpu.wait_dma2 semaphore(%run_scoped3A : memref<!tpu.dma_semaphore, #tpu.memory_space<semaphore_mem>>) src(%dma_wait3A_92 : memref<40x128xi32, #tpu.memory_space<hbm>>) dst(%arg8 : memref<40x128xi32, #tpu.memory_space<vmem>>)
      tpu.yield
    }) : () -> ()
    %dma_start3A = arith.constant 0 : i32
    %dma_start3A_11 = arith.constant 0 : i32
    %dma_start3A_12 = tpu.memref_slice %arg7[%dma_start3A, %dma_start3A_11] : memref<40x128xi32, #tpu.memory_space<vmem>> -> memref<1x128xi32, #tpu.memory_space<vmem>>
    %dma_start3A_13 = tpu.memref_squeeze %dma_start3A_12 : memref<1x128xi32, #tpu.memory_space<vmem>> -> memref<128xi32, #tpu.memory_space<vmem>>
    %dma_start3A_14 = arith.constant 0 : i32
    %dma_start3A_15 = arith.constant 0 : i32
    %dma_start3A_16 = tpu.memref_slice %arg13[%dma_start3A_14, %dma_start3A_15] : memref<10240x64xf32, #tpu.memory_space<vmem_shared>> -> memref<10240x64xf32, #tpu.memory_space<vmem_shared>>
    tpu.enqueue_indirect_dma source(%dma_start3A_16 : memref<10240x64xf32, #tpu.memory_space<vmem_shared>>) target(%arg9 : memref<128x64xf32, #tpu.memory_space<vmem>>) offsets(%dma_start3A_13 : memref<128xi32, #tpu.memory_space<vmem>>) semaphore(%arg15 : memref<!tpu.dma_semaphore, #tpu.memory_space<semaphore_mem>>)
    %dma_start3A_17 = arith.constant 1 : i32
    %dma_start3A_18 = arith.constant 0 : i32
    %dma_start3A_19 = tpu.memref_slice %arg7[%dma_start3A_17, %dma_start3A_18] : memref<40x128xi32, #tpu.memory_space<vmem>> -> memref<1x128xi32, #tpu.memory_space<vmem>>
    %dma_start3A_20 = tpu.memref_squeeze %dma_start3A_19 : memref<1x128xi32, #tpu.memory_space<vmem>> -> memref<128xi32, #tpu.memory_space<vmem>>
    %dma_start3A_21 = arith.constant 0 : i32
    %dma_start3A_22 = arith.constant 0 : i32
    %dma_start3A_23 = tpu.memref_slice %arg13[%dma_start3A_21, %dma_start3A_22] : memref<10240x64xf32, #tpu.memory_space<vmem_shared>> -> memref<10240x64xf32, #tpu.memory_space<vmem_shared>>
    tpu.enqueue_indirect_dma source(%dma_start3A_23 : memref<10240x64xf32, #tpu.memory_space<vmem_shared>>) target(%arg10 : memref<128x64xf32, #tpu.memory_space<vmem>>) offsets(%dma_start3A_20 : memref<128xi32, #tpu.memory_space<vmem>>) semaphore(%arg16 : memref<!tpu.dma_semaphore, #tpu.memory_space<semaphore_mem>>)
    %dma_start3A_24 = arith.constant 2 : i32
    %dma_start3A_25 = arith.constant 0 : i32
    %dma_start3A_26 = tpu.memref_slice %arg7[%dma_start3A_24, %dma_start3A_25] : memref<40x128xi32, #tpu.memory_space<vmem>> -> memref<1x128xi32, #tpu.memory_space<vmem>>
    %dma_start3A_27 = tpu.memref_squeeze %dma_start3A_26 : memref<1x128xi32, #tpu.memory_space<vmem>> -> memref<128xi32, #tpu.memory_space<vmem>>
    %dma_start3A_28 = arith.constant 0 : i32
    %dma_start3A_29 = arith.constant 0 : i32
    %dma_start3A_30 = tpu.memref_slice %arg13[%dma_start3A_28, %dma_start3A_29] : memref<10240x64xf32, #tpu.memory_space<vmem_shared>> -> memref<10240x64xf32, #tpu.memory_space<vmem_shared>>
    tpu.enqueue_indirect_dma source(%dma_start3A_30 : memref<10240x64xf32, #tpu.memory_space<vmem_shared>>) target(%arg11 : memref<128x64xf32, #tpu.memory_space<vmem>>) offsets(%dma_start3A_27 : memref<128xi32, #tpu.memory_space<vmem>>) semaphore(%arg17 : memref<!tpu.dma_semaphore, #tpu.memory_space<semaphore_mem>>)
    %dma_start3A_31 = arith.constant 3 : i32
    %dma_start3A_32 = arith.constant 0 : i32
    %dma_start3A_33 = tpu.memref_slice %arg7[%dma_start3A_31, %dma_start3A_32] : memref<40x128xi32, #tpu.memory_space<vmem>> -> memref<1x128xi32, #tpu.memory_space<vmem>>
    %dma_start3A_34 = tpu.memref_squeeze %dma_start3A_33 : memref<1x128xi32, #tpu.memory_space<vmem>> -> memref<128xi32, #tpu.memory_space<vmem>>
    %dma_start3A_35 = arith.constant 0 : i32
    %dma_start3A_36 = arith.constant 0 : i32
    %dma_start3A_37 = tpu.memref_slice %arg13[%dma_start3A_35, %dma_start3A_36] : memref<10240x64xf32, #tpu.memory_space<vmem_shared>> -> memref<10240x64xf32, #tpu.memory_space<vmem_shared>>
    tpu.enqueue_indirect_dma source(%dma_start3A_37 : memref<10240x64xf32, #tpu.memory_space<vmem_shared>>) target(%arg12 : memref<128x64xf32, #tpu.memory_space<vmem>>) offsets(%dma_start3A_34 : memref<128xi32, #tpu.memory_space<vmem>>) semaphore(%arg18 : memref<!tpu.dma_semaphore, #tpu.memory_space<semaphore_mem>>)
    %scan3A = arith.constant 0 : i32
    %scan3A_38 = arith.constant 0 : i32
    %scan3A_39 = arith.constant 10 : i32
    %scan3A_40 = arith.addi %scan3A_38, %scan3A_39 : i32
    %scan3A_41 = arith.constant 1 : i32
    scf.for %scan3A_86 = %scan3A_38 to %scan3A_40 step %scan3A_41  : i32 {
      %mul3A_87 = arith.constant 4 : i32
      %mul3A_88 = arith.muli %scan3A_86, %mul3A_87 : i32
      %add3A_89 = arith.constant 0 : i32
      %add3A_90 = arith.addi %mul3A_88, %add3A_89 : i32
      %dma_wait3A = arith.constant 0 : i32
      %dma_wait3A_91 = arith.constant 0 : i32
      %dma_wait3A_92 = tpu.memref_slice %arg13[%dma_wait3A, %dma_wait3A_91] : memref<10240x64xf32, #tpu.memory_space<vmem_shared>> -> memref<128x64xf32, #tpu.memory_space<vmem_shared>>
      %dma_wait3A_93 = arith.constant 0 : i32
      %dma_wait3A_94 = arith.constant 0 : i32
      %dma_wait3A_95 = tpu.memref_slice %arg13[%dma_wait3A_93, %dma_wait3A_94] : memref<10240x64xf32, #tpu.memory_space<vmem_shared>> -> memref<128x64xf32, #tpu.memory_space<vmem_shared>>
      tpu.wait_dma2 semaphore(%arg15 : memref<!tpu.dma_semaphore, #tpu.memory_space<semaphore_mem>>) src(%dma_wait3A_95 : memref<128x64xf32, #tpu.memory_space<vmem_shared>>) dst(%arg9 : memref<128x64xf32, #tpu.memory_space<vmem>>)
      "tpu.region"() ({
        %run_scoped3A = tpu.sem_alloc : memref<!tpu.dma_semaphore, #tpu.memory_space<semaphore_mem>>
        %dma_start3A_145 = arith.constant 0 : i32
        %dma_start3A_146 = tpu.memref_slice %arg8[%add3A_90, %dma_start3A_145] : memref<40x128xi32, #tpu.memory_space<vmem>> -> memref<1x128xi32, #tpu.memory_space<vmem>>
        %dma_start3A_147 = tpu.memref_squeeze %dma_start3A_146 : memref<1x128xi32, #tpu.memory_space<vmem>> -> memref<128xi32, #tpu.memory_space<vmem>>
        %dma_start3A_148 = arith.constant 0 : i32
        %dma_start3A_149 = arith.constant 0 : i32
        %dma_start3A_150 = tpu.memref_slice %arg14[%dma_start3A_148, %dma_start3A_149] : memref<10240x64xf32, #tpu.memory_space<vmem_shared>> -> memref<10240x64xf32, #tpu.memory_space<vmem_shared>>
        tpu.enqueue_indirect_dma source(%arg9 : memref<128x64xf32, #tpu.memory_space<vmem>>) target(%dma_start3A_150 : memref<10240x64xf32, #tpu.memory_space<vmem_shared>>) offsets(%dma_start3A_147 : memref<128xi32, #tpu.memory_space<vmem>>) semaphore(%run_scoped3A : memref<!tpu.dma_semaphore, #tpu.memory_space<semaphore_mem>>) {add = true}
        %dma_wait3A_151 = arith.constant 0 : i32
        %dma_wait3A_152 = tpu.memref_slice %arg8[%add3A_90, %dma_wait3A_151] : memref<40x128xi32, #tpu.memory_space<vmem>> -> memref<1x128xi32, #tpu.memory_space<vmem>>
        %dma_wait3A_153 = tpu.memref_squeeze %dma_wait3A_152 : memref<1x128xi32, #tpu.memory_space<vmem>> -> memref<128xi32, #tpu.memory_space<vmem>>
        %dma_wait3A_154 = arith.constant 0 : i32
        %dma_wait3A_155 = arith.constant 0 : i32
        %dma_wait3A_156 = tpu.memref_slice %arg14[%dma_wait3A_154, %dma_wait3A_155] : memref<10240x64xf32, #tpu.memory_space<vmem_shared>> -> memref<10240x64xf32, #tpu.memory_space<vmem_shared>>
        tpu.wait_indirect_dma semaphore(%run_scoped3A : memref<!tpu.dma_semaphore, #tpu.memory_space<semaphore_mem>>) src(%arg9 : memref<128x64xf32, #tpu.memory_space<vmem>>) dst(%dma_wait3A_156 : memref<10240x64xf32, #tpu.memory_space<vmem_shared>>)
        tpu.yield
      }) : () -> ()
      %add3A_96 = arith.constant 4 : i32
      %add3A_97 = arith.addi %add3A_90, %add3A_96 : i32
      %lt3A = arith.constant 40 : i32
      %lt3A_98 = arith.cmpi slt, %add3A_97, %lt3A : i32
      %convert_element_type3A = arith.extui %lt3A_98 : i1 to i32
      %cond3A = arith.constant 0 : i32
      %cond3A_99 = arith.cmpi ne, %convert_element_type3A, %cond3A : i32
      scf.if %cond3A_99 {
        %add3A_145 = arith.constant 4 : i32
        %add3A_146 = arith.addi %add3A_90, %add3A_145 : i32
        %dma_start3A_147 = arith.constant 0 : i32
        %dma_start3A_148 = tpu.memref_slice %arg7[%add3A_146, %dma_start3A_147] : memref<40x128xi32, #tpu.memory_space<vmem>> -> memref<1x128xi32, #tpu.memory_space<vmem>>
        %dma_start3A_149 = tpu.memref_squeeze %dma_start3A_148 : memref<1x128xi32, #tpu.memory_space<vmem>> -> memref<128xi32, #tpu.memory_space<vmem>>
        %dma_start3A_150 = arith.constant 0 : i32
        %dma_start3A_151 = arith.constant 0 : i32
        %dma_start3A_152 = tpu.memref_slice %arg13[%dma_start3A_150, %dma_start3A_151] : memref<10240x64xf32, #tpu.memory_space<vmem_shared>> -> memref<10240x64xf32, #tpu.memory_space<vmem_shared>>
        tpu.enqueue_indirect_dma source(%dma_start3A_152 : memref<10240x64xf32, #tpu.memory_space<vmem_shared>>) target(%arg9 : memref<128x64xf32, #tpu.memory_space<vmem>>) offsets(%dma_start3A_149 : memref<128xi32, #tpu.memory_space<vmem>>) semaphore(%arg15 : memref<!tpu.dma_semaphore, #tpu.memory_space<semaphore_mem>>)
      } else {
      }
      %add3A_100 = arith.constant 1 : i32
      %add3A_101 = arith.addi %mul3A_88, %add3A_100 : i32
      %dma_wait3A_102 = arith.constant 0 : i32
      %dma_wait3A_103 = arith.constant 0 : i32
      %dma_wait3A_104 = tpu.memref_slice %arg13[%dma_wait3A_102, %dma_wait3A_103] : memref<10240x64xf32, #tpu.memory_space<vmem_shared>> -> memref<128x64xf32, #tpu.memory_space<vmem_shared>>
      %dma_wait3A_105 = arith.constant 0 : i32
      %dma_wait3A_106 = arith.constant 0 : i32
      %dma_wait3A_107 = tpu.memref_slice %arg13[%dma_wait3A_105, %dma_wait3A_106] : memref<10240x64xf32, #tpu.memory_space<vmem_shared>> -> memref<128x64xf32, #tpu.memory_space<vmem_shared>>
      tpu.wait_dma2 semaphore(%arg16 : memref<!tpu.dma_semaphore, #tpu.memory_space<semaphore_mem>>) src(%dma_wait3A_107 : memref<128x64xf32, #tpu.memory_space<vmem_shared>>) dst(%arg10 : memref<128x64xf32, #tpu.memory_space<vmem>>)
      "tpu.region"() ({
        %run_scoped3A = tpu.sem_alloc : memref<!tpu.dma_semaphore, #tpu.memory_space<semaphore_mem>>
        %dma_start3A_145 = arith.constant 0 : i32
        %dma_start3A_146 = tpu.memref_slice %arg8[%add3A_101, %dma_start3A_145] : memref<40x128xi32, #tpu.memory_space<vmem>> -> memref<1x128xi32, #tpu.memory_space<vmem>>
        %dma_start3A_147 = tpu.memref_squeeze %dma_start3A_146 : memref<1x128xi32, #tpu.memory_space<vmem>> -> memref<128xi32, #tpu.memory_space<vmem>>
        %dma_start3A_148 = arith.constant 0 : i32
        %dma_start3A_149 = arith.constant 0 : i32
        %dma_start3A_150 = tpu.memref_slice %arg14[%dma_start3A_148, %dma_start3A_149] : memref<10240x64xf32, #tpu.memory_space<vmem_shared>> -> memref<10240x64xf32, #tpu.memory_space<vmem_shared>>
        tpu.enqueue_indirect_dma source(%arg10 : memref<128x64xf32, #tpu.memory_space<vmem>>) target(%dma_start3A_150 : memref<10240x64xf32, #tpu.memory_space<vmem_shared>>) offsets(%dma_start3A_147 : memref<128xi32, #tpu.memory_space<vmem>>) semaphore(%run_scoped3A : memref<!tpu.dma_semaphore, #tpu.memory_space<semaphore_mem>>) {add = true}
        %dma_wait3A_151 = arith.constant 0 : i32
        %dma_wait3A_152 = tpu.memref_slice %arg8[%add3A_101, %dma_wait3A_151] : memref<40x128xi32, #tpu.memory_space<vmem>> -> memref<1x128xi32, #tpu.memory_space<vmem>>
        %dma_wait3A_153 = tpu.memref_squeeze %dma_wait3A_152 : memref<1x128xi32, #tpu.memory_space<vmem>> -> memref<128xi32, #tpu.memory_space<vmem>>
        %dma_wait3A_154 = arith.constant 0 : i32
        %dma_wait3A_155 = arith.constant 0 : i32
        %dma_wait3A_156 = tpu.memref_slice %arg14[%dma_wait3A_154, %dma_wait3A_155] : memref<10240x64xf32, #tpu.memory_space<vmem_shared>> -> memref<10240x64xf32, #tpu.memory_space<vmem_shared>>
        tpu.wait_indirect_dma semaphore(%run_scoped3A : memref<!tpu.dma_semaphore, #tpu.memory_space<semaphore_mem>>) src(%arg10 : memref<128x64xf32, #tpu.memory_space<vmem>>) dst(%dma_wait3A_156 : memref<10240x64xf32, #tpu.memory_space<vmem_shared>>)
        tpu.yield
      }) : () -> ()
      %add3A_108 = arith.constant 4 : i32
      %add3A_109 = arith.addi %add3A_101, %add3A_108 : i32
      %lt3A_110 = arith.constant 40 : i32
      %lt3A_111 = arith.cmpi slt, %add3A_109, %lt3A_110 : i32
      %convert_element_type3A_112 = arith.extui %lt3A_111 : i1 to i32
      %cond3A_113 = arith.constant 0 : i32
      %cond3A_114 = arith.cmpi ne, %convert_element_type3A_112, %cond3A_113 : i32
      scf.if %cond3A_114 {
        %add3A_145 = arith.constant 4 : i32
        %add3A_146 = arith.addi %add3A_101, %add3A_145 : i32
        %dma_start3A_147 = arith.constant 0 : i32
        %dma_start3A_148 = tpu.memref_slice %arg7[%add3A_146, %dma_start3A_147] : memref<40x128xi32, #tpu.memory_space<vmem>> -> memref<1x128xi32, #tpu.memory_space<vmem>>
        %dma_start3A_149 = tpu.memref_squeeze %dma_start3A_148 : memref<1x128xi32, #tpu.memory_space<vmem>> -> memref<128xi32, #tpu.memory_space<vmem>>
        %dma_start3A_150 = arith.constant 0 : i32
        %dma_start3A_151 = arith.constant 0 : i32
        %dma_start3A_152 = tpu.memref_slice %arg13[%dma_start3A_150, %dma_start3A_151] : memref<10240x64xf32, #tpu.memory_space<vmem_shared>> -> memref<10240x64xf32, #tpu.memory_space<vmem_shared>>
        tpu.enqueue_indirect_dma source(%dma_start3A_152 : memref<10240x64xf32, #tpu.memory_space<vmem_shared>>) target(%arg10 : memref<128x64xf32, #tpu.memory_space<vmem>>) offsets(%dma_start3A_149 : memref<128xi32, #tpu.memory_space<vmem>>) semaphore(%arg16 : memref<!tpu.dma_semaphore, #tpu.memory_space<semaphore_mem>>)
      } else {
      }
      %add3A_115 = arith.constant 2 : i32
      %add3A_116 = arith.addi %mul3A_88, %add3A_115 : i32
      %dma_wait3A_117 = arith.constant 0 : i32
      %dma_wait3A_118 = arith.constant 0 : i32
      %dma_wait3A_119 = tpu.memref_slice %arg13[%dma_wait3A_117, %dma_wait3A_118] : memref<10240x64xf32, #tpu.memory_space<vmem_shared>> -> memref<128x64xf32, #tpu.memory_space<vmem_shared>>
      %dma_wait3A_120 = arith.constant 0 : i32
      %dma_wait3A_121 = arith.constant 0 : i32
      %dma_wait3A_122 = tpu.memref_slice %arg13[%dma_wait3A_120, %dma_wait3A_121] : memref<10240x64xf32, #tpu.memory_space<vmem_shared>> -> memref<128x64xf32, #tpu.memory_space<vmem_shared>>
      tpu.wait_dma2 semaphore(%arg17 : memref<!tpu.dma_semaphore, #tpu.memory_space<semaphore_mem>>) src(%dma_wait3A_122 : memref<128x64xf32, #tpu.memory_space<vmem_shared>>) dst(%arg11 : memref<128x64xf32, #tpu.memory_space<vmem>>)
      "tpu.region"() ({
        %run_scoped3A = tpu.sem_alloc : memref<!tpu.dma_semaphore, #tpu.memory_space<semaphore_mem>>
        %dma_start3A_145 = arith.constant 0 : i32
        %dma_start3A_146 = tpu.memref_slice %arg8[%add3A_116, %dma_start3A_145] : memref<40x128xi32, #tpu.memory_space<vmem>> -> memref<1x128xi32, #tpu.memory_space<vmem>>
        %dma_start3A_147 = tpu.memref_squeeze %dma_start3A_146 : memref<1x128xi32, #tpu.memory_space<vmem>> -> memref<128xi32, #tpu.memory_space<vmem>>
        %dma_start3A_148 = arith.constant 0 : i32
        %dma_start3A_149 = arith.constant 0 : i32
        %dma_start3A_150 = tpu.memref_slice %arg14[%dma_start3A_148, %dma_start3A_149] : memref<10240x64xf32, #tpu.memory_space<vmem_shared>> -> memref<10240x64xf32, #tpu.memory_space<vmem_shared>>
        tpu.enqueue_indirect_dma source(%arg11 : memref<128x64xf32, #tpu.memory_space<vmem>>) target(%dma_start3A_150 : memref<10240x64xf32, #tpu.memory_space<vmem_shared>>) offsets(%dma_start3A_147 : memref<128xi32, #tpu.memory_space<vmem>>) semaphore(%run_scoped3A : memref<!tpu.dma_semaphore, #tpu.memory_space<semaphore_mem>>) {add = true}
        %dma_wait3A_151 = arith.constant 0 : i32
        %dma_wait3A_152 = tpu.memref_slice %arg8[%add3A_116, %dma_wait3A_151] : memref<40x128xi32, #tpu.memory_space<vmem>> -> memref<1x128xi32, #tpu.memory_space<vmem>>
        %dma_wait3A_153 = tpu.memref_squeeze %dma_wait3A_152 : memref<1x128xi32, #tpu.memory_space<vmem>> -> memref<128xi32, #tpu.memory_space<vmem>>
        %dma_wait3A_154 = arith.constant 0 : i32
        %dma_wait3A_155 = arith.constant 0 : i32
        %dma_wait3A_156 = tpu.memref_slice %arg14[%dma_wait3A_154, %dma_wait3A_155] : memref<10240x64xf32, #tpu.memory_space<vmem_shared>> -> memref<10240x64xf32, #tpu.memory_space<vmem_shared>>
        tpu.wait_indirect_dma semaphore(%run_scoped3A : memref<!tpu.dma_semaphore, #tpu.memory_space<semaphore_mem>>) src(%arg11 : memref<128x64xf32, #tpu.memory_space<vmem>>) dst(%dma_wait3A_156 : memref<10240x64xf32, #tpu.memory_space<vmem_shared>>)
        tpu.yield
      }) : () -> ()
      %add3A_123 = arith.constant 4 : i32
      %add3A_124 = arith.addi %add3A_116, %add3A_123 : i32
      %lt3A_125 = arith.constant 40 : i32
      %lt3A_126 = arith.cmpi slt, %add3A_124, %lt3A_125 : i32
      %convert_element_type3A_127 = arith.extui %lt3A_126 : i1 to i32
      %cond3A_128 = arith.constant 0 : i32
      %cond3A_129 = arith.cmpi ne, %convert_element_type3A_127, %cond3A_128 : i32
      scf.if %cond3A_129 {
        %add3A_145 = arith.constant 4 : i32
        %add3A_146 = arith.addi %add3A_116, %add3A_145 : i32
        %dma_start3A_147 = arith.constant 0 : i32
        %dma_start3A_148 = tpu.memref_slice %arg7[%add3A_146, %dma_start3A_147] : memref<40x128xi32, #tpu.memory_space<vmem>> -> memref<1x128xi32, #tpu.memory_space<vmem>>
        %dma_start3A_149 = tpu.memref_squeeze %dma_start3A_148 : memref<1x128xi32, #tpu.memory_space<vmem>> -> memref<128xi32, #tpu.memory_space<vmem>>
        %dma_start3A_150 = arith.constant 0 : i32
        %dma_start3A_151 = arith.constant 0 : i32
        %dma_start3A_152 = tpu.memref_slice %arg13[%dma_start3A_150, %dma_start3A_151] : memref<10240x64xf32, #tpu.memory_space<vmem_shared>> -> memref<10240x64xf32, #tpu.memory_space<vmem_shared>>
        tpu.enqueue_indirect_dma source(%dma_start3A_152 : memref<10240x64xf32, #tpu.memory_space<vmem_shared>>) target(%arg11 : memref<128x64xf32, #tpu.memory_space<vmem>>) offsets(%dma_start3A_149 : memref<128xi32, #tpu.memory_space<vmem>>) semaphore(%arg17 : memref<!tpu.dma_semaphore, #tpu.memory_space<semaphore_mem>>)
      } else {
      }
      %add3A_130 = arith.constant 3 : i32
      %add3A_131 = arith.addi %mul3A_88, %add3A_130 : i32
      %dma_wait3A_132 = arith.constant 0 : i32
      %dma_wait3A_133 = arith.constant 0 : i32
      %dma_wait3A_134 = tpu.memref_slice %arg13[%dma_wait3A_132, %dma_wait3A_133] : memref<10240x64xf32, #tpu.memory_space<vmem_shared>> -> memref<128x64xf32, #tpu.memory_space<vmem_shared>>
      %dma_wait3A_135 = arith.constant 0 : i32
      %dma_wait3A_136 = arith.constant 0 : i32
      %dma_wait3A_137 = tpu.memref_slice %arg13[%dma_wait3A_135, %dma_wait3A_136] : memref<10240x64xf32, #tpu.memory_space<vmem_shared>> -> memref<128x64xf32, #tpu.memory_space<vmem_shared>>
      tpu.wait_dma2 semaphore(%arg18 : memref<!tpu.dma_semaphore, #tpu.memory_space<semaphore_mem>>) src(%dma_wait3A_137 : memref<128x64xf32, #tpu.memory_space<vmem_shared>>) dst(%arg12 : memref<128x64xf32, #tpu.memory_space<vmem>>)
      "tpu.region"() ({
        %run_scoped3A = tpu.sem_alloc : memref<!tpu.dma_semaphore, #tpu.memory_space<semaphore_mem>>
        %dma_start3A_145 = arith.constant 0 : i32
        %dma_start3A_146 = tpu.memref_slice %arg8[%add3A_131, %dma_start3A_145] : memref<40x128xi32, #tpu.memory_space<vmem>> -> memref<1x128xi32, #tpu.memory_space<vmem>>
        %dma_start3A_147 = tpu.memref_squeeze %dma_start3A_146 : memref<1x128xi32, #tpu.memory_space<vmem>> -> memref<128xi32, #tpu.memory_space<vmem>>
        %dma_start3A_148 = arith.constant 0 : i32
        %dma_start3A_149 = arith.constant 0 : i32
        %dma_start3A_150 = tpu.memref_slice %arg14[%dma_start3A_148, %dma_start3A_149] : memref<10240x64xf32, #tpu.memory_space<vmem_shared>> -> memref<10240x64xf32, #tpu.memory_space<vmem_shared>>
        tpu.enqueue_indirect_dma source(%arg12 : memref<128x64xf32, #tpu.memory_space<vmem>>) target(%dma_start3A_150 : memref<10240x64xf32, #tpu.memory_space<vmem_shared>>) offsets(%dma_start3A_147 : memref<128xi32, #tpu.memory_space<vmem>>) semaphore(%run_scoped3A : memref<!tpu.dma_semaphore, #tpu.memory_space<semaphore_mem>>) {add = true}
        %dma_wait3A_151 = arith.constant 0 : i32
        %dma_wait3A_152 = tpu.memref_slice %arg8[%add3A_131, %dma_wait3A_151] : memref<40x128xi32, #tpu.memory_space<vmem>> -> memref<1x128xi32, #tpu.memory_space<vmem>>
        %dma_wait3A_153 = tpu.memref_squeeze %dma_wait3A_152 : memref<1x128xi32, #tpu.memory_space<vmem>> -> memref<128xi32, #tpu.memory_space<vmem>>
        %dma_wait3A_154 = arith.constant 0 : i32
        %dma_wait3A_155 = arith.constant 0 : i32
        %dma_wait3A_156 = tpu.memref_slice %arg14[%dma_wait3A_154, %dma_wait3A_155] : memref<10240x64xf32, #tpu.memory_space<vmem_shared>> -> memref<10240x64xf32, #tpu.memory_space<vmem_shared>>
        tpu.wait_indirect_dma semaphore(%run_scoped3A : memref<!tpu.dma_semaphore, #tpu.memory_space<semaphore_mem>>) src(%arg12 : memref<128x64xf32, #tpu.memory_space<vmem>>) dst(%dma_wait3A_156 : memref<10240x64xf32, #tpu.memory_space<vmem_shared>>)
        tpu.yield
      }) : () -> ()
      %add3A_138 = arith.constant 4 : i32
      %add3A_139 = arith.addi %add3A_131, %add3A_138 : i32
      %lt3A_140 = arith.constant 40 : i32
      %lt3A_141 = arith.cmpi slt, %add3A_139, %lt3A_140 : i32
      %convert_element_type3A_142 = arith.extui %lt3A_141 : i1 to i32
      %cond3A_143 = arith.constant 0 : i32
      %cond3A_144 = arith.cmpi ne, %convert_element_type3A_142, %cond3A_143 : i32
      scf.if %cond3A_144 {
        %add3A_145 = arith.constant 4 : i32
        %add3A_146 = arith.addi %add3A_131, %add3A_145 : i32
        %dma_start3A_147 = arith.constant 0 : i32
        %dma_start3A_148 = tpu.memref_slice %arg7[%add3A_146, %dma_start3A_147] : memref<40x128xi32, #tpu.memory_space<vmem>> -> memref<1x128xi32, #tpu.memory_space<vmem>>
        %dma_start3A_149 = tpu.memref_squeeze %dma_start3A_148 : memref<1x128xi32, #tpu.memory_space<vmem>> -> memref<128xi32, #tpu.memory_space<vmem>>
        %dma_start3A_150 = arith.constant 0 : i32
        %dma_start3A_151 = arith.constant 0 : i32
        %dma_start3A_152 = tpu.memref_slice %arg13[%dma_start3A_150, %dma_start3A_151] : memref<10240x64xf32, #tpu.memory_space<vmem_shared>> -> memref<10240x64xf32, #tpu.memory_space<vmem_shared>>
        tpu.enqueue_indirect_dma source(%dma_start3A_152 : memref<10240x64xf32, #tpu.memory_space<vmem_shared>>) target(%arg12 : memref<128x64xf32, #tpu.memory_space<vmem>>) offsets(%dma_start3A_149 : memref<128xi32, #tpu.memory_space<vmem>>) semaphore(%arg18 : memref<!tpu.dma_semaphore, #tpu.memory_space<semaphore_mem>>)
      } else {
      }
    }
    %scan3A_42 = arith.constant 10 : i32
    %mul3A_43 = arith.constant 80 : i32
    %mul3A_44 = arith.muli %add3A, %mul3A_43 : i32
    %add3A_45 = arith.constant 40 : i32
    %add3A_46 = arith.addi %mul3A_44, %add3A_45 : i32
    "tpu.region"() ({
      %run_scoped3A = tpu.sem_alloc : memref<!tpu.dma_semaphore, #tpu.memory_space<semaphore_mem>>
      %dma_start3A_86 = arith.constant 0 : i32
      %dma_start3A_87 = tpu.memref_slice %arg3[%add3A_46, %dma_start3A_86] : memref<2560x128xi32, #tpu.memory_space<hbm>> -> memref<40x128xi32, #tpu.memory_space<hbm>>
      %dma_start3A_88 = arith.constant 0 : i32
      %dma_start3A_89 = tpu.memref_slice %arg3[%add3A_46, %dma_start3A_88] : memref<2560x128xi32, #tpu.memory_space<hbm>> -> memref<40x128xi32, #tpu.memory_space<hbm>>
      tpu.enqueue_dma source(%dma_start3A_89 : memref<40x128xi32, #tpu.memory_space<hbm>>) target(%arg7 : memref<40x128xi32, #tpu.memory_space<vmem>>) target_semaphore(%run_scoped3A : memref<!tpu.dma_semaphore, #tpu.memory_space<semaphore_mem>>)
      %dma_wait3A = arith.constant 0 : i32
      %dma_wait3A_90 = tpu.memref_slice %arg3[%add3A_46, %dma_wait3A] : memref<2560x128xi32, #tpu.memory_space<hbm>> -> memref<40x128xi32, #tpu.memory_space<hbm>>
      %dma_wait3A_91 = arith.constant 0 : i32
      %dma_wait3A_92 = tpu.memref_slice %arg3[%add3A_46, %dma_wait3A_91] : memref<2560x128xi32, #tpu.memory_space<hbm>> -> memref<40x128xi32, #tpu.memory_space<hbm>>
      tpu.wait_dma2 semaphore(%run_scoped3A : memref<!tpu.dma_semaphore, #tpu.memory_space<semaphore_mem>>) src(%dma_wait3A_92 : memref<40x128xi32, #tpu.memory_space<hbm>>) dst(%arg7 : memref<40x128xi32, #tpu.memory_space<vmem>>)
      tpu.yield
    }) : () -> ()
    "tpu.region"() ({
      %run_scoped3A = tpu.sem_alloc : memref<!tpu.dma_semaphore, #tpu.memory_space<semaphore_mem>>
      %dma_start3A_86 = arith.constant 0 : i32
      %dma_start3A_87 = tpu.memref_slice %arg4[%add3A_46, %dma_start3A_86] : memref<2560x128xi32, #tpu.memory_space<hbm>> -> memref<40x128xi32, #tpu.memory_space<hbm>>
      %dma_start3A_88 = arith.constant 0 : i32
      %dma_start3A_89 = tpu.memref_slice %arg4[%add3A_46, %dma_start3A_88] : memref<2560x128xi32, #tpu.memory_space<hbm>> -> memref<40x128xi32, #tpu.memory_space<hbm>>
      tpu.enqueue_dma source(%dma_start3A_89 : memref<40x128xi32, #tpu.memory_space<hbm>>) target(%arg8 : memref<40x128xi32, #tpu.memory_space<vmem>>) target_semaphore(%run_scoped3A : memref<!tpu.dma_semaphore, #tpu.memory_space<semaphore_mem>>)
      %dma_wait3A = arith.constant 0 : i32
      %dma_wait3A_90 = tpu.memref_slice %arg4[%add3A_46, %dma_wait3A] : memref<2560x128xi32, #tpu.memory_space<hbm>> -> memref<40x128xi32, #tpu.memory_space<hbm>>
      %dma_wait3A_91 = arith.constant 0 : i32
      %dma_wait3A_92 = tpu.memref_slice %arg4[%add3A_46, %dma_wait3A_91] : memref<2560x128xi32, #tpu.memory_space<hbm>> -> memref<40x128xi32, #tpu.memory_space<hbm>>
      tpu.wait_dma2 semaphore(%run_scoped3A : memref<!tpu.dma_semaphore, #tpu.memory_space<semaphore_mem>>) src(%dma_wait3A_92 : memref<40x128xi32, #tpu.memory_space<hbm>>) dst(%arg8 : memref<40x128xi32, #tpu.memory_space<vmem>>)
      tpu.yield
    }) : () -> ()
    %dma_start3A_47 = arith.constant 0 : i32
    %dma_start3A_48 = arith.constant 0 : i32
    %dma_start3A_49 = tpu.memref_slice %arg7[%dma_start3A_47, %dma_start3A_48] : memref<40x128xi32, #tpu.memory_space<vmem>> -> memref<1x128xi32, #tpu.memory_space<vmem>>
    %dma_start3A_50 = tpu.memref_squeeze %dma_start3A_49 : memref<1x128xi32, #tpu.memory_space<vmem>> -> memref<128xi32, #tpu.memory_space<vmem>>
    %dma_start3A_51 = arith.constant 0 : i32
    %dma_start3A_52 = arith.constant 0 : i32
    %dma_start3A_53 = tpu.memref_slice %arg13[%dma_start3A_51, %dma_start3A_52] : memref<10240x64xf32, #tpu.memory_space<vmem_shared>> -> memref<10240x64xf32, #tpu.memory_space<vmem_shared>>
    tpu.enqueue_indirect_dma source(%dma_start3A_53 : memref<10240x64xf32, #tpu.memory_space<vmem_shared>>) target(%arg9 : memref<128x64xf32, #tpu.memory_space<vmem>>) offsets(%dma_start3A_50 : memref<128xi32, #tpu.memory_space<vmem>>) semaphore(%arg15 : memref<!tpu.dma_semaphore, #tpu.memory_space<semaphore_mem>>)
    %dma_start3A_54 = arith.constant 1 : i32
    %dma_start3A_55 = arith.constant 0 : i32
    %dma_start3A_56 = tpu.memref_slice %arg7[%dma_start3A_54, %dma_start3A_55] : memref<40x128xi32, #tpu.memory_space<vmem>> -> memref<1x128xi32, #tpu.memory_space<vmem>>
    %dma_start3A_57 = tpu.memref_squeeze %dma_start3A_56 : memref<1x128xi32, #tpu.memory_space<vmem>> -> memref<128xi32, #tpu.memory_space<vmem>>
    %dma_start3A_58 = arith.constant 0 : i32
    %dma_start3A_59 = arith.constant 0 : i32
    %dma_start3A_60 = tpu.memref_slice %arg13[%dma_start3A_58, %dma_start3A_59] : memref<10240x64xf32, #tpu.memory_space<vmem_shared>> -> memref<10240x64xf32, #tpu.memory_space<vmem_shared>>
    tpu.enqueue_indirect_dma source(%dma_start3A_60 : memref<10240x64xf32, #tpu.memory_space<vmem_shared>>) target(%arg10 : memref<128x64xf32, #tpu.memory_space<vmem>>) offsets(%dma_start3A_57 : memref<128xi32, #tpu.memory_space<vmem>>) semaphore(%arg16 : memref<!tpu.dma_semaphore, #tpu.memory_space<semaphore_mem>>)
    %dma_start3A_61 = arith.constant 2 : i32
    %dma_start3A_62 = arith.constant 0 : i32
    %dma_start3A_63 = tpu.memref_slice %arg7[%dma_start3A_61, %dma_start3A_62] : memref<40x128xi32, #tpu.memory_space<vmem>> -> memref<1x128xi32, #tpu.memory_space<vmem>>
    %dma_start3A_64 = tpu.memref_squeeze %dma_start3A_63 : memref<1x128xi32, #tpu.memory_space<vmem>> -> memref<128xi32, #tpu.memory_space<vmem>>
    %dma_start3A_65 = arith.constant 0 : i32
    %dma_start3A_66 = arith.constant 0 : i32
    %dma_start3A_67 = tpu.memref_slice %arg13[%dma_start3A_65, %dma_start3A_66] : memref<10240x64xf32, #tpu.memory_space<vmem_shared>> -> memref<10240x64xf32, #tpu.memory_space<vmem_shared>>
    tpu.enqueue_indirect_dma source(%dma_start3A_67 : memref<10240x64xf32, #tpu.memory_space<vmem_shared>>) target(%arg11 : memref<128x64xf32, #tpu.memory_space<vmem>>) offsets(%dma_start3A_64 : memref<128xi32, #tpu.memory_space<vmem>>) semaphore(%arg17 : memref<!tpu.dma_semaphore, #tpu.memory_space<semaphore_mem>>)
    %dma_start3A_68 = arith.constant 3 : i32
    %dma_start3A_69 = arith.constant 0 : i32
    %dma_start3A_70 = tpu.memref_slice %arg7[%dma_start3A_68, %dma_start3A_69] : memref<40x128xi32, #tpu.memory_space<vmem>> -> memref<1x128xi32, #tpu.memory_space<vmem>>
    %dma_start3A_71 = tpu.memref_squeeze %dma_start3A_70 : memref<1x128xi32, #tpu.memory_space<vmem>> -> memref<128xi32, #tpu.memory_space<vmem>>
    %dma_start3A_72 = arith.constant 0 : i32
    %dma_start3A_73 = arith.constant 0 : i32
    %dma_start3A_74 = tpu.memref_slice %arg13[%dma_start3A_72, %dma_start3A_73] : memref<10240x64xf32, #tpu.memory_space<vmem_shared>> -> memref<10240x64xf32, #tpu.memory_space<vmem_shared>>
    tpu.enqueue_indirect_dma source(%dma_start3A_74 : memref<10240x64xf32, #tpu.memory_space<vmem_shared>>) target(%arg12 : memref<128x64xf32, #tpu.memory_space<vmem>>) offsets(%dma_start3A_71 : memref<128xi32, #tpu.memory_space<vmem>>) semaphore(%arg18 : memref<!tpu.dma_semaphore, #tpu.memory_space<semaphore_mem>>)
    %scan3A_75 = arith.constant 0 : i32
    %scan3A_76 = arith.constant 0 : i32
    %scan3A_77 = arith.constant 10 : i32
    %scan3A_78 = arith.addi %scan3A_76, %scan3A_77 : i32
    %scan3A_79 = arith.constant 1 : i32
    scf.for %scan3A_86 = %scan3A_76 to %scan3A_78 step %scan3A_79  : i32 {
      %mul3A_87 = arith.constant 4 : i32
      %mul3A_88 = arith.muli %scan3A_86, %mul3A_87 : i32
      %add3A_89 = arith.constant 0 : i32
      %add3A_90 = arith.addi %mul3A_88, %add3A_89 : i32
      %dma_wait3A = arith.constant 0 : i32
      %dma_wait3A_91 = arith.constant 0 : i32
      %dma_wait3A_92 = tpu.memref_slice %arg13[%dma_wait3A, %dma_wait3A_91] : memref<10240x64xf32, #tpu.memory_space<vmem_shared>> -> memref<128x64xf32, #tpu.memory_space<vmem_shared>>
      %dma_wait3A_93 = arith.constant 0 : i32
      %dma_wait3A_94 = arith.constant 0 : i32
      %dma_wait3A_95 = tpu.memref_slice %arg13[%dma_wait3A_93, %dma_wait3A_94] : memref<10240x64xf32, #tpu.memory_space<vmem_shared>> -> memref<128x64xf32, #tpu.memory_space<vmem_shared>>
      tpu.wait_dma2 semaphore(%arg15 : memref<!tpu.dma_semaphore, #tpu.memory_space<semaphore_mem>>) src(%dma_wait3A_95 : memref<128x64xf32, #tpu.memory_space<vmem_shared>>) dst(%arg9 : memref<128x64xf32, #tpu.memory_space<vmem>>)
      "tpu.region"() ({
        %run_scoped3A = tpu.sem_alloc : memref<!tpu.dma_semaphore, #tpu.memory_space<semaphore_mem>>
        %dma_start3A_145 = arith.constant 0 : i32
        %dma_start3A_146 = tpu.memref_slice %arg8[%add3A_90, %dma_start3A_145] : memref<40x128xi32, #tpu.memory_space<vmem>> -> memref<1x128xi32, #tpu.memory_space<vmem>>
        %dma_start3A_147 = tpu.memref_squeeze %dma_start3A_146 : memref<1x128xi32, #tpu.memory_space<vmem>> -> memref<128xi32, #tpu.memory_space<vmem>>
        %dma_start3A_148 = arith.constant 0 : i32
        %dma_start3A_149 = arith.constant 0 : i32
        %dma_start3A_150 = tpu.memref_slice %arg14[%dma_start3A_148, %dma_start3A_149] : memref<10240x64xf32, #tpu.memory_space<vmem_shared>> -> memref<10240x64xf32, #tpu.memory_space<vmem_shared>>
        tpu.enqueue_indirect_dma source(%arg9 : memref<128x64xf32, #tpu.memory_space<vmem>>) target(%dma_start3A_150 : memref<10240x64xf32, #tpu.memory_space<vmem_shared>>) offsets(%dma_start3A_147 : memref<128xi32, #tpu.memory_space<vmem>>) semaphore(%run_scoped3A : memref<!tpu.dma_semaphore, #tpu.memory_space<semaphore_mem>>) {add = true}
        %dma_wait3A_151 = arith.constant 0 : i32
        %dma_wait3A_152 = tpu.memref_slice %arg8[%add3A_90, %dma_wait3A_151] : memref<40x128xi32, #tpu.memory_space<vmem>> -> memref<1x128xi32, #tpu.memory_space<vmem>>
        %dma_wait3A_153 = tpu.memref_squeeze %dma_wait3A_152 : memref<1x128xi32, #tpu.memory_space<vmem>> -> memref<128xi32, #tpu.memory_space<vmem>>
        %dma_wait3A_154 = arith.constant 0 : i32
        %dma_wait3A_155 = arith.constant 0 : i32
        %dma_wait3A_156 = tpu.memref_slice %arg14[%dma_wait3A_154, %dma_wait3A_155] : memref<10240x64xf32, #tpu.memory_space<vmem_shared>> -> memref<10240x64xf32, #tpu.memory_space<vmem_shared>>
        tpu.wait_indirect_dma semaphore(%run_scoped3A : memref<!tpu.dma_semaphore, #tpu.memory_space<semaphore_mem>>) src(%arg9 : memref<128x64xf32, #tpu.memory_space<vmem>>) dst(%dma_wait3A_156 : memref<10240x64xf32, #tpu.memory_space<vmem_shared>>)
        tpu.yield
      }) : () -> ()
      %add3A_96 = arith.constant 4 : i32
      %add3A_97 = arith.addi %add3A_90, %add3A_96 : i32
      %lt3A = arith.constant 40 : i32
      %lt3A_98 = arith.cmpi slt, %add3A_97, %lt3A : i32
      %convert_element_type3A = arith.extui %lt3A_98 : i1 to i32
      %cond3A = arith.constant 0 : i32
      %cond3A_99 = arith.cmpi ne, %convert_element_type3A, %cond3A : i32
      scf.if %cond3A_99 {
        %add3A_145 = arith.constant 4 : i32
        %add3A_146 = arith.addi %add3A_90, %add3A_145 : i32
        %dma_start3A_147 = arith.constant 0 : i32
        %dma_start3A_148 = tpu.memref_slice %arg7[%add3A_146, %dma_start3A_147] : memref<40x128xi32, #tpu.memory_space<vmem>> -> memref<1x128xi32, #tpu.memory_space<vmem>>
        %dma_start3A_149 = tpu.memref_squeeze %dma_start3A_148 : memref<1x128xi32, #tpu.memory_space<vmem>> -> memref<128xi32, #tpu.memory_space<vmem>>
        %dma_start3A_150 = arith.constant 0 : i32
        %dma_start3A_151 = arith.constant 0 : i32
        %dma_start3A_152 = tpu.memref_slice %arg13[%dma_start3A_150, %dma_start3A_151] : memref<10240x64xf32, #tpu.memory_space<vmem_shared>> -> memref<10240x64xf32, #tpu.memory_space<vmem_shared>>
        tpu.enqueue_indirect_dma source(%dma_start3A_152 : memref<10240x64xf32, #tpu.memory_space<vmem_shared>>) target(%arg9 : memref<128x64xf32, #tpu.memory_space<vmem>>) offsets(%dma_start3A_149 : memref<128xi32, #tpu.memory_space<vmem>>) semaphore(%arg15 : memref<!tpu.dma_semaphore, #tpu.memory_space<semaphore_mem>>)
      } else {
      }
      %add3A_100 = arith.constant 1 : i32
      %add3A_101 = arith.addi %mul3A_88, %add3A_100 : i32
      %dma_wait3A_102 = arith.constant 0 : i32
      %dma_wait3A_103 = arith.constant 0 : i32
      %dma_wait3A_104 = tpu.memref_slice %arg13[%dma_wait3A_102, %dma_wait3A_103] : memref<10240x64xf32, #tpu.memory_space<vmem_shared>> -> memref<128x64xf32, #tpu.memory_space<vmem_shared>>
      %dma_wait3A_105 = arith.constant 0 : i32
      %dma_wait3A_106 = arith.constant 0 : i32
      %dma_wait3A_107 = tpu.memref_slice %arg13[%dma_wait3A_105, %dma_wait3A_106] : memref<10240x64xf32, #tpu.memory_space<vmem_shared>> -> memref<128x64xf32, #tpu.memory_space<vmem_shared>>
      tpu.wait_dma2 semaphore(%arg16 : memref<!tpu.dma_semaphore, #tpu.memory_space<semaphore_mem>>) src(%dma_wait3A_107 : memref<128x64xf32, #tpu.memory_space<vmem_shared>>) dst(%arg10 : memref<128x64xf32, #tpu.memory_space<vmem>>)
      "tpu.region"() ({
        %run_scoped3A = tpu.sem_alloc : memref<!tpu.dma_semaphore, #tpu.memory_space<semaphore_mem>>
        %dma_start3A_145 = arith.constant 0 : i32
        %dma_start3A_146 = tpu.memref_slice %arg8[%add3A_101, %dma_start3A_145] : memref<40x128xi32, #tpu.memory_space<vmem>> -> memref<1x128xi32, #tpu.memory_space<vmem>>
        %dma_start3A_147 = tpu.memref_squeeze %dma_start3A_146 : memref<1x128xi32, #tpu.memory_space<vmem>> -> memref<128xi32, #tpu.memory_space<vmem>>
        %dma_start3A_148 = arith.constant 0 : i32
        %dma_start3A_149 = arith.constant 0 : i32
        %dma_start3A_150 = tpu.memref_slice %arg14[%dma_start3A_148, %dma_start3A_149] : memref<10240x64xf32, #tpu.memory_space<vmem_shared>> -> memref<10240x64xf32, #tpu.memory_space<vmem_shared>>
        tpu.enqueue_indirect_dma source(%arg10 : memref<128x64xf32, #tpu.memory_space<vmem>>) target(%dma_start3A_150 : memref<10240x64xf32, #tpu.memory_space<vmem_shared>>) offsets(%dma_start3A_147 : memref<128xi32, #tpu.memory_space<vmem>>) semaphore(%run_scoped3A : memref<!tpu.dma_semaphore, #tpu.memory_space<semaphore_mem>>) {add = true}
        %dma_wait3A_151 = arith.constant 0 : i32
        %dma_wait3A_152 = tpu.memref_slice %arg8[%add3A_101, %dma_wait3A_151] : memref<40x128xi32, #tpu.memory_space<vmem>> -> memref<1x128xi32, #tpu.memory_space<vmem>>
        %dma_wait3A_153 = tpu.memref_squeeze %dma_wait3A_152 : memref<1x128xi32, #tpu.memory_space<vmem>> -> memref<128xi32, #tpu.memory_space<vmem>>
        %dma_wait3A_154 = arith.constant 0 : i32
        %dma_wait3A_155 = arith.constant 0 : i32
        %dma_wait3A_156 = tpu.memref_slice %arg14[%dma_wait3A_154, %dma_wait3A_155] : memref<10240x64xf32, #tpu.memory_space<vmem_shared>> -> memref<10240x64xf32, #tpu.memory_space<vmem_shared>>
        tpu.wait_indirect_dma semaphore(%run_scoped3A : memref<!tpu.dma_semaphore, #tpu.memory_space<semaphore_mem>>) src(%arg10 : memref<128x64xf32, #tpu.memory_space<vmem>>) dst(%dma_wait3A_156 : memref<10240x64xf32, #tpu.memory_space<vmem_shared>>)
        tpu.yield
      }) : () -> ()
      %add3A_108 = arith.constant 4 : i32
      %add3A_109 = arith.addi %add3A_101, %add3A_108 : i32
      %lt3A_110 = arith.constant 40 : i32
      %lt3A_111 = arith.cmpi slt, %add3A_109, %lt3A_110 : i32
      %convert_element_type3A_112 = arith.extui %lt3A_111 : i1 to i32
      %cond3A_113 = arith.constant 0 : i32
      %cond3A_114 = arith.cmpi ne, %convert_element_type3A_112, %cond3A_113 : i32
      scf.if %cond3A_114 {
        %add3A_145 = arith.constant 4 : i32
        %add3A_146 = arith.addi %add3A_101, %add3A_145 : i32
        %dma_start3A_147 = arith.constant 0 : i32
        %dma_start3A_148 = tpu.memref_slice %arg7[%add3A_146, %dma_start3A_147] : memref<40x128xi32, #tpu.memory_space<vmem>> -> memref<1x128xi32, #tpu.memory_space<vmem>>
        %dma_start3A_149 = tpu.memref_squeeze %dma_start3A_148 : memref<1x128xi32, #tpu.memory_space<vmem>> -> memref<128xi32, #tpu.memory_space<vmem>>
        %dma_start3A_150 = arith.constant 0 : i32
        %dma_start3A_151 = arith.constant 0 : i32
        %dma_start3A_152 = tpu.memref_slice %arg13[%dma_start3A_150, %dma_start3A_151] : memref<10240x64xf32, #tpu.memory_space<vmem_shared>> -> memref<10240x64xf32, #tpu.memory_space<vmem_shared>>
        tpu.enqueue_indirect_dma source(%dma_start3A_152 : memref<10240x64xf32, #tpu.memory_space<vmem_shared>>) target(%arg10 : memref<128x64xf32, #tpu.memory_space<vmem>>) offsets(%dma_start3A_149 : memref<128xi32, #tpu.memory_space<vmem>>) semaphore(%arg16 : memref<!tpu.dma_semaphore, #tpu.memory_space<semaphore_mem>>)
      } else {
      }
      %add3A_115 = arith.constant 2 : i32
      %add3A_116 = arith.addi %mul3A_88, %add3A_115 : i32
      %dma_wait3A_117 = arith.constant 0 : i32
      %dma_wait3A_118 = arith.constant 0 : i32
      %dma_wait3A_119 = tpu.memref_slice %arg13[%dma_wait3A_117, %dma_wait3A_118] : memref<10240x64xf32, #tpu.memory_space<vmem_shared>> -> memref<128x64xf32, #tpu.memory_space<vmem_shared>>
      %dma_wait3A_120 = arith.constant 0 : i32
      %dma_wait3A_121 = arith.constant 0 : i32
      %dma_wait3A_122 = tpu.memref_slice %arg13[%dma_wait3A_120, %dma_wait3A_121] : memref<10240x64xf32, #tpu.memory_space<vmem_shared>> -> memref<128x64xf32, #tpu.memory_space<vmem_shared>>
      tpu.wait_dma2 semaphore(%arg17 : memref<!tpu.dma_semaphore, #tpu.memory_space<semaphore_mem>>) src(%dma_wait3A_122 : memref<128x64xf32, #tpu.memory_space<vmem_shared>>) dst(%arg11 : memref<128x64xf32, #tpu.memory_space<vmem>>)
      "tpu.region"() ({
        %run_scoped3A = tpu.sem_alloc : memref<!tpu.dma_semaphore, #tpu.memory_space<semaphore_mem>>
        %dma_start3A_145 = arith.constant 0 : i32
        %dma_start3A_146 = tpu.memref_slice %arg8[%add3A_116, %dma_start3A_145] : memref<40x128xi32, #tpu.memory_space<vmem>> -> memref<1x128xi32, #tpu.memory_space<vmem>>
        %dma_start3A_147 = tpu.memref_squeeze %dma_start3A_146 : memref<1x128xi32, #tpu.memory_space<vmem>> -> memref<128xi32, #tpu.memory_space<vmem>>
        %dma_start3A_148 = arith.constant 0 : i32
        %dma_start3A_149 = arith.constant 0 : i32
        %dma_start3A_150 = tpu.memref_slice %arg14[%dma_start3A_148, %dma_start3A_149] : memref<10240x64xf32, #tpu.memory_space<vmem_shared>> -> memref<10240x64xf32, #tpu.memory_space<vmem_shared>>
        tpu.enqueue_indirect_dma source(%arg11 : memref<128x64xf32, #tpu.memory_space<vmem>>) target(%dma_start3A_150 : memref<10240x64xf32, #tpu.memory_space<vmem_shared>>) offsets(%dma_start3A_147 : memref<128xi32, #tpu.memory_space<vmem>>) semaphore(%run_scoped3A : memref<!tpu.dma_semaphore, #tpu.memory_space<semaphore_mem>>) {add = true}
        %dma_wait3A_151 = arith.constant 0 : i32
        %dma_wait3A_152 = tpu.memref_slice %arg8[%add3A_116, %dma_wait3A_151] : memref<40x128xi32, #tpu.memory_space<vmem>> -> memref<1x128xi32, #tpu.memory_space<vmem>>
        %dma_wait3A_153 = tpu.memref_squeeze %dma_wait3A_152 : memref<1x128xi32, #tpu.memory_space<vmem>> -> memref<128xi32, #tpu.memory_space<vmem>>
        %dma_wait3A_154 = arith.constant 0 : i32
        %dma_wait3A_155 = arith.constant 0 : i32
        %dma_wait3A_156 = tpu.memref_slice %arg14[%dma_wait3A_154, %dma_wait3A_155] : memref<10240x64xf32, #tpu.memory_space<vmem_shared>> -> memref<10240x64xf32, #tpu.memory_space<vmem_shared>>
        tpu.wait_indirect_dma semaphore(%run_scoped3A : memref<!tpu.dma_semaphore, #tpu.memory_space<semaphore_mem>>) src(%arg11 : memref<128x64xf32, #tpu.memory_space<vmem>>) dst(%dma_wait3A_156 : memref<10240x64xf32, #tpu.memory_space<vmem_shared>>)
        tpu.yield
      }) : () -> ()
      %add3A_123 = arith.constant 4 : i32
      %add3A_124 = arith.addi %add3A_116, %add3A_123 : i32
      %lt3A_125 = arith.constant 40 : i32
      %lt3A_126 = arith.cmpi slt, %add3A_124, %lt3A_125 : i32
      %convert_element_type3A_127 = arith.extui %lt3A_126 : i1 to i32
      %cond3A_128 = arith.constant 0 : i32
      %cond3A_129 = arith.cmpi ne, %convert_element_type3A_127, %cond3A_128 : i32
      scf.if %cond3A_129 {
        %add3A_145 = arith.constant 4 : i32
        %add3A_146 = arith.addi %add3A_116, %add3A_145 : i32
        %dma_start3A_147 = arith.constant 0 : i32
        %dma_start3A_148 = tpu.memref_slice %arg7[%add3A_146, %dma_start3A_147] : memref<40x128xi32, #tpu.memory_space<vmem>> -> memref<1x128xi32, #tpu.memory_space<vmem>>
        %dma_start3A_149 = tpu.memref_squeeze %dma_start3A_148 : memref<1x128xi32, #tpu.memory_space<vmem>> -> memref<128xi32, #tpu.memory_space<vmem>>
        %dma_start3A_150 = arith.constant 0 : i32
        %dma_start3A_151 = arith.constant 0 : i32
        %dma_start3A_152 = tpu.memref_slice %arg13[%dma_start3A_150, %dma_start3A_151] : memref<10240x64xf32, #tpu.memory_space<vmem_shared>> -> memref<10240x64xf32, #tpu.memory_space<vmem_shared>>
        tpu.enqueue_indirect_dma source(%dma_start3A_152 : memref<10240x64xf32, #tpu.memory_space<vmem_shared>>) target(%arg11 : memref<128x64xf32, #tpu.memory_space<vmem>>) offsets(%dma_start3A_149 : memref<128xi32, #tpu.memory_space<vmem>>) semaphore(%arg17 : memref<!tpu.dma_semaphore, #tpu.memory_space<semaphore_mem>>)
      } else {
      }
      %add3A_130 = arith.constant 3 : i32
      %add3A_131 = arith.addi %mul3A_88, %add3A_130 : i32
      %dma_wait3A_132 = arith.constant 0 : i32
      %dma_wait3A_133 = arith.constant 0 : i32
      %dma_wait3A_134 = tpu.memref_slice %arg13[%dma_wait3A_132, %dma_wait3A_133] : memref<10240x64xf32, #tpu.memory_space<vmem_shared>> -> memref<128x64xf32, #tpu.memory_space<vmem_shared>>
      %dma_wait3A_135 = arith.constant 0 : i32
      %dma_wait3A_136 = arith.constant 0 : i32
      %dma_wait3A_137 = tpu.memref_slice %arg13[%dma_wait3A_135, %dma_wait3A_136] : memref<10240x64xf32, #tpu.memory_space<vmem_shared>> -> memref<128x64xf32, #tpu.memory_space<vmem_shared>>
      tpu.wait_dma2 semaphore(%arg18 : memref<!tpu.dma_semaphore, #tpu.memory_space<semaphore_mem>>) src(%dma_wait3A_137 : memref<128x64xf32, #tpu.memory_space<vmem_shared>>) dst(%arg12 : memref<128x64xf32, #tpu.memory_space<vmem>>)
      "tpu.region"() ({
        %run_scoped3A = tpu.sem_alloc : memref<!tpu.dma_semaphore, #tpu.memory_space<semaphore_mem>>
        %dma_start3A_145 = arith.constant 0 : i32
        %dma_start3A_146 = tpu.memref_slice %arg8[%add3A_131, %dma_start3A_145] : memref<40x128xi32, #tpu.memory_space<vmem>> -> memref<1x128xi32, #tpu.memory_space<vmem>>
        %dma_start3A_147 = tpu.memref_squeeze %dma_start3A_146 : memref<1x128xi32, #tpu.memory_space<vmem>> -> memref<128xi32, #tpu.memory_space<vmem>>
        %dma_start3A_148 = arith.constant 0 : i32
        %dma_start3A_149 = arith.constant 0 : i32
        %dma_start3A_150 = tpu.memref_slice %arg14[%dma_start3A_148, %dma_start3A_149] : memref<10240x64xf32, #tpu.memory_space<vmem_shared>> -> memref<10240x64xf32, #tpu.memory_space<vmem_shared>>
        tpu.enqueue_indirect_dma source(%arg12 : memref<128x64xf32, #tpu.memory_space<vmem>>) target(%dma_start3A_150 : memref<10240x64xf32, #tpu.memory_space<vmem_shared>>) offsets(%dma_start3A_147 : memref<128xi32, #tpu.memory_space<vmem>>) semaphore(%run_scoped3A : memref<!tpu.dma_semaphore, #tpu.memory_space<semaphore_mem>>) {add = true}
        %dma_wait3A_151 = arith.constant 0 : i32
        %dma_wait3A_152 = tpu.memref_slice %arg8[%add3A_131, %dma_wait3A_151] : memref<40x128xi32, #tpu.memory_space<vmem>> -> memref<1x128xi32, #tpu.memory_space<vmem>>
        %dma_wait3A_153 = tpu.memref_squeeze %dma_wait3A_152 : memref<1x128xi32, #tpu.memory_space<vmem>> -> memref<128xi32, #tpu.memory_space<vmem>>
        %dma_wait3A_154 = arith.constant 0 : i32
        %dma_wait3A_155 = arith.constant 0 : i32
        %dma_wait3A_156 = tpu.memref_slice %arg14[%dma_wait3A_154, %dma_wait3A_155] : memref<10240x64xf32, #tpu.memory_space<vmem_shared>> -> memref<10240x64xf32, #tpu.memory_space<vmem_shared>>
        tpu.wait_indirect_dma semaphore(%run_scoped3A : memref<!tpu.dma_semaphore, #tpu.memory_space<semaphore_mem>>) src(%arg12 : memref<128x64xf32, #tpu.memory_space<vmem>>) dst(%dma_wait3A_156 : memref<10240x64xf32, #tpu.memory_space<vmem_shared>>)
        tpu.yield
      }) : () -> ()
      %add3A_138 = arith.constant 4 : i32
      %add3A_139 = arith.addi %add3A_131, %add3A_138 : i32
      %lt3A_140 = arith.constant 40 : i32
      %lt3A_141 = arith.cmpi slt, %add3A_139, %lt3A_140 : i32
      %convert_element_type3A_142 = arith.extui %lt3A_141 : i1 to i32
      %cond3A_143 = arith.constant 0 : i32
      %cond3A_144 = arith.cmpi ne, %convert_element_type3A_142, %cond3A_143 : i32
      scf.if %cond3A_144 {
        %add3A_145 = arith.constant 4 : i32
        %add3A_146 = arith.addi %add3A_131, %add3A_145 : i32
        %dma_start3A_147 = arith.constant 0 : i32
        %dma_start3A_148 = tpu.memref_slice %arg7[%add3A_146, %dma_start3A_147] : memref<40x128xi32, #tpu.memory_space<vmem>> -> memref<1x128xi32, #tpu.memory_space<vmem>>
        %dma_start3A_149 = tpu.memref_squeeze %dma_start3A_148 : memref<1x128xi32, #tpu.memory_space<vmem>> -> memref<128xi32, #tpu.memory_space<vmem>>
        %dma_start3A_150 = arith.constant 0 : i32
        %dma_start3A_151 = arith.constant 0 : i32
        %dma_start3A_152 = tpu.memref_slice %arg13[%dma_start3A_150, %dma_start3A_151] : memref<10240x64xf32, #tpu.memory_space<vmem_shared>> -> memref<10240x64xf32, #tpu.memory_space<vmem_shared>>
        tpu.enqueue_indirect_dma source(%dma_start3A_152 : memref<10240x64xf32, #tpu.memory_space<vmem_shared>>) target(%arg12 : memref<128x64xf32, #tpu.memory_space<vmem>>) offsets(%dma_start3A_149 : memref<128xi32, #tpu.memory_space<vmem>>) semaphore(%arg18 : memref<!tpu.dma_semaphore, #tpu.memory_space<semaphore_mem>>)
      } else {
      }
    }
    %scan3A_80 = arith.constant 10 : i32
    %barrier3A_81 = arith.constant 0 : index
    tpu.barrier barrier_id(%barrier3A_81)
    %mul3A_82 = arith.constant 640 : i32
    %mul3A_83 = arith.muli %arg1, %mul3A_82 : i32
    %mul3A_84 = arith.constant 640 : i32
    %mul3A_85 = arith.muli %arg1, %mul3A_84 : i32
    "tpu.region"() ({
      %run_scoped3A = tpu.sem_alloc : memref<!tpu.dma_semaphore, #tpu.memory_space<semaphore_mem>>
      %dma_start3A_86 = arith.constant 0 : i32
      %dma_start3A_87 = tpu.memref_slice %arg6[%arg0, %mul3A_85, %dma_start3A_86] : memref<2x10240x64xf32, #tpu.memory_space<hbm>> -> memref<1x640x64xf32, #tpu.memory_space<hbm>>
      %dma_start3A_88 = tpu.memref_squeeze %dma_start3A_87 : memref<1x640x64xf32, #tpu.memory_space<hbm>> -> memref<640x64xf32, #tpu.memory_space<hbm>>
      %dma_start3A_89 = arith.constant 0 : i32
      %dma_start3A_90 = tpu.memref_slice %arg14[%mul3A_83, %dma_start3A_89] : memref<10240x64xf32, #tpu.memory_space<vmem_shared>> -> memref<640x64xf32, #tpu.memory_space<vmem_shared>>
      tpu.enqueue_dma source(%dma_start3A_90 : memref<640x64xf32, #tpu.memory_space<vmem_shared>>) target(%dma_start3A_88 : memref<640x64xf32, #tpu.memory_space<hbm>>) target_semaphore(%run_scoped3A : memref<!tpu.dma_semaphore, #tpu.memory_space<semaphore_mem>>)
      %dma_wait3A = arith.constant 0 : i32
      %dma_wait3A_91 = tpu.memref_slice %arg6[%arg0, %mul3A_85, %dma_wait3A] : memref<2x10240x64xf32, #tpu.memory_space<hbm>> -> memref<1x640x64xf32, #tpu.memory_space<hbm>>
      %dma_wait3A_92 = tpu.memref_squeeze %dma_wait3A_91 : memref<1x640x64xf32, #tpu.memory_space<hbm>> -> memref<640x64xf32, #tpu.memory_space<hbm>>
      %dma_wait3A_93 = arith.constant 0 : i32
      %dma_wait3A_94 = tpu.memref_slice %arg14[%mul3A_83, %dma_wait3A_93] : memref<10240x64xf32, #tpu.memory_space<vmem_shared>> -> memref<640x64xf32, #tpu.memory_space<vmem_shared>>
      tpu.wait_dma2 semaphore(%run_scoped3A : memref<!tpu.dma_semaphore, #tpu.memory_space<semaphore_mem>>) src(%dma_wait3A_94 : memref<640x64xf32, #tpu.memory_space<vmem_shared>>) dst(%dma_wait3A_92 : memref<640x64xf32, #tpu.memory_space<hbm>>)
      tpu.yield
    }) : () -> ()
    return
  }
}

#map = affine_map<(d0, d1) -> (0, 0)>
#map1 = affine_map<(d0, d1) -> (0, 0, 0)>
module attributes {stable_mosaic.version = 14 : i64} {
  func.func @agg(%arg0: i32, %arg1: i32, %arg2: memref<10240x64xf32, #tpu.memory_space<hbm>>, %arg3: memref<2560x128xi32, #tpu.memory_space<hbm>>, %arg4: memref<2560x128xi32, #tpu.memory_space<hbm>>, %arg5: memref<640x64xf32, #tpu.memory_space<hbm>>, %arg6: memref<2x10240x64xf32, #tpu.memory_space<hbm>>, %arg7: memref<40x128xi32, #tpu.memory_space<vmem>>, %arg8: memref<40x128xi32, #tpu.memory_space<vmem>>, %arg9: memref<128x64xf32, #tpu.memory_space<vmem>>, %arg10: memref<128x64xf32, #tpu.memory_space<vmem>>, %arg11: memref<128x64xf32, #tpu.memory_space<vmem>>, %arg12: memref<128x64xf32, #tpu.memory_space<vmem>>, %arg13: memref<10240x64xf32, #tpu.memory_space<vmem_shared>>, %arg14: memref<10240x64xf32, #tpu.memory_space<vmem_shared>>, %arg15: memref<!tpu.dma_semaphore, #tpu.memory_space<semaphore_mem>>, %arg16: memref<!tpu.dma_semaphore, #tpu.memory_space<semaphore_mem>>, %arg17: memref<!tpu.dma_semaphore, #tpu.memory_space<semaphore_mem>>, %arg18: memref<!tpu.dma_semaphore, #tpu.memory_space<semaphore_mem>>) attributes {dimension_semantics = [#tpu.dimension_semantics<core_parallel>, #tpu.dimension_semantics<subcore_parallel>], iteration_bounds = array<i64: 2, 16>, scalar_prefetch = 0 : i64, scratch_operands = 12 : i64, tpu.core_type = #tpu.core_type<sc_vector_subcore>, window_params = [{transform_indices = #map}, {transform_indices = #map}, {transform_indices = #map}, {transform_indices = #map}, {transform_indices = #map1}]} {
    %mul3A = arith.constant 2 : i32
    %mul3A_0 = arith.muli %arg1, %mul3A : i32
    %add3A = arith.addi %mul3A_0, %arg0 : i32
    %mul3A_1 = arith.constant 640 : i32
    %mul3A_2 = arith.muli %arg1, %mul3A_1 : i32
    %mul3A_3 = arith.constant 640 : i32
    %mul3A_4 = arith.muli %arg1, %mul3A_3 : i32
    "tpu.region"() ({
      %run_scoped3A = tpu.sem_alloc : memref<!tpu.dma_semaphore, #tpu.memory_space<semaphore_mem>>
      %dma_start3A_86 = arith.constant 0 : i32
      %dma_start3A_87 = tpu.memref_slice %arg13[%mul3A_4, %dma_start3A_86] : memref<10240x64xf32, #tpu.memory_space<vmem_shared>> -> memref<640x64xf32, #tpu.memory_space<vmem_shared>>
      %dma_start3A_88 = arith.constant 0 : i32
      %dma_start3A_89 = tpu.memref_slice %arg2[%mul3A_2, %dma_start3A_88] : memref<10240x64xf32, #tpu.memory_space<hbm>> -> memref<640x64xf32, #tpu.memory_space<hbm>>
      tpu.enqueue_dma source(%dma_start3A_89 : memref<640x64xf32, #tpu.memory_space<hbm>>) target(%dma_start3A_87 : memref<640x64xf32, #tpu.memory_space<vmem_shared>>) target_semaphore(%run_scoped3A : memref<!tpu.dma_semaphore, #tpu.memory_space<semaphore_mem>>)
      %dma_wait3A = arith.constant 0 : i32
      %dma_wait3A_90 = tpu.memref_slice %arg13[%mul3A_4, %dma_wait3A] : memref<10240x64xf32, #tpu.memory_space<vmem_shared>> -> memref<640x64xf32, #tpu.memory_space<vmem_shared>>
      %dma_wait3A_91 = arith.constant 0 : i32
      %dma_wait3A_92 = tpu.memref_slice %arg2[%mul3A_2, %dma_wait3A_91] : memref<10240x64xf32, #tpu.memory_space<hbm>> -> memref<640x64xf32, #tpu.memory_space<hbm>>
      tpu.wait_dma2 semaphore(%run_scoped3A : memref<!tpu.dma_semaphore, #tpu.memory_space<semaphore_mem>>) src(%dma_wait3A_92 : memref<640x64xf32, #tpu.memory_space<hbm>>) dst(%dma_wait3A_90 : memref<640x64xf32, #tpu.memory_space<vmem_shared>>)
      tpu.yield
    }) : () -> ()
    %mul3A_5 = arith.constant 640 : i32
    %mul3A_6 = arith.muli %arg1, %mul3A_5 : i32
    "tpu.region"() ({
      %run_scoped3A = tpu.sem_alloc : memref<!tpu.dma_semaphore, #tpu.memory_space<semaphore_mem>>
      %dma_start3A_86 = arith.constant 0 : i32
      %dma_start3A_87 = tpu.memref_slice %arg14[%mul3A_6, %dma_start3A_86] : memref<10240x64xf32, #tpu.memory_space<vmem_shared>> -> memref<640x64xf32, #tpu.memory_space<vmem_shared>>
      tpu.enqueue_dma source(%arg5 : memref<640x64xf32, #tpu.memory_space<hbm>>) target(%dma_start3A_87 : memref<640x64xf32, #tpu.memory_space<vmem_shared>>) target_semaphore(%run_scoped3A : memref<!tpu.dma_semaphore, #tpu.memory_space<semaphore_mem>>)
      %dma_wait3A = arith.constant 0 : i32
      %dma_wait3A_88 = tpu.memref_slice %arg14[%mul3A_6, %dma_wait3A] : memref<10240x64xf32, #tpu.memory_space<vmem_shared>> -> memref<640x64xf32, #tpu.memory_space<vmem_shared>>
      tpu.wait_dma2 semaphore(%run_scoped3A : memref<!tpu.dma_semaphore, #tpu.memory_space<semaphore_mem>>) src(%arg5 : memref<640x64xf32, #tpu.memory_space<hbm>>) dst(%dma_wait3A_88 : memref<640x64xf32, #tpu.memory_space<vmem_shared>>)
      tpu.yield
    }) : () -> ()
    %barrier3A = arith.constant 0 : index
    tpu.barrier barrier_id(%barrier3A)
    %mul3A_7 = arith.constant 80 : i32
    %mul3A_8 = arith.muli %add3A, %mul3A_7 : i32
    %add3A_9 = arith.constant 0 : i32
    %add3A_10 = arith.addi %mul3A_8, %add3A_9 : i32
    "tpu.region"() ({
      %run_scoped3A = tpu.sem_alloc : memref<!tpu.dma_semaphore, #tpu.memory_space<semaphore_mem>>
      %dma_start3A_86 = arith.constant 0 : i32
      %dma_start3A_87 = tpu.memref_slice %arg3[%add3A_10, %dma_start3A_86] : memref<2560x128xi32, #tpu.memory_space<hbm>> -> memref<40x128xi32, #tpu.memory_space<hbm>>
      %dma_start3A_88 = arith.constant 0 : i32
      %dma_start3A_89 = tpu.memref_slice %arg3[%add3A_10, %dma_start3A_88] : memref<2560x128xi32, #tpu.memory_space<hbm>> -> memref<40x128xi32, #tpu.memory_space<hbm>>
      tpu.enqueue_dma source(%dma_start3A_89 : memref<40x128xi32, #tpu.memory_space<hbm>>) target(%arg7 : memref<40x128xi32, #tpu.memory_space<vmem>>) target_semaphore(%run_scoped3A : memref<!tpu.dma_semaphore, #tpu.memory_space<semaphore_mem>>)
      %dma_wait3A = arith.constant 0 : i32
      %dma_wait3A_90 = tpu.memref_slice %arg3[%add3A_10, %dma_wait3A] : memref<2560x128xi32, #tpu.memory_space<hbm>> -> memref<40x128xi32, #tpu.memory_space<hbm>>
      %dma_wait3A_91 = arith.constant 0 : i32
      %dma_wait3A_92 = tpu.memref_slice %arg3[%add3A_10, %dma_wait3A_91] : memref<2560x128xi32, #tpu.memory_space<hbm>> -> memref<40x128xi32, #tpu.memory_space<hbm>>
      tpu.wait_dma2 semaphore(%run_scoped3A : memref<!tpu.dma_semaphore, #tpu.memory_space<semaphore_mem>>) src(%dma_wait3A_92 : memref<40x128xi32, #tpu.memory_space<hbm>>) dst(%arg7 : memref<40x128xi32, #tpu.memory_space<vmem>>)
      tpu.yield
    }) : () -> ()
    "tpu.region"() ({
      %run_scoped3A = tpu.sem_alloc : memref<!tpu.dma_semaphore, #tpu.memory_space<semaphore_mem>>
      %dma_start3A_86 = arith.constant 0 : i32
      %dma_start3A_87 = tpu.memref_slice %arg4[%add3A_10, %dma_start3A_86] : memref<2560x128xi32, #tpu.memory_space<hbm>> -> memref<40x128xi32, #tpu.memory_space<hbm>>
      %dma_start3A_88 = arith.constant 0 : i32
      %dma_start3A_89 = tpu.memref_slice %arg4[%add3A_10, %dma_start3A_88] : memref<2560x128xi32, #tpu.memory_space<hbm>> -> memref<40x128xi32, #tpu.memory_space<hbm>>
      tpu.enqueue_dma source(%dma_start3A_89 : memref<40x128xi32, #tpu.memory_space<hbm>>) target(%arg8 : memref<40x128xi32, #tpu.memory_space<vmem>>) target_semaphore(%run_scoped3A : memref<!tpu.dma_semaphore, #tpu.memory_space<semaphore_mem>>)
      %dma_wait3A = arith.constant 0 : i32
      %dma_wait3A_90 = tpu.memref_slice %arg4[%add3A_10, %dma_wait3A] : memref<2560x128xi32, #tpu.memory_space<hbm>> -> memref<40x128xi32, #tpu.memory_space<hbm>>
      %dma_wait3A_91 = arith.constant 0 : i32
      %dma_wait3A_92 = tpu.memref_slice %arg4[%add3A_10, %dma_wait3A_91] : memref<2560x128xi32, #tpu.memory_space<hbm>> -> memref<40x128xi32, #tpu.memory_space<hbm>>
      tpu.wait_dma2 semaphore(%run_scoped3A : memref<!tpu.dma_semaphore, #tpu.memory_space<semaphore_mem>>) src(%dma_wait3A_92 : memref<40x128xi32, #tpu.memory_space<hbm>>) dst(%arg8 : memref<40x128xi32, #tpu.memory_space<vmem>>)
      tpu.yield
    }) : () -> ()
    %dma_start3A = arith.constant 0 : i32
    %dma_start3A_11 = arith.constant 0 : i32
    %dma_start3A_12 = tpu.memref_slice %arg7[%dma_start3A, %dma_start3A_11] : memref<40x128xi32, #tpu.memory_space<vmem>> -> memref<1x128xi32, #tpu.memory_space<vmem>>
    %dma_start3A_13 = tpu.memref_squeeze %dma_start3A_12 : memref<1x128xi32, #tpu.memory_space<vmem>> -> memref<128xi32, #tpu.memory_space<vmem>>
    %dma_start3A_14 = arith.constant 0 : i32
    %dma_start3A_15 = arith.constant 0 : i32
    %dma_start3A_16 = tpu.memref_slice %arg13[%dma_start3A_14, %dma_start3A_15] : memref<10240x64xf32, #tpu.memory_space<vmem_shared>> -> memref<10240x64xf32, #tpu.memory_space<vmem_shared>>
    tpu.enqueue_indirect_dma source(%dma_start3A_16 : memref<10240x64xf32, #tpu.memory_space<vmem_shared>>) target(%arg9 : memref<128x64xf32, #tpu.memory_space<vmem>>) offsets(%dma_start3A_13 : memref<128xi32, #tpu.memory_space<vmem>>) semaphore(%arg15 : memref<!tpu.dma_semaphore, #tpu.memory_space<semaphore_mem>>)
    %dma_start3A_17 = arith.constant 1 : i32
    %dma_start3A_18 = arith.constant 0 : i32
    %dma_start3A_19 = tpu.memref_slice %arg7[%dma_start3A_17, %dma_start3A_18] : memref<40x128xi32, #tpu.memory_space<vmem>> -> memref<1x128xi32, #tpu.memory_space<vmem>>
    %dma_start3A_20 = tpu.memref_squeeze %dma_start3A_19 : memref<1x128xi32, #tpu.memory_space<vmem>> -> memref<128xi32, #tpu.memory_space<vmem>>
    %dma_start3A_21 = arith.constant 0 : i32
    %dma_start3A_22 = arith.constant 0 : i32
    %dma_start3A_23 = tpu.memref_slice %arg13[%dma_start3A_21, %dma_start3A_22] : memref<10240x64xf32, #tpu.memory_space<vmem_shared>> -> memref<10240x64xf32, #tpu.memory_space<vmem_shared>>
    tpu.enqueue_indirect_dma source(%dma_start3A_23 : memref<10240x64xf32, #tpu.memory_space<vmem_shared>>) target(%arg10 : memref<128x64xf32, #tpu.memory_space<vmem>>) offsets(%dma_start3A_20 : memref<128xi32, #tpu.memory_space<vmem>>) semaphore(%arg16 : memref<!tpu.dma_semaphore, #tpu.memory_space<semaphore_mem>>)
    %dma_start3A_24 = arith.constant 2 : i32
    %dma_start3A_25 = arith.constant 0 : i32
    %dma_start3A_26 = tpu.memref_slice %arg7[%dma_start3A_24, %dma_start3A_25] : memref<40x128xi32, #tpu.memory_space<vmem>> -> memref<1x128xi32, #tpu.memory_space<vmem>>
    %dma_start3A_27 = tpu.memref_squeeze %dma_start3A_26 : memref<1x128xi32, #tpu.memory_space<vmem>> -> memref<128xi32, #tpu.memory_space<vmem>>
    %dma_start3A_28 = arith.constant 0 : i32
    %dma_start3A_29 = arith.constant 0 : i32
    %dma_start3A_30 = tpu.memref_slice %arg13[%dma_start3A_28, %dma_start3A_29] : memref<10240x64xf32, #tpu.memory_space<vmem_shared>> -> memref<10240x64xf32, #tpu.memory_space<vmem_shared>>
    tpu.enqueue_indirect_dma source(%dma_start3A_30 : memref<10240x64xf32, #tpu.memory_space<vmem_shared>>) target(%arg11 : memref<128x64xf32, #tpu.memory_space<vmem>>) offsets(%dma_start3A_27 : memref<128xi32, #tpu.memory_space<vmem>>) semaphore(%arg17 : memref<!tpu.dma_semaphore, #tpu.memory_space<semaphore_mem>>)
    %dma_start3A_31 = arith.constant 3 : i32
    %dma_start3A_32 = arith.constant 0 : i32
    %dma_start3A_33 = tpu.memref_slice %arg7[%dma_start3A_31, %dma_start3A_32] : memref<40x128xi32, #tpu.memory_space<vmem>> -> memref<1x128xi32, #tpu.memory_space<vmem>>
    %dma_start3A_34 = tpu.memref_squeeze %dma_start3A_33 : memref<1x128xi32, #tpu.memory_space<vmem>> -> memref<128xi32, #tpu.memory_space<vmem>>
    %dma_start3A_35 = arith.constant 0 : i32
    %dma_start3A_36 = arith.constant 0 : i32
    %dma_start3A_37 = tpu.memref_slice %arg13[%dma_start3A_35, %dma_start3A_36] : memref<10240x64xf32, #tpu.memory_space<vmem_shared>> -> memref<10240x64xf32, #tpu.memory_space<vmem_shared>>
    tpu.enqueue_indirect_dma source(%dma_start3A_37 : memref<10240x64xf32, #tpu.memory_space<vmem_shared>>) target(%arg12 : memref<128x64xf32, #tpu.memory_space<vmem>>) offsets(%dma_start3A_34 : memref<128xi32, #tpu.memory_space<vmem>>) semaphore(%arg18 : memref<!tpu.dma_semaphore, #tpu.memory_space<semaphore_mem>>)
    %scan3A = arith.constant 0 : i32
    %scan3A_38 = arith.constant 0 : i32
    %scan3A_39 = arith.constant 10 : i32
    %scan3A_40 = arith.addi %scan3A_38, %scan3A_39 : i32
    %scan3A_41 = arith.constant 1 : i32
    scf.for %scan3A_86 = %scan3A_38 to %scan3A_40 step %scan3A_41  : i32 {
      %mul3A_87 = arith.constant 4 : i32
      %mul3A_88 = arith.muli %scan3A_86, %mul3A_87 : i32
      %add3A_89 = arith.constant 0 : i32
      %add3A_90 = arith.addi %mul3A_88, %add3A_89 : i32
      %dma_wait3A = arith.constant 0 : i32
      %dma_wait3A_91 = arith.constant 0 : i32
      %dma_wait3A_92 = tpu.memref_slice %arg13[%dma_wait3A, %dma_wait3A_91] : memref<10240x64xf32, #tpu.memory_space<vmem_shared>> -> memref<128x64xf32, #tpu.memory_space<vmem_shared>>
      %dma_wait3A_93 = arith.constant 0 : i32
      %dma_wait3A_94 = arith.constant 0 : i32
      %dma_wait3A_95 = tpu.memref_slice %arg13[%dma_wait3A_93, %dma_wait3A_94] : memref<10240x64xf32, #tpu.memory_space<vmem_shared>> -> memref<128x64xf32, #tpu.memory_space<vmem_shared>>
      tpu.wait_dma2 semaphore(%arg15 : memref<!tpu.dma_semaphore, #tpu.memory_space<semaphore_mem>>) src(%dma_wait3A_95 : memref<128x64xf32, #tpu.memory_space<vmem_shared>>) dst(%arg9 : memref<128x64xf32, #tpu.memory_space<vmem>>)
      "tpu.region"() ({
        %run_scoped3A = tpu.sem_alloc : memref<!tpu.dma_semaphore, #tpu.memory_space<semaphore_mem>>
        %dma_start3A_145 = arith.constant 0 : i32
        %dma_start3A_146 = tpu.memref_slice %arg8[%add3A_90, %dma_start3A_145] : memref<40x128xi32, #tpu.memory_space<vmem>> -> memref<1x128xi32, #tpu.memory_space<vmem>>
        %dma_start3A_147 = tpu.memref_squeeze %dma_start3A_146 : memref<1x128xi32, #tpu.memory_space<vmem>> -> memref<128xi32, #tpu.memory_space<vmem>>
        %dma_start3A_148 = arith.constant 0 : i32
        %dma_start3A_149 = arith.constant 0 : i32
        %dma_start3A_150 = tpu.memref_slice %arg14[%dma_start3A_148, %dma_start3A_149] : memref<10240x64xf32, #tpu.memory_space<vmem_shared>> -> memref<10240x64xf32, #tpu.memory_space<vmem_shared>>
        tpu.enqueue_indirect_dma source(%arg9 : memref<128x64xf32, #tpu.memory_space<vmem>>) target(%dma_start3A_150 : memref<10240x64xf32, #tpu.memory_space<vmem_shared>>) offsets(%dma_start3A_147 : memref<128xi32, #tpu.memory_space<vmem>>) semaphore(%run_scoped3A : memref<!tpu.dma_semaphore, #tpu.memory_space<semaphore_mem>>) {add = true}
        %dma_wait3A_151 = arith.constant 0 : i32
        %dma_wait3A_152 = tpu.memref_slice %arg8[%add3A_90, %dma_wait3A_151] : memref<40x128xi32, #tpu.memory_space<vmem>> -> memref<1x128xi32, #tpu.memory_space<vmem>>
        %dma_wait3A_153 = tpu.memref_squeeze %dma_wait3A_152 : memref<1x128xi32, #tpu.memory_space<vmem>> -> memref<128xi32, #tpu.memory_space<vmem>>
        %dma_wait3A_154 = arith.constant 0 : i32
        %dma_wait3A_155 = arith.constant 0 : i32
        %dma_wait3A_156 = tpu.memref_slice %arg14[%dma_wait3A_154, %dma_wait3A_155] : memref<10240x64xf32, #tpu.memory_space<vmem_shared>> -> memref<10240x64xf32, #tpu.memory_space<vmem_shared>>
        tpu.wait_indirect_dma semaphore(%run_scoped3A : memref<!tpu.dma_semaphore, #tpu.memory_space<semaphore_mem>>) src(%arg9 : memref<128x64xf32, #tpu.memory_space<vmem>>) dst(%dma_wait3A_156 : memref<10240x64xf32, #tpu.memory_space<vmem_shared>>)
        tpu.yield
      }) : () -> ()
      %add3A_96 = arith.constant 4 : i32
      %add3A_97 = arith.addi %add3A_90, %add3A_96 : i32
      %lt3A = arith.constant 40 : i32
      %lt3A_98 = arith.cmpi slt, %add3A_97, %lt3A : i32
      %convert_element_type3A = arith.extui %lt3A_98 : i1 to i32
      %cond3A = arith.constant 0 : i32
      %cond3A_99 = arith.cmpi ne, %convert_element_type3A, %cond3A : i32
      scf.if %cond3A_99 {
        %add3A_145 = arith.constant 4 : i32
        %add3A_146 = arith.addi %add3A_90, %add3A_145 : i32
        %dma_start3A_147 = arith.constant 0 : i32
        %dma_start3A_148 = tpu.memref_slice %arg7[%add3A_146, %dma_start3A_147] : memref<40x128xi32, #tpu.memory_space<vmem>> -> memref<1x128xi32, #tpu.memory_space<vmem>>
        %dma_start3A_149 = tpu.memref_squeeze %dma_start3A_148 : memref<1x128xi32, #tpu.memory_space<vmem>> -> memref<128xi32, #tpu.memory_space<vmem>>
        %dma_start3A_150 = arith.constant 0 : i32
        %dma_start3A_151 = arith.constant 0 : i32
        %dma_start3A_152 = tpu.memref_slice %arg13[%dma_start3A_150, %dma_start3A_151] : memref<10240x64xf32, #tpu.memory_space<vmem_shared>> -> memref<10240x64xf32, #tpu.memory_space<vmem_shared>>
        tpu.enqueue_indirect_dma source(%dma_start3A_152 : memref<10240x64xf32, #tpu.memory_space<vmem_shared>>) target(%arg9 : memref<128x64xf32, #tpu.memory_space<vmem>>) offsets(%dma_start3A_149 : memref<128xi32, #tpu.memory_space<vmem>>) semaphore(%arg15 : memref<!tpu.dma_semaphore, #tpu.memory_space<semaphore_mem>>)
      } else {
      }
      %add3A_100 = arith.constant 1 : i32
      %add3A_101 = arith.addi %mul3A_88, %add3A_100 : i32
      %dma_wait3A_102 = arith.constant 0 : i32
      %dma_wait3A_103 = arith.constant 0 : i32
      %dma_wait3A_104 = tpu.memref_slice %arg13[%dma_wait3A_102, %dma_wait3A_103] : memref<10240x64xf32, #tpu.memory_space<vmem_shared>> -> memref<128x64xf32, #tpu.memory_space<vmem_shared>>
      %dma_wait3A_105 = arith.constant 0 : i32
      %dma_wait3A_106 = arith.constant 0 : i32
      %dma_wait3A_107 = tpu.memref_slice %arg13[%dma_wait3A_105, %dma_wait3A_106] : memref<10240x64xf32, #tpu.memory_space<vmem_shared>> -> memref<128x64xf32, #tpu.memory_space<vmem_shared>>
      tpu.wait_dma2 semaphore(%arg16 : memref<!tpu.dma_semaphore, #tpu.memory_space<semaphore_mem>>) src(%dma_wait3A_107 : memref<128x64xf32, #tpu.memory_space<vmem_shared>>) dst(%arg10 : memref<128x64xf32, #tpu.memory_space<vmem>>)
      "tpu.region"() ({
        %run_scoped3A = tpu.sem_alloc : memref<!tpu.dma_semaphore, #tpu.memory_space<semaphore_mem>>
        %dma_start3A_145 = arith.constant 0 : i32
        %dma_start3A_146 = tpu.memref_slice %arg8[%add3A_101, %dma_start3A_145] : memref<40x128xi32, #tpu.memory_space<vmem>> -> memref<1x128xi32, #tpu.memory_space<vmem>>
        %dma_start3A_147 = tpu.memref_squeeze %dma_start3A_146 : memref<1x128xi32, #tpu.memory_space<vmem>> -> memref<128xi32, #tpu.memory_space<vmem>>
        %dma_start3A_148 = arith.constant 0 : i32
        %dma_start3A_149 = arith.constant 0 : i32
        %dma_start3A_150 = tpu.memref_slice %arg14[%dma_start3A_148, %dma_start3A_149] : memref<10240x64xf32, #tpu.memory_space<vmem_shared>> -> memref<10240x64xf32, #tpu.memory_space<vmem_shared>>
        tpu.enqueue_indirect_dma source(%arg10 : memref<128x64xf32, #tpu.memory_space<vmem>>) target(%dma_start3A_150 : memref<10240x64xf32, #tpu.memory_space<vmem_shared>>) offsets(%dma_start3A_147 : memref<128xi32, #tpu.memory_space<vmem>>) semaphore(%run_scoped3A : memref<!tpu.dma_semaphore, #tpu.memory_space<semaphore_mem>>) {add = true}
        %dma_wait3A_151 = arith.constant 0 : i32
        %dma_wait3A_152 = tpu.memref_slice %arg8[%add3A_101, %dma_wait3A_151] : memref<40x128xi32, #tpu.memory_space<vmem>> -> memref<1x128xi32, #tpu.memory_space<vmem>>
        %dma_wait3A_153 = tpu.memref_squeeze %dma_wait3A_152 : memref<1x128xi32, #tpu.memory_space<vmem>> -> memref<128xi32, #tpu.memory_space<vmem>>
        %dma_wait3A_154 = arith.constant 0 : i32
        %dma_wait3A_155 = arith.constant 0 : i32
        %dma_wait3A_156 = tpu.memref_slice %arg14[%dma_wait3A_154, %dma_wait3A_155] : memref<10240x64xf32, #tpu.memory_space<vmem_shared>> -> memref<10240x64xf32, #tpu.memory_space<vmem_shared>>
        tpu.wait_indirect_dma semaphore(%run_scoped3A : memref<!tpu.dma_semaphore, #tpu.memory_space<semaphore_mem>>) src(%arg10 : memref<128x64xf32, #tpu.memory_space<vmem>>) dst(%dma_wait3A_156 : memref<10240x64xf32, #tpu.memory_space<vmem_shared>>)
        tpu.yield
      }) : () -> ()
      %add3A_108 = arith.constant 4 : i32
      %add3A_109 = arith.addi %add3A_101, %add3A_108 : i32
      %lt3A_110 = arith.constant 40 : i32
      %lt3A_111 = arith.cmpi slt, %add3A_109, %lt3A_110 : i32
      %convert_element_type3A_112 = arith.extui %lt3A_111 : i1 to i32
      %cond3A_113 = arith.constant 0 : i32
      %cond3A_114 = arith.cmpi ne, %convert_element_type3A_112, %cond3A_113 : i32
      scf.if %cond3A_114 {
        %add3A_145 = arith.constant 4 : i32
        %add3A_146 = arith.addi %add3A_101, %add3A_145 : i32
        %dma_start3A_147 = arith.constant 0 : i32
        %dma_start3A_148 = tpu.memref_slice %arg7[%add3A_146, %dma_start3A_147] : memref<40x128xi32, #tpu.memory_space<vmem>> -> memref<1x128xi32, #tpu.memory_space<vmem>>
        %dma_start3A_149 = tpu.memref_squeeze %dma_start3A_148 : memref<1x128xi32, #tpu.memory_space<vmem>> -> memref<128xi32, #tpu.memory_space<vmem>>
        %dma_start3A_150 = arith.constant 0 : i32
        %dma_start3A_151 = arith.constant 0 : i32
        %dma_start3A_152 = tpu.memref_slice %arg13[%dma_start3A_150, %dma_start3A_151] : memref<10240x64xf32, #tpu.memory_space<vmem_shared>> -> memref<10240x64xf32, #tpu.memory_space<vmem_shared>>
        tpu.enqueue_indirect_dma source(%dma_start3A_152 : memref<10240x64xf32, #tpu.memory_space<vmem_shared>>) target(%arg10 : memref<128x64xf32, #tpu.memory_space<vmem>>) offsets(%dma_start3A_149 : memref<128xi32, #tpu.memory_space<vmem>>) semaphore(%arg16 : memref<!tpu.dma_semaphore, #tpu.memory_space<semaphore_mem>>)
      } else {
      }
      %add3A_115 = arith.constant 2 : i32
      %add3A_116 = arith.addi %mul3A_88, %add3A_115 : i32
      %dma_wait3A_117 = arith.constant 0 : i32
      %dma_wait3A_118 = arith.constant 0 : i32
      %dma_wait3A_119 = tpu.memref_slice %arg13[%dma_wait3A_117, %dma_wait3A_118] : memref<10240x64xf32, #tpu.memory_space<vmem_shared>> -> memref<128x64xf32, #tpu.memory_space<vmem_shared>>
      %dma_wait3A_120 = arith.constant 0 : i32
      %dma_wait3A_121 = arith.constant 0 : i32
      %dma_wait3A_122 = tpu.memref_slice %arg13[%dma_wait3A_120, %dma_wait3A_121] : memref<10240x64xf32, #tpu.memory_space<vmem_shared>> -> memref<128x64xf32, #tpu.memory_space<vmem_shared>>
      tpu.wait_dma2 semaphore(%arg17 : memref<!tpu.dma_semaphore, #tpu.memory_space<semaphore_mem>>) src(%dma_wait3A_122 : memref<128x64xf32, #tpu.memory_space<vmem_shared>>) dst(%arg11 : memref<128x64xf32, #tpu.memory_space<vmem>>)
      "tpu.region"() ({
        %run_scoped3A = tpu.sem_alloc : memref<!tpu.dma_semaphore, #tpu.memory_space<semaphore_mem>>
        %dma_start3A_145 = arith.constant 0 : i32
        %dma_start3A_146 = tpu.memref_slice %arg8[%add3A_116, %dma_start3A_145] : memref<40x128xi32, #tpu.memory_space<vmem>> -> memref<1x128xi32, #tpu.memory_space<vmem>>
        %dma_start3A_147 = tpu.memref_squeeze %dma_start3A_146 : memref<1x128xi32, #tpu.memory_space<vmem>> -> memref<128xi32, #tpu.memory_space<vmem>>
        %dma_start3A_148 = arith.constant 0 : i32
        %dma_start3A_149 = arith.constant 0 : i32
        %dma_start3A_150 = tpu.memref_slice %arg14[%dma_start3A_148, %dma_start3A_149] : memref<10240x64xf32, #tpu.memory_space<vmem_shared>> -> memref<10240x64xf32, #tpu.memory_space<vmem_shared>>
        tpu.enqueue_indirect_dma source(%arg11 : memref<128x64xf32, #tpu.memory_space<vmem>>) target(%dma_start3A_150 : memref<10240x64xf32, #tpu.memory_space<vmem_shared>>) offsets(%dma_start3A_147 : memref<128xi32, #tpu.memory_space<vmem>>) semaphore(%run_scoped3A : memref<!tpu.dma_semaphore, #tpu.memory_space<semaphore_mem>>) {add = true}
        %dma_wait3A_151 = arith.constant 0 : i32
        %dma_wait3A_152 = tpu.memref_slice %arg8[%add3A_116, %dma_wait3A_151] : memref<40x128xi32, #tpu.memory_space<vmem>> -> memref<1x128xi32, #tpu.memory_space<vmem>>
        %dma_wait3A_153 = tpu.memref_squeeze %dma_wait3A_152 : memref<1x128xi32, #tpu.memory_space<vmem>> -> memref<128xi32, #tpu.memory_space<vmem>>
        %dma_wait3A_154 = arith.constant 0 : i32
        %dma_wait3A_155 = arith.constant 0 : i32
        %dma_wait3A_156 = tpu.memref_slice %arg14[%dma_wait3A_154, %dma_wait3A_155] : memref<10240x64xf32, #tpu.memory_space<vmem_shared>> -> memref<10240x64xf32, #tpu.memory_space<vmem_shared>>
        tpu.wait_indirect_dma semaphore(%run_scoped3A : memref<!tpu.dma_semaphore, #tpu.memory_space<semaphore_mem>>) src(%arg11 : memref<128x64xf32, #tpu.memory_space<vmem>>) dst(%dma_wait3A_156 : memref<10240x64xf32, #tpu.memory_space<vmem_shared>>)
        tpu.yield
      }) : () -> ()
      %add3A_123 = arith.constant 4 : i32
      %add3A_124 = arith.addi %add3A_116, %add3A_123 : i32
      %lt3A_125 = arith.constant 40 : i32
      %lt3A_126 = arith.cmpi slt, %add3A_124, %lt3A_125 : i32
      %convert_element_type3A_127 = arith.extui %lt3A_126 : i1 to i32
      %cond3A_128 = arith.constant 0 : i32
      %cond3A_129 = arith.cmpi ne, %convert_element_type3A_127, %cond3A_128 : i32
      scf.if %cond3A_129 {
        %add3A_145 = arith.constant 4 : i32
        %add3A_146 = arith.addi %add3A_116, %add3A_145 : i32
        %dma_start3A_147 = arith.constant 0 : i32
        %dma_start3A_148 = tpu.memref_slice %arg7[%add3A_146, %dma_start3A_147] : memref<40x128xi32, #tpu.memory_space<vmem>> -> memref<1x128xi32, #tpu.memory_space<vmem>>
        %dma_start3A_149 = tpu.memref_squeeze %dma_start3A_148 : memref<1x128xi32, #tpu.memory_space<vmem>> -> memref<128xi32, #tpu.memory_space<vmem>>
        %dma_start3A_150 = arith.constant 0 : i32
        %dma_start3A_151 = arith.constant 0 : i32
        %dma_start3A_152 = tpu.memref_slice %arg13[%dma_start3A_150, %dma_start3A_151] : memref<10240x64xf32, #tpu.memory_space<vmem_shared>> -> memref<10240x64xf32, #tpu.memory_space<vmem_shared>>
        tpu.enqueue_indirect_dma source(%dma_start3A_152 : memref<10240x64xf32, #tpu.memory_space<vmem_shared>>) target(%arg11 : memref<128x64xf32, #tpu.memory_space<vmem>>) offsets(%dma_start3A_149 : memref<128xi32, #tpu.memory_space<vmem>>) semaphore(%arg17 : memref<!tpu.dma_semaphore, #tpu.memory_space<semaphore_mem>>)
      } else {
      }
      %add3A_130 = arith.constant 3 : i32
      %add3A_131 = arith.addi %mul3A_88, %add3A_130 : i32
      %dma_wait3A_132 = arith.constant 0 : i32
      %dma_wait3A_133 = arith.constant 0 : i32
      %dma_wait3A_134 = tpu.memref_slice %arg13[%dma_wait3A_132, %dma_wait3A_133] : memref<10240x64xf32, #tpu.memory_space<vmem_shared>> -> memref<128x64xf32, #tpu.memory_space<vmem_shared>>
      %dma_wait3A_135 = arith.constant 0 : i32
      %dma_wait3A_136 = arith.constant 0 : i32
      %dma_wait3A_137 = tpu.memref_slice %arg13[%dma_wait3A_135, %dma_wait3A_136] : memref<10240x64xf32, #tpu.memory_space<vmem_shared>> -> memref<128x64xf32, #tpu.memory_space<vmem_shared>>
      tpu.wait_dma2 semaphore(%arg18 : memref<!tpu.dma_semaphore, #tpu.memory_space<semaphore_mem>>) src(%dma_wait3A_137 : memref<128x64xf32, #tpu.memory_space<vmem_shared>>) dst(%arg12 : memref<128x64xf32, #tpu.memory_space<vmem>>)
      "tpu.region"() ({
        %run_scoped3A = tpu.sem_alloc : memref<!tpu.dma_semaphore, #tpu.memory_space<semaphore_mem>>
        %dma_start3A_145 = arith.constant 0 : i32
        %dma_start3A_146 = tpu.memref_slice %arg8[%add3A_131, %dma_start3A_145] : memref<40x128xi32, #tpu.memory_space<vmem>> -> memref<1x128xi32, #tpu.memory_space<vmem>>
        %dma_start3A_147 = tpu.memref_squeeze %dma_start3A_146 : memref<1x128xi32, #tpu.memory_space<vmem>> -> memref<128xi32, #tpu.memory_space<vmem>>
        %dma_start3A_148 = arith.constant 0 : i32
        %dma_start3A_149 = arith.constant 0 : i32
        %dma_start3A_150 = tpu.memref_slice %arg14[%dma_start3A_148, %dma_start3A_149] : memref<10240x64xf32, #tpu.memory_space<vmem_shared>> -> memref<10240x64xf32, #tpu.memory_space<vmem_shared>>
        tpu.enqueue_indirect_dma source(%arg12 : memref<128x64xf32, #tpu.memory_space<vmem>>) target(%dma_start3A_150 : memref<10240x64xf32, #tpu.memory_space<vmem_shared>>) offsets(%dma_start3A_147 : memref<128xi32, #tpu.memory_space<vmem>>) semaphore(%run_scoped3A : memref<!tpu.dma_semaphore, #tpu.memory_space<semaphore_mem>>) {add = true}
        %dma_wait3A_151 = arith.constant 0 : i32
        %dma_wait3A_152 = tpu.memref_slice %arg8[%add3A_131, %dma_wait3A_151] : memref<40x128xi32, #tpu.memory_space<vmem>> -> memref<1x128xi32, #tpu.memory_space<vmem>>
        %dma_wait3A_153 = tpu.memref_squeeze %dma_wait3A_152 : memref<1x128xi32, #tpu.memory_space<vmem>> -> memref<128xi32, #tpu.memory_space<vmem>>
        %dma_wait3A_154 = arith.constant 0 : i32
        %dma_wait3A_155 = arith.constant 0 : i32
        %dma_wait3A_156 = tpu.memref_slice %arg14[%dma_wait3A_154, %dma_wait3A_155] : memref<10240x64xf32, #tpu.memory_space<vmem_shared>> -> memref<10240x64xf32, #tpu.memory_space<vmem_shared>>
        tpu.wait_indirect_dma semaphore(%run_scoped3A : memref<!tpu.dma_semaphore, #tpu.memory_space<semaphore_mem>>) src(%arg12 : memref<128x64xf32, #tpu.memory_space<vmem>>) dst(%dma_wait3A_156 : memref<10240x64xf32, #tpu.memory_space<vmem_shared>>)
        tpu.yield
      }) : () -> ()
      %add3A_138 = arith.constant 4 : i32
      %add3A_139 = arith.addi %add3A_131, %add3A_138 : i32
      %lt3A_140 = arith.constant 40 : i32
      %lt3A_141 = arith.cmpi slt, %add3A_139, %lt3A_140 : i32
      %convert_element_type3A_142 = arith.extui %lt3A_141 : i1 to i32
      %cond3A_143 = arith.constant 0 : i32
      %cond3A_144 = arith.cmpi ne, %convert_element_type3A_142, %cond3A_143 : i32
      scf.if %cond3A_144 {
        %add3A_145 = arith.constant 4 : i32
        %add3A_146 = arith.addi %add3A_131, %add3A_145 : i32
        %dma_start3A_147 = arith.constant 0 : i32
        %dma_start3A_148 = tpu.memref_slice %arg7[%add3A_146, %dma_start3A_147] : memref<40x128xi32, #tpu.memory_space<vmem>> -> memref<1x128xi32, #tpu.memory_space<vmem>>
        %dma_start3A_149 = tpu.memref_squeeze %dma_start3A_148 : memref<1x128xi32, #tpu.memory_space<vmem>> -> memref<128xi32, #tpu.memory_space<vmem>>
        %dma_start3A_150 = arith.constant 0 : i32
        %dma_start3A_151 = arith.constant 0 : i32
        %dma_start3A_152 = tpu.memref_slice %arg13[%dma_start3A_150, %dma_start3A_151] : memref<10240x64xf32, #tpu.memory_space<vmem_shared>> -> memref<10240x64xf32, #tpu.memory_space<vmem_shared>>
        tpu.enqueue_indirect_dma source(%dma_start3A_152 : memref<10240x64xf32, #tpu.memory_space<vmem_shared>>) target(%arg12 : memref<128x64xf32, #tpu.memory_space<vmem>>) offsets(%dma_start3A_149 : memref<128xi32, #tpu.memory_space<vmem>>) semaphore(%arg18 : memref<!tpu.dma_semaphore, #tpu.memory_space<semaphore_mem>>)
      } else {
      }
    }
    %scan3A_42 = arith.constant 10 : i32
    %mul3A_43 = arith.constant 80 : i32
    %mul3A_44 = arith.muli %add3A, %mul3A_43 : i32
    %add3A_45 = arith.constant 40 : i32
    %add3A_46 = arith.addi %mul3A_44, %add3A_45 : i32
    "tpu.region"() ({
      %run_scoped3A = tpu.sem_alloc : memref<!tpu.dma_semaphore, #tpu.memory_space<semaphore_mem>>
      %dma_start3A_86 = arith.constant 0 : i32
      %dma_start3A_87 = tpu.memref_slice %arg3[%add3A_46, %dma_start3A_86] : memref<2560x128xi32, #tpu.memory_space<hbm>> -> memref<40x128xi32, #tpu.memory_space<hbm>>
      %dma_start3A_88 = arith.constant 0 : i32
      %dma_start3A_89 = tpu.memref_slice %arg3[%add3A_46, %dma_start3A_88] : memref<2560x128xi32, #tpu.memory_space<hbm>> -> memref<40x128xi32, #tpu.memory_space<hbm>>
      tpu.enqueue_dma source(%dma_start3A_89 : memref<40x128xi32, #tpu.memory_space<hbm>>) target(%arg7 : memref<40x128xi32, #tpu.memory_space<vmem>>) target_semaphore(%run_scoped3A : memref<!tpu.dma_semaphore, #tpu.memory_space<semaphore_mem>>)
      %dma_wait3A = arith.constant 0 : i32
      %dma_wait3A_90 = tpu.memref_slice %arg3[%add3A_46, %dma_wait3A] : memref<2560x128xi32, #tpu.memory_space<hbm>> -> memref<40x128xi32, #tpu.memory_space<hbm>>
      %dma_wait3A_91 = arith.constant 0 : i32
      %dma_wait3A_92 = tpu.memref_slice %arg3[%add3A_46, %dma_wait3A_91] : memref<2560x128xi32, #tpu.memory_space<hbm>> -> memref<40x128xi32, #tpu.memory_space<hbm>>
      tpu.wait_dma2 semaphore(%run_scoped3A : memref<!tpu.dma_semaphore, #tpu.memory_space<semaphore_mem>>) src(%dma_wait3A_92 : memref<40x128xi32, #tpu.memory_space<hbm>>) dst(%arg7 : memref<40x128xi32, #tpu.memory_space<vmem>>)
      tpu.yield
    }) : () -> ()
    "tpu.region"() ({
      %run_scoped3A = tpu.sem_alloc : memref<!tpu.dma_semaphore, #tpu.memory_space<semaphore_mem>>
      %dma_start3A_86 = arith.constant 0 : i32
      %dma_start3A_87 = tpu.memref_slice %arg4[%add3A_46, %dma_start3A_86] : memref<2560x128xi32, #tpu.memory_space<hbm>> -> memref<40x128xi32, #tpu.memory_space<hbm>>
      %dma_start3A_88 = arith.constant 0 : i32
      %dma_start3A_89 = tpu.memref_slice %arg4[%add3A_46, %dma_start3A_88] : memref<2560x128xi32, #tpu.memory_space<hbm>> -> memref<40x128xi32, #tpu.memory_space<hbm>>
      tpu.enqueue_dma source(%dma_start3A_89 : memref<40x128xi32, #tpu.memory_space<hbm>>) target(%arg8 : memref<40x128xi32, #tpu.memory_space<vmem>>) target_semaphore(%run_scoped3A : memref<!tpu.dma_semaphore, #tpu.memory_space<semaphore_mem>>)
      %dma_wait3A = arith.constant 0 : i32
      %dma_wait3A_90 = tpu.memref_slice %arg4[%add3A_46, %dma_wait3A] : memref<2560x128xi32, #tpu.memory_space<hbm>> -> memref<40x128xi32, #tpu.memory_space<hbm>>
      %dma_wait3A_91 = arith.constant 0 : i32
      %dma_wait3A_92 = tpu.memref_slice %arg4[%add3A_46, %dma_wait3A_91] : memref<2560x128xi32, #tpu.memory_space<hbm>> -> memref<40x128xi32, #tpu.memory_space<hbm>>
      tpu.wait_dma2 semaphore(%run_scoped3A : memref<!tpu.dma_semaphore, #tpu.memory_space<semaphore_mem>>) src(%dma_wait3A_92 : memref<40x128xi32, #tpu.memory_space<hbm>>) dst(%arg8 : memref<40x128xi32, #tpu.memory_space<vmem>>)
      tpu.yield
    }) : () -> ()
    %dma_start3A_47 = arith.constant 0 : i32
    %dma_start3A_48 = arith.constant 0 : i32
    %dma_start3A_49 = tpu.memref_slice %arg7[%dma_start3A_47, %dma_start3A_48] : memref<40x128xi32, #tpu.memory_space<vmem>> -> memref<1x128xi32, #tpu.memory_space<vmem>>
    %dma_start3A_50 = tpu.memref_squeeze %dma_start3A_49 : memref<1x128xi32, #tpu.memory_space<vmem>> -> memref<128xi32, #tpu.memory_space<vmem>>
    %dma_start3A_51 = arith.constant 0 : i32
    %dma_start3A_52 = arith.constant 0 : i32
    %dma_start3A_53 = tpu.memref_slice %arg13[%dma_start3A_51, %dma_start3A_52] : memref<10240x64xf32, #tpu.memory_space<vmem_shared>> -> memref<10240x64xf32, #tpu.memory_space<vmem_shared>>
    tpu.enqueue_indirect_dma source(%dma_start3A_53 : memref<10240x64xf32, #tpu.memory_space<vmem_shared>>) target(%arg9 : memref<128x64xf32, #tpu.memory_space<vmem>>) offsets(%dma_start3A_50 : memref<128xi32, #tpu.memory_space<vmem>>) semaphore(%arg15 : memref<!tpu.dma_semaphore, #tpu.memory_space<semaphore_mem>>)
    %dma_start3A_54 = arith.constant 1 : i32
    %dma_start3A_55 = arith.constant 0 : i32
    %dma_start3A_56 = tpu.memref_slice %arg7[%dma_start3A_54, %dma_start3A_55] : memref<40x128xi32, #tpu.memory_space<vmem>> -> memref<1x128xi32, #tpu.memory_space<vmem>>
    %dma_start3A_57 = tpu.memref_squeeze %dma_start3A_56 : memref<1x128xi32, #tpu.memory_space<vmem>> -> memref<128xi32, #tpu.memory_space<vmem>>
    %dma_start3A_58 = arith.constant 0 : i32
    %dma_start3A_59 = arith.constant 0 : i32
    %dma_start3A_60 = tpu.memref_slice %arg13[%dma_start3A_58, %dma_start3A_59] : memref<10240x64xf32, #tpu.memory_space<vmem_shared>> -> memref<10240x64xf32, #tpu.memory_space<vmem_shared>>
    tpu.enqueue_indirect_dma source(%dma_start3A_60 : memref<10240x64xf32, #tpu.memory_space<vmem_shared>>) target(%arg10 : memref<128x64xf32, #tpu.memory_space<vmem>>) offsets(%dma_start3A_57 : memref<128xi32, #tpu.memory_space<vmem>>) semaphore(%arg16 : memref<!tpu.dma_semaphore, #tpu.memory_space<semaphore_mem>>)
    %dma_start3A_61 = arith.constant 2 : i32
    %dma_start3A_62 = arith.constant 0 : i32
    %dma_start3A_63 = tpu.memref_slice %arg7[%dma_start3A_61, %dma_start3A_62] : memref<40x128xi32, #tpu.memory_space<vmem>> -> memref<1x128xi32, #tpu.memory_space<vmem>>
    %dma_start3A_64 = tpu.memref_squeeze %dma_start3A_63 : memref<1x128xi32, #tpu.memory_space<vmem>> -> memref<128xi32, #tpu.memory_space<vmem>>
    %dma_start3A_65 = arith.constant 0 : i32
    %dma_start3A_66 = arith.constant 0 : i32
    %dma_start3A_67 = tpu.memref_slice %arg13[%dma_start3A_65, %dma_start3A_66] : memref<10240x64xf32, #tpu.memory_space<vmem_shared>> -> memref<10240x64xf32, #tpu.memory_space<vmem_shared>>
    tpu.enqueue_indirect_dma source(%dma_start3A_67 : memref<10240x64xf32, #tpu.memory_space<vmem_shared>>) target(%arg11 : memref<128x64xf32, #tpu.memory_space<vmem>>) offsets(%dma_start3A_64 : memref<128xi32, #tpu.memory_space<vmem>>) semaphore(%arg17 : memref<!tpu.dma_semaphore, #tpu.memory_space<semaphore_mem>>)
    %dma_start3A_68 = arith.constant 3 : i32
    %dma_start3A_69 = arith.constant 0 : i32
    %dma_start3A_70 = tpu.memref_slice %arg7[%dma_start3A_68, %dma_start3A_69] : memref<40x128xi32, #tpu.memory_space<vmem>> -> memref<1x128xi32, #tpu.memory_space<vmem>>
    %dma_start3A_71 = tpu.memref_squeeze %dma_start3A_70 : memref<1x128xi32, #tpu.memory_space<vmem>> -> memref<128xi32, #tpu.memory_space<vmem>>
    %dma_start3A_72 = arith.constant 0 : i32
    %dma_start3A_73 = arith.constant 0 : i32
    %dma_start3A_74 = tpu.memref_slice %arg13[%dma_start3A_72, %dma_start3A_73] : memref<10240x64xf32, #tpu.memory_space<vmem_shared>> -> memref<10240x64xf32, #tpu.memory_space<vmem_shared>>
    tpu.enqueue_indirect_dma source(%dma_start3A_74 : memref<10240x64xf32, #tpu.memory_space<vmem_shared>>) target(%arg12 : memref<128x64xf32, #tpu.memory_space<vmem>>) offsets(%dma_start3A_71 : memref<128xi32, #tpu.memory_space<vmem>>) semaphore(%arg18 : memref<!tpu.dma_semaphore, #tpu.memory_space<semaphore_mem>>)
    %scan3A_75 = arith.constant 0 : i32
    %scan3A_76 = arith.constant 0 : i32
    %scan3A_77 = arith.constant 10 : i32
    %scan3A_78 = arith.addi %scan3A_76, %scan3A_77 : i32
    %scan3A_79 = arith.constant 1 : i32
    scf.for %scan3A_86 = %scan3A_76 to %scan3A_78 step %scan3A_79  : i32 {
      %mul3A_87 = arith.constant 4 : i32
      %mul3A_88 = arith.muli %scan3A_86, %mul3A_87 : i32
      %add3A_89 = arith.constant 0 : i32
      %add3A_90 = arith.addi %mul3A_88, %add3A_89 : i32
      %dma_wait3A = arith.constant 0 : i32
      %dma_wait3A_91 = arith.constant 0 : i32
      %dma_wait3A_92 = tpu.memref_slice %arg13[%dma_wait3A, %dma_wait3A_91] : memref<10240x64xf32, #tpu.memory_space<vmem_shared>> -> memref<128x64xf32, #tpu.memory_space<vmem_shared>>
      %dma_wait3A_93 = arith.constant 0 : i32
      %dma_wait3A_94 = arith.constant 0 : i32
      %dma_wait3A_95 = tpu.memref_slice %arg13[%dma_wait3A_93, %dma_wait3A_94] : memref<10240x64xf32, #tpu.memory_space<vmem_shared>> -> memref<128x64xf32, #tpu.memory_space<vmem_shared>>
      tpu.wait_dma2 semaphore(%arg15 : memref<!tpu.dma_semaphore, #tpu.memory_space<semaphore_mem>>) src(%dma_wait3A_95 : memref<128x64xf32, #tpu.memory_space<vmem_shared>>) dst(%arg9 : memref<128x64xf32, #tpu.memory_space<vmem>>)
      "tpu.region"() ({
        %run_scoped3A = tpu.sem_alloc : memref<!tpu.dma_semaphore, #tpu.memory_space<semaphore_mem>>
        %dma_start3A_145 = arith.constant 0 : i32
        %dma_start3A_146 = tpu.memref_slice %arg8[%add3A_90, %dma_start3A_145] : memref<40x128xi32, #tpu.memory_space<vmem>> -> memref<1x128xi32, #tpu.memory_space<vmem>>
        %dma_start3A_147 = tpu.memref_squeeze %dma_start3A_146 : memref<1x128xi32, #tpu.memory_space<vmem>> -> memref<128xi32, #tpu.memory_space<vmem>>
        %dma_start3A_148 = arith.constant 0 : i32
        %dma_start3A_149 = arith.constant 0 : i32
        %dma_start3A_150 = tpu.memref_slice %arg14[%dma_start3A_148, %dma_start3A_149] : memref<10240x64xf32, #tpu.memory_space<vmem_shared>> -> memref<10240x64xf32, #tpu.memory_space<vmem_shared>>
        tpu.enqueue_indirect_dma source(%arg9 : memref<128x64xf32, #tpu.memory_space<vmem>>) target(%dma_start3A_150 : memref<10240x64xf32, #tpu.memory_space<vmem_shared>>) offsets(%dma_start3A_147 : memref<128xi32, #tpu.memory_space<vmem>>) semaphore(%run_scoped3A : memref<!tpu.dma_semaphore, #tpu.memory_space<semaphore_mem>>) {add = true}
        %dma_wait3A_151 = arith.constant 0 : i32
        %dma_wait3A_152 = tpu.memref_slice %arg8[%add3A_90, %dma_wait3A_151] : memref<40x128xi32, #tpu.memory_space<vmem>> -> memref<1x128xi32, #tpu.memory_space<vmem>>
        %dma_wait3A_153 = tpu.memref_squeeze %dma_wait3A_152 : memref<1x128xi32, #tpu.memory_space<vmem>> -> memref<128xi32, #tpu.memory_space<vmem>>
        %dma_wait3A_154 = arith.constant 0 : i32
        %dma_wait3A_155 = arith.constant 0 : i32
        %dma_wait3A_156 = tpu.memref_slice %arg14[%dma_wait3A_154, %dma_wait3A_155] : memref<10240x64xf32, #tpu.memory_space<vmem_shared>> -> memref<10240x64xf32, #tpu.memory_space<vmem_shared>>
        tpu.wait_indirect_dma semaphore(%run_scoped3A : memref<!tpu.dma_semaphore, #tpu.memory_space<semaphore_mem>>) src(%arg9 : memref<128x64xf32, #tpu.memory_space<vmem>>) dst(%dma_wait3A_156 : memref<10240x64xf32, #tpu.memory_space<vmem_shared>>)
        tpu.yield
      }) : () -> ()
      %add3A_96 = arith.constant 4 : i32
      %add3A_97 = arith.addi %add3A_90, %add3A_96 : i32
      %lt3A = arith.constant 40 : i32
      %lt3A_98 = arith.cmpi slt, %add3A_97, %lt3A : i32
      %convert_element_type3A = arith.extui %lt3A_98 : i1 to i32
      %cond3A = arith.constant 0 : i32
      %cond3A_99 = arith.cmpi ne, %convert_element_type3A, %cond3A : i32
      scf.if %cond3A_99 {
        %add3A_145 = arith.constant 4 : i32
        %add3A_146 = arith.addi %add3A_90, %add3A_145 : i32
        %dma_start3A_147 = arith.constant 0 : i32
        %dma_start3A_148 = tpu.memref_slice %arg7[%add3A_146, %dma_start3A_147] : memref<40x128xi32, #tpu.memory_space<vmem>> -> memref<1x128xi32, #tpu.memory_space<vmem>>
        %dma_start3A_149 = tpu.memref_squeeze %dma_start3A_148 : memref<1x128xi32, #tpu.memory_space<vmem>> -> memref<128xi32, #tpu.memory_space<vmem>>
        %dma_start3A_150 = arith.constant 0 : i32
        %dma_start3A_151 = arith.constant 0 : i32
        %dma_start3A_152 = tpu.memref_slice %arg13[%dma_start3A_150, %dma_start3A_151] : memref<10240x64xf32, #tpu.memory_space<vmem_shared>> -> memref<10240x64xf32, #tpu.memory_space<vmem_shared>>
        tpu.enqueue_indirect_dma source(%dma_start3A_152 : memref<10240x64xf32, #tpu.memory_space<vmem_shared>>) target(%arg9 : memref<128x64xf32, #tpu.memory_space<vmem>>) offsets(%dma_start3A_149 : memref<128xi32, #tpu.memory_space<vmem>>) semaphore(%arg15 : memref<!tpu.dma_semaphore, #tpu.memory_space<semaphore_mem>>)
      } else {
      }
      %add3A_100 = arith.constant 1 : i32
      %add3A_101 = arith.addi %mul3A_88, %add3A_100 : i32
      %dma_wait3A_102 = arith.constant 0 : i32
      %dma_wait3A_103 = arith.constant 0 : i32
      %dma_wait3A_104 = tpu.memref_slice %arg13[%dma_wait3A_102, %dma_wait3A_103] : memref<10240x64xf32, #tpu.memory_space<vmem_shared>> -> memref<128x64xf32, #tpu.memory_space<vmem_shared>>
      %dma_wait3A_105 = arith.constant 0 : i32
      %dma_wait3A_106 = arith.constant 0 : i32
      %dma_wait3A_107 = tpu.memref_slice %arg13[%dma_wait3A_105, %dma_wait3A_106] : memref<10240x64xf32, #tpu.memory_space<vmem_shared>> -> memref<128x64xf32, #tpu.memory_space<vmem_shared>>
      tpu.wait_dma2 semaphore(%arg16 : memref<!tpu.dma_semaphore, #tpu.memory_space<semaphore_mem>>) src(%dma_wait3A_107 : memref<128x64xf32, #tpu.memory_space<vmem_shared>>) dst(%arg10 : memref<128x64xf32, #tpu.memory_space<vmem>>)
      "tpu.region"() ({
        %run_scoped3A = tpu.sem_alloc : memref<!tpu.dma_semaphore, #tpu.memory_space<semaphore_mem>>
        %dma_start3A_145 = arith.constant 0 : i32
        %dma_start3A_146 = tpu.memref_slice %arg8[%add3A_101, %dma_start3A_145] : memref<40x128xi32, #tpu.memory_space<vmem>> -> memref<1x128xi32, #tpu.memory_space<vmem>>
        %dma_start3A_147 = tpu.memref_squeeze %dma_start3A_146 : memref<1x128xi32, #tpu.memory_space<vmem>> -> memref<128xi32, #tpu.memory_space<vmem>>
        %dma_start3A_148 = arith.constant 0 : i32
        %dma_start3A_149 = arith.constant 0 : i32
        %dma_start3A_150 = tpu.memref_slice %arg14[%dma_start3A_148, %dma_start3A_149] : memref<10240x64xf32, #tpu.memory_space<vmem_shared>> -> memref<10240x64xf32, #tpu.memory_space<vmem_shared>>
        tpu.enqueue_indirect_dma source(%arg10 : memref<128x64xf32, #tpu.memory_space<vmem>>) target(%dma_start3A_150 : memref<10240x64xf32, #tpu.memory_space<vmem_shared>>) offsets(%dma_start3A_147 : memref<128xi32, #tpu.memory_space<vmem>>) semaphore(%run_scoped3A : memref<!tpu.dma_semaphore, #tpu.memory_space<semaphore_mem>>) {add = true}
        %dma_wait3A_151 = arith.constant 0 : i32
        %dma_wait3A_152 = tpu.memref_slice %arg8[%add3A_101, %dma_wait3A_151] : memref<40x128xi32, #tpu.memory_space<vmem>> -> memref<1x128xi32, #tpu.memory_space<vmem>>
        %dma_wait3A_153 = tpu.memref_squeeze %dma_wait3A_152 : memref<1x128xi32, #tpu.memory_space<vmem>> -> memref<128xi32, #tpu.memory_space<vmem>>
        %dma_wait3A_154 = arith.constant 0 : i32
        %dma_wait3A_155 = arith.constant 0 : i32
        %dma_wait3A_156 = tpu.memref_slice %arg14[%dma_wait3A_154, %dma_wait3A_155] : memref<10240x64xf32, #tpu.memory_space<vmem_shared>> -> memref<10240x64xf32, #tpu.memory_space<vmem_shared>>
        tpu.wait_indirect_dma semaphore(%run_scoped3A : memref<!tpu.dma_semaphore, #tpu.memory_space<semaphore_mem>>) src(%arg10 : memref<128x64xf32, #tpu.memory_space<vmem>>) dst(%dma_wait3A_156 : memref<10240x64xf32, #tpu.memory_space<vmem_shared>>)
        tpu.yield
      }) : () -> ()
      %add3A_108 = arith.constant 4 : i32
      %add3A_109 = arith.addi %add3A_101, %add3A_108 : i32
      %lt3A_110 = arith.constant 40 : i32
      %lt3A_111 = arith.cmpi slt, %add3A_109, %lt3A_110 : i32
      %convert_element_type3A_112 = arith.extui %lt3A_111 : i1 to i32
      %cond3A_113 = arith.constant 0 : i32
      %cond3A_114 = arith.cmpi ne, %convert_element_type3A_112, %cond3A_113 : i32
      scf.if %cond3A_114 {
        %add3A_145 = arith.constant 4 : i32
        %add3A_146 = arith.addi %add3A_101, %add3A_145 : i32
        %dma_start3A_147 = arith.constant 0 : i32
        %dma_start3A_148 = tpu.memref_slice %arg7[%add3A_146, %dma_start3A_147] : memref<40x128xi32, #tpu.memory_space<vmem>> -> memref<1x128xi32, #tpu.memory_space<vmem>>
        %dma_start3A_149 = tpu.memref_squeeze %dma_start3A_148 : memref<1x128xi32, #tpu.memory_space<vmem>> -> memref<128xi32, #tpu.memory_space<vmem>>
        %dma_start3A_150 = arith.constant 0 : i32
        %dma_start3A_151 = arith.constant 0 : i32
        %dma_start3A_152 = tpu.memref_slice %arg13[%dma_start3A_150, %dma_start3A_151] : memref<10240x64xf32, #tpu.memory_space<vmem_shared>> -> memref<10240x64xf32, #tpu.memory_space<vmem_shared>>
        tpu.enqueue_indirect_dma source(%dma_start3A_152 : memref<10240x64xf32, #tpu.memory_space<vmem_shared>>) target(%arg10 : memref<128x64xf32, #tpu.memory_space<vmem>>) offsets(%dma_start3A_149 : memref<128xi32, #tpu.memory_space<vmem>>) semaphore(%arg16 : memref<!tpu.dma_semaphore, #tpu.memory_space<semaphore_mem>>)
      } else {
      }
      %add3A_115 = arith.constant 2 : i32
      %add3A_116 = arith.addi %mul3A_88, %add3A_115 : i32
      %dma_wait3A_117 = arith.constant 0 : i32
      %dma_wait3A_118 = arith.constant 0 : i32
      %dma_wait3A_119 = tpu.memref_slice %arg13[%dma_wait3A_117, %dma_wait3A_118] : memref<10240x64xf32, #tpu.memory_space<vmem_shared>> -> memref<128x64xf32, #tpu.memory_space<vmem_shared>>
      %dma_wait3A_120 = arith.constant 0 : i32
      %dma_wait3A_121 = arith.constant 0 : i32
      %dma_wait3A_122 = tpu.memref_slice %arg13[%dma_wait3A_120, %dma_wait3A_121] : memref<10240x64xf32, #tpu.memory_space<vmem_shared>> -> memref<128x64xf32, #tpu.memory_space<vmem_shared>>
      tpu.wait_dma2 semaphore(%arg17 : memref<!tpu.dma_semaphore, #tpu.memory_space<semaphore_mem>>) src(%dma_wait3A_122 : memref<128x64xf32, #tpu.memory_space<vmem_shared>>) dst(%arg11 : memref<128x64xf32, #tpu.memory_space<vmem>>)
      "tpu.region"() ({
        %run_scoped3A = tpu.sem_alloc : memref<!tpu.dma_semaphore, #tpu.memory_space<semaphore_mem>>
        %dma_start3A_145 = arith.constant 0 : i32
        %dma_start3A_146 = tpu.memref_slice %arg8[%add3A_116, %dma_start3A_145] : memref<40x128xi32, #tpu.memory_space<vmem>> -> memref<1x128xi32, #tpu.memory_space<vmem>>
        %dma_start3A_147 = tpu.memref_squeeze %dma_start3A_146 : memref<1x128xi32, #tpu.memory_space<vmem>> -> memref<128xi32, #tpu.memory_space<vmem>>
        %dma_start3A_148 = arith.constant 0 : i32
        %dma_start3A_149 = arith.constant 0 : i32
        %dma_start3A_150 = tpu.memref_slice %arg14[%dma_start3A_148, %dma_start3A_149] : memref<10240x64xf32, #tpu.memory_space<vmem_shared>> -> memref<10240x64xf32, #tpu.memory_space<vmem_shared>>
        tpu.enqueue_indirect_dma source(%arg11 : memref<128x64xf32, #tpu.memory_space<vmem>>) target(%dma_start3A_150 : memref<10240x64xf32, #tpu.memory_space<vmem_shared>>) offsets(%dma_start3A_147 : memref<128xi32, #tpu.memory_space<vmem>>) semaphore(%run_scoped3A : memref<!tpu.dma_semaphore, #tpu.memory_space<semaphore_mem>>) {add = true}
        %dma_wait3A_151 = arith.constant 0 : i32
        %dma_wait3A_152 = tpu.memref_slice %arg8[%add3A_116, %dma_wait3A_151] : memref<40x128xi32, #tpu.memory_space<vmem>> -> memref<1x128xi32, #tpu.memory_space<vmem>>
        %dma_wait3A_153 = tpu.memref_squeeze %dma_wait3A_152 : memref<1x128xi32, #tpu.memory_space<vmem>> -> memref<128xi32, #tpu.memory_space<vmem>>
        %dma_wait3A_154 = arith.constant 0 : i32
        %dma_wait3A_155 = arith.constant 0 : i32
        %dma_wait3A_156 = tpu.memref_slice %arg14[%dma_wait3A_154, %dma_wait3A_155] : memref<10240x64xf32, #tpu.memory_space<vmem_shared>> -> memref<10240x64xf32, #tpu.memory_space<vmem_shared>>
        tpu.wait_indirect_dma semaphore(%run_scoped3A : memref<!tpu.dma_semaphore, #tpu.memory_space<semaphore_mem>>) src(%arg11 : memref<128x64xf32, #tpu.memory_space<vmem>>) dst(%dma_wait3A_156 : memref<10240x64xf32, #tpu.memory_space<vmem_shared>>)
        tpu.yield
      }) : () -> ()
      %add3A_123 = arith.constant 4 : i32
      %add3A_124 = arith.addi %add3A_116, %add3A_123 : i32
      %lt3A_125 = arith.constant 40 : i32
      %lt3A_126 = arith.cmpi slt, %add3A_124, %lt3A_125 : i32
      %convert_element_type3A_127 = arith.extui %lt3A_126 : i1 to i32
      %cond3A_128 = arith.constant 0 : i32
      %cond3A_129 = arith.cmpi ne, %convert_element_type3A_127, %cond3A_128 : i32
      scf.if %cond3A_129 {
        %add3A_145 = arith.constant 4 : i32
        %add3A_146 = arith.addi %add3A_116, %add3A_145 : i32
        %dma_start3A_147 = arith.constant 0 : i32
        %dma_start3A_148 = tpu.memref_slice %arg7[%add3A_146, %dma_start3A_147] : memref<40x128xi32, #tpu.memory_space<vmem>> -> memref<1x128xi32, #tpu.memory_space<vmem>>
        %dma_start3A_149 = tpu.memref_squeeze %dma_start3A_148 : memref<1x128xi32, #tpu.memory_space<vmem>> -> memref<128xi32, #tpu.memory_space<vmem>>
        %dma_start3A_150 = arith.constant 0 : i32
        %dma_start3A_151 = arith.constant 0 : i32
        %dma_start3A_152 = tpu.memref_slice %arg13[%dma_start3A_150, %dma_start3A_151] : memref<10240x64xf32, #tpu.memory_space<vmem_shared>> -> memref<10240x64xf32, #tpu.memory_space<vmem_shared>>
        tpu.enqueue_indirect_dma source(%dma_start3A_152 : memref<10240x64xf32, #tpu.memory_space<vmem_shared>>) target(%arg11 : memref<128x64xf32, #tpu.memory_space<vmem>>) offsets(%dma_start3A_149 : memref<128xi32, #tpu.memory_space<vmem>>) semaphore(%arg17 : memref<!tpu.dma_semaphore, #tpu.memory_space<semaphore_mem>>)
      } else {
      }
      %add3A_130 = arith.constant 3 : i32
      %add3A_131 = arith.addi %mul3A_88, %add3A_130 : i32
      %dma_wait3A_132 = arith.constant 0 : i32
      %dma_wait3A_133 = arith.constant 0 : i32
      %dma_wait3A_134 = tpu.memref_slice %arg13[%dma_wait3A_132, %dma_wait3A_133] : memref<10240x64xf32, #tpu.memory_space<vmem_shared>> -> memref<128x64xf32, #tpu.memory_space<vmem_shared>>
      %dma_wait3A_135 = arith.constant 0 : i32
      %dma_wait3A_136 = arith.constant 0 : i32
      %dma_wait3A_137 = tpu.memref_slice %arg13[%dma_wait3A_135, %dma_wait3A_136] : memref<10240x64xf32, #tpu.memory_space<vmem_shared>> -> memref<128x64xf32, #tpu.memory_space<vmem_shared>>
      tpu.wait_dma2 semaphore(%arg18 : memref<!tpu.dma_semaphore, #tpu.memory_space<semaphore_mem>>) src(%dma_wait3A_137 : memref<128x64xf32, #tpu.memory_space<vmem_shared>>) dst(%arg12 : memref<128x64xf32, #tpu.memory_space<vmem>>)
      "tpu.region"() ({
        %run_scoped3A = tpu.sem_alloc : memref<!tpu.dma_semaphore, #tpu.memory_space<semaphore_mem>>
        %dma_start3A_145 = arith.constant 0 : i32
        %dma_start3A_146 = tpu.memref_slice %arg8[%add3A_131, %dma_start3A_145] : memref<40x128xi32, #tpu.memory_space<vmem>> -> memref<1x128xi32, #tpu.memory_space<vmem>>
        %dma_start3A_147 = tpu.memref_squeeze %dma_start3A_146 : memref<1x128xi32, #tpu.memory_space<vmem>> -> memref<128xi32, #tpu.memory_space<vmem>>
        %dma_start3A_148 = arith.constant 0 : i32
        %dma_start3A_149 = arith.constant 0 : i32
        %dma_start3A_150 = tpu.memref_slice %arg14[%dma_start3A_148, %dma_start3A_149] : memref<10240x64xf32, #tpu.memory_space<vmem_shared>> -> memref<10240x64xf32, #tpu.memory_space<vmem_shared>>
        tpu.enqueue_indirect_dma source(%arg12 : memref<128x64xf32, #tpu.memory_space<vmem>>) target(%dma_start3A_150 : memref<10240x64xf32, #tpu.memory_space<vmem_shared>>) offsets(%dma_start3A_147 : memref<128xi32, #tpu.memory_space<vmem>>) semaphore(%run_scoped3A : memref<!tpu.dma_semaphore, #tpu.memory_space<semaphore_mem>>) {add = true}
        %dma_wait3A_151 = arith.constant 0 : i32
        %dma_wait3A_152 = tpu.memref_slice %arg8[%add3A_131, %dma_wait3A_151] : memref<40x128xi32, #tpu.memory_space<vmem>> -> memref<1x128xi32, #tpu.memory_space<vmem>>
        %dma_wait3A_153 = tpu.memref_squeeze %dma_wait3A_152 : memref<1x128xi32, #tpu.memory_space<vmem>> -> memref<128xi32, #tpu.memory_space<vmem>>
        %dma_wait3A_154 = arith.constant 0 : i32
        %dma_wait3A_155 = arith.constant 0 : i32
        %dma_wait3A_156 = tpu.memref_slice %arg14[%dma_wait3A_154, %dma_wait3A_155] : memref<10240x64xf32, #tpu.memory_space<vmem_shared>> -> memref<10240x64xf32, #tpu.memory_space<vmem_shared>>
        tpu.wait_indirect_dma semaphore(%run_scoped3A : memref<!tpu.dma_semaphore, #tpu.memory_space<semaphore_mem>>) src(%arg12 : memref<128x64xf32, #tpu.memory_space<vmem>>) dst(%dma_wait3A_156 : memref<10240x64xf32, #tpu.memory_space<vmem_shared>>)
        tpu.yield
      }) : () -> ()
      %add3A_138 = arith.constant 4 : i32
      %add3A_139 = arith.addi %add3A_131, %add3A_138 : i32
      %lt3A_140 = arith.constant 40 : i32
      %lt3A_141 = arith.cmpi slt, %add3A_139, %lt3A_140 : i32
      %convert_element_type3A_142 = arith.extui %lt3A_141 : i1 to i32
      %cond3A_143 = arith.constant 0 : i32
      %cond3A_144 = arith.cmpi ne, %convert_element_type3A_142, %cond3A_143 : i32
      scf.if %cond3A_144 {
        %add3A_145 = arith.constant 4 : i32
        %add3A_146 = arith.addi %add3A_131, %add3A_145 : i32
        %dma_start3A_147 = arith.constant 0 : i32
        %dma_start3A_148 = tpu.memref_slice %arg7[%add3A_146, %dma_start3A_147] : memref<40x128xi32, #tpu.memory_space<vmem>> -> memref<1x128xi32, #tpu.memory_space<vmem>>
        %dma_start3A_149 = tpu.memref_squeeze %dma_start3A_148 : memref<1x128xi32, #tpu.memory_space<vmem>> -> memref<128xi32, #tpu.memory_space<vmem>>
        %dma_start3A_150 = arith.constant 0 : i32
        %dma_start3A_151 = arith.constant 0 : i32
        %dma_start3A_152 = tpu.memref_slice %arg13[%dma_start3A_150, %dma_start3A_151] : memref<10240x64xf32, #tpu.memory_space<vmem_shared>> -> memref<10240x64xf32, #tpu.memory_space<vmem_shared>>
        tpu.enqueue_indirect_dma source(%dma_start3A_152 : memref<10240x64xf32, #tpu.memory_space<vmem_shared>>) target(%arg12 : memref<128x64xf32, #tpu.memory_space<vmem>>) offsets(%dma_start3A_149 : memref<128xi32, #tpu.memory_space<vmem>>) semaphore(%arg18 : memref<!tpu.dma_semaphore, #tpu.memory_space<semaphore_mem>>)
      } else {
      }
    }
    %scan3A_80 = arith.constant 10 : i32
    %barrier3A_81 = arith.constant 0 : index
    tpu.barrier barrier_id(%barrier3A_81)
    %mul3A_82 = arith.constant 640 : i32
    %mul3A_83 = arith.muli %arg1, %mul3A_82 : i32
    %mul3A_84 = arith.constant 640 : i32
    %mul3A_85 = arith.muli %arg1, %mul3A_84 : i32
    "tpu.region"() ({
      %run_scoped3A = tpu.sem_alloc : memref<!tpu.dma_semaphore, #tpu.memory_space<semaphore_mem>>
      %dma_start3A_86 = arith.constant 0 : i32
      %dma_start3A_87 = tpu.memref_slice %arg6[%arg0, %mul3A_85, %dma_start3A_86] : memref<2x10240x64xf32, #tpu.memory_space<hbm>> -> memref<1x640x64xf32, #tpu.memory_space<hbm>>
      %dma_start3A_88 = tpu.memref_squeeze %dma_start3A_87 : memref<1x640x64xf32, #tpu.memory_space<hbm>> -> memref<640x64xf32, #tpu.memory_space<hbm>>
      %dma_start3A_89 = arith.constant 0 : i32
      %dma_start3A_90 = tpu.memref_slice %arg14[%mul3A_83, %dma_start3A_89] : memref<10240x64xf32, #tpu.memory_space<vmem_shared>> -> memref<640x64xf32, #tpu.memory_space<vmem_shared>>
      tpu.enqueue_dma source(%dma_start3A_90 : memref<640x64xf32, #tpu.memory_space<vmem_shared>>) target(%dma_start3A_88 : memref<640x64xf32, #tpu.memory_space<hbm>>) target_semaphore(%run_scoped3A : memref<!tpu.dma_semaphore, #tpu.memory_space<semaphore_mem>>)
      %dma_wait3A = arith.constant 0 : i32
      %dma_wait3A_91 = tpu.memref_slice %arg6[%arg0, %mul3A_85, %dma_wait3A] : memref<2x10240x64xf32, #tpu.memory_space<hbm>> -> memref<1x640x64xf32, #tpu.memory_space<hbm>>
      %dma_wait3A_92 = tpu.memref_squeeze %dma_wait3A_91 : memref<1x640x64xf32, #tpu.memory_space<hbm>> -> memref<640x64xf32, #tpu.memory_space<hbm>>
      %dma_wait3A_93 = arith.constant 0 : i32
      %dma_wait3A_94 = tpu.memref_slice %arg14[%mul3A_83, %dma_wait3A_93] : memref<10240x64xf32, #tpu.memory_space<vmem_shared>> -> memref<640x64xf32, #tpu.memory_space<vmem_shared>>
      tpu.wait_dma2 semaphore(%run_scoped3A : memref<!tpu.dma_semaphore, #tpu.memory_space<semaphore_mem>>) src(%dma_wait3A_94 : memref<640x64xf32, #tpu.memory_space<vmem_shared>>) dst(%dma_wait3A_92 : memref<640x64xf32, #tpu.memory_space<hbm>>)
      tpu.yield
    }) : () -> ()
    return
  }
}

module attributes {stable_mosaic.version = 14 : i64} {
  func.func @_mm_scale_body(%arg0: i32, %arg1: memref<32x512xf32, #tpu.memory_space<vmem>>, %arg2: memref<512x128xf32, #tpu.memory_space<vmem>>, %arg3: memref<128x128xf32, #tpu.memory_space<vmem>>, %arg4: memref<512x64xf32, #tpu.memory_space<vmem>>, %arg5: memref<512x64xf32, #tpu.memory_space<vmem>>, %arg6: memref<512xf32, #tpu.memory_space<vmem>>) attributes {dimension_semantics = [#tpu.dimension_semantics<arbitrary>], iteration_bounds = array<i64: 20>, scalar_prefetch = 0 : i64, scratch_operands = 0 : i64, tpu.core_type = #tpu.core_type<tc>, window_params = [{transform_indices = @transform_0, window_bounds = array<i64: 32, 512>}, {transform_indices = @transform_1, window_bounds = array<i64: 512, 128>}, {pipeline_mode = #tpu.pipeline_mode<synchronous>, transform_indices = @transform_2, window_bounds = array<i64: 128, 128>}, {transform_indices = @transform_3, window_bounds = array<i64: 512, 64>}, {transform_indices = @transform_4, window_bounds = array<i64: 512, 64>}, {transform_indices = @transform_5, window_bounds = array<i64: 512>}]} {
    %get3A = arith.constant 0 : index
    %get3A_0 = arith.constant 0 : index
    %get3A_1 = vector.load %arg1[%get3A, %get3A_0] : memref<32x512xf32, #tpu.memory_space<vmem>>, vector<32x512xf32>
    %reduce_sum3A = arith.constant dense<0.000000e+00> : vector<512xf32>
    %reduce_sum3A_2 = vector.multi_reduction <add>, %get3A_1, %reduce_sum3A [0] : vector<32x512xf32> to vector<512xf32>
    %add3A = arith.constant 1.000000e+00 : f32
    %add3A_3 = vector.broadcast %add3A : f32 to vector<512xf32>
    %add3A_4 = arith.addf %reduce_sum3A_2, %add3A_3 : vector<512xf32>
    %sqrt3A = math.sqrt %add3A_4 : vector<512xf32>
    %div3A = arith.constant 1.000000e+00 : f32
    %div3A_5 = vector.broadcast %div3A : f32 to vector<512xf32>
    %div3A_6 = arith.divf %div3A_5, %sqrt3A : vector<512xf32>
    %swap3A = arith.constant 0 : index
    %swap3A_7 = vector.load %arg6[%swap3A] : memref<512xf32, #tpu.memory_space<vmem>>, vector<512xf32>
    tpu.vector_store %arg6[%swap3A], %div3A_6 {strides = array<i32>} : memref<512xf32, #tpu.memory_space<vmem>>, vector<512xf32>,
    %get3A_8 = arith.constant 0 : index
    %get3A_9 = arith.constant 0 : index
    %get3A_10 = vector.load %arg2[%get3A_8, %get3A_9] : memref<512x128xf32, #tpu.memory_space<vmem>>, vector<512x128xf32>
    %get3A_11 = arith.constant 0 : index
    %get3A_12 = arith.constant 0 : index
    %get3A_13 = vector.load %arg3[%get3A_11, %get3A_12] : memref<128x128xf32, #tpu.memory_space<vmem>>, vector<128x128xf32>
    %dot_general3A = arith.constant dense<0.000000e+00> : vector<512x128xf32>
    %dot_general3A_14 = tpu.matmul %get3A_10, %get3A_13, %dot_general3A {dimension_numbers = #tpu.dot_dimension_numbers<[1], [0], [0], [1], [0, 0, 1, 1], [], []>, precision = #tpu.contract_precision<fp32>, transpose_lhs_hint = false} : vector<512x128xf32>, vector<128x128xf32>, vector<512x128xf32> -> vector<512x128xf32>
    %broadcast_in_dim3A = vector.shape_cast %div3A_6 : vector<512xf32> to vector<512x1xf32>
    %mul3A = vector.broadcast %broadcast_in_dim3A : vector<512x1xf32> to vector<512x128xf32>
    %mul3A_15 = arith.mulf %dot_general3A_14, %mul3A : vector<512x128xf32>
    %slice3A = vector.extract_strided_slice %mul3A_15 {offsets = [0, 0], sizes = [512, 64], strides = [1, 1]} : vector<512x128xf32> to vector<512x64xf32>
    %swap3A_16 = arith.constant 0 : index
    %swap3A_17 = arith.constant 0 : index
    %swap3A_18 = vector.load %arg4[%swap3A_16, %swap3A_17] : memref<512x64xf32, #tpu.memory_space<vmem>>, vector<512x64xf32>
    tpu.vector_store %arg4[%swap3A_16, %swap3A_17], %slice3A {strides = array<i32>} : memref<512x64xf32, #tpu.memory_space<vmem>>, vector<512x64xf32>,
    %slice3A_19 = vector.extract_strided_slice %mul3A_15 {offsets = [0, 64], sizes = [512, 64], strides = [1, 1]} : vector<512x128xf32> to vector<512x64xf32>
    %swap3A_20 = arith.constant 0 : index
    %swap3A_21 = arith.constant 0 : index
    %swap3A_22 = vector.load %arg5[%swap3A_20, %swap3A_21] : memref<512x64xf32, #tpu.memory_space<vmem>>, vector<512x64xf32>
    tpu.vector_store %arg5[%swap3A_20, %swap3A_21], %slice3A_19 {strides = array<i32>} : memref<512x64xf32, #tpu.memory_space<vmem>>, vector<512x64xf32>,
    return
  }
  func.func @transform_0(%arg0: i32) -> (i32, i32) {
    %c0_i32 = arith.constant 0 : i32
    %c0_i32_0 = arith.constant 0 : i32
    return %c0_i32, %arg0 : i32, i32
  }
  func.func @transform_1(%arg0: i32) -> (i32, i32) {
    %c0_i32 = arith.constant 0 : i32
    %c0_i32_0 = arith.constant 0 : i32
    return %arg0, %c0_i32 : i32, i32
  }
  func.func @transform_2(%arg0: i32) -> (i32, i32) {
    %c0_i32 = arith.constant 0 : i32
    %c0_i32_0 = arith.constant 0 : i32
    %c0_i32_1 = arith.constant 0 : i32
    return %c0_i32, %c0_i32_0 : i32, i32
  }
  func.func @transform_3(%arg0: i32) -> (i32, i32) {
    %c0_i32 = arith.constant 0 : i32
    %c0_i32_0 = arith.constant 0 : i32
    return %arg0, %c0_i32 : i32, i32
  }
  func.func @transform_4(%arg0: i32) -> (i32, i32) {
    %c0_i32 = arith.constant 0 : i32
    %c0_i32_0 = arith.constant 0 : i32
    return %arg0, %c0_i32 : i32, i32
  }
  func.func @transform_5(%arg0: i32) -> i32 {
    %c0_i32 = arith.constant 0 : i32
    return %arg0 : i32
  }
}

module attributes {stable_mosaic.version = 14 : i64} {
  func.func @_layer2_body(%arg0: i32, %arg1: memref<2x512x64xf32, #tpu.memory_space<vmem>>, %arg2: memref<2x512x64xf32, #tpu.memory_space<vmem>>, %arg3: memref<512x64xf32, #tpu.memory_space<vmem>>, %arg4: memref<512x64xf32, #tpu.memory_space<vmem>>, %arg5: memref<512xf32, #tpu.memory_space<vmem>>, %arg6: memref<128xf32, #tpu.memory_space<vmem>>, %arg7: memref<128x64xf32, #tpu.memory_space<vmem>>, %arg8: memref<512x64xf32, #tpu.memory_space<vmem>>) attributes {dimension_semantics = [#tpu.dimension_semantics<arbitrary>], iteration_bounds = array<i64: 20>, scalar_prefetch = 0 : i64, scratch_operands = 0 : i64, tpu.core_type = #tpu.core_type<tc>, window_params = [{transform_indices = @transform_0, window_bounds = array<i64: 2, 512, 64>}, {transform_indices = @transform_1, window_bounds = array<i64: 2, 512, 64>}, {transform_indices = @transform_2, window_bounds = array<i64: 512, 64>}, {transform_indices = @transform_3, window_bounds = array<i64: 512, 64>}, {transform_indices = @transform_4, window_bounds = array<i64: 512>}, {pipeline_mode = #tpu.pipeline_mode<synchronous>, transform_indices = @transform_5, window_bounds = array<i64: 128>}, {pipeline_mode = #tpu.pipeline_mode<synchronous>, transform_indices = @transform_6, window_bounds = array<i64: 128, 64>}, {transform_indices = @transform_7, window_bounds = array<i64: 512, 64>}]} {
    %get3A = arith.constant 0 : index
    %get3A_0 = vector.load %arg5[%get3A] : memref<512xf32, #tpu.memory_space<vmem>>, vector<512xf32>
    %broadcast_in_dim3A = vector.shape_cast %get3A_0 : vector<512xf32> to vector<512x1xf32>
    %get3A_1 = arith.constant 0 : index
    %get3A_2 = arith.constant 0 : index
    %get3A_3 = arith.constant 0 : index
    %get3A_4 = vector.load %arg1[%get3A_1, %get3A_2, %get3A_3] : memref<2x512x64xf32, #tpu.memory_space<vmem>>, vector<1x512x64xf32>
    %get3A_5 = vector.shape_cast %get3A_4 : vector<1x512x64xf32> to vector<512x64xf32>
    %get3A_6 = arith.constant 1 : index
    %get3A_7 = arith.constant 0 : index
    %get3A_8 = arith.constant 0 : index
    %get3A_9 = vector.load %arg1[%get3A_6, %get3A_7, %get3A_8] : memref<2x512x64xf32, #tpu.memory_space<vmem>>, vector<1x512x64xf32>
    %get3A_10 = vector.shape_cast %get3A_9 : vector<1x512x64xf32> to vector<512x64xf32>
    %add3A = arith.addf %get3A_5, %get3A_10 : vector<512x64xf32>
    %get3A_11 = arith.constant 0 : index
    %get3A_12 = arith.constant 0 : index
    %get3A_13 = vector.load %arg3[%get3A_11, %get3A_12] : memref<512x64xf32, #tpu.memory_space<vmem>>, vector<512x64xf32>
    %add3A_14 = arith.addf %add3A, %get3A_13 : vector<512x64xf32>
    %get3A_15 = arith.constant 0 : index
    %get3A_16 = arith.constant 0 : index
    %get3A_17 = arith.constant 0 : index
    %get3A_18 = vector.load %arg2[%get3A_15, %get3A_16, %get3A_17] : memref<2x512x64xf32, #tpu.memory_space<vmem>>, vector<1x512x64xf32>
    %get3A_19 = vector.shape_cast %get3A_18 : vector<1x512x64xf32> to vector<512x64xf32>
    %get3A_20 = arith.constant 1 : index
    %get3A_21 = arith.constant 0 : index
    %get3A_22 = arith.constant 0 : index
    %get3A_23 = vector.load %arg2[%get3A_20, %get3A_21, %get3A_22] : memref<2x512x64xf32, #tpu.memory_space<vmem>>, vector<1x512x64xf32>
    %get3A_24 = vector.shape_cast %get3A_23 : vector<1x512x64xf32> to vector<512x64xf32>
    %add3A_25 = arith.addf %get3A_19, %get3A_24 : vector<512x64xf32>
    %get3A_26 = arith.constant 0 : index
    %get3A_27 = arith.constant 0 : index
    %get3A_28 = vector.load %arg4[%get3A_26, %get3A_27] : memref<512x64xf32, #tpu.memory_space<vmem>>, vector<512x64xf32>
    %add3A_29 = arith.addf %add3A_25, %get3A_28 : vector<512x64xf32>
    %concatenate3A = tpu.concatenate %add3A_14, %add3A_29 in 1 : vector<512x64xf32>, vector<512x64xf32> -> vector<512x128xf32>
    %mul3A = vector.broadcast %broadcast_in_dim3A : vector<512x1xf32> to vector<512x128xf32>
    %mul3A_30 = arith.mulf %concatenate3A, %mul3A : vector<512x128xf32>
    %get3A_31 = arith.constant 0 : index
    %get3A_32 = vector.load %arg6[%get3A_31] : memref<128xf32, #tpu.memory_space<vmem>>, vector<128xf32>
    %broadcast_in_dim3A_33 = vector.shape_cast %get3A_32 : vector<128xf32> to vector<1x128xf32>
    %add3A_34 = vector.broadcast %broadcast_in_dim3A_33 : vector<1x128xf32> to vector<512x128xf32>
    %add3A_35 = arith.addf %mul3A_30, %add3A_34 : vector<512x128xf32>
    %max3A = arith.constant 0.000000e+00 : f32
    %max3A_36 = vector.broadcast %max3A : f32 to vector<512x128xf32>
    %max3A_37 = arith.maximumf %add3A_35, %max3A_36 : vector<512x128xf32>
    %get3A_38 = arith.constant 0 : index
    %get3A_39 = arith.constant 0 : index
    %get3A_40 = vector.load %arg7[%get3A_38, %get3A_39] : memref<128x64xf32, #tpu.memory_space<vmem>>, vector<128x64xf32>
    %dot_general3A = arith.constant dense<0.000000e+00> : vector<512x64xf32>
    %dot_general3A_41 = tpu.matmul %max3A_37, %get3A_40, %dot_general3A {dimension_numbers = #tpu.dot_dimension_numbers<[1], [0], [0], [1], [0, 0, 1, 1], [], []>, precision = #tpu.contract_precision<fp32>, transpose_lhs_hint = false} : vector<512x128xf32>, vector<128x64xf32>, vector<512x64xf32> -> vector<512x64xf32>
    %mul3A_42 = vector.broadcast %broadcast_in_dim3A : vector<512x1xf32> to vector<512x64xf32>
    %mul3A_43 = arith.mulf %dot_general3A_41, %mul3A_42 : vector<512x64xf32>
    %swap3A = arith.constant 0 : index
    %swap3A_44 = arith.constant 0 : index
    %swap3A_45 = vector.load %arg8[%swap3A, %swap3A_44] : memref<512x64xf32, #tpu.memory_space<vmem>>, vector<512x64xf32>
    tpu.vector_store %arg8[%swap3A, %swap3A_44], %mul3A_43 {strides = array<i32>} : memref<512x64xf32, #tpu.memory_space<vmem>>, vector<512x64xf32>,
    return
  }
  func.func @transform_0(%arg0: i32) -> (i32, i32, i32) {
    %c0_i32 = arith.constant 0 : i32
    %c0_i32_0 = arith.constant 0 : i32
    %c0_i32_1 = arith.constant 0 : i32
    return %c0_i32, %arg0, %c0_i32_0 : i32, i32, i32
  }
  func.func @transform_1(%arg0: i32) -> (i32, i32, i32) {
    %c0_i32 = arith.constant 0 : i32
    %c0_i32_0 = arith.constant 0 : i32
    %c0_i32_1 = arith.constant 0 : i32
    return %c0_i32, %arg0, %c0_i32_0 : i32, i32, i32
  }
  func.func @transform_2(%arg0: i32) -> (i32, i32) {
    %c0_i32 = arith.constant 0 : i32
    %c0_i32_0 = arith.constant 0 : i32
    return %arg0, %c0_i32 : i32, i32
  }
  func.func @transform_3(%arg0: i32) -> (i32, i32) {
    %c0_i32 = arith.constant 0 : i32
    %c0_i32_0 = arith.constant 0 : i32
    return %arg0, %c0_i32 : i32, i32
  }
  func.func @transform_4(%arg0: i32) -> i32 {
    %c0_i32 = arith.constant 0 : i32
    return %arg0 : i32
  }
  func.func @transform_5(%arg0: i32) -> i32 {
    %c0_i32 = arith.constant 0 : i32
    %c0_i32_0 = arith.constant 0 : i32
    return %c0_i32 : i32
  }
  func.func @transform_6(%arg0: i32) -> (i32, i32) {
    %c0_i32 = arith.constant 0 : i32
    %c0_i32_0 = arith.constant 0 : i32
    %c0_i32_1 = arith.constant 0 : i32
    return %c0_i32, %c0_i32_0 : i32, i32
  }
  func.func @transform_7(%arg0: i32) -> (i32, i32) {
    %c0_i32 = arith.constant 0 : i32
    %c0_i32_0 = arith.constant 0 : i32
    return %arg0, %c0_i32 : i32, i32
  }
}

module attributes {stable_mosaic.version = 14 : i64} {
  func.func @_final_body(%arg0: i32, %arg1: memref<2x512x64xf32, #tpu.memory_space<vmem>>, %arg2: memref<512x64xf32, #tpu.memory_space<vmem>>, %arg3: memref<512xf32, #tpu.memory_space<vmem>>, %arg4: memref<40xf32, #tpu.memory_space<vmem>>, %arg5: memref<512x40xf32, #tpu.memory_space<vmem>>) attributes {dimension_semantics = [#tpu.dimension_semantics<arbitrary>], iteration_bounds = array<i64: 20>, scalar_prefetch = 0 : i64, scratch_operands = 0 : i64, tpu.core_type = #tpu.core_type<tc>, window_params = [{transform_indices = @transform_0, window_bounds = array<i64: 2, 512, 64>}, {transform_indices = @transform_1, window_bounds = array<i64: 512, 64>}, {transform_indices = @transform_2, window_bounds = array<i64: 512>}, {pipeline_mode = #tpu.pipeline_mode<synchronous>, transform_indices = @transform_3, window_bounds = array<i64: 40>}, {transform_indices = @transform_4, window_bounds = array<i64: 512, 40>}]} {
    %get3A = arith.constant 0 : index
    %get3A_0 = arith.constant 0 : index
    %get3A_1 = arith.constant 0 : index
    %get3A_2 = vector.load %arg1[%get3A, %get3A_0, %get3A_1] : memref<2x512x64xf32, #tpu.memory_space<vmem>>, vector<1x512x64xf32>
    %get3A_3 = vector.shape_cast %get3A_2 : vector<1x512x64xf32> to vector<512x64xf32>
    %get3A_4 = arith.constant 1 : index
    %get3A_5 = arith.constant 0 : index
    %get3A_6 = arith.constant 0 : index
    %get3A_7 = vector.load %arg1[%get3A_4, %get3A_5, %get3A_6] : memref<2x512x64xf32, #tpu.memory_space<vmem>>, vector<1x512x64xf32>
    %get3A_8 = vector.shape_cast %get3A_7 : vector<1x512x64xf32> to vector<512x64xf32>
    %add3A = arith.addf %get3A_3, %get3A_8 : vector<512x64xf32>
    %get3A_9 = arith.constant 0 : index
    %get3A_10 = arith.constant 0 : index
    %get3A_11 = vector.load %arg2[%get3A_9, %get3A_10] : memref<512x64xf32, #tpu.memory_space<vmem>>, vector<512x64xf32>
    %add3A_12 = arith.addf %add3A, %get3A_11 : vector<512x64xf32>
    %get3A_13 = arith.constant 0 : index
    %get3A_14 = vector.load %arg3[%get3A_13] : memref<512xf32, #tpu.memory_space<vmem>>, vector<512xf32>
    %broadcast_in_dim3A = vector.shape_cast %get3A_14 : vector<512xf32> to vector<512x1xf32>
    %mul3A = vector.broadcast %broadcast_in_dim3A : vector<512x1xf32> to vector<512x64xf32>
    %mul3A_15 = arith.mulf %add3A_12, %mul3A : vector<512x64xf32>
    %slice3A = vector.extract_strided_slice %mul3A_15 {offsets = [0, 0], sizes = [512, 40], strides = [1, 1]} : vector<512x64xf32> to vector<512x40xf32>
    %get3A_16 = arith.constant 0 : index
    %get3A_17 = vector.load %arg4[%get3A_16] : memref<40xf32, #tpu.memory_space<vmem>>, vector<40xf32>
    %broadcast_in_dim3A_18 = vector.shape_cast %get3A_17 : vector<40xf32> to vector<1x40xf32>
    %add3A_19 = vector.broadcast %broadcast_in_dim3A_18 : vector<1x40xf32> to vector<512x40xf32>
    %add3A_20 = arith.addf %slice3A, %add3A_19 : vector<512x40xf32>
    %swap3A = arith.constant 0 : index
    %swap3A_21 = arith.constant 0 : index
    %swap3A_22 = vector.load %arg5[%swap3A, %swap3A_21] : memref<512x40xf32, #tpu.memory_space<vmem>>, vector<512x40xf32>
    tpu.vector_store %arg5[%swap3A, %swap3A_21], %add3A_20 {strides = array<i32>} : memref<512x40xf32, #tpu.memory_space<vmem>>, vector<512x40xf32>,
    return
  }
  func.func @transform_0(%arg0: i32) -> (i32, i32, i32) {
    %c0_i32 = arith.constant 0 : i32
    %c0_i32_0 = arith.constant 0 : i32
    %c0_i32_1 = arith.constant 0 : i32
    return %c0_i32, %arg0, %c0_i32_0 : i32, i32, i32
  }
  func.func @transform_1(%arg0: i32) -> (i32, i32) {
    %c0_i32 = arith.constant 0 : i32
    %c0_i32_0 = arith.constant 0 : i32
    return %arg0, %c0_i32 : i32, i32
  }
  func.func @transform_2(%arg0: i32) -> i32 {
    %c0_i32 = arith.constant 0 : i32
    return %arg0 : i32
  }
  func.func @transform_3(%arg0: i32) -> i32 {
    %c0_i32 = arith.constant 0 : i32
    %c0_i32_0 = arith.constant 0 : i32
    return %c0_i32 : i32
  }
  func.func @transform_4(%arg0: i32) -> (i32, i32) {
    %c0_i32 = arith.constant 0 : i32
    %c0_i32_0 = arith.constant 0 : i32
    return %arg0, %c0_i32 : i32, i32
  }
}

</mosaic_0001>

<sc_bundles>
// kernel: kernel.12.cloned.1.call-start
scs
__scs_entry_jumppad:
0x0: {  	(pc) =	sbr.rel $0x88, $3  }
0x1: {  	(tag) =	ssettag $0x0;
	lr =	simm.s32 $0x1  }
0x2: {  	[smem:$0x3F9B] =	sst lr;
	_ =	strace $0xD0000000  }
0x3: {  	_ = 	snop  }
0x4: {  	_ = 	snop  }
0x5: {  	_ = 	snop  }
0x6: {  	_ = 	snop  }
0x7: {  	_ = 	snop  }
__scs_overlays_trampoline_lowered:
0x8: {  	[smem:$0x3FAA] =	sst s0  }
0x9: {  	[smem:$0x3FAB] =	sst s1  }
0xa: {  	[smem:$0x3FAC] =	sst s2  }
0xb: {  	[smem:$0x3FAD] =	sst s3  }
0xc: {  	[smem:$0x3FAE] =	sst s4  }
0xd: {  	[smem:$0x3FAF] =	sst s5  }
0xe: {  	[smem:$0x3FB0] =	sst s6  }
0xf: {  	[smem:$0x3FB1] =	sst s7  }
0x10: {  	[smem:$0x3FB2] =	sst s8  }
0x11: {  	[smem:$0x3FB3] =	sst s9;
	s0 =	simm.s32 @!p0 $0x0  }
0x12: {  	s1 =	sld [smem:$0x3F99];
	s0 =	simm.s32 @p0 $0x1  }
0x13: {  	[smem:$0x3FB4] =	sst s0;
	s0 =	simm.s32 @!p1 $0x0  }
0x14: {  	s2 =	sld [smem:$0x3F98];
	s0 =	simm.s32 @p1 $0x1  }
0x15: {  	[smem:$0x3FB5] =	sst s0;
	s0 =	simm.s32 @!p2 $0x0  }
0x16: {  	s3 =	sld [smem:$0x3FDB];
	s0 =	simm.s32 @p2 $0x1  }
0x17: {  	s4 =	simm.s32 $0x1BF5;
	[smem:$0x3FB7] =	sst s0  }
0x18: {  	s0 =	sld [smem:$0x3F9A];
	_ =	swait.ge [sflag:s4], $0x0  }
0x19: {  	s7 =	sld [smem:$0x3F9B]  }
0x1a: {  	s8 =	sadd.s32 $0xFFFFE003, lr  }
0x1b: {  	s9 =	sadd.s32 $0xFFFFFEF7, lr;
	s5 =	simm.s32 $0xFFFFFFFF;
	p2 =	slt.u32 s8, $0xFFFFF086  }
0x1c: {  	p1 =	slt.u32 s9, $0xF7A;
	s5 =	simm.s32 @!p2 $0x0  }
0x1d: {  	s5 =	simm.s32 @p1 $0x1;
	p0 =	seq.s32 s7, s2  }
0x1e: {  	s7 =	smul.u32 @!p0 $0xF7A, s2;
	p2 =	seq.s32 @!p0 s5, $0x0  }
0x1f: {  	s9 =	smul.u32 $0xF7A, s1;
	s8 =	simm.s32 @!p0 $0x1BF5;
	p2 =	por !p2, p0  }
0x20: {  	[sflag:s8] =	ssyncset.s32 @!p0 $0xFFFFF086;
	s6 =	sadd.s32 @!p0 s3, s7;
	s7 =	simm.s32 @!p0 $0x108  }
0x21: {  	s3 =	sadd.s32 s3, s9;
	s6 =	sadd.s32 @!p0 $0x88, s6;
	s7 =	simm.s32 @p2 $0x1082  }
0x22: {  	[simem:s7], [sflag:s8] =	dma.local @!p0 [hbm:s6], $0xF7A  }
0x23: {  	s9 =	sor.u32 $0xD0000000, s2;
	s6 =	simm.s32 $0x108;
	_ =	swait.ge @!p0 [sflag:s8], $0x0  }
0x24: {  	s3 =	sadd.s32 $0x88, s3;
	s6 =	simm.s32 @!p1 $0x1082;
	[sflag:s4] =	ssyncset.s32 $0xFFFFF086  }
0x25: {  	[simem:s6], [sflag:s4] =	dma.local [hbm:s3], $0xF7A  }
0x26: {  	[smem:$0x3F9B] =	sst s1;
	(tag) =	ssettag s2;
	_ =	strace s9  }
0x27: {  	s1 =	sld [smem:$0x3FAB]  }
0x28: {  	s2 =	sld [smem:$0x3FAC]  }
0x29: {  	s4 =	sld [smem:$0x3FAE]  }
0x2a: {  	p0 =	seq.s32 s5, $0x0;
	s5 =	sld [smem:$0x3FAF]  }
0x2b: {  	s6 =	sld [smem:$0x3FB0]  }
0x2c: {  	s7 =	sld [smem:$0x3FB1]  }
0x2d: {  	s3 =	simm.s32 $0x108;
	s8 =	sld [smem:$0x3FB2]  }
0x2e: {  	s3 =	simm.s32 @!p0 $0x1082;
	s9 =	sld [smem:$0x3FB3]  }
0x2f: {  	lr =	sadd.s32 s0, s3;
	s0 =	sld [smem:$0x3FAA]  }
0x30: {  	s3 =	sld [smem:$0x3FAD]  }
0x31: {  	[smem:$0x3FB6] =	sst s10  }
0x32: {  	s10 =	sld [smem:$0x3FB4];
	_ =	sdelay $0x3  }
0x33: {  	p0 =	seq.s32 s10, $0x1;
	s10 =	sld [smem:$0x3FB6];
	_ =	sdelay $0x3  }
0x34: {  	[smem:$0x3FB6] =	sst s10  }
0x35: {  	s10 =	sld [smem:$0x3FB5];
	_ =	sdelay $0x3  }
0x36: {  	p1 =	seq.s32 s10, $0x1;
	s10 =	sld [smem:$0x3FB6];
	_ =	sdelay $0x3  }
0x37: {  	[smem:$0x3FB6] =	sst s10  }
0x38: {  	s10 =	sld [smem:$0x3FB7]  }
0x39: {  	_ = 	snop;
	(pc) =	sbr.ind lr, $3  }
0x3a: {  	_ = 	snop  }
0x3b: {  	_ = 	snop  }
0x3c: {  	p2 =	seq.s32 s10, $0x1;
	s10 =	sld [smem:$0x3FB6]  }
0x3d: {  	_ =	shalt  }
0x3e: {  	_ =	shalt  }
0x3f: {  	_ =	shalt  }
0x40: {  	_ =	shalt  }
0x41: {  	_ =	shalt  }
0x42: {  	_ =	shalt  }
0x43: {  	_ =	shalt  }
0x44: {  	_ =	shalt  }
0x45: {  	_ =	shalt  }
0x46: {  	_ =	shalt  }
0x47: {  	_ =	shalt  }
0x48: {  	_ =	shalt  }
0x49: {  	_ =	shalt  }
0x4a: {  	_ =	shalt  }
0x4b: {  	_ =	shalt  }
0x4c: {  	_ =	shalt  }
0x4d: {  	_ =	shalt  }
0x4e: {  	_ =	shalt  }
0x4f: {  	_ =	shalt  }
0x50: {  	_ =	shalt  }
0x51: {  	_ =	shalt  }
0x52: {  	_ =	shalt  }
0x53: {  	_ =	shalt  }
0x54: {  	_ =	shalt  }
0x55: {  	_ =	shalt  }
0x56: {  	_ =	shalt  }
0x57: {  	_ =	shalt  }
0x58: {  	_ =	shalt  }
0x59: {  	_ =	shalt  }
0x5a: {  	_ =	shalt  }
0x5b: {  	_ =	shalt  }
0x5c: {  	_ =	shalt  }
0x5d: {  	_ =	shalt  }
0x5e: {  	_ =	shalt  }
0x5f: {  	_ =	shalt  }
0x60: {  	_ =	shalt  }
0x61: {  	_ =	shalt  }
0x62: {  	_ =	shalt  }
0x63: {  	_ =	shalt  }
0x64: {  	_ =	shalt  }
0x65: {  	_ =	shalt  }
0x66: {  	_ =	shalt  }
0x67: {  	_ =	shalt  }
0x68: {  	_ =	shalt  }
0x69: {  	_ =	shalt  }
0x6a: {  	_ =	shalt  }
0x6b: {  	_ =	shalt  }
0x6c: {  	_ =	shalt  }
0x6d: {  	_ =	shalt  }
0x6e: {  	_ =	shalt  }
0x6f: {  	_ =	shalt  }
0x70: {  	_ =	shalt  }
0x71: {  	_ =	shalt  }
0x72: {  	_ =	shalt  }
0x73: {  	_ =	shalt  }
0x74: {  	_ =	shalt  }
0x75: {  	_ =	shalt  }
0x76: {  	_ =	shalt  }
0x77: {  	_ =	shalt  }
0x78: {  	_ =	shalt  }
0x79: {  	_ =	shalt  }
0x7a: {  	_ =	shalt  }
0x7b: {  	_ =	shalt  }
0x7c: {  	_ =	shalt  }
0x7d: {  	_ =	shalt  }
0x7e: {  	_ =	shalt  }
0x7f: {  	_ =	shalt  }
0x80: {  	_ =	shalt  }
0x81: {  	_ =	shalt  }
0x82: {  	_ =	shalt  }
0x83: {  	_ =	shalt  }
0x84: {  	_ =	shalt  }
0x85: {  	_ =	shalt  }
0x86: {  	_ =	shalt  }
0x87: {  	_ =	shalt  }
.Lfunc_end0:
.L_simem_size_0:
called_computation.1_lowered:
.L_overlay_start_0:
0x88: {  	s2 =	sld [smem:$0x3FD9]  }
0x89: {  	s3 =	sld [smem:$0x3FFE];
	_ =	sdelay $0x1  }
0x8a: {  	s1 =	srdreg.scid  }
0x8b: {  	s0 =	sand.u32 $0x1, s1  }
0x8c: {  	s17 =	sshll.u32 s0, $0xA;
	s2 =	sadd.s32 s3, s2  }
0x8d: {  	s2 =	sadd.s32 s2, s17  }
0x8e: {  	[smem:$0x3FC2] =	sst s2  }
0x8f: {  	_ = 	snop  }
0x90: {  	s18 =	sld [smem:$0x3FD0];
	(tm) =	ssettm $0x1  }
0x91: {  	s19 =	sld [smem:$0x3FFB];
	_ =	sdelay $0x3  }
0x92: {  	_ =	strace s19  }
0x93: {  	s2 =	sld [smem:$0x3FFC];
	_ =	sdelay $0x3  }
0x94: {  	_ =	strace s2  }
0x95: {  	s2 =	sld [smem:$0x3FFD];
	_ =	sdelay $0x3  }
0x96: {  	_ =	strace s2  }
0x97: {  	_ =	strace $0x8FFFFFFF  }
0x98: {  	s20 =	sld [smem:$0x3FDB];
	_ =	sdelay $0x1  }
0x99: {  	s4 =	simm.s32 $_scs_section_size  }
0x9a: {  	s5 =	simm.s32 $_size__tile_overlayer_lowered;
	s6 =	simm.s32 $_tile_overlayer_lowered  }
0x9b: {  	s7 =	simm.s32 $0x1BFF;
	s21 =	sshll.u32 s6, $0x1;
	s4 =	sadd.s32 s4, s20  }
0x9c: {  	s22 =	simm.s32 $0x0;
	s5 =	sshll.u32 s5, $0x1;
	s6 =	sadd.s32 s21, s4  }
0x9d: {  	[timem:s22], [sflag:s7] =	dma.local [hbm:s6], s5  }
0x9e: {  	_ =	swait.ge [sflag:s7], s5  }
0x9f: {  	s5 =	ssub.s32 $0x0, s5;
	[sflag:s7] =	ssyncset.done $0x0  }
0xa0: {  	[sflag:s7] =	ssyncadd.s32 s5;
	_ =	sdelay $0x1  }
0xa1: {  	s23 =	simm.s32 $0x1B8B  }
0xa2: {  	_ =	swait.ge [sflag:s23], $0x1  }
0xa3: {  	[sflag:s23] =	ssyncset.done $0x0  }
0xa4: {  	[sflag:s23] =	ssyncadd.s32 $0xFFFFFFFF  }
0xa5: {  	s5 =	sld [smem:$0x0]  }
0xa6: {  	s6 =	sand.u32 $0xFFFFFFFE, s1  }
0xa7: {  	p0 =	sne.s32 s1, s6  }
0xa8: {  	s6 =	sshll.u32 @p0 s6, $0xE  }
0xa9: {  	s6 =	sadd.s32 @p0 $0x11B8D, s6;
	s7 =	sshll.u32 @p0 s5, $0x11  }
0xaa: {  	s6 =	sor.u32 @p0 s7, s6  }
0xab: {  	[sflag:s6] =	ssyncadd.remote.s32 @p0 $0x1;
	_ =	sdelay $0x1  }
0xac: {  	s6 =	simm.s32 @p0 $0x1B8D  }
0xad: {  	_ =	swait.eq @p0 [sflag:s6], $0x1  }
0xae: {  	[sflag:s6] =	ssyncadd.s32 @p0 $0xFFFFFFFF  }
0xaf: {  	s7 =	sshll.u32 @!p0 s1, $0xE  }
0xb0: {  	s7 =	sor.u32 @!p0 $0x4000, s7;
	s6 =	simm.s32 @!p0 $0x1B8D  }
0xb1: {  	s5 =	sshll.u32 @!p0 s5, $0x11;
	s7 =	sadd.s32 @!p0 $0x11B8D, s7;
	_ =	swait.eq @!p0 [sflag:s6], $0x1  }
0xb2: {  	s5 =	sor.u32 @!p0 s5, s7;
	[sflag:s6] =	ssyncadd.s32 @!p0 $0xFFFFFFFF  }
0xb3: {  	s25 =	simm.s32 $0x1B8E;
	s24 =	sld [smem:$0x3FFE];
	[sflag:s5] =	ssyncadd.remote.s32 @!p0 $0x1  }
0xb4: {  	s26 =	simm.s32 $execute0_lowered;
	[smem:$0x3FD2] =	sst s25  }
0xb5: {  	s6 =	sshll.u32 s26, $0x1;
	_ =	strace $0x8000004C;
	[dreg:$0x1] =	wrdreg $0xFFFFFFFF  }
0xb6: {  	s28 =	simm.s32 $_size_execute0_lowered;
	s4 =	sadd.s32 s4, s6;
	[dreg:$0x0] =	wrdreg $0x0  }
0xb7: {  	s6 =	sshll.u32 s28, $0x1;
	[dreg:$0x2] =	wrdreg s4  }
0xb8: {  	[dreg:$0x3] =	wrdreg s6  }
0xb9: {  	[dreg:$0x4] =	wrdreg $0xC0  }
0xba: {  	_ =	task [dreg:s22], $0x5FFFF  }
0xbb: {  	[dreg:$0x1] =	wrdreg $0xFFFFFFFF  }
0xbc: {  	[dreg:$0x0] =	wrdreg $0x60  }
0xbd: {  	[dreg:$0x2] =	wrdreg s24  }
0xbe: {  	[dreg:$0x3] =	wrdreg s18  }
0xbf: {  	[dreg:$0x4] =	wrdreg $0xA8000  }
0xc0: {  	[dreg:$0x5] =	wrdreg $0x148000  }
0xc1: {  	[dreg:$0x6] =	wrdreg $0x9  }
0xc2: {  	_ =	task.clear_ibuf [dreg:s22], $0x7FFFF;
	_ =	strace $0x9000004C  }
0xc3: {  	s29 =	simm.s32 $0x9;
	_ =	strace $0x8000004E  }
0xc4: {  	_ =	swait.ge [sflag:s29], $0x1  }
0xc5: {  	[sflag:s29] =	ssyncadd.s32 $0xFFFFFFFF  }
0xc6: {  	_ =	strace $0x9000004E  }
0xc7: {  	_ =	sfence  }
0xc8: {  	s30 =	sld [smem:$0x0];
	_ =	sdelay $0x2  }
0xc9: {  	s31 =	sshll.u32 s1, $0xD;
	s1 =	sshrl.u32 s1, $0x2  }
0xca: {  	s4 =	sand.u32 $0x4000, s31;
	s1 =	sadd.s32 s1, s30  }
0xcb: {  	s0 =	sor.u32 s4, s0;
	s1 =	sshll.u32 s1, $0x11  }
0xcc: {  	s0 =	sor.u32 s1, s0  }
0xcd: {  	s0 =	sadd.s32 $0x8F2B, s0  }
0xce: {  	[sflag:s0] =	ssyncadd.remote.s32 $0x1  }
0xcf: {  	_ =	sfence.sel $0xFFFF  }
0xd0: {  	[dreg:$0x0] =	wrdreg $0xFFFFFFFF;
	(pc) =	sbr.abs _section_cstart, $3  }
0xd1: {  	[dreg:$0x1] =	wrdreg $0xFFFFFFFF  }
0xd2: {  	_ =	task.clear_ibuf [dreg:s22], $0x2FFFF;
	_ =	strace $0x9FFFFFFF  }
0xd3: {  	(tm) =	ssettm $0x7FFFFFFF  }
tec
execute0_lowered:
.L_overlay_start_1:
0x0: {  	(tag) =	ssettag $0x1  }
0x1: {  	s0 =	rddreg [dreg:$0x0]  }
0x2: {  	s1 =	rddreg [dreg:$0x1]  }
0x3: {  	s2 =	rddreg [dreg:$0x2]  }
0x4: {  	s3 =	rddreg [dreg:$0x3]  }
0x5: {  	s12 =	stileid.u32;
	s6 =	srdreg.scid  }
0x6: {  	s4 =	simm.s32 $0x0;
	s15 =	simm.s32 $0x5;
	s17 =	simm.s32 $0x1400  }
0x7: {  	s18 =	simm.s32 $0x80;
	s19 =	simm.s32 $0x2800;
	s28 =	simm.s32 $0x3  }
0x8: {  	s29 =	simm.s32 $0x4;
	s30 =	simm.s32 $0x2600;
	s31 =	simm.s32 $0x2680  }
0x9: {  	s5 =	smul.u32 $0xA000, s12;
	s6 =	sand.u32 $0x1, s6;
	[smem:$0x7FF] =	sst s4  }
0xa: {  	s10 =	sadd.s32 $0x16800, s0;
	s9 =	sadd.s32 $0x20800, s0;
	s11 =	sshll.u32 s12, $0x1  }
0xb: {  	s23 =	sshll.u32 s12, $0x6;
	s8 =	smul.u32 $0xA0000, s6;
	_ =	strace $0x8000004D  }
0xc: {  	[dreg:$0x5] =	wrdreg s9;
	s20 =	ssub.s32 $0x2, s6;
	s6 =	sor.u32 s6, s11  }
0xd: {  	s7 =	sshrl.u32 s5, $0x3;
	s21 =	sshrl.u32 s20, $0x1;
	s22 =	smul.u32 $0x2800, s6  }
0xe: {  	s14 =	sadd.s32 s5, s2;
	s6 =	smul.u32 $0x500, s6;
	s7 =	sadd.s32 s7, s0  }
0xf: {  	s8 =	sadd.s32 s5, s8;
	s5 =	sadd.s32 s5, s3;
	s14 =	sshrl.u32 s14, $0x3  }
0x10: {  	s8 =	sshrl.u32 s8, $0x3;
	s7 =	sadd.s32 $0x49C00, s7;
	s24 =	sshrl.u32 s22, $0x3  }
0x11: {  	s25 =	sadd.s32 s10, s6;
	s6 =	sadd.s32 s1, s6;
	s16 =	sshrl.u32 s5, $0x3  }
0x12: {  	s22 =	simm.s32 $0x6800;
	s5 =	simm.s32 $0x0;
	[dreg:$0x6] =	wrdreg s7  }
0x13: {  	s0 =	sadd.s32 s8, s0;
	s8 =	ssub.s32 s20, s21;
	[dreg:$0x7] =	wrdreg s25  }
0x14: {  	s7 =	sor.u32 $0x1C05, s23;
	[dreg:$0x8] =	wrdreg s6;
	s26 =	sadd.s32 $0x280, s24  }
0x15: {  	s20 =	simm.s32 $0x4800;
	s21 =	simm.s32 $0x100;
	s23 =	simm.s32 $0x180  }
0x16: {  	s24 =	simm.s32 $0x8800;
	s25 =	simm.s32 $0x1;
	s10 =	sadd.s32 s10, s26  }
0x17: {  	s11 =	sadd.s32 s1, s26;
	s12 =	sadd.s32 $0x5DC00, s0;
	s13 =	smax.u32 s8, $0x1  }
0x18: {  	s26 =	simm.s32 $0x2;
	s1 =	simm.s32 $0x2700;
	s0 =	simm.s32 $0x2780  }
.LBB2_1:
0x19: {  	s6 =	rddreg [dreg:$0x6]  }
0x1a: {  	[spmem:s14], [sflag:s7] =	dma.local [hbm:s6], $0x1400  }
0x1b: {  	_ =	swait.ge [sflag:s15], $0x1400  }
0x1c: {  	[sflag:s15] =	ssyncset.done $0x0  }
0x1d: {  	s8 =	rddreg [dreg:$0x5];
	[sflag:s15] =	ssyncadd.s32 $0xFFFFEC00  }
0x1e: {  	[spmem:s16], [sflag:s7] =	dma.local [hbm:s8], $0x1400  }
0x1f: {  	_ =	swait.ge [sflag:s15], $0x1400  }
0x20: {  	[sflag:s15] =	ssyncset.done $0x0  }
0x21: {  	[sflag:s15] =	ssyncadd.s32 $0xFFFFEC00  }
0x22: {  	[bflag:$0x0] =	sbarrier.arrive $0xFFFF  }
0x23: {  	s9 =	rddreg [dreg:$0x7]  }
0x24: {  	[tilespmem:s4], [sflag:$0x5] =	stream.linear.gather [hbm4b:s9+s4], $0x1400, $0x38;
	[tilespmem:$0x1E800] =	vst v63  }
0x25: {  	_ =	swait.ge [sflag:s15], $0x1400  }
0x26: {  	[sflag:s15] =	ssyncset.done $0x0  }
0x27: {  	s8 =	rddreg [dreg:$0x8];
	[sflag:s15] =	ssyncadd.s32 $0xFFFFEC00  }
0x28: {  	[tilespmem:s17], [sflag:$0x5] =	stream.linear.gather [hbm4b:s8+s4], $0x1400, $0x38;
	[tilespmem:$0x1E800] =	vst v63  }
0x29: {  	_ =	swait.ge [sflag:s15], $0x1400  }
0x2a: {  	[sflag:s15] =	ssyncset.done $0x0  }
0x2b: {  	[sflag:s15] =	ssyncadd.s32 $0xFFFFEC00  }
0x2c: {  	[tilespmem:s19], [sflag:$0x1] =	stream.indirect.gather [spmem:s2], $0x40, s4, s18, $0xb8;
	[tilespmem:$0x1E800] =	vst v63  }
0x2d: {  	_ = 	snop  }
0x2e: {  	[tilespmem:s20], [sflag:$0x2] =	stream.indirect.gather [spmem:s2], $0x40, s18, s18, $0xb8;
	[tilespmem:$0x1E800] =	vst v63  }
0x2f: {  	_ = 	snop  }
0x30: {  	[tilespmem:s22], [sflag:$0x3] =	stream.indirect.gather [spmem:s2], $0x40, s21, s18, $0xb8;
	[tilespmem:$0x1E800] =	vst v63  }
0x31: {  	_ = 	snop  }
0x32: {  	[tilespmem:s24], [sflag:$0x4] =	stream.indirect.gather [spmem:s2], $0x40, s23, s18, $0xb8;
	[tilespmem:$0x1E800] =	vst v63  }
0x33: {  	_ =	swait.ge [sflag:s25], $0x2000  }
0x34: {  	[sflag:s25] =	ssyncset.done $0x0  }
0x35: {  	s9 =	simm.s32 $0x1400;
	[sflag:s25] =	ssyncadd.s32 $0xFFFFE000  }
0x36: {  	[spmem:s3] =	stream.indirect.scatter.add.f32 [tilespmem:s19], [sflag:$0x5], $0x40, s9, s18, $0xb8;
	[tilespmem:$0x1E800] =	vst v63  }
0x37: {  	_ =	swait.ge [sflag:s15], $0x2000  }
0x38: {  	[sflag:s15] =	ssyncset.done $0x0  }
0x39: {  	s8 =	simm.s32 $0x200;
	[sflag:s15] =	ssyncadd.s32 $0xFFFFE000  }
0x3a: {  	[tilespmem:s19], [sflag:$0x1] =	stream.indirect.gather [spmem:s2], $0x40, s8, s18, $0xb8;
	[tilespmem:$0x1E800] =	vst v63  }
0x3b: {  	_ =	swait.ge [sflag:s26], $0x2000  }
0x3c: {  	[sflag:s26] =	ssyncset.done $0x0  }
0x3d: {  	s9 =	simm.s32 $0x1480;
	[sflag:s26] =	ssyncadd.s32 $0xFFFFE000  }
0x3e: {  	[spmem:s3] =	stream.indirect.scatter.add.f32 [tilespmem:s20], [sflag:$0x5], $0x40, s9, s18, $0xb8;
	[tilespmem:$0x1E800] =	vst v63  }
0x3f: {  	_ =	swait.ge [sflag:s15], $0x2000  }
0x40: {  	[sflag:s15] =	ssyncset.done $0x0  }
0x41: {  	s8 =	simm.s32 $0x280;
	[sflag:s15] =	ssyncadd.s32 $0xFFFFE000  }
0x42: {  	[tilespmem:s20], [sflag:$0x2] =	stream.indirect.gather [spmem:s2], $0x40, s8, s18, $0xb8;
	[tilespmem:$0x1E800] =	vst v63  }
0x43: {  	_ =	swait.ge [sflag:s28], $0x2000  }
0x44: {  	[sflag:s28] =	ssyncset.done $0x0  }
0x45: {  	s9 =	simm.s32 $0x1500;
	[sflag:s28] =	ssyncadd.s32 $0xFFFFE000  }
0x46: {  	[spmem:s3] =	stream.indirect.scatter.add.f32 [tilespmem:s22], [sflag:$0x5], $0x40, s9, s18, $0xb8;
	[tilespmem:$0x1E800] =	vst v63  }
0x47: {  	_ =	swait.ge [sflag:s15], $0x2000  }
0x48: {  	[sflag:s15] =	ssyncset.done $0x0  }
0x49: {  	s8 =	simm.s32 $0x300;
	[sflag:s15] =	ssyncadd.s32 $0xFFFFE000  }
0x4a: {  	[tilespmem:s22], [sflag:$0x3] =	stream.indirect.gather [spmem:s2], $0x40, s8, s18, $0xb8;
	[tilespmem:$0x1E800] =	vst v63  }
0x4b: {  	_ =	swait.ge [sflag:s29], $0x2000  }
0x4c: {  	[sflag:s29] =	ssyncset.done $0x0  }
0x4d: {  	s9 =	simm.s32 $0x1580;
	[sflag:s29] =	ssyncadd.s32 $0xFFFFE000  }
0x4e: {  	[spmem:s3] =	stream.indirect.scatter.add.f32 [tilespmem:s24], [sflag:$0x5], $0x40, s9, s18, $0xb8;
	[tilespmem:$0x1E800] =	vst v63  }
0x4f: {  	_ =	swait.ge [sflag:s15], $0x2000  }
0x50: {  	[sflag:s15] =	ssyncset.done $0x0  }
0x51: {  	s6 =	simm.s32 $0x800;
	s8 =	simm.s32 $0x380;
	[sflag:s15] =	ssyncadd.s32 $0xFFFFE000  }
.LBB2_2:
0x52: {  	[tilespmem:s24], [sflag:$0x4] =	stream.indirect.gather [spmem:s2], $0x40, s8, s18, $0xb8;
	[tilespmem:$0x1E800] =	vst v63  }
0x53: {  	s8 =	smov.u32 s6  }
0x54: {  	p0 =	sne.s32 s6, $0x4000;
	s6 =	sadd.s32 $0x800, s6;
	_ =	swait.ge [sflag:s25], $0x2000  }
0x55: {  	s8 =	sshra.s32 s8, $0x2;
	[sflag:s25] =	ssyncset.done $0x0  }
0x56: {  	s9 =	sadd.s32 $0x1400, s8;
	[sflag:s25] =	ssyncadd.s32 $0xFFFFE000  }
0x57: {  	[spmem:s3] =	stream.indirect.scatter.add.f32 [tilespmem:s19], [sflag:$0x5], $0x40, s9, s18, $0xb8;
	[tilespmem:$0x1E800] =	vst v63  }
0x58: {  	_ =	swait.ge [sflag:s15], $0x2000  }
0x59: {  	[sflag:s15] =	ssyncset.done $0x0  }
0x5a: {  	s9 =	sadd.s32 $0x200, s8;
	[sflag:s15] =	ssyncadd.s32 $0xFFFFE000  }
0x5b: {  	[tilespmem:s19], [sflag:$0x1] =	stream.indirect.gather [spmem:s2], $0x40, s9, s18, $0xb8;
	[tilespmem:$0x1E800] =	vst v63  }
0x5c: {  	_ =	swait.ge [sflag:s26], $0x2000  }
0x5d: {  	[sflag:s26] =	ssyncset.done $0x0  }
0x5e: {  	s9 =	sadd.s32 $0x1480, s8;
	[sflag:s26] =	ssyncadd.s32 $0xFFFFE000  }
0x5f: {  	[spmem:s3] =	stream.indirect.scatter.add.f32 [tilespmem:s20], [sflag:$0x5], $0x40, s9, s18, $0xb8;
	[tilespmem:$0x1E800] =	vst v63  }
0x60: {  	_ =	swait.ge [sflag:s15], $0x2000  }
0x61: {  	[sflag:s15] =	ssyncset.done $0x0  }
0x62: {  	s9 =	sadd.s32 $0x280, s8;
	[sflag:s15] =	ssyncadd.s32 $0xFFFFE000  }
0x63: {  	[tilespmem:s20], [sflag:$0x2] =	stream.indirect.gather [spmem:s2], $0x40, s9, s18, $0xb8;
	[tilespmem:$0x1E800] =	vst v63  }
0x64: {  	_ =	swait.ge [sflag:s28], $0x2000  }
0x65: {  	[sflag:s28] =	ssyncset.done $0x0  }
0x66: {  	s9 =	sadd.s32 $0x1500, s8;
	[sflag:s28] =	ssyncadd.s32 $0xFFFFE000  }
0x67: {  	[spmem:s3] =	stream.indirect.scatter.add.f32 [tilespmem:s22], [sflag:$0x5], $0x40, s9, s18, $0xb8;
	[tilespmem:$0x1E800] =	vst v63  }
0x68: {  	_ =	swait.ge [sflag:s15], $0x2000  }
0x69: {  	[sflag:s15] =	ssyncset.done $0x0  }
0x6a: {  	s9 =	sadd.s32 $0x300, s8;
	[sflag:s15] =	ssyncadd.s32 $0xFFFFE000  }
0x6b: {  	[tilespmem:s22], [sflag:$0x3] =	stream.indirect.gather [spmem:s2], $0x40, s9, s18, $0xb8;
	[tilespmem:$0x1E800] =	vst v63  }
0x6c: {  	_ =	swait.ge [sflag:s29], $0x2000  }
0x6d: {  	[sflag:s29] =	ssyncset.done $0x0  }
.Ltmp0:
0x6e: {  	s9 =	sadd.s32 $0x1580, s8;
	[sflag:s29] =	ssyncadd.s32 $0xFFFFE000;
	(pc) =	sbr.rel @p0 .LBB2_2-.Ltmp0, $4  }
0x6f: {  	[spmem:s3] =	stream.indirect.scatter.add.f32 [tilespmem:s24], [sflag:$0x5], $0x40, s9, s18, $0xb8;
	[tilespmem:$0x1E800] =	vst v63  }
0x70: {  	_ =	swait.ge [sflag:s15], $0x2000  }
0x71: {  	[sflag:s15] =	ssyncset.done $0x0  }
0x72: {  	s8 =	sadd.s32 $0x380, s8;
	[sflag:s15] =	ssyncadd.s32 $0xFFFFE000  }
0x73: {  	[tilespmem:s24], [sflag:$0x4] =	stream.indirect.gather [spmem:s2], $0x40, s8, s18, $0xb8;
	[tilespmem:$0x1E800] =	vst v63  }
0x74: {  	_ =	swait.ge [sflag:s25], $0x2000  }
0x75: {  	[sflag:s25] =	ssyncset.done $0x0  }
0x76: {  	[sflag:s25] =	ssyncadd.s32 $0xFFFFE000  }
0x77: {  	[spmem:s3] =	stream.indirect.scatter.add.f32 [tilespmem:s19], [sflag:$0x5], $0x40, s30, s18, $0xb8;
	[tilespmem:$0x1E800] =	vst v63  }
0x78: {  	_ =	swait.ge [sflag:s15], $0x2000  }
0x79: {  	[sflag:s15] =	ssyncset.done $0x0  }
0x7a: {  	[sflag:s15] =	ssyncadd.s32 $0xFFFFE000  }
0x7b: {  	_ =	swait.ge [sflag:s26], $0x2000  }
0x7c: {  	[sflag:s26] =	ssyncset.done $0x0  }
0x7d: {  	[sflag:s26] =	ssyncadd.s32 $0xFFFFE000  }
0x7e: {  	[spmem:s3] =	stream.indirect.scatter.add.f32 [tilespmem:s20], [sflag:$0x5], $0x40, s31, s18, $0xb8;
	[tilespmem:$0x1E800] =	vst v63  }
0x7f: {  	_ =	swait.ge [sflag:s15], $0x2000  }
0x80: {  	[sflag:s15] =	ssyncset.done $0x0  }
0x81: {  	[sflag:s15] =	ssyncadd.s32 $0xFFFFE000  }
0x82: {  	_ =	swait.ge [sflag:s28], $0x2000  }
0x83: {  	[sflag:s28] =	ssyncset.done $0x0  }
0x84: {  	[sflag:s28] =	ssyncadd.s32 $0xFFFFE000  }
0x85: {  	[spmem:s3] =	stream.indirect.scatter.add.f32 [tilespmem:s22], [sflag:$0x5], $0x40, s1, s18, $0xb8;
	[tilespmem:$0x1E800] =	vst v63  }
0x86: {  	_ =	swait.ge [sflag:s15], $0x2000  }
0x87: {  	[sflag:s15] =	ssyncset.done $0x0  }
0x88: {  	[sflag:s15] =	ssyncadd.s32 $0xFFFFE000  }
0x89: {  	_ =	swait.ge [sflag:s29], $0x2000  }
0x8a: {  	[sflag:s29] =	ssyncset.done $0x0  }
0x8b: {  	[sflag:s29] =	ssyncadd.s32 $0xFFFFE000  }
0x8c: {  	[spmem:s3] =	stream.indirect.scatter.add.f32 [tilespmem:s24], [sflag:$0x5], $0x40, s0, s18, $0xb8;
	[tilespmem:$0x1E800] =	vst v63  }
0x8d: {  	_ =	swait.ge [sflag:s15], $0x2000  }
0x8e: {  	[sflag:s15] =	ssyncset.done $0x0  }
0x8f: {  	s6 =	simm.s32 $0x0;
	[sflag:s15] =	ssyncadd.s32 $0xFFFFE000  }
0x90: {  	[tilespmem:s6], [sflag:$0x5] =	stream.linear.gather [hbm4b:s10+s6], $0x1400, $0x38;
	[tilespmem:$0x1E800] =	vst v63  }
0x91: {  	_ =	swait.ge [sflag:s15], $0x1400  }
0x92: {  	[sflag:s15] =	ssyncset.done $0x0  }
0x93: {  	[sflag:s15] =	ssyncadd.s32 $0xFFFFEC00  }
0x94: {  	[tilespmem:s17], [sflag:$0x5] =	stream.linear.gather [hbm4b:s11+s6], $0x1400, $0x38;
	[tilespmem:$0x1E800] =	vst v63  }
0x95: {  	_ =	swait.ge [sflag:s15], $0x1400  }
0x96: {  	[sflag:s15] =	ssyncset.done $0x0  }
0x97: {  	[sflag:s15] =	ssyncadd.s32 $0xFFFFEC00  }
0x98: {  	[tilespmem:s19], [sflag:$0x1] =	stream.indirect.gather [spmem:s2], $0x40, s6, s18, $0xb8;
	[tilespmem:$0x1E800] =	vst v63  }
0x99: {  	_ = 	snop  }
0x9a: {  	[tilespmem:s20], [sflag:$0x2] =	stream.indirect.gather [spmem:s2], $0x40, s18, s18, $0xb8;
	[tilespmem:$0x1E800] =	vst v63  }
0x9b: {  	_ = 	snop  }
0x9c: {  	[tilespmem:s22], [sflag:$0x3] =	stream.indirect.gather [spmem:s2], $0x40, s21, s18, $0xb8;
	[tilespmem:$0x1E800] =	vst v63  }
0x9d: {  	_ = 	snop  }
0x9e: {  	[tilespmem:s24], [sflag:$0x4] =	stream.indirect.gather [spmem:s2], $0x40, s23, s18, $0xb8;
	[tilespmem:$0x1E800] =	vst v63  }
0x9f: {  	_ =	swait.ge [sflag:s25], $0x2000  }
0xa0: {  	[sflag:s25] =	ssyncset.done $0x0  }
0xa1: {  	s9 =	simm.s32 $0x1400;
	[sflag:s25] =	ssyncadd.s32 $0xFFFFE000  }
0xa2: {  	[spmem:s3] =	stream.indirect.scatter.add.f32 [tilespmem:s19], [sflag:$0x5], $0x40, s9, s18, $0xb8;
	[tilespmem:$0x1E800] =	vst v63  }
0xa3: {  	_ =	swait.ge [sflag:s15], $0x2000  }
0xa4: {  	[sflag:s15] =	ssyncset.done $0x0  }
0xa5: {  	s8 =	simm.s32 $0x200;
	[sflag:s15] =	ssyncadd.s32 $0xFFFFE000  }
0xa6: {  	[tilespmem:s19], [sflag:$0x1] =	stream.indirect.gather [spmem:s2], $0x40, s8, s18, $0xb8;
	[tilespmem:$0x1E800] =	vst v63  }
0xa7: {  	_ =	swait.ge [sflag:s26], $0x2000  }
0xa8: {  	[sflag:s26] =	ssyncset.done $0x0  }
0xa9: {  	s9 =	simm.s32 $0x1480;
	[sflag:s26] =	ssyncadd.s32 $0xFFFFE000  }
0xaa: {  	[spmem:s3] =	stream.indirect.scatter.add.f32 [tilespmem:s20], [sflag:$0x5], $0x40, s9, s18, $0xb8;
	[tilespmem:$0x1E800] =	vst v63  }
0xab: {  	_ =	swait.ge [sflag:s15], $0x2000  }
0xac: {  	[sflag:s15] =	ssyncset.done $0x0  }
0xad: {  	s8 =	simm.s32 $0x280;
	[sflag:s15] =	ssyncadd.s32 $0xFFFFE000  }
0xae: {  	[tilespmem:s20], [sflag:$0x2] =	stream.indirect.gather [spmem:s2], $0x40, s8, s18, $0xb8;
	[tilespmem:$0x1E800] =	vst v63  }
0xaf: {  	_ =	swait.ge [sflag:s28], $0x2000  }
0xb0: {  	[sflag:s28] =	ssyncset.done $0x0  }
0xb1: {  	s9 =	simm.s32 $0x1500;
	[sflag:s28] =	ssyncadd.s32 $0xFFFFE000  }
0xb2: {  	[spmem:s3] =	stream.indirect.scatter.add.f32 [tilespmem:s22], [sflag:$0x5], $0x40, s9, s18, $0xb8;
	[tilespmem:$0x1E800] =	vst v63  }
0xb3: {  	_ =	swait.ge [sflag:s15], $0x2000  }
0xb4: {  	[sflag:s15] =	ssyncset.done $0x0  }
0xb5: {  	s8 =	simm.s32 $0x300;
	[sflag:s15] =	ssyncadd.s32 $0xFFFFE000  }
0xb6: {  	[tilespmem:s22], [sflag:$0x3] =	stream.indirect.gather [spmem:s2], $0x40, s8, s18, $0xb8;
	[tilespmem:$0x1E800] =	vst v63  }
0xb7: {  	_ =	swait.ge [sflag:s29], $0x2000  }
0xb8: {  	[sflag:s29] =	ssyncset.done $0x0  }
0xb9: {  	s9 =	simm.s32 $0x1580;
	[sflag:s29] =	ssyncadd.s32 $0xFFFFE000  }
0xba: {  	[spmem:s3] =	stream.indirect.scatter.add.f32 [tilespmem:s24], [sflag:$0x5], $0x40, s9, s18, $0xb8;
	[tilespmem:$0x1E800] =	vst v63  }
0xbb: {  	_ =	swait.ge [sflag:s15], $0x2000  }
0xbc: {  	[sflag:s15] =	ssyncset.done $0x0  }
0xbd: {  	s6 =	simm.s32 $0x800;
	s8 =	simm.s32 $0x380;
	[sflag:s15] =	ssyncadd.s32 $0xFFFFE000  }
.LBB2_4:
0xbe: {  	[tilespmem:s24], [sflag:$0x4] =	stream.indirect.gather [spmem:s2], $0x40, s8, s18, $0xb8;
	[tilespmem:$0x1E800] =	vst v63  }
0xbf: {  	s8 =	smov.u32 s6  }
0xc0: {  	p0 =	sne.s32 s6, $0x4000;
	s6 =	sadd.s32 $0x800, s6;
	_ =	swait.ge [sflag:s25], $0x2000  }
0xc1: {  	s8 =	sshra.s32 s8, $0x2;
	[sflag:s25] =	ssyncset.done $0x0  }
0xc2: {  	s9 =	sadd.s32 $0x1400, s8;
	[sflag:s25] =	ssyncadd.s32 $0xFFFFE000  }
0xc3: {  	[spmem:s3] =	stream.indirect.scatter.add.f32 [tilespmem:s19], [sflag:$0x5], $0x40, s9, s18, $0xb8;
	[tilespmem:$0x1E800] =	vst v63  }
0xc4: {  	_ =	swait.ge [sflag:s15], $0x2000  }
0xc5: {  	[sflag:s15] =	ssyncset.done $0x0  }
0xc6: {  	s9 =	sadd.s32 $0x200, s8;
	[sflag:s15] =	ssyncadd.s32 $0xFFFFE000  }
0xc7: {  	[tilespmem:s19], [sflag:$0x1] =	stream.indirect.gather [spmem:s2], $0x40, s9, s18, $0xb8;
	[tilespmem:$0x1E800] =	vst v63  }
0xc8: {  	_ =	swait.ge [sflag:s26], $0x2000  }
0xc9: {  	[sflag:s26] =	ssyncset.done $0x0  }
0xca: {  	s9 =	sadd.s32 $0x1480, s8;
	[sflag:s26] =	ssyncadd.s32 $0xFFFFE000  }
0xcb: {  	[spmem:s3] =	stream.indirect.scatter.add.f32 [tilespmem:s20], [sflag:$0x5], $0x40, s9, s18, $0xb8;
	[tilespmem:$0x1E800] =	vst v63  }
0xcc: {  	_ =	swait.ge [sflag:s15], $0x2000  }
0xcd: {  	[sflag:s15] =	ssyncset.done $0x0  }
0xce: {  	s9 =	sadd.s32 $0x280, s8;
	[sflag:s15] =	ssyncadd.s32 $0xFFFFE000  }
0xcf: {  	[tilespmem:s20], [sflag:$0x2] =	stream.indirect.gather [spmem:s2], $0x40, s9, s18, $0xb8;
	[tilespmem:$0x1E800] =	vst v63  }
0xd0: {  	_ =	swait.ge [sflag:s28], $0x2000  }
0xd1: {  	[sflag:s28] =	ssyncset.done $0x0  }
0xd2: {  	s9 =	sadd.s32 $0x1500, s8;
	[sflag:s28] =	ssyncadd.s32 $0xFFFFE000  }
0xd3: {  	[spmem:s3] =	stream.indirect.scatter.add.f32 [tilespmem:s22], [sflag:$0x5], $0x40, s9, s18, $0xb8;
	[tilespmem:$0x1E800] =	vst v63  }
0xd4: {  	_ =	swait.ge [sflag:s15], $0x2000  }
0xd5: {  	[sflag:s15] =	ssyncset.done $0x0  }
0xd6: {  	s9 =	sadd.s32 $0x300, s8;
	[sflag:s15] =	ssyncadd.s32 $0xFFFFE000  }
0xd7: {  	[tilespmem:s22], [sflag:$0x3] =	stream.indirect.gather [spmem:s2], $0x40, s9, s18, $0xb8;
	[tilespmem:$0x1E800] =	vst v63  }
0xd8: {  	_ =	swait.ge [sflag:s29], $0x2000  }
0xd9: {  	[sflag:s29] =	ssyncset.done $0x0  }
.Ltmp1:
0xda: {  	s9 =	sadd.s32 $0x1580, s8;
	[sflag:s29] =	ssyncadd.s32 $0xFFFFE000;
	(pc) =	sbr.rel @p0 .LBB2_4-.Ltmp1, $4  }
0xdb: {  	[spmem:s3] =	stream.indirect.scatter.add.f32 [tilespmem:s24], [sflag:$0x5], $0x40, s9, s18, $0xb8;
	[tilespmem:$0x1E800] =	vst v63  }
0xdc: {  	_ =	swait.ge [sflag:s15], $0x2000  }
0xdd: {  	[sflag:s15] =	ssyncset.done $0x0  }
0xde: {  	s8 =	sadd.s32 $0x380, s8;
	[sflag:s15] =	ssyncadd.s32 $0xFFFFE000  }
0xdf: {  	[tilespmem:s24], [sflag:$0x4] =	stream.indirect.gather [spmem:s2], $0x40, s8, s18, $0xb8;
	[tilespmem:$0x1E800] =	vst v63  }
0xe0: {  	_ =	swait.ge [sflag:s25], $0x2000  }
0xe1: {  	[sflag:s25] =	ssyncset.done $0x0  }
0xe2: {  	[sflag:s25] =	ssyncadd.s32 $0xFFFFE000  }
0xe3: {  	[spmem:s3] =	stream.indirect.scatter.add.f32 [tilespmem:s19], [sflag:$0x5], $0x40, s30, s18, $0xb8;
	[tilespmem:$0x1E800] =	vst v63  }
0xe4: {  	_ =	swait.ge [sflag:s15], $0x2000  }
0xe5: {  	[sflag:s15] =	ssyncset.done $0x0  }
0xe6: {  	[sflag:s15] =	ssyncadd.s32 $0xFFFFE000  }
0xe7: {  	_ =	swait.ge [sflag:s26], $0x2000  }
0xe8: {  	[sflag:s26] =	ssyncset.done $0x0  }
0xe9: {  	[sflag:s26] =	ssyncadd.s32 $0xFFFFE000  }
0xea: {  	[spmem:s3] =	stream.indirect.scatter.add.f32 [tilespmem:s20], [sflag:$0x5], $0x40, s31, s18, $0xb8;
	[tilespmem:$0x1E800] =	vst v63  }
0xeb: {  	_ =	swait.ge [sflag:s15], $0x2000  }
0xec: {  	[sflag:s15] =	ssyncset.done $0x0  }
0xed: {  	[sflag:s15] =	ssyncadd.s32 $0xFFFFE000  }
0xee: {  	_ =	swait.ge [sflag:s28], $0x2000  }
0xef: {  	[sflag:s28] =	ssyncset.done $0x0  }
0xf0: {  	[sflag:s28] =	ssyncadd.s32 $0xFFFFE000  }
0xf1: {  	[spmem:s3] =	stream.indirect.scatter.add.f32 [tilespmem:s22], [sflag:$0x5], $0x40, s1, s18, $0xb8;
	[tilespmem:$0x1E800] =	vst v63  }
0xf2: {  	_ =	swait.ge [sflag:s15], $0x2000  }
0xf3: {  	[sflag:s15] =	ssyncset.done $0x0  }
0xf4: {  	[sflag:s15] =	ssyncadd.s32 $0xFFFFE000  }
0xf5: {  	_ =	swait.ge [sflag:s29], $0x2000  }
0xf6: {  	[sflag:s29] =	ssyncset.done $0x0  }
0xf7: {  	[sflag:s29] =	ssyncadd.s32 $0xFFFFE000  }
0xf8: {  	[spmem:s3] =	stream.indirect.scatter.add.f32 [tilespmem:s24], [sflag:$0x5], $0x40, s0, s18, $0xb8;
	[tilespmem:$0x1E800] =	vst v63  }
0xf9: {  	_ =	swait.ge [sflag:s15], $0x2000  }
0xfa: {  	s5 =	sadd.s32 $0x1, s5;
	[sflag:s15] =	ssyncset.done $0x0  }
0xfb: {  	p0 =	sne.s32 s5, s13;
	[sflag:s15] =	ssyncadd.s32 $0xFFFFE000  }
.Ltmp2:
0xfc: {  	[bflag:$0x0] =	sbarrier.arrive $0xFFFF;
	(pc) =	sbr.rel @p0 .LBB2_1-.Ltmp2, $4  }
0xfd: {  	[hbm:s12], [sflag:s7] =	dma.local [spmem:s16], $0x1400  }
0xfe: {  	_ =	swait.ge [sflag:s15], $0x1400  }
0xff: {  	[sflag:s15] =	ssyncset.done $0x0  }
0x100: {  	[sflag:s15] =	ssyncadd.s32 $0xFFFFEC00  }
0x101: {  	_ =	sfence.sel $0x180000  }
0x102: {  	[bflag:$0x0] =	sbarrier.arrive $0xFFFF  }
0x103: {  	_ =	strace $0x9000004D  }
0x104: {  	s0 =	stileid.u32;
	[bflag:$0x2] =	sbarrier.arrive $0xFFFF  }
0x105: {  	p0 =	sne.s32 s0, $0x0;
	s0 =	rddreg [dreg:$0x4]  }
0x106: {  	s0 =	sadd.s32 @!p0 $0x100000, s0  }
0x107: {  	[sflag:s0] =	ssyncadd.tile.s32 @!p0 $0x1;
	_ =	shalt  }
.Lfunc_end2:
_tile_overlayer_lowered:
.L_overlay_start_2:
0x108: {  	(tag) =	ssettag $0x2  }
0x109: {  	s0 =	rddreg [dreg:$0x0];
	s2 =	stileid.u32  }
0x10a: {  	s1 =	rddreg [dreg:$0x1];
	p0 =	sne.s32 s2, $0x0  }
0x10b: {  	s3 =	rddreg [dreg:$0x2];
	[bflag:$0x3] =	sbarrier.arrive $0xFFFF;
	s2 =	simm.s32 @!p0 $0x1C05  }
0x10c: {  	[timem:s3], [sflag:s2] =	dma.local @!p0 [hbm:s0], s1  }
0x10d: {  	s0 =	simm.s32 @!p0 $0x5  }
0x10e: {  	_ =	swait.ge @!p0 [sflag:s0], s1  }
0x10f: {  	s1 =	ssub.s32 @!p0 $0x0, s1;
	[sflag:s0] =	ssyncset.done @!p0 $0x0  }
0x110: {  	[sflag:s0] =	ssyncadd.s32 @!p0 s1  }
0x111: {  	[bflag:$0x3] =	sbarrier.arrive $0xFFFF  }
0x112: {  	_ =	shalt  }

// kernel: kernel.15.cloned.1.call-start
scs
__scs_entry_jumppad:
0x0: {  	(pc) =	sbr.rel $0x88, $3  }
0x1: {  	(tag) =	ssettag $0x0;
	lr =	simm.s32 $0x1  }
0x2: {  	[smem:$0x3F9B] =	sst lr;
	_ =	strace $0xD0000000  }
0x3: {  	_ = 	snop  }
0x4: {  	_ = 	snop  }
0x5: {  	_ = 	snop  }
0x6: {  	_ = 	snop  }
0x7: {  	_ = 	snop  }
__scs_overlays_trampoline_lowered:
0x8: {  	[smem:$0x3FAA] =	sst s0  }
0x9: {  	[smem:$0x3FAB] =	sst s1  }
0xa: {  	[smem:$0x3FAC] =	sst s2  }
0xb: {  	[smem:$0x3FAD] =	sst s3  }
0xc: {  	[smem:$0x3FAE] =	sst s4  }
0xd: {  	[smem:$0x3FAF] =	sst s5  }
0xe: {  	[smem:$0x3FB0] =	sst s6  }
0xf: {  	[smem:$0x3FB1] =	sst s7  }
0x10: {  	[smem:$0x3FB2] =	sst s8  }
0x11: {  	[smem:$0x3FB3] =	sst s9;
	s0 =	simm.s32 @!p0 $0x0  }
0x12: {  	s1 =	sld [smem:$0x3F99];
	s0 =	simm.s32 @p0 $0x1  }
0x13: {  	[smem:$0x3FB4] =	sst s0;
	s0 =	simm.s32 @!p1 $0x0  }
0x14: {  	s2 =	sld [smem:$0x3F98];
	s0 =	simm.s32 @p1 $0x1  }
0x15: {  	[smem:$0x3FB5] =	sst s0;
	s0 =	simm.s32 @!p2 $0x0  }
0x16: {  	s3 =	sld [smem:$0x3FDB];
	s0 =	simm.s32 @p2 $0x1  }
0x17: {  	s4 =	simm.s32 $0x1BF5;
	[smem:$0x3FB7] =	sst s0  }
0x18: {  	s0 =	sld [smem:$0x3F9A];
	_ =	swait.ge [sflag:s4], $0x0  }
0x19: {  	s7 =	sld [smem:$0x3F9B]  }
0x1a: {  	s8 =	sadd.s32 $0xFFFFE003, lr  }
0x1b: {  	s9 =	sadd.s32 $0xFFFFFEF7, lr;
	s5 =	simm.s32 $0xFFFFFFFF;
	p2 =	slt.u32 s8, $0xFFFFF086  }
0x1c: {  	p1 =	slt.u32 s9, $0xF7A;
	s5 =	simm.s32 @!p2 $0x0  }
0x1d: {  	s5 =	simm.s32 @p1 $0x1;
	p0 =	seq.s32 s7, s2  }
0x1e: {  	s7 =	smul.u32 @!p0 $0xF7A, s2;
	p2 =	seq.s32 @!p0 s5, $0x0  }
0x1f: {  	s9 =	smul.u32 $0xF7A, s1;
	s8 =	simm.s32 @!p0 $0x1BF5;
	p2 =	por !p2, p0  }
0x20: {  	[sflag:s8] =	ssyncset.s32 @!p0 $0xFFFFF086;
	s6 =	sadd.s32 @!p0 s3, s7;
	s7 =	simm.s32 @!p0 $0x108  }
0x21: {  	s3 =	sadd.s32 s3, s9;
	s6 =	sadd.s32 @!p0 $0x88, s6;
	s7 =	simm.s32 @p2 $0x1082  }
0x22: {  	[simem:s7], [sflag:s8] =	dma.local @!p0 [hbm:s6], $0xF7A  }
0x23: {  	s9 =	sor.u32 $0xD0000000, s2;
	s6 =	simm.s32 $0x108;
	_ =	swait.ge @!p0 [sflag:s8], $0x0  }
0x24: {  	s3 =	sadd.s32 $0x88, s3;
	s6 =	simm.s32 @!p1 $0x1082;
	[sflag:s4] =	ssyncset.s32 $0xFFFFF086  }
0x25: {  	[simem:s6], [sflag:s4] =	dma.local [hbm:s3], $0xF7A  }
0x26: {  	[smem:$0x3F9B] =	sst s1;
	(tag) =	ssettag s2;
	_ =	strace s9  }
0x27: {  	s1 =	sld [smem:$0x3FAB]  }
0x28: {  	s2 =	sld [smem:$0x3FAC]  }
0x29: {  	s4 =	sld [smem:$0x3FAE]  }
0x2a: {  	p0 =	seq.s32 s5, $0x0;
	s5 =	sld [smem:$0x3FAF]  }
0x2b: {  	s6 =	sld [smem:$0x3FB0]  }
0x2c: {  	s7 =	sld [smem:$0x3FB1]  }
0x2d: {  	s3 =	simm.s32 $0x108;
	s8 =	sld [smem:$0x3FB2]  }
0x2e: {  	s3 =	simm.s32 @!p0 $0x1082;
	s9 =	sld [smem:$0x3FB3]  }
0x2f: {  	lr =	sadd.s32 s0, s3;
	s0 =	sld [smem:$0x3FAA]  }
0x30: {  	s3 =	sld [smem:$0x3FAD]  }
0x31: {  	[smem:$0x3FB6] =	sst s10  }
0x32: {  	s10 =	sld [smem:$0x3FB4];
	_ =	sdelay $0x3  }
0x33: {  	p0 =	seq.s32 s10, $0x1;
	s10 =	sld [smem:$0x3FB6];
	_ =	sdelay $0x3  }
0x34: {  	[smem:$0x3FB6] =	sst s10  }
0x35: {  	s10 =	sld [smem:$0x3FB5];
	_ =	sdelay $0x3  }
0x36: {  	p1 =	seq.s32 s10, $0x1;
	s10 =	sld [smem:$0x3FB6];
	_ =	sdelay $0x3  }
0x37: {  	[smem:$0x3FB6] =	sst s10  }
0x38: {  	s10 =	sld [smem:$0x3FB7]  }
0x39: {  	_ = 	snop;
	(pc) =	sbr.ind lr, $3  }
0x3a: {  	_ = 	snop  }
0x3b: {  	_ = 	snop  }
0x3c: {  	p2 =	seq.s32 s10, $0x1;
	s10 =	sld [smem:$0x3FB6]  }
0x3d: {  	_ =	shalt  }
0x3e: {  	_ =	shalt  }
0x3f: {  	_ =	shalt  }
0x40: {  	_ =	shalt  }
0x41: {  	_ =	shalt  }
0x42: {  	_ =	shalt  }
0x43: {  	_ =	shalt  }
0x44: {  	_ =	shalt  }
0x45: {  	_ =	shalt  }
0x46: {  	_ =	shalt  }
0x47: {  	_ =	shalt  }
0x48: {  	_ =	shalt  }
0x49: {  	_ =	shalt  }
0x4a: {  	_ =	shalt  }
0x4b: {  	_ =	shalt  }
0x4c: {  	_ =	shalt  }
0x4d: {  	_ =	shalt  }
0x4e: {  	_ =	shalt  }
0x4f: {  	_ =	shalt  }
0x50: {  	_ =	shalt  }
0x51: {  	_ =	shalt  }
0x52: {  	_ =	shalt  }
0x53: {  	_ =	shalt  }
0x54: {  	_ =	shalt  }
0x55: {  	_ =	shalt  }
0x56: {  	_ =	shalt  }
0x57: {  	_ =	shalt  }
0x58: {  	_ =	shalt  }
0x59: {  	_ =	shalt  }
0x5a: {  	_ =	shalt  }
0x5b: {  	_ =	shalt  }
0x5c: {  	_ =	shalt  }
0x5d: {  	_ =	shalt  }
0x5e: {  	_ =	shalt  }
0x5f: {  	_ =	shalt  }
0x60: {  	_ =	shalt  }
0x61: {  	_ =	shalt  }
0x62: {  	_ =	shalt  }
0x63: {  	_ =	shalt  }
0x64: {  	_ =	shalt  }
0x65: {  	_ =	shalt  }
0x66: {  	_ =	shalt  }
0x67: {  	_ =	shalt  }
0x68: {  	_ =	shalt  }
0x69: {  	_ =	shalt  }
0x6a: {  	_ =	shalt  }
0x6b: {  	_ =	shalt  }
0x6c: {  	_ =	shalt  }
0x6d: {  	_ =	shalt  }
0x6e: {  	_ =	shalt  }
0x6f: {  	_ =	shalt  }
0x70: {  	_ =	shalt  }
0x71: {  	_ =	shalt  }
0x72: {  	_ =	shalt  }
0x73: {  	_ =	shalt  }
0x74: {  	_ =	shalt  }
0x75: {  	_ =	shalt  }
0x76: {  	_ =	shalt  }
0x77: {  	_ =	shalt  }
0x78: {  	_ =	shalt  }
0x79: {  	_ =	shalt  }
0x7a: {  	_ =	shalt  }
0x7b: {  	_ =	shalt  }
0x7c: {  	_ =	shalt  }
0x7d: {  	_ =	shalt  }
0x7e: {  	_ =	shalt  }
0x7f: {  	_ =	shalt  }
0x80: {  	_ =	shalt  }
0x81: {  	_ =	shalt  }
0x82: {  	_ =	shalt  }
0x83: {  	_ =	shalt  }
0x84: {  	_ =	shalt  }
0x85: {  	_ =	shalt  }
0x86: {  	_ =	shalt  }
0x87: {  	_ =	shalt  }
.Lfunc_end0:
.L_simem_size_0:
called_computation.2_lowered:
.L_overlay_start_0:
0x88: {  	s2 =	sld [smem:$0x3FD9]  }
0x89: {  	s3 =	sld [smem:$0x3FFE];
	_ =	sdelay $0x1  }
0x8a: {  	s1 =	srdreg.scid  }
0x8b: {  	s0 =	sand.u32 $0x1, s1  }
0x8c: {  	s17 =	sshll.u32 s0, $0xA;
	s2 =	sadd.s32 s3, s2  }
0x8d: {  	s2 =	sadd.s32 s2, s17  }
0x8e: {  	[smem:$0x3FC2] =	sst s2  }
0x8f: {  	_ = 	snop  }
0x90: {  	s2 =	sld [smem:$0x3FD0];
	(tm) =	ssettm $0x1  }
0x91: {  	s18 =	sld [smem:$0x3FFB];
	_ =	sdelay $0x3  }
0x92: {  	_ =	strace s18  }
0x93: {  	s3 =	sld [smem:$0x3FFC];
	_ =	sdelay $0x3  }
0x94: {  	_ =	strace s3  }
0x95: {  	s3 =	sld [smem:$0x3FFD];
	_ =	sdelay $0x3  }
0x96: {  	_ =	strace s3  }
0x97: {  	_ =	strace $0x8FFFFFFF  }
0x98: {  	s19 =	sld [smem:$0x3FDB];
	_ =	sdelay $0x1  }
0x99: {  	s4 =	simm.s32 $_scs_section_size  }
0x9a: {  	s5 =	simm.s32 $_size__tile_overlayer_lowered;
	s6 =	simm.s32 $_tile_overlayer_lowered  }
0x9b: {  	s22 =	simm.s32 $0x1BFF;
	s21 =	sshll.u32 s6, $0x1;
	s3 =	sadd.s32 s4, s19  }
0x9c: {  	s7 =	simm.s32 $0x0;
	s20 =	sshll.u32 s5, $0x1;
	s5 =	sadd.s32 s21, s3  }
0x9d: {  	[timem:s7], [sflag:s22] =	dma.local [hbm:s5], s20  }
0x9e: {  	_ =	swait.ge [sflag:s22], s20  }
0x9f: {  	s4 =	ssub.s32 $0x0, s20;
	[sflag:s22] =	ssyncset.done $0x0  }
0xa0: {  	[sflag:s22] =	ssyncadd.s32 s4;
	_ =	sdelay $0x1  }
0xa1: {  	s23 =	simm.s32 $0x1B8B  }
0xa2: {  	_ =	swait.ge [sflag:s23], $0x1  }
0xa3: {  	[sflag:s23] =	ssyncset.done $0x0  }
0xa4: {  	s25 =	simm.s32 $0x1B8E;
	s24 =	sld [smem:$0x3FFE];
	[sflag:s23] =	ssyncadd.s32 $0xFFFFFFFF  }
0xa5: {  	s26 =	simm.s32 $execute0_lowered;
	[smem:$0x3FD2] =	sst s25  }
0xa6: {  	s5 =	sshll.u32 s26, $0x1;
	_ =	strace $0x80000049;
	[dreg:$0x1] =	wrdreg $0xFFFFFFFF  }
0xa7: {  	s28 =	simm.s32 $_size_execute0_lowered;
	s3 =	sadd.s32 s3, s5;
	[dreg:$0x0] =	wrdreg $0x0  }
0xa8: {  	s5 =	sshll.u32 s28, $0x1;
	[dreg:$0x2] =	wrdreg s3  }
0xa9: {  	[dreg:$0x3] =	wrdreg s5  }
0xaa: {  	[dreg:$0x4] =	wrdreg $0xC0  }
0xab: {  	_ =	task [dreg:s7], $0x5FFFF  }
0xac: {  	[dreg:$0x1] =	wrdreg $0xFFFFFFFF  }
0xad: {  	[dreg:$0x0] =	wrdreg $0x60  }
0xae: {  	[dreg:$0x2] =	wrdreg s24  }
0xaf: {  	[dreg:$0x3] =	wrdreg s2  }
0xb0: {  	[dreg:$0x4] =	wrdreg $0xA8000  }
0xb1: {  	[dreg:$0x5] =	wrdreg $0x148000  }
0xb2: {  	[dreg:$0x6] =	wrdreg $0xA  }
0xb3: {  	_ =	task.clear_ibuf [dreg:s7], $0x7FFFF;
	_ =	strace $0x90000049  }
0xb4: {  	s29 =	simm.s32 $0xA;
	_ =	strace $0x8000004B  }
0xb5: {  	_ =	swait.ge [sflag:s29], $0x1  }
0xb6: {  	[sflag:s29] =	ssyncadd.s32 $0xFFFFFFFF  }
0xb7: {  	_ =	strace $0x9000004B  }
0xb8: {  	_ =	sfence  }
0xb9: {  	s30 =	sld [smem:$0x0];
	_ =	sdelay $0x2  }
0xba: {  	s31 =	sshll.u32 s1, $0xD;
	s1 =	sshrl.u32 s1, $0x2  }
0xbb: {  	s3 =	sand.u32 $0x4000, s31;
	s1 =	sadd.s32 s1, s30  }
0xbc: {  	s0 =	sor.u32 s3, s0;
	s1 =	sshll.u32 s1, $0x11  }
0xbd: {  	s0 =	sor.u32 s1, s0  }
0xbe: {  	s0 =	sadd.s32 $0x8F2B, s0  }
0xbf: {  	[sflag:s0] =	ssyncadd.remote.s32 $0x1  }
0xc0: {  	_ =	sfence.sel $0xFFFF  }
0xc1: {  	[dreg:$0x0] =	wrdreg $0xFFFFFFFF;
	(pc) =	sbr.abs _section_cstart, $3  }
0xc2: {  	[dreg:$0x1] =	wrdreg $0xFFFFFFFF  }
0xc3: {  	_ =	task.clear_ibuf [dreg:s7], $0x2FFFF;
	_ =	strace $0x9FFFFFFF  }
0xc4: {  	(tm) =	ssettm $0x7FFFFFFF  }
0xc5: {  	_ =	shalt  }
tec
execute0_lowered:
.L_overlay_start_1:
0x0: {  	(tag) =	ssettag $0x1  }
0x1: {  	s0 =	rddreg [dreg:$0x0]  }
0x2: {  	s1 =	rddreg [dreg:$0x1]  }
0x3: {  	s2 =	rddreg [dreg:$0x2]  }
0x4: {  	s3 =	rddreg [dreg:$0x3]  }
0x5: {  	s12 =	stileid.u32;
	s6 =	srdreg.scid  }
0x6: {  	s4 =	simm.s32 $0x0;
	s15 =	simm.s32 $0x5;
	s17 =	simm.s32 $0x1400  }
0x7: {  	s18 =	simm.s32 $0x80;
	s19 =	simm.s32 $0x2800;
	s28 =	simm.s32 $0x3  }
0x8: {  	s29 =	simm.s32 $0x4;
	s30 =	simm.s32 $0x2600;
	s31 =	simm.s32 $0x2680  }
0x9: {  	s5 =	smul.u32 $0xA000, s12;
	s6 =	sand.u32 $0x1, s6;
	[smem:$0x7FF] =	sst s4  }
0xa: {  	s10 =	sadd.s32 $0x16800, s0;
	s9 =	sadd.s32 $0x20800, s0;
	s11 =	sshll.u32 s12, $0x1  }
0xb: {  	s23 =	sshll.u32 s12, $0x6;
	s8 =	smul.u32 $0xA0000, s6;
	_ =	strace $0x8000004A  }
0xc: {  	[dreg:$0x5] =	wrdreg s9;
	s20 =	ssub.s32 $0x2, s6;
	s6 =	sor.u32 s6, s11  }
0xd: {  	s7 =	sshrl.u32 s5, $0x3;
	s21 =	sshrl.u32 s20, $0x1;
	s22 =	smul.u32 $0x2800, s6  }
0xe: {  	s14 =	sadd.s32 s5, s2;
	s6 =	smul.u32 $0x500, s6;
	s7 =	sadd.s32 s7, s0  }
0xf: {  	s8 =	sadd.s32 s5, s8;
	s5 =	sadd.s32 s5, s3;
	s14 =	sshrl.u32 s14, $0x3  }
0x10: {  	s8 =	sshrl.u32 s8, $0x3;
	s7 =	sadd.s32 $0x2800, s7;
	s24 =	sshrl.u32 s22, $0x3  }
0x11: {  	s25 =	sadd.s32 s10, s6;
	s6 =	sadd.s32 s1, s6;
	s16 =	sshrl.u32 s5, $0x3  }
0x12: {  	s22 =	simm.s32 $0x6800;
	s5 =	simm.s32 $0x0;
	[dreg:$0x6] =	wrdreg s7  }
0x13: {  	s0 =	sadd.s32 s8, s0;
	s8 =	ssub.s32 s20, s21;
	[dreg:$0x7] =	wrdreg s25  }
0x14: {  	s7 =	sor.u32 $0x1C05, s23;
	[dreg:$0x8] =	wrdreg s6;
	s26 =	sadd.s32 $0x280, s24  }
0x15: {  	s20 =	simm.s32 $0x4800;
	s21 =	simm.s32 $0x100;
	s23 =	simm.s32 $0x180  }
0x16: {  	s24 =	simm.s32 $0x8800;
	s25 =	simm.s32 $0x1;
	s10 =	sadd.s32 s10, s26  }
0x17: {  	s11 =	sadd.s32 s1, s26;
	s12 =	sadd.s32 $0x21C00, s0;
	s13 =	smax.u32 s8, $0x1  }
0x18: {  	s26 =	simm.s32 $0x2;
	s1 =	simm.s32 $0x2700;
	s0 =	simm.s32 $0x2780  }
.LBB2_1:
0x19: {  	s6 =	rddreg [dreg:$0x6]  }
0x1a: {  	[spmem:s14], [sflag:s7] =	dma.local [hbm:s6], $0x1400  }
0x1b: {  	_ =	swait.ge [sflag:s15], $0x1400  }
0x1c: {  	[sflag:s15] =	ssyncset.done $0x0  }
0x1d: {  	s8 =	rddreg [dreg:$0x5];
	[sflag:s15] =	ssyncadd.s32 $0xFFFFEC00  }
0x1e: {  	[spmem:s16], [sflag:s7] =	dma.local [hbm:s8], $0x1400  }
0x1f: {  	_ =	swait.ge [sflag:s15], $0x1400  }
0x20: {  	[sflag:s15] =	ssyncset.done $0x0  }
0x21: {  	[sflag:s15] =	ssyncadd.s32 $0xFFFFEC00  }
0x22: {  	[bflag:$0x0] =	sbarrier.arrive $0xFFFF  }
0x23: {  	s9 =	rddreg [dreg:$0x7]  }
0x24: {  	[tilespmem:s4], [sflag:$0x5] =	stream.linear.gather [hbm4b:s9+s4], $0x1400, $0x38;
	[tilespmem:$0x1E800] =	vst v63  }
0x25: {  	_ =	swait.ge [sflag:s15], $0x1400  }
0x26: {  	[sflag:s15] =	ssyncset.done $0x0  }
0x27: {  	s8 =	rddreg [dreg:$0x8];
	[sflag:s15] =	ssyncadd.s32 $0xFFFFEC00  }
0x28: {  	[tilespmem:s17], [sflag:$0x5] =	stream.linear.gather [hbm4b:s8+s4], $0x1400, $0x38;
	[tilespmem:$0x1E800] =	vst v63  }
0x29: {  	_ =	swait.ge [sflag:s15], $0x1400  }
0x2a: {  	[sflag:s15] =	ssyncset.done $0x0  }
0x2b: {  	[sflag:s15] =	ssyncadd.s32 $0xFFFFEC00  }
0x2c: {  	[tilespmem:s19], [sflag:$0x1] =	stream.indirect.gather [spmem:s2], $0x40, s4, s18, $0xb8;
	[tilespmem:$0x1E800] =	vst v63  }
0x2d: {  	_ = 	snop  }
0x2e: {  	[tilespmem:s20], [sflag:$0x2] =	stream.indirect.gather [spmem:s2], $0x40, s18, s18, $0xb8;
	[tilespmem:$0x1E800] =	vst v63  }
0x2f: {  	_ = 	snop  }
0x30: {  	[tilespmem:s22], [sflag:$0x3] =	stream.indirect.gather [spmem:s2], $0x40, s21, s18, $0xb8;
	[tilespmem:$0x1E800] =	vst v63  }
0x31: {  	_ = 	snop  }
0x32: {  	[tilespmem:s24], [sflag:$0x4] =	stream.indirect.gather [spmem:s2], $0x40, s23, s18, $0xb8;
	[tilespmem:$0x1E800] =	vst v63  }
0x33: {  	_ =	swait.ge [sflag:s25], $0x2000  }
0x34: {  	[sflag:s25] =	ssyncset.done $0x0  }
0x35: {  	s9 =	simm.s32 $0x1400;
	[sflag:s25] =	ssyncadd.s32 $0xFFFFE000  }
0x36: {  	[spmem:s3] =	stream.indirect.scatter.add.f32 [tilespmem:s19], [sflag:$0x5], $0x40, s9, s18, $0xb8;
	[tilespmem:$0x1E800] =	vst v63  }
0x37: {  	_ =	swait.ge [sflag:s15], $0x2000  }
0x38: {  	[sflag:s15] =	ssyncset.done $0x0  }
0x39: {  	s8 =	simm.s32 $0x200;
	[sflag:s15] =	ssyncadd.s32 $0xFFFFE000  }
0x3a: {  	[tilespmem:s19], [sflag:$0x1] =	stream.indirect.gather [spmem:s2], $0x40, s8, s18, $0xb8;
	[tilespmem:$0x1E800] =	vst v63  }
0x3b: {  	_ =	swait.ge [sflag:s26], $0x2000  }
0x3c: {  	[sflag:s26] =	ssyncset.done $0x0  }
0x3d: {  	s9 =	simm.s32 $0x1480;
	[sflag:s26] =	ssyncadd.s32 $0xFFFFE000  }
0x3e: {  	[spmem:s3] =	stream.indirect.scatter.add.f32 [tilespmem:s20], [sflag:$0x5], $0x40, s9, s18, $0xb8;
	[tilespmem:$0x1E800] =	vst v63  }
0x3f: {  	_ =	swait.ge [sflag:s15], $0x2000  }
0x40: {  	[sflag:s15] =	ssyncset.done $0x0  }
0x41: {  	s8 =	simm.s32 $0x280;
	[sflag:s15] =	ssyncadd.s32 $0xFFFFE000  }
0x42: {  	[tilespmem:s20], [sflag:$0x2] =	stream.indirect.gather [spmem:s2], $0x40, s8, s18, $0xb8;
	[tilespmem:$0x1E800] =	vst v63  }
0x43: {  	_ =	swait.ge [sflag:s28], $0x2000  }
0x44: {  	[sflag:s28] =	ssyncset.done $0x0  }
0x45: {  	s9 =	simm.s32 $0x1500;
	[sflag:s28] =	ssyncadd.s32 $0xFFFFE000  }
0x46: {  	[spmem:s3] =	stream.indirect.scatter.add.f32 [tilespmem:s22], [sflag:$0x5], $0x40, s9, s18, $0xb8;
	[tilespmem:$0x1E800] =	vst v63  }
0x47: {  	_ =	swait.ge [sflag:s15], $0x2000  }
0x48: {  	[sflag:s15] =	ssyncset.done $0x0  }
0x49: {  	s8 =	simm.s32 $0x300;
	[sflag:s15] =	ssyncadd.s32 $0xFFFFE000  }
0x4a: {  	[tilespmem:s22], [sflag:$0x3] =	stream.indirect.gather [spmem:s2], $0x40, s8, s18, $0xb8;
	[tilespmem:$0x1E800] =	vst v63  }
0x4b: {  	_ =	swait.ge [sflag:s29], $0x2000  }
0x4c: {  	[sflag:s29] =	ssyncset.done $0x0  }
0x4d: {  	s9 =	simm.s32 $0x1580;
	[sflag:s29] =	ssyncadd.s32 $0xFFFFE000  }
0x4e: {  	[spmem:s3] =	stream.indirect.scatter.add.f32 [tilespmem:s24], [sflag:$0x5], $0x40, s9, s18, $0xb8;
	[tilespmem:$0x1E800] =	vst v63  }
0x4f: {  	_ =	swait.ge [sflag:s15], $0x2000  }
0x50: {  	[sflag:s15] =	ssyncset.done $0x0  }
0x51: {  	s6 =	simm.s32 $0x800;
	s8 =	simm.s32 $0x380;
	[sflag:s15] =	ssyncadd.s32 $0xFFFFE000  }
.LBB2_2:
0x52: {  	[tilespmem:s24], [sflag:$0x4] =	stream.indirect.gather [spmem:s2], $0x40, s8, s18, $0xb8;
	[tilespmem:$0x1E800] =	vst v63  }
0x53: {  	s8 =	smov.u32 s6  }
0x54: {  	p0 =	sne.s32 s6, $0x4000;
	s6 =	sadd.s32 $0x800, s6;
	_ =	swait.ge [sflag:s25], $0x2000  }
0x55: {  	s8 =	sshra.s32 s8, $0x2;
	[sflag:s25] =	ssyncset.done $0x0  }
0x56: {  	s9 =	sadd.s32 $0x1400, s8;
	[sflag:s25] =	ssyncadd.s32 $0xFFFFE000  }
0x57: {  	[spmem:s3] =	stream.indirect.scatter.add.f32 [tilespmem:s19], [sflag:$0x5], $0x40, s9, s18, $0xb8;
	[tilespmem:$0x1E800] =	vst v63  }
0x58: {  	_ =	swait.ge [sflag:s15], $0x2000  }
0x59: {  	[sflag:s15] =	ssyncset.done $0x0  }
0x5a: {  	s9 =	sadd.s32 $0x200, s8;
	[sflag:s15] =	ssyncadd.s32 $0xFFFFE000  }
0x5b: {  	[tilespmem:s19], [sflag:$0x1] =	stream.indirect.gather [spmem:s2], $0x40, s9, s18, $0xb8;
	[tilespmem:$0x1E800] =	vst v63  }
0x5c: {  	_ =	swait.ge [sflag:s26], $0x2000  }
0x5d: {  	[sflag:s26] =	ssyncset.done $0x0  }
0x5e: {  	s9 =	sadd.s32 $0x1480, s8;
	[sflag:s26] =	ssyncadd.s32 $0xFFFFE000  }
0x5f: {  	[spmem:s3] =	stream.indirect.scatter.add.f32 [tilespmem:s20], [sflag:$0x5], $0x40, s9, s18, $0xb8;
	[tilespmem:$0x1E800] =	vst v63  }
0x60: {  	_ =	swait.ge [sflag:s15], $0x2000  }
0x61: {  	[sflag:s15] =	ssyncset.done $0x0  }
0x62: {  	s9 =	sadd.s32 $0x280, s8;
	[sflag:s15] =	ssyncadd.s32 $0xFFFFE000  }
0x63: {  	[tilespmem:s20], [sflag:$0x2] =	stream.indirect.gather [spmem:s2], $0x40, s9, s18, $0xb8;
	[tilespmem:$0x1E800] =	vst v63  }
0x64: {  	_ =	swait.ge [sflag:s28], $0x2000  }
0x65: {  	[sflag:s28] =	ssyncset.done $0x0  }
0x66: {  	s9 =	sadd.s32 $0x1500, s8;
	[sflag:s28] =	ssyncadd.s32 $0xFFFFE000  }
0x67: {  	[spmem:s3] =	stream.indirect.scatter.add.f32 [tilespmem:s22], [sflag:$0x5], $0x40, s9, s18, $0xb8;
	[tilespmem:$0x1E800] =	vst v63  }
0x68: {  	_ =	swait.ge [sflag:s15], $0x2000  }
0x69: {  	[sflag:s15] =	ssyncset.done $0x0  }
0x6a: {  	s9 =	sadd.s32 $0x300, s8;
	[sflag:s15] =	ssyncadd.s32 $0xFFFFE000  }
0x6b: {  	[tilespmem:s22], [sflag:$0x3] =	stream.indirect.gather [spmem:s2], $0x40, s9, s18, $0xb8;
	[tilespmem:$0x1E800] =	vst v63  }
0x6c: {  	_ =	swait.ge [sflag:s29], $0x2000  }
0x6d: {  	[sflag:s29] =	ssyncset.done $0x0  }
.Ltmp0:
0x6e: {  	s9 =	sadd.s32 $0x1580, s8;
	[sflag:s29] =	ssyncadd.s32 $0xFFFFE000;
	(pc) =	sbr.rel @p0 .LBB2_2-.Ltmp0, $4  }
0x6f: {  	[spmem:s3] =	stream.indirect.scatter.add.f32 [tilespmem:s24], [sflag:$0x5], $0x40, s9, s18, $0xb8;
	[tilespmem:$0x1E800] =	vst v63  }
0x70: {  	_ =	swait.ge [sflag:s15], $0x2000  }
0x71: {  	[sflag:s15] =	ssyncset.done $0x0  }
0x72: {  	s8 =	sadd.s32 $0x380, s8;
	[sflag:s15] =	ssyncadd.s32 $0xFFFFE000  }
0x73: {  	[tilespmem:s24], [sflag:$0x4] =	stream.indirect.gather [spmem:s2], $0x40, s8, s18, $0xb8;
	[tilespmem:$0x1E800] =	vst v63  }
0x74: {  	_ =	swait.ge [sflag:s25], $0x2000  }
0x75: {  	[sflag:s25] =	ssyncset.done $0x0  }
0x76: {  	[sflag:s25] =	ssyncadd.s32 $0xFFFFE000  }
0x77: {  	[spmem:s3] =	stream.indirect.scatter.add.f32 [tilespmem:s19], [sflag:$0x5], $0x40, s30, s18, $0xb8;
	[tilespmem:$0x1E800] =	vst v63  }
0x78: {  	_ =	swait.ge [sflag:s15], $0x2000  }
0x79: {  	[sflag:s15] =	ssyncset.done $0x0  }
0x7a: {  	[sflag:s15] =	ssyncadd.s32 $0xFFFFE000  }
0x7b: {  	_ =	swait.ge [sflag:s26], $0x2000  }
0x7c: {  	[sflag:s26] =	ssyncset.done $0x0  }
0x7d: {  	[sflag:s26] =	ssyncadd.s32 $0xFFFFE000  }
0x7e: {  	[spmem:s3] =	stream.indirect.scatter.add.f32 [tilespmem:s20], [sflag:$0x5], $0x40, s31, s18, $0xb8;
	[tilespmem:$0x1E800] =	vst v63  }
0x7f: {  	_ =	swait.ge [sflag:s15], $0x2000  }
0x80: {  	[sflag:s15] =	ssyncset.done $0x0  }
0x81: {  	[sflag:s15] =	ssyncadd.s32 $0xFFFFE000  }
0x82: {  	_ =	swait.ge [sflag:s28], $0x2000  }
0x83: {  	[sflag:s28] =	ssyncset.done $0x0  }
0x84: {  	[sflag:s28] =	ssyncadd.s32 $0xFFFFE000  }
0x85: {  	[spmem:s3] =	stream.indirect.scatter.add.f32 [tilespmem:s22], [sflag:$0x5], $0x40, s1, s18, $0xb8;
	[tilespmem:$0x1E800] =	vst v63  }
0x86: {  	_ =	swait.ge [sflag:s15], $0x2000  }
0x87: {  	[sflag:s15] =	ssyncset.done $0x0  }
0x88: {  	[sflag:s15] =	ssyncadd.s32 $0xFFFFE000  }
0x89: {  	_ =	swait.ge [sflag:s29], $0x2000  }
0x8a: {  	[sflag:s29] =	ssyncset.done $0x0  }
0x8b: {  	[sflag:s29] =	ssyncadd.s32 $0xFFFFE000  }
0x8c: {  	[spmem:s3] =	stream.indirect.scatter.add.f32 [tilespmem:s24], [sflag:$0x5], $0x40, s0, s18, $0xb8;
	[tilespmem:$0x1E800] =	vst v63  }
0x8d: {  	_ =	swait.ge [sflag:s15], $0x2000  }
0x8e: {  	[sflag:s15] =	ssyncset.done $0x0  }
0x8f: {  	s6 =	simm.s32 $0x0;
	[sflag:s15] =	ssyncadd.s32 $0xFFFFE000  }
0x90: {  	[tilespmem:s6], [sflag:$0x5] =	stream.linear.gather [hbm4b:s10+s6], $0x1400, $0x38;
	[tilespmem:$0x1E800] =	vst v63  }
0x91: {  	_ =	swait.ge [sflag:s15], $0x1400  }
0x92: {  	[sflag:s15] =	ssyncset.done $0x0  }
0x93: {  	[sflag:s15] =	ssyncadd.s32 $0xFFFFEC00  }
0x94: {  	[tilespmem:s17], [sflag:$0x5] =	stream.linear.gather [hbm4b:s11+s6], $0x1400, $0x38;
	[tilespmem:$0x1E800] =	vst v63  }
0x95: {  	_ =	swait.ge [sflag:s15], $0x1400  }
0x96: {  	[sflag:s15] =	ssyncset.done $0x0  }
0x97: {  	[sflag:s15] =	ssyncadd.s32 $0xFFFFEC00  }
0x98: {  	[tilespmem:s19], [sflag:$0x1] =	stream.indirect.gather [spmem:s2], $0x40, s6, s18, $0xb8;
	[tilespmem:$0x1E800] =	vst v63  }
0x99: {  	_ = 	snop  }
0x9a: {  	[tilespmem:s20], [sflag:$0x2] =	stream.indirect.gather [spmem:s2], $0x40, s18, s18, $0xb8;
	[tilespmem:$0x1E800] =	vst v63  }
0x9b: {  	_ = 	snop  }
0x9c: {  	[tilespmem:s22], [sflag:$0x3] =	stream.indirect.gather [spmem:s2], $0x40, s21, s18, $0xb8;
	[tilespmem:$0x1E800] =	vst v63  }
0x9d: {  	_ = 	snop  }
0x9e: {  	[tilespmem:s24], [sflag:$0x4] =	stream.indirect.gather [spmem:s2], $0x40, s23, s18, $0xb8;
	[tilespmem:$0x1E800] =	vst v63  }
0x9f: {  	_ =	swait.ge [sflag:s25], $0x2000  }
0xa0: {  	[sflag:s25] =	ssyncset.done $0x0  }
0xa1: {  	s9 =	simm.s32 $0x1400;
	[sflag:s25] =	ssyncadd.s32 $0xFFFFE000  }
0xa2: {  	[spmem:s3] =	stream.indirect.scatter.add.f32 [tilespmem:s19], [sflag:$0x5], $0x40, s9, s18, $0xb8;
	[tilespmem:$0x1E800] =	vst v63  }
0xa3: {  	_ =	swait.ge [sflag:s15], $0x2000  }
0xa4: {  	[sflag:s15] =	ssyncset.done $0x0  }
0xa5: {  	s8 =	simm.s32 $0x200;
	[sflag:s15] =	ssyncadd.s32 $0xFFFFE000  }
0xa6: {  	[tilespmem:s19], [sflag:$0x1] =	stream.indirect.gather [spmem:s2], $0x40, s8, s18, $0xb8;
	[tilespmem:$0x1E800] =	vst v63  }
0xa7: {  	_ =	swait.ge [sflag:s26], $0x2000  }
0xa8: {  	[sflag:s26] =	ssyncset.done $0x0  }
0xa9: {  	s9 =	simm.s32 $0x1480;
	[sflag:s26] =	ssyncadd.s32 $0xFFFFE000  }
0xaa: {  	[spmem:s3] =	stream.indirect.scatter.add.f32 [tilespmem:s20], [sflag:$0x5], $0x40, s9, s18, $0xb8;
	[tilespmem:$0x1E800] =	vst v63  }
0xab: {  	_ =	swait.ge [sflag:s15], $0x2000  }
0xac: {  	[sflag:s15] =	ssyncset.done $0x0  }
0xad: {  	s8 =	simm.s32 $0x280;
	[sflag:s15] =	ssyncadd.s32 $0xFFFFE000  }
0xae: {  	[tilespmem:s20], [sflag:$0x2] =	stream.indirect.gather [spmem:s2], $0x40, s8, s18, $0xb8;
	[tilespmem:$0x1E800] =	vst v63  }
0xaf: {  	_ =	swait.ge [sflag:s28], $0x2000  }
0xb0: {  	[sflag:s28] =	ssyncset.done $0x0  }
0xb1: {  	s9 =	simm.s32 $0x1500;
	[sflag:s28] =	ssyncadd.s32 $0xFFFFE000  }
0xb2: {  	[spmem:s3] =	stream.indirect.scatter.add.f32 [tilespmem:s22], [sflag:$0x5], $0x40, s9, s18, $0xb8;
	[tilespmem:$0x1E800] =	vst v63  }
0xb3: {  	_ =	swait.ge [sflag:s15], $0x2000  }
0xb4: {  	[sflag:s15] =	ssyncset.done $0x0  }
0xb5: {  	s8 =	simm.s32 $0x300;
	[sflag:s15] =	ssyncadd.s32 $0xFFFFE000  }
0xb6: {  	[tilespmem:s22], [sflag:$0x3] =	stream.indirect.gather [spmem:s2], $0x40, s8, s18, $0xb8;
	[tilespmem:$0x1E800] =	vst v63  }
0xb7: {  	_ =	swait.ge [sflag:s29], $0x2000  }
0xb8: {  	[sflag:s29] =	ssyncset.done $0x0  }
0xb9: {  	s9 =	simm.s32 $0x1580;
	[sflag:s29] =	ssyncadd.s32 $0xFFFFE000  }
0xba: {  	[spmem:s3] =	stream.indirect.scatter.add.f32 [tilespmem:s24], [sflag:$0x5], $0x40, s9, s18, $0xb8;
	[tilespmem:$0x1E800] =	vst v63  }
0xbb: {  	_ =	swait.ge [sflag:s15], $0x2000  }
0xbc: {  	[sflag:s15] =	ssyncset.done $0x0  }
0xbd: {  	s6 =	simm.s32 $0x800;
	s8 =	simm.s32 $0x380;
	[sflag:s15] =	ssyncadd.s32 $0xFFFFE000  }
.LBB2_4:
0xbe: {  	[tilespmem:s24], [sflag:$0x4] =	stream.indirect.gather [spmem:s2], $0x40, s8, s18, $0xb8;
	[tilespmem:$0x1E800] =	vst v63  }
0xbf: {  	s8 =	smov.u32 s6  }
0xc0: {  	p0 =	sne.s32 s6, $0x4000;
	s6 =	sadd.s32 $0x800, s6;
	_ =	swait.ge [sflag:s25], $0x2000  }
0xc1: {  	s8 =	sshra.s32 s8, $0x2;
	[sflag:s25] =	ssyncset.done $0x0  }
0xc2: {  	s9 =	sadd.s32 $0x1400, s8;
	[sflag:s25] =	ssyncadd.s32 $0xFFFFE000  }
0xc3: {  	[spmem:s3] =	stream.indirect.scatter.add.f32 [tilespmem:s19], [sflag:$0x5], $0x40, s9, s18, $0xb8;
	[tilespmem:$0x1E800] =	vst v63  }
0xc4: {  	_ =	swait.ge [sflag:s15], $0x2000  }
0xc5: {  	[sflag:s15] =	ssyncset.done $0x0  }
0xc6: {  	s9 =	sadd.s32 $0x200, s8;
	[sflag:s15] =	ssyncadd.s32 $0xFFFFE000  }
0xc7: {  	[tilespmem:s19], [sflag:$0x1] =	stream.indirect.gather [spmem:s2], $0x40, s9, s18, $0xb8;
	[tilespmem:$0x1E800] =	vst v63  }
0xc8: {  	_ =	swait.ge [sflag:s26], $0x2000  }
0xc9: {  	[sflag:s26] =	ssyncset.done $0x0  }
0xca: {  	s9 =	sadd.s32 $0x1480, s8;
	[sflag:s26] =	ssyncadd.s32 $0xFFFFE000  }
0xcb: {  	[spmem:s3] =	stream.indirect.scatter.add.f32 [tilespmem:s20], [sflag:$0x5], $0x40, s9, s18, $0xb8;
	[tilespmem:$0x1E800] =	vst v63  }
0xcc: {  	_ =	swait.ge [sflag:s15], $0x2000  }
0xcd: {  	[sflag:s15] =	ssyncset.done $0x0  }
0xce: {  	s9 =	sadd.s32 $0x280, s8;
	[sflag:s15] =	ssyncadd.s32 $0xFFFFE000  }
0xcf: {  	[tilespmem:s20], [sflag:$0x2] =	stream.indirect.gather [spmem:s2], $0x40, s9, s18, $0xb8;
	[tilespmem:$0x1E800] =	vst v63  }
0xd0: {  	_ =	swait.ge [sflag:s28], $0x2000  }
0xd1: {  	[sflag:s28] =	ssyncset.done $0x0  }
0xd2: {  	s9 =	sadd.s32 $0x1500, s8;
	[sflag:s28] =	ssyncadd.s32 $0xFFFFE000  }
0xd3: {  	[spmem:s3] =	stream.indirect.scatter.add.f32 [tilespmem:s22], [sflag:$0x5], $0x40, s9, s18, $0xb8;
	[tilespmem:$0x1E800] =	vst v63  }
0xd4: {  	_ =	swait.ge [sflag:s15], $0x2000  }
0xd5: {  	[sflag:s15] =	ssyncset.done $0x0  }
0xd6: {  	s9 =	sadd.s32 $0x300, s8;
	[sflag:s15] =	ssyncadd.s32 $0xFFFFE000  }
0xd7: {  	[tilespmem:s22], [sflag:$0x3] =	stream.indirect.gather [spmem:s2], $0x40, s9, s18, $0xb8;
	[tilespmem:$0x1E800] =	vst v63  }
0xd8: {  	_ =	swait.ge [sflag:s29], $0x2000  }
0xd9: {  	[sflag:s29] =	ssyncset.done $0x0  }
.Ltmp1:
0xda: {  	s9 =	sadd.s32 $0x1580, s8;
	[sflag:s29] =	ssyncadd.s32 $0xFFFFE000;
	(pc) =	sbr.rel @p0 .LBB2_4-.Ltmp1, $4  }
0xdb: {  	[spmem:s3] =	stream.indirect.scatter.add.f32 [tilespmem:s24], [sflag:$0x5], $0x40, s9, s18, $0xb8;
	[tilespmem:$0x1E800] =	vst v63  }
0xdc: {  	_ =	swait.ge [sflag:s15], $0x2000  }
0xdd: {  	[sflag:s15] =	ssyncset.done $0x0  }
0xde: {  	s8 =	sadd.s32 $0x380, s8;
	[sflag:s15] =	ssyncadd.s32 $0xFFFFE000  }
0xdf: {  	[tilespmem:s24], [sflag:$0x4] =	stream.indirect.gather [spmem:s2], $0x40, s8, s18, $0xb8;
	[tilespmem:$0x1E800] =	vst v63  }
0xe0: {  	_ =	swait.ge [sflag:s25], $0x2000  }
0xe1: {  	[sflag:s25] =	ssyncset.done $0x0  }
0xe2: {  	[sflag:s25] =	ssyncadd.s32 $0xFFFFE000  }
0xe3: {  	[spmem:s3] =	stream.indirect.scatter.add.f32 [tilespmem:s19], [sflag:$0x5], $0x40, s30, s18, $0xb8;
	[tilespmem:$0x1E800] =	vst v63  }
0xe4: {  	_ =	swait.ge [sflag:s15], $0x2000  }
0xe5: {  	[sflag:s15] =	ssyncset.done $0x0  }
0xe6: {  	[sflag:s15] =	ssyncadd.s32 $0xFFFFE000  }
0xe7: {  	_ =	swait.ge [sflag:s26], $0x2000  }
0xe8: {  	[sflag:s26] =	ssyncset.done $0x0  }
0xe9: {  	[sflag:s26] =	ssyncadd.s32 $0xFFFFE000  }
0xea: {  	[spmem:s3] =	stream.indirect.scatter.add.f32 [tilespmem:s20], [sflag:$0x5], $0x40, s31, s18, $0xb8;
	[tilespmem:$0x1E800] =	vst v63  }
0xeb: {  	_ =	swait.ge [sflag:s15], $0x2000  }
0xec: {  	[sflag:s15] =	ssyncset.done $0x0  }
0xed: {  	[sflag:s15] =	ssyncadd.s32 $0xFFFFE000  }
0xee: {  	_ =	swait.ge [sflag:s28], $0x2000  }
0xef: {  	[sflag:s28] =	ssyncset.done $0x0  }
0xf0: {  	[sflag:s28] =	ssyncadd.s32 $0xFFFFE000  }
0xf1: {  	[spmem:s3] =	stream.indirect.scatter.add.f32 [tilespmem:s22], [sflag:$0x5], $0x40, s1, s18, $0xb8;
	[tilespmem:$0x1E800] =	vst v63  }
0xf2: {  	_ =	swait.ge [sflag:s15], $0x2000  }
0xf3: {  	[sflag:s15] =	ssyncset.done $0x0  }
0xf4: {  	[sflag:s15] =	ssyncadd.s32 $0xFFFFE000  }
0xf5: {  	_ =	swait.ge [sflag:s29], $0x2000  }
0xf6: {  	[sflag:s29] =	ssyncset.done $0x0  }
0xf7: {  	[sflag:s29] =	ssyncadd.s32 $0xFFFFE000  }
0xf8: {  	[spmem:s3] =	stream.indirect.scatter.add.f32 [tilespmem:s24], [sflag:$0x5], $0x40, s0, s18, $0xb8;
	[tilespmem:$0x1E800] =	vst v63  }
0xf9: {  	_ =	swait.ge [sflag:s15], $0x2000  }
0xfa: {  	s5 =	sadd.s32 $0x1, s5;
	[sflag:s15] =	ssyncset.done $0x0  }
0xfb: {  	p0 =	sne.s32 s5, s13;
	[sflag:s15] =	ssyncadd.s32 $0xFFFFE000  }
.Ltmp2:
0xfc: {  	[bflag:$0x0] =	sbarrier.arrive $0xFFFF;
	(pc) =	sbr.rel @p0 .LBB2_1-.Ltmp2, $4  }
0xfd: {  	[hbm:s12], [sflag:s7] =	dma.local [spmem:s16], $0x1400  }
0xfe: {  	_ =	swait.ge [sflag:s15], $0x1400  }
0xff: {  	[sflag:s15] =	ssyncset.done $0x0  }
0x100: {  	[sflag:s15] =	ssyncadd.s32 $0xFFFFEC00  }
0x101: {  	_ =	sfence.sel $0x180000  }
0x102: {  	[bflag:$0x0] =	sbarrier.arrive $0xFFFF  }
0x103: {  	_ =	strace $0x9000004A  }
0x104: {  	s0 =	stileid.u32;
	[bflag:$0x2] =	sbarrier.arrive $0xFFFF  }
0x105: {  	p0 =	sne.s32 s0, $0x0;
	s0 =	rddreg [dreg:$0x4]  }
0x106: {  	s0 =	sadd.s32 @!p0 $0x100000, s0  }
0x107: {  	[sflag:s0] =	ssyncadd.tile.s32 @!p0 $0x1;
	_ =	shalt  }
.Lfunc_end2:
_tile_overlayer_lowered:
.L_overlay_start_2:
0x108: {  	(tag) =	ssettag $0x2  }
0x109: {  	s0 =	rddreg [dreg:$0x0];
	s2 =	stileid.u32  }
0x10a: {  	s1 =	rddreg [dreg:$0x1];
	p0 =	sne.s32 s2, $0x0  }
0x10b: {  	s3 =	rddreg [dreg:$0x2];
	[bflag:$0x3] =	sbarrier.arrive $0xFFFF;
	s2 =	simm.s32 @!p0 $0x1C05  }
0x10c: {  	[timem:s3], [sflag:s2] =	dma.local @!p0 [hbm:s0], s1  }
0x10d: {  	s0 =	simm.s32 @!p0 $0x5  }
0x10e: {  	_ =	swait.ge @!p0 [sflag:s0], s1  }
0x10f: {  	s1 =	ssub.s32 @!p0 $0x0, s1;
	[sflag:s0] =	ssyncset.done @!p0 $0x0  }
0x110: {  	[sflag:s0] =	ssyncadd.s32 @!p0 s1  }
0x111: {  	[bflag:$0x3] =	sbarrier.arrive $0xFFFF  }
0x112: {  	_ =	shalt  }

// kernel: kernel.18.cloned.1.call-start
scs
__scs_entry_jumppad:
0x0: {  	(pc) =	sbr.rel $0x88, $3  }
0x1: {  	(tag) =	ssettag $0x0;
	lr =	simm.s32 $0x1  }
0x2: {  	[smem:$0x3F9B] =	sst lr;
	_ =	strace $0xD0000000  }
0x3: {  	_ = 	snop  }
0x4: {  	_ = 	snop  }
0x5: {  	_ = 	snop  }
0x6: {  	_ = 	snop  }
0x7: {  	_ = 	snop  }
__scs_overlays_trampoline_lowered:
0x8: {  	[smem:$0x3FAA] =	sst s0  }
0x9: {  	[smem:$0x3FAB] =	sst s1  }
0xa: {  	[smem:$0x3FAC] =	sst s2  }
0xb: {  	[smem:$0x3FAD] =	sst s3  }
0xc: {  	[smem:$0x3FAE] =	sst s4  }
0xd: {  	[smem:$0x3FAF] =	sst s5  }
0xe: {  	[smem:$0x3FB0] =	sst s6  }
0xf: {  	[smem:$0x3FB1] =	sst s7  }
0x10: {  	[smem:$0x3FB2] =	sst s8  }
0x11: {  	[smem:$0x3FB3] =	sst s9;
	s0 =	simm.s32 @!p0 $0x0  }
0x12: {  	s1 =	sld [smem:$0x3F99];
	s0 =	simm.s32 @p0 $0x1  }
0x13: {  	[smem:$0x3FB4] =	sst s0;
	s0 =	simm.s32 @!p1 $0x0  }
0x14: {  	s2 =	sld [smem:$0x3F98];
	s0 =	simm.s32 @p1 $0x1  }
0x15: {  	[smem:$0x3FB5] =	sst s0;
	s0 =	simm.s32 @!p2 $0x0  }
0x16: {  	s3 =	sld [smem:$0x3FDB];
	s0 =	simm.s32 @p2 $0x1  }
0x17: {  	s4 =	simm.s32 $0x1BF5;
	[smem:$0x3FB7] =	sst s0  }
0x18: {  	s0 =	sld [smem:$0x3F9A];
	_ =	swait.ge [sflag:s4], $0x0  }
0x19: {  	s7 =	sld [smem:$0x3F9B]  }
0x1a: {  	s8 =	sadd.s32 $0xFFFFE003, lr  }
0x1b: {  	s9 =	sadd.s32 $0xFFFFFEF7, lr;
	s5 =	simm.s32 $0xFFFFFFFF;
	p2 =	slt.u32 s8, $0xFFFFF086  }
0x1c: {  	p1 =	slt.u32 s9, $0xF7A;
	s5 =	simm.s32 @!p2 $0x0  }
0x1d: {  	s5 =	simm.s32 @p1 $0x1;
	p0 =	seq.s32 s7, s2  }
0x1e: {  	s7 =	smul.u32 @!p0 $0xF7A, s2;
	p2 =	seq.s32 @!p0 s5, $0x0  }
0x1f: {  	s9 =	smul.u32 $0xF7A, s1;
	s8 =	simm.s32 @!p0 $0x1BF5;
	p2 =	por !p2, p0  }
0x20: {  	[sflag:s8] =	ssyncset.s32 @!p0 $0xFFFFF086;
	s6 =	sadd.s32 @!p0 s3, s7;
	s7 =	simm.s32 @!p0 $0x108  }
0x21: {  	s3 =	sadd.s32 s3, s9;
	s6 =	sadd.s32 @!p0 $0x88, s6;
	s7 =	simm.s32 @p2 $0x1082  }
0x22: {  	[simem:s7], [sflag:s8] =	dma.local @!p0 [hbm:s6], $0xF7A  }
0x23: {  	s9 =	sor.u32 $0xD0000000, s2;
	s6 =	simm.s32 $0x108;
	_ =	swait.ge @!p0 [sflag:s8], $0x0  }
0x24: {  	s3 =	sadd.s32 $0x88, s3;
	s6 =	simm.s32 @!p1 $0x1082;
	[sflag:s4] =	ssyncset.s32 $0xFFFFF086  }
0x25: {  	[simem:s6], [sflag:s4] =	dma.local [hbm:s3], $0xF7A  }
0x26: {  	[smem:$0x3F9B] =	sst s1;
	(tag) =	ssettag s2;
	_ =	strace s9  }
0x27: {  	s1 =	sld [smem:$0x3FAB]  }
0x28: {  	s2 =	sld [smem:$0x3FAC]  }
0x29: {  	s4 =	sld [smem:$0x3FAE]  }
0x2a: {  	p0 =	seq.s32 s5, $0x0;
	s5 =	sld [smem:$0x3FAF]  }
0x2b: {  	s6 =	sld [smem:$0x3FB0]  }
0x2c: {  	s7 =	sld [smem:$0x3FB1]  }
0x2d: {  	s3 =	simm.s32 $0x108;
	s8 =	sld [smem:$0x3FB2]  }
0x2e: {  	s3 =	simm.s32 @!p0 $0x1082;
	s9 =	sld [smem:$0x3FB3]  }
0x2f: {  	lr =	sadd.s32 s0, s3;
	s0 =	sld [smem:$0x3FAA]  }
0x30: {  	s3 =	sld [smem:$0x3FAD]  }
0x31: {  	[smem:$0x3FB6] =	sst s10  }
0x32: {  	s10 =	sld [smem:$0x3FB4];
	_ =	sdelay $0x3  }
0x33: {  	p0 =	seq.s32 s10, $0x1;
	s10 =	sld [smem:$0x3FB6];
	_ =	sdelay $0x3  }
0x34: {  	[smem:$0x3FB6] =	sst s10  }
0x35: {  	s10 =	sld [smem:$0x3FB5];
	_ =	sdelay $0x3  }
0x36: {  	p1 =	seq.s32 s10, $0x1;
	s10 =	sld [smem:$0x3FB6];
	_ =	sdelay $0x3  }
0x37: {  	[smem:$0x3FB6] =	sst s10  }
0x38: {  	s10 =	sld [smem:$0x3FB7]  }
0x39: {  	_ = 	snop;
	(pc) =	sbr.ind lr, $3  }
0x3a: {  	_ = 	snop  }
0x3b: {  	_ = 	snop  }
0x3c: {  	p2 =	seq.s32 s10, $0x1;
	s10 =	sld [smem:$0x3FB6]  }
0x3d: {  	_ =	shalt  }
0x3e: {  	_ =	shalt  }
0x3f: {  	_ =	shalt  }
0x40: {  	_ =	shalt  }
0x41: {  	_ =	shalt  }
0x42: {  	_ =	shalt  }
0x43: {  	_ =	shalt  }
0x44: {  	_ =	shalt  }
0x45: {  	_ =	shalt  }
0x46: {  	_ =	shalt  }
0x47: {  	_ =	shalt  }
0x48: {  	_ =	shalt  }
0x49: {  	_ =	shalt  }
0x4a: {  	_ =	shalt  }
0x4b: {  	_ =	shalt  }
0x4c: {  	_ =	shalt  }
0x4d: {  	_ =	shalt  }
0x4e: {  	_ =	shalt  }
0x4f: {  	_ =	shalt  }
0x50: {  	_ =	shalt  }
0x51: {  	_ =	shalt  }
0x52: {  	_ =	shalt  }
0x53: {  	_ =	shalt  }
0x54: {  	_ =	shalt  }
0x55: {  	_ =	shalt  }
0x56: {  	_ =	shalt  }
0x57: {  	_ =	shalt  }
0x58: {  	_ =	shalt  }
0x59: {  	_ =	shalt  }
0x5a: {  	_ =	shalt  }
0x5b: {  	_ =	shalt  }
0x5c: {  	_ =	shalt  }
0x5d: {  	_ =	shalt  }
0x5e: {  	_ =	shalt  }
0x5f: {  	_ =	shalt  }
0x60: {  	_ =	shalt  }
0x61: {  	_ =	shalt  }
0x62: {  	_ =	shalt  }
0x63: {  	_ =	shalt  }
0x64: {  	_ =	shalt  }
0x65: {  	_ =	shalt  }
0x66: {  	_ =	shalt  }
0x67: {  	_ =	shalt  }
0x68: {  	_ =	shalt  }
0x69: {  	_ =	shalt  }
0x6a: {  	_ =	shalt  }
0x6b: {  	_ =	shalt  }
0x6c: {  	_ =	shalt  }
0x6d: {  	_ =	shalt  }
0x6e: {  	_ =	shalt  }
0x6f: {  	_ =	shalt  }
0x70: {  	_ =	shalt  }
0x71: {  	_ =	shalt  }
0x72: {  	_ =	shalt  }
0x73: {  	_ =	shalt  }
0x74: {  	_ =	shalt  }
0x75: {  	_ =	shalt  }
0x76: {  	_ =	shalt  }
0x77: {  	_ =	shalt  }
0x78: {  	_ =	shalt  }
0x79: {  	_ =	shalt  }
0x7a: {  	_ =	shalt  }
0x7b: {  	_ =	shalt  }
0x7c: {  	_ =	shalt  }
0x7d: {  	_ =	shalt  }
0x7e: {  	_ =	shalt  }
0x7f: {  	_ =	shalt  }
0x80: {  	_ =	shalt  }
0x81: {  	_ =	shalt  }
0x82: {  	_ =	shalt  }
0x83: {  	_ =	shalt  }
0x84: {  	_ =	shalt  }
0x85: {  	_ =	shalt  }
0x86: {  	_ =	shalt  }
0x87: {  	_ =	shalt  }
.Lfunc_end0:
.L_simem_size_0:
called_computation.3_lowered:
.L_overlay_start_0:
0x88: {  	s2 =	sld [smem:$0x3FD9]  }
0x89: {  	s3 =	sld [smem:$0x3FFE];
	_ =	sdelay $0x1  }
0x8a: {  	s1 =	srdreg.scid  }
0x8b: {  	s0 =	sand.u32 $0x1, s1  }
0x8c: {  	s17 =	sshll.u32 s0, $0xA;
	s2 =	sadd.s32 s3, s2  }
0x8d: {  	s2 =	sadd.s32 s2, s17  }
0x8e: {  	[smem:$0x3FC2] =	sst s2  }
0x8f: {  	_ = 	snop  }
0x90: {  	s2 =	sld [smem:$0x3FD0];
	(tm) =	ssettm $0x1  }
0x91: {  	s18 =	sld [smem:$0x3FFB];
	_ =	sdelay $0x3  }
0x92: {  	_ =	strace s18  }
0x93: {  	s3 =	sld [smem:$0x3FFC];
	_ =	sdelay $0x3  }
0x94: {  	_ =	strace s3  }
0x95: {  	s3 =	sld [smem:$0x3FFD];
	_ =	sdelay $0x3  }
0x96: {  	_ =	strace s3  }
0x97: {  	_ =	strace $0x8FFFFFFF  }
0x98: {  	s19 =	sld [smem:$0x3FDB];
	_ =	sdelay $0x1  }
0x99: {  	s4 =	simm.s32 $_scs_section_size  }
0x9a: {  	s5 =	simm.s32 $_size__tile_overlayer_lowered;
	s6 =	simm.s32 $_tile_overlayer_lowered  }
0x9b: {  	s22 =	simm.s32 $0x1BFF;
	s21 =	sshll.u32 s6, $0x1;
	s3 =	sadd.s32 s4, s19  }
0x9c: {  	s7 =	simm.s32 $0x0;
	s20 =	sshll.u32 s5, $0x1;
	s5 =	sadd.s32 s21, s3  }
0x9d: {  	[timem:s7], [sflag:s22] =	dma.local [hbm:s5], s20  }
0x9e: {  	_ =	swait.ge [sflag:s22], s20  }
0x9f: {  	s4 =	ssub.s32 $0x0, s20;
	[sflag:s22] =	ssyncset.done $0x0  }
0xa0: {  	[sflag:s22] =	ssyncadd.s32 s4;
	_ =	sdelay $0x1  }
0xa1: {  	s23 =	simm.s32 $0x1B8B  }
0xa2: {  	_ =	swait.ge [sflag:s23], $0x1  }
0xa3: {  	[sflag:s23] =	ssyncset.done $0x0  }
0xa4: {  	s25 =	simm.s32 $0x1B8E;
	s24 =	sld [smem:$0x3FFE];
	[sflag:s23] =	ssyncadd.s32 $0xFFFFFFFF  }
0xa5: {  	s26 =	simm.s32 $execute0_lowered;
	[smem:$0x3FD2] =	sst s25  }
0xa6: {  	s5 =	sshll.u32 s26, $0x1;
	_ =	strace $0x8000004F;
	[dreg:$0x1] =	wrdreg $0xFFFFFFFF  }
0xa7: {  	s28 =	simm.s32 $_size_execute0_lowered;
	s3 =	sadd.s32 s3, s5;
	[dreg:$0x0] =	wrdreg $0x0  }
0xa8: {  	s5 =	sshll.u32 s28, $0x1;
	[dreg:$0x2] =	wrdreg s3  }
0xa9: {  	[dreg:$0x3] =	wrdreg s5  }
0xaa: {  	[dreg:$0x4] =	wrdreg $0xC0  }
0xab: {  	_ =	task [dreg:s7], $0x5FFFF  }
0xac: {  	[dreg:$0x1] =	wrdreg $0xFFFFFFFF  }
0xad: {  	[dreg:$0x0] =	wrdreg $0x60  }
0xae: {  	[dreg:$0x2] =	wrdreg s24  }
0xaf: {  	[dreg:$0x3] =	wrdreg s2  }
0xb0: {  	[dreg:$0x4] =	wrdreg $0xA8000  }
0xb1: {  	[dreg:$0x5] =	wrdreg $0x148000  }
0xb2: {  	[dreg:$0x6] =	wrdreg $0x9  }
0xb3: {  	_ =	task.clear_ibuf [dreg:s7], $0x7FFFF;
	_ =	strace $0x9000004F  }
0xb4: {  	s29 =	simm.s32 $0x9;
	_ =	strace $0x80000051  }
0xb5: {  	_ =	swait.ge [sflag:s29], $0x1  }
0xb6: {  	[sflag:s29] =	ssyncadd.s32 $0xFFFFFFFF  }
0xb7: {  	_ =	strace $0x90000051  }
0xb8: {  	_ =	sfence  }
0xb9: {  	s30 =	sld [smem:$0x0];
	_ =	sdelay $0x2  }
0xba: {  	s31 =	sshll.u32 s1, $0xD;
	s1 =	sshrl.u32 s1, $0x2  }
0xbb: {  	s3 =	sand.u32 $0x4000, s31;
	s1 =	sadd.s32 s1, s30  }
0xbc: {  	s0 =	sor.u32 s3, s0;
	s1 =	sshll.u32 s1, $0x11  }
0xbd: {  	s0 =	sor.u32 s1, s0  }
0xbe: {  	s0 =	sadd.s32 $0x8F2B, s0  }
0xbf: {  	[sflag:s0] =	ssyncadd.remote.s32 $0x1  }
0xc0: {  	_ =	sfence.sel $0xFFFF  }
0xc1: {  	[dreg:$0x0] =	wrdreg $0xFFFFFFFF;
	(pc) =	sbr.abs _section_cstart, $3  }
0xc2: {  	[dreg:$0x1] =	wrdreg $0xFFFFFFFF  }
0xc3: {  	_ =	task.clear_ibuf [dreg:s7], $0x2FFFF;
	_ =	strace $0x9FFFFFFF  }
0xc4: {  	(tm) =	ssettm $0x7FFFFFFF  }
0xc5: {  	_ =	shalt  }
tec
execute0_lowered:
.L_overlay_start_1:
0x0: {  	(tag) =	ssettag $0x1  }
0x1: {  	s0 =	rddreg [dreg:$0x0]  }
0x2: {  	s1 =	rddreg [dreg:$0x1]  }
0x3: {  	s2 =	rddreg [dreg:$0x2]  }
0x4: {  	s3 =	rddreg [dreg:$0x3]  }
0x5: {  	s12 =	stileid.u32;
	s6 =	srdreg.scid  }
0x6: {  	s4 =	simm.s32 $0x0;
	s15 =	simm.s32 $0x5;
	s17 =	simm.s32 $0x1400  }
0x7: {  	s18 =	simm.s32 $0x80;
	s19 =	simm.s32 $0x2800;
	s28 =	simm.s32 $0x3  }
0x8: {  	s29 =	simm.s32 $0x4;
	s30 =	simm.s32 $0x2600;
	s31 =	simm.s32 $0x2680  }
0x9: {  	s5 =	smul.u32 $0xA000, s12;
	s6 =	sand.u32 $0x1, s6;
	[smem:$0x7FF] =	sst s4  }
0xa: {  	s10 =	sadd.s32 $0x16800, s0;
	s9 =	sadd.s32 $0x20800, s0;
	s11 =	sshll.u32 s12, $0x1  }
0xb: {  	s23 =	sshll.u32 s12, $0x6;
	s8 =	smul.u32 $0xA0000, s6;
	_ =	strace $0x80000050  }
0xc: {  	[dreg:$0x5] =	wrdreg s9;
	s20 =	ssub.s32 $0x2, s6;
	s6 =	sor.u32 s6, s11  }
0xd: {  	s7 =	sshrl.u32 s5, $0x3;
	s21 =	sshrl.u32 s20, $0x1;
	s22 =	smul.u32 $0x2800, s6  }
0xe: {  	s14 =	sadd.s32 s5, s2;
	s6 =	smul.u32 $0x500, s6;
	s7 =	sadd.s32 s7, s0  }
0xf: {  	s8 =	sadd.s32 s5, s8;
	s5 =	sadd.s32 s5, s3;
	s14 =	sshrl.u32 s14, $0x3  }
0x10: {  	s8 =	sshrl.u32 s8, $0x3;
	s7 =	sadd.s32 $0x2800, s7;
	s24 =	sshrl.u32 s22, $0x3  }
0x11: {  	s25 =	sadd.s32 s10, s6;
	s6 =	sadd.s32 s1, s6;
	s16 =	sshrl.u32 s5, $0x3  }
0x12: {  	s22 =	simm.s32 $0x6800;
	s5 =	simm.s32 $0x0;
	[dreg:$0x6] =	wrdreg s7  }
0x13: {  	s0 =	sadd.s32 s8, s0;
	s8 =	ssub.s32 s20, s21;
	[dreg:$0x7] =	wrdreg s25  }
0x14: {  	s7 =	sor.u32 $0x1C05, s23;
	[dreg:$0x8] =	wrdreg s6;
	s26 =	sadd.s32 $0x280, s24  }
0x15: {  	s20 =	simm.s32 $0x4800;
	s21 =	simm.s32 $0x100;
	s23 =	simm.s32 $0x180  }
0x16: {  	s24 =	simm.s32 $0x8800;
	s25 =	simm.s32 $0x1;
	s10 =	sadd.s32 s10, s26  }
0x17: {  	s11 =	sadd.s32 s1, s26;
	s12 =	sadd.s32 $0x21C00, s0;
	s13 =	smax.u32 s8, $0x1  }
0x18: {  	s26 =	simm.s32 $0x2;
	s1 =	simm.s32 $0x2700;
	s0 =	simm.s32 $0x2780  }
.LBB2_1:
0x19: {  	s6 =	rddreg [dreg:$0x6]  }
0x1a: {  	[spmem:s14], [sflag:s7] =	dma.local [hbm:s6], $0x1400  }
0x1b: {  	_ =	swait.ge [sflag:s15], $0x1400  }
0x1c: {  	[sflag:s15] =	ssyncset.done $0x0  }
0x1d: {  	s8 =	rddreg [dreg:$0x5];
	[sflag:s15] =	ssyncadd.s32 $0xFFFFEC00  }
0x1e: {  	[spmem:s16], [sflag:s7] =	dma.local [hbm:s8], $0x1400  }
0x1f: {  	_ =	swait.ge [sflag:s15], $0x1400  }
0x20: {  	[sflag:s15] =	ssyncset.done $0x0  }
0x21: {  	[sflag:s15] =	ssyncadd.s32 $0xFFFFEC00  }
0x22: {  	[bflag:$0x0] =	sbarrier.arrive $0xFFFF  }
0x23: {  	s9 =	rddreg [dreg:$0x7]  }
0x24: {  	[tilespmem:s4], [sflag:$0x5] =	stream.linear.gather [hbm4b:s9+s4], $0x1400, $0x38;
	[tilespmem:$0x1E800] =	vst v63  }
0x25: {  	_ =	swait.ge [sflag:s15], $0x1400  }
0x26: {  	[sflag:s15] =	ssyncset.done $0x0  }
0x27: {  	s8 =	rddreg [dreg:$0x8];
	[sflag:s15] =	ssyncadd.s32 $0xFFFFEC00  }
0x28: {  	[tilespmem:s17], [sflag:$0x5] =	stream.linear.gather [hbm4b:s8+s4], $0x1400, $0x38;
	[tilespmem:$0x1E800] =	vst v63  }
0x29: {  	_ =	swait.ge [sflag:s15], $0x1400  }
0x2a: {  	[sflag:s15] =	ssyncset.done $0x0  }
0x2b: {  	[sflag:s15] =	ssyncadd.s32 $0xFFFFEC00  }
0x2c: {  	[tilespmem:s19], [sflag:$0x1] =	stream.indirect.gather [spmem:s2], $0x40, s4, s18, $0xb8;
	[tilespmem:$0x1E800] =	vst v63  }
0x2d: {  	_ = 	snop  }
0x2e: {  	[tilespmem:s20], [sflag:$0x2] =	stream.indirect.gather [spmem:s2], $0x40, s18, s18, $0xb8;
	[tilespmem:$0x1E800] =	vst v63  }
0x2f: {  	_ = 	snop  }
0x30: {  	[tilespmem:s22], [sflag:$0x3] =	stream.indirect.gather [spmem:s2], $0x40, s21, s18, $0xb8;
	[tilespmem:$0x1E800] =	vst v63  }
0x31: {  	_ = 	snop  }
0x32: {  	[tilespmem:s24], [sflag:$0x4] =	stream.indirect.gather [spmem:s2], $0x40, s23, s18, $0xb8;
	[tilespmem:$0x1E800] =	vst v63  }
0x33: {  	_ =	swait.ge [sflag:s25], $0x2000  }
0x34: {  	[sflag:s25] =	ssyncset.done $0x0  }
0x35: {  	s9 =	simm.s32 $0x1400;
	[sflag:s25] =	ssyncadd.s32 $0xFFFFE000  }
0x36: {  	[spmem:s3] =	stream.indirect.scatter.add.f32 [tilespmem:s19], [sflag:$0x5], $0x40, s9, s18, $0xb8;
	[tilespmem:$0x1E800] =	vst v63  }
0x37: {  	_ =	swait.ge [sflag:s15], $0x2000  }
0x38: {  	[sflag:s15] =	ssyncset.done $0x0  }
0x39: {  	s8 =	simm.s32 $0x200;
	[sflag:s15] =	ssyncadd.s32 $0xFFFFE000  }
0x3a: {  	[tilespmem:s19], [sflag:$0x1] =	stream.indirect.gather [spmem:s2], $0x40, s8, s18, $0xb8;
	[tilespmem:$0x1E800] =	vst v63  }
0x3b: {  	_ =	swait.ge [sflag:s26], $0x2000  }
0x3c: {  	[sflag:s26] =	ssyncset.done $0x0  }
0x3d: {  	s9 =	simm.s32 $0x1480;
	[sflag:s26] =	ssyncadd.s32 $0xFFFFE000  }
0x3e: {  	[spmem:s3] =	stream.indirect.scatter.add.f32 [tilespmem:s20], [sflag:$0x5], $0x40, s9, s18, $0xb8;
	[tilespmem:$0x1E800] =	vst v63  }
0x3f: {  	_ =	swait.ge [sflag:s15], $0x2000  }
0x40: {  	[sflag:s15] =	ssyncset.done $0x0  }
0x41: {  	s8 =	simm.s32 $0x280;
	[sflag:s15] =	ssyncadd.s32 $0xFFFFE000  }
0x42: {  	[tilespmem:s20], [sflag:$0x2] =	stream.indirect.gather [spmem:s2], $0x40, s8, s18, $0xb8;
	[tilespmem:$0x1E800] =	vst v63  }
0x43: {  	_ =	swait.ge [sflag:s28], $0x2000  }
0x44: {  	[sflag:s28] =	ssyncset.done $0x0  }
0x45: {  	s9 =	simm.s32 $0x1500;
	[sflag:s28] =	ssyncadd.s32 $0xFFFFE000  }
0x46: {  	[spmem:s3] =	stream.indirect.scatter.add.f32 [tilespmem:s22], [sflag:$0x5], $0x40, s9, s18, $0xb8;
	[tilespmem:$0x1E800] =	vst v63  }
0x47: {  	_ =	swait.ge [sflag:s15], $0x2000  }
0x48: {  	[sflag:s15] =	ssyncset.done $0x0  }
0x49: {  	s8 =	simm.s32 $0x300;
	[sflag:s15] =	ssyncadd.s32 $0xFFFFE000  }
0x4a: {  	[tilespmem:s22], [sflag:$0x3] =	stream.indirect.gather [spmem:s2], $0x40, s8, s18, $0xb8;
	[tilespmem:$0x1E800] =	vst v63  }
0x4b: {  	_ =	swait.ge [sflag:s29], $0x2000  }
0x4c: {  	[sflag:s29] =	ssyncset.done $0x0  }
0x4d: {  	s9 =	simm.s32 $0x1580;
	[sflag:s29] =	ssyncadd.s32 $0xFFFFE000  }
0x4e: {  	[spmem:s3] =	stream.indirect.scatter.add.f32 [tilespmem:s24], [sflag:$0x5], $0x40, s9, s18, $0xb8;
	[tilespmem:$0x1E800] =	vst v63  }
0x4f: {  	_ =	swait.ge [sflag:s15], $0x2000  }
0x50: {  	[sflag:s15] =	ssyncset.done $0x0  }
0x51: {  	s6 =	simm.s32 $0x800;
	s8 =	simm.s32 $0x380;
	[sflag:s15] =	ssyncadd.s32 $0xFFFFE000  }
.LBB2_2:
0x52: {  	[tilespmem:s24], [sflag:$0x4] =	stream.indirect.gather [spmem:s2], $0x40, s8, s18, $0xb8;
	[tilespmem:$0x1E800] =	vst v63  }
0x53: {  	s8 =	smov.u32 s6  }
0x54: {  	p0 =	sne.s32 s6, $0x4000;
	s6 =	sadd.s32 $0x800, s6;
	_ =	swait.ge [sflag:s25], $0x2000  }
0x55: {  	s8 =	sshra.s32 s8, $0x2;
	[sflag:s25] =	ssyncset.done $0x0  }
0x56: {  	s9 =	sadd.s32 $0x1400, s8;
	[sflag:s25] =	ssyncadd.s32 $0xFFFFE000  }
0x57: {  	[spmem:s3] =	stream.indirect.scatter.add.f32 [tilespmem:s19], [sflag:$0x5], $0x40, s9, s18, $0xb8;
	[tilespmem:$0x1E800] =	vst v63  }
0x58: {  	_ =	swait.ge [sflag:s15], $0x2000  }
0x59: {  	[sflag:s15] =	ssyncset.done $0x0  }
0x5a: {  	s9 =	sadd.s32 $0x200, s8;
	[sflag:s15] =	ssyncadd.s32 $0xFFFFE000  }
0x5b: {  	[tilespmem:s19], [sflag:$0x1] =	stream.indirect.gather [spmem:s2], $0x40, s9, s18, $0xb8;
	[tilespmem:$0x1E800] =	vst v63  }
0x5c: {  	_ =	swait.ge [sflag:s26], $0x2000  }
0x5d: {  	[sflag:s26] =	ssyncset.done $0x0  }
0x5e: {  	s9 =	sadd.s32 $0x1480, s8;
	[sflag:s26] =	ssyncadd.s32 $0xFFFFE000  }
0x5f: {  	[spmem:s3] =	stream.indirect.scatter.add.f32 [tilespmem:s20], [sflag:$0x5], $0x40, s9, s18, $0xb8;
	[tilespmem:$0x1E800] =	vst v63  }
0x60: {  	_ =	swait.ge [sflag:s15], $0x2000  }
0x61: {  	[sflag:s15] =	ssyncset.done $0x0  }
0x62: {  	s9 =	sadd.s32 $0x280, s8;
	[sflag:s15] =	ssyncadd.s32 $0xFFFFE000  }
0x63: {  	[tilespmem:s20], [sflag:$0x2] =	stream.indirect.gather [spmem:s2], $0x40, s9, s18, $0xb8;
	[tilespmem:$0x1E800] =	vst v63  }
0x64: {  	_ =	swait.ge [sflag:s28], $0x2000  }
0x65: {  	[sflag:s28] =	ssyncset.done $0x0  }
0x66: {  	s9 =	sadd.s32 $0x1500, s8;
	[sflag:s28] =	ssyncadd.s32 $0xFFFFE000  }
0x67: {  	[spmem:s3] =	stream.indirect.scatter.add.f32 [tilespmem:s22], [sflag:$0x5], $0x40, s9, s18, $0xb8;
	[tilespmem:$0x1E800] =	vst v63  }
0x68: {  	_ =	swait.ge [sflag:s15], $0x2000  }
0x69: {  	[sflag:s15] =	ssyncset.done $0x0  }
0x6a: {  	s9 =	sadd.s32 $0x300, s8;
	[sflag:s15] =	ssyncadd.s32 $0xFFFFE000  }
0x6b: {  	[tilespmem:s22], [sflag:$0x3] =	stream.indirect.gather [spmem:s2], $0x40, s9, s18, $0xb8;
	[tilespmem:$0x1E800] =	vst v63  }
0x6c: {  	_ =	swait.ge [sflag:s29], $0x2000  }
0x6d: {  	[sflag:s29] =	ssyncset.done $0x0  }
.Ltmp0:
0x6e: {  	s9 =	sadd.s32 $0x1580, s8;
	[sflag:s29] =	ssyncadd.s32 $0xFFFFE000;
	(pc) =	sbr.rel @p0 .LBB2_2-.Ltmp0, $4  }
0x6f: {  	[spmem:s3] =	stream.indirect.scatter.add.f32 [tilespmem:s24], [sflag:$0x5], $0x40, s9, s18, $0xb8;
	[tilespmem:$0x1E800] =	vst v63  }
0x70: {  	_ =	swait.ge [sflag:s15], $0x2000  }
0x71: {  	[sflag:s15] =	ssyncset.done $0x0  }
0x72: {  	s8 =	sadd.s32 $0x380, s8;
	[sflag:s15] =	ssyncadd.s32 $0xFFFFE000  }
0x73: {  	[tilespmem:s24], [sflag:$0x4] =	stream.indirect.gather [spmem:s2], $0x40, s8, s18, $0xb8;
	[tilespmem:$0x1E800] =	vst v63  }
0x74: {  	_ =	swait.ge [sflag:s25], $0x2000  }
0x75: {  	[sflag:s25] =	ssyncset.done $0x0  }
0x76: {  	[sflag:s25] =	ssyncadd.s32 $0xFFFFE000  }
0x77: {  	[spmem:s3] =	stream.indirect.scatter.add.f32 [tilespmem:s19], [sflag:$0x5], $0x40, s30, s18, $0xb8;
	[tilespmem:$0x1E800] =	vst v63  }
0x78: {  	_ =	swait.ge [sflag:s15], $0x2000  }
0x79: {  	[sflag:s15] =	ssyncset.done $0x0  }
0x7a: {  	[sflag:s15] =	ssyncadd.s32 $0xFFFFE000  }
0x7b: {  	_ =	swait.ge [sflag:s26], $0x2000  }
0x7c: {  	[sflag:s26] =	ssyncset.done $0x0  }
0x7d: {  	[sflag:s26] =	ssyncadd.s32 $0xFFFFE000  }
0x7e: {  	[spmem:s3] =	stream.indirect.scatter.add.f32 [tilespmem:s20], [sflag:$0x5], $0x40, s31, s18, $0xb8;
	[tilespmem:$0x1E800] =	vst v63  }
0x7f: {  	_ =	swait.ge [sflag:s15], $0x2000  }
0x80: {  	[sflag:s15] =	ssyncset.done $0x0  }
0x81: {  	[sflag:s15] =	ssyncadd.s32 $0xFFFFE000  }
0x82: {  	_ =	swait.ge [sflag:s28], $0x2000  }
0x83: {  	[sflag:s28] =	ssyncset.done $0x0  }
0x84: {  	[sflag:s28] =	ssyncadd.s32 $0xFFFFE000  }
0x85: {  	[spmem:s3] =	stream.indirect.scatter.add.f32 [tilespmem:s22], [sflag:$0x5], $0x40, s1, s18, $0xb8;
	[tilespmem:$0x1E800] =	vst v63  }
0x86: {  	_ =	swait.ge [sflag:s15], $0x2000  }
0x87: {  	[sflag:s15] =	ssyncset.done $0x0  }
0x88: {  	[sflag:s15] =	ssyncadd.s32 $0xFFFFE000  }
0x89: {  	_ =	swait.ge [sflag:s29], $0x2000  }
0x8a: {  	[sflag:s29] =	ssyncset.done $0x0  }
0x8b: {  	[sflag:s29] =	ssyncadd.s32 $0xFFFFE000  }
0x8c: {  	[spmem:s3] =	stream.indirect.scatter.add.f32 [tilespmem:s24], [sflag:$0x5], $0x40, s0, s18, $0xb8;
	[tilespmem:$0x1E800] =	vst v63  }
0x8d: {  	_ =	swait.ge [sflag:s15], $0x2000  }
0x8e: {  	[sflag:s15] =	ssyncset.done $0x0  }
0x8f: {  	s6 =	simm.s32 $0x0;
	[sflag:s15] =	ssyncadd.s32 $0xFFFFE000  }
0x90: {  	[tilespmem:s6], [sflag:$0x5] =	stream.linear.gather [hbm4b:s10+s6], $0x1400, $0x38;
	[tilespmem:$0x1E800] =	vst v63  }
0x91: {  	_ =	swait.ge [sflag:s15], $0x1400  }
0x92: {  	[sflag:s15] =	ssyncset.done $0x0  }
0x93: {  	[sflag:s15] =	ssyncadd.s32 $0xFFFFEC00  }
0x94: {  	[tilespmem:s17], [sflag:$0x5] =	stream.linear.gather [hbm4b:s11+s6], $0x1400, $0x38;
	[tilespmem:$0x1E800] =	vst v63  }
0x95: {  	_ =	swait.ge [sflag:s15], $0x1400  }
0x96: {  	[sflag:s15] =	ssyncset.done $0x0  }
0x97: {  	[sflag:s15] =	ssyncadd.s32 $0xFFFFEC00  }
0x98: {  	[tilespmem:s19], [sflag:$0x1] =	stream.indirect.gather [spmem:s2], $0x40, s6, s18, $0xb8;
	[tilespmem:$0x1E800] =	vst v63  }
0x99: {  	_ = 	snop  }
0x9a: {  	[tilespmem:s20], [sflag:$0x2] =	stream.indirect.gather [spmem:s2], $0x40, s18, s18, $0xb8;
	[tilespmem:$0x1E800] =	vst v63  }
0x9b: {  	_ = 	snop  }
0x9c: {  	[tilespmem:s22], [sflag:$0x3] =	stream.indirect.gather [spmem:s2], $0x40, s21, s18, $0xb8;
	[tilespmem:$0x1E800] =	vst v63  }
0x9d: {  	_ = 	snop  }
0x9e: {  	[tilespmem:s24], [sflag:$0x4] =	stream.indirect.gather [spmem:s2], $0x40, s23, s18, $0xb8;
	[tilespmem:$0x1E800] =	vst v63  }
0x9f: {  	_ =	swait.ge [sflag:s25], $0x2000  }
0xa0: {  	[sflag:s25] =	ssyncset.done $0x0  }
0xa1: {  	s9 =	simm.s32 $0x1400;
	[sflag:s25] =	ssyncadd.s32 $0xFFFFE000  }
0xa2: {  	[spmem:s3] =	stream.indirect.scatter.add.f32 [tilespmem:s19], [sflag:$0x5], $0x40, s9, s18, $0xb8;
	[tilespmem:$0x1E800] =	vst v63  }
0xa3: {  	_ =	swait.ge [sflag:s15], $0x2000  }
0xa4: {  	[sflag:s15] =	ssyncset.done $0x0  }
0xa5: {  	s8 =	simm.s32 $0x200;
	[sflag:s15] =	ssyncadd.s32 $0xFFFFE000  }
0xa6: {  	[tilespmem:s19], [sflag:$0x1] =	stream.indirect.gather [spmem:s2], $0x40, s8, s18, $0xb8;
	[tilespmem:$0x1E800] =	vst v63  }
0xa7: {  	_ =	swait.ge [sflag:s26], $0x2000  }
0xa8: {  	[sflag:s26] =	ssyncset.done $0x0  }
0xa9: {  	s9 =	simm.s32 $0x1480;
	[sflag:s26] =	ssyncadd.s32 $0xFFFFE000  }
0xaa: {  	[spmem:s3] =	stream.indirect.scatter.add.f32 [tilespmem:s20], [sflag:$0x5], $0x40, s9, s18, $0xb8;
	[tilespmem:$0x1E800] =	vst v63  }
0xab: {  	_ =	swait.ge [sflag:s15], $0x2000  }
0xac: {  	[sflag:s15] =	ssyncset.done $0x0  }
0xad: {  	s8 =	simm.s32 $0x280;
	[sflag:s15] =	ssyncadd.s32 $0xFFFFE000  }
0xae: {  	[tilespmem:s20], [sflag:$0x2] =	stream.indirect.gather [spmem:s2], $0x40, s8, s18, $0xb8;
	[tilespmem:$0x1E800] =	vst v63  }
0xaf: {  	_ =	swait.ge [sflag:s28], $0x2000  }
0xb0: {  	[sflag:s28] =	ssyncset.done $0x0  }
0xb1: {  	s9 =	simm.s32 $0x1500;
	[sflag:s28] =	ssyncadd.s32 $0xFFFFE000  }
0xb2: {  	[spmem:s3] =	stream.indirect.scatter.add.f32 [tilespmem:s22], [sflag:$0x5], $0x40, s9, s18, $0xb8;
	[tilespmem:$0x1E800] =	vst v63  }
0xb3: {  	_ =	swait.ge [sflag:s15], $0x2000  }
0xb4: {  	[sflag:s15] =	ssyncset.done $0x0  }
0xb5: {  	s8 =	simm.s32 $0x300;
	[sflag:s15] =	ssyncadd.s32 $0xFFFFE000  }
0xb6: {  	[tilespmem:s22], [sflag:$0x3] =	stream.indirect.gather [spmem:s2], $0x40, s8, s18, $0xb8;
	[tilespmem:$0x1E800] =	vst v63  }
0xb7: {  	_ =	swait.ge [sflag:s29], $0x2000  }
0xb8: {  	[sflag:s29] =	ssyncset.done $0x0  }
0xb9: {  	s9 =	simm.s32 $0x1580;
	[sflag:s29] =	ssyncadd.s32 $0xFFFFE000  }
0xba: {  	[spmem:s3] =	stream.indirect.scatter.add.f32 [tilespmem:s24], [sflag:$0x5], $0x40, s9, s18, $0xb8;
	[tilespmem:$0x1E800] =	vst v63  }
0xbb: {  	_ =	swait.ge [sflag:s15], $0x2000  }
0xbc: {  	[sflag:s15] =	ssyncset.done $0x0  }
0xbd: {  	s6 =	simm.s32 $0x800;
	s8 =	simm.s32 $0x380;
	[sflag:s15] =	ssyncadd.s32 $0xFFFFE000  }
.LBB2_4:
0xbe: {  	[tilespmem:s24], [sflag:$0x4] =	stream.indirect.gather [spmem:s2], $0x40, s8, s18, $0xb8;
	[tilespmem:$0x1E800] =	vst v63  }
0xbf: {  	s8 =	smov.u32 s6  }
0xc0: {  	p0 =	sne.s32 s6, $0x4000;
	s6 =	sadd.s32 $0x800, s6;
	_ =	swait.ge [sflag:s25], $0x2000  }
0xc1: {  	s8 =	sshra.s32 s8, $0x2;
	[sflag:s25] =	ssyncset.done $0x0  }
0xc2: {  	s9 =	sadd.s32 $0x1400, s8;
	[sflag:s25] =	ssyncadd.s32 $0xFFFFE000  }
0xc3: {  	[spmem:s3] =	stream.indirect.scatter.add.f32 [tilespmem:s19], [sflag:$0x5], $0x40, s9, s18, $0xb8;
	[tilespmem:$0x1E800] =	vst v63  }
0xc4: {  	_ =	swait.ge [sflag:s15], $0x2000  }
0xc5: {  	[sflag:s15] =	ssyncset.done $0x0  }
0xc6: {  	s9 =	sadd.s32 $0x200, s8;
	[sflag:s15] =	ssyncadd.s32 $0xFFFFE000  }
0xc7: {  	[tilespmem:s19], [sflag:$0x1] =	stream.indirect.gather [spmem:s2], $0x40, s9, s18, $0xb8;
	[tilespmem:$0x1E800] =	vst v63  }
0xc8: {  	_ =	swait.ge [sflag:s26], $0x2000  }
0xc9: {  	[sflag:s26] =	ssyncset.done $0x0  }
0xca: {  	s9 =	sadd.s32 $0x1480, s8;
	[sflag:s26] =	ssyncadd.s32 $0xFFFFE000  }
0xcb: {  	[spmem:s3] =	stream.indirect.scatter.add.f32 [tilespmem:s20], [sflag:$0x5], $0x40, s9, s18, $0xb8;
	[tilespmem:$0x1E800] =	vst v63  }
0xcc: {  	_ =	swait.ge [sflag:s15], $0x2000  }
0xcd: {  	[sflag:s15] =	ssyncset.done $0x0  }
0xce: {  	s9 =	sadd.s32 $0x280, s8;
	[sflag:s15] =	ssyncadd.s32 $0xFFFFE000  }
0xcf: {  	[tilespmem:s20], [sflag:$0x2] =	stream.indirect.gather [spmem:s2], $0x40, s9, s18, $0xb8;
	[tilespmem:$0x1E800] =	vst v63  }
0xd0: {  	_ =	swait.ge [sflag:s28], $0x2000  }
0xd1: {  	[sflag:s28] =	ssyncset.done $0x0  }
0xd2: {  	s9 =	sadd.s32 $0x1500, s8;
	[sflag:s28] =	ssyncadd.s32 $0xFFFFE000  }
0xd3: {  	[spmem:s3] =	stream.indirect.scatter.add.f32 [tilespmem:s22], [sflag:$0x5], $0x40, s9, s18, $0xb8;
	[tilespmem:$0x1E800] =	vst v63  }
0xd4: {  	_ =	swait.ge [sflag:s15], $0x2000  }
0xd5: {  	[sflag:s15] =	ssyncset.done $0x0  }
0xd6: {  	s9 =	sadd.s32 $0x300, s8;
	[sflag:s15] =	ssyncadd.s32 $0xFFFFE000  }
0xd7: {  	[tilespmem:s22], [sflag:$0x3] =	stream.indirect.gather [spmem:s2], $0x40, s9, s18, $0xb8;
	[tilespmem:$0x1E800] =	vst v63  }
0xd8: {  	_ =	swait.ge [sflag:s29], $0x2000  }
0xd9: {  	[sflag:s29] =	ssyncset.done $0x0  }
.Ltmp1:
0xda: {  	s9 =	sadd.s32 $0x1580, s8;
	[sflag:s29] =	ssyncadd.s32 $0xFFFFE000;
	(pc) =	sbr.rel @p0 .LBB2_4-.Ltmp1, $4  }
0xdb: {  	[spmem:s3] =	stream.indirect.scatter.add.f32 [tilespmem:s24], [sflag:$0x5], $0x40, s9, s18, $0xb8;
	[tilespmem:$0x1E800] =	vst v63  }
0xdc: {  	_ =	swait.ge [sflag:s15], $0x2000  }
0xdd: {  	[sflag:s15] =	ssyncset.done $0x0  }
0xde: {  	s8 =	sadd.s32 $0x380, s8;
	[sflag:s15] =	ssyncadd.s32 $0xFFFFE000  }
0xdf: {  	[tilespmem:s24], [sflag:$0x4] =	stream.indirect.gather [spmem:s2], $0x40, s8, s18, $0xb8;
	[tilespmem:$0x1E800] =	vst v63  }
0xe0: {  	_ =	swait.ge [sflag:s25], $0x2000  }
0xe1: {  	[sflag:s25] =	ssyncset.done $0x0  }
0xe2: {  	[sflag:s25] =	ssyncadd.s32 $0xFFFFE000  }
0xe3: {  	[spmem:s3] =	stream.indirect.scatter.add.f32 [tilespmem:s19], [sflag:$0x5], $0x40, s30, s18, $0xb8;
	[tilespmem:$0x1E800] =	vst v63  }
0xe4: {  	_ =	swait.ge [sflag:s15], $0x2000  }
0xe5: {  	[sflag:s15] =	ssyncset.done $0x0  }
0xe6: {  	[sflag:s15] =	ssyncadd.s32 $0xFFFFE000  }
0xe7: {  	_ =	swait.ge [sflag:s26], $0x2000  }
0xe8: {  	[sflag:s26] =	ssyncset.done $0x0  }
0xe9: {  	[sflag:s26] =	ssyncadd.s32 $0xFFFFE000  }
0xea: {  	[spmem:s3] =	stream.indirect.scatter.add.f32 [tilespmem:s20], [sflag:$0x5], $0x40, s31, s18, $0xb8;
	[tilespmem:$0x1E800] =	vst v63  }
0xeb: {  	_ =	swait.ge [sflag:s15], $0x2000  }
0xec: {  	[sflag:s15] =	ssyncset.done $0x0  }
0xed: {  	[sflag:s15] =	ssyncadd.s32 $0xFFFFE000  }
0xee: {  	_ =	swait.ge [sflag:s28], $0x2000  }
0xef: {  	[sflag:s28] =	ssyncset.done $0x0  }
0xf0: {  	[sflag:s28] =	ssyncadd.s32 $0xFFFFE000  }
0xf1: {  	[spmem:s3] =	stream.indirect.scatter.add.f32 [tilespmem:s22], [sflag:$0x5], $0x40, s1, s18, $0xb8;
	[tilespmem:$0x1E800] =	vst v63  }
0xf2: {  	_ =	swait.ge [sflag:s15], $0x2000  }
0xf3: {  	[sflag:s15] =	ssyncset.done $0x0  }
0xf4: {  	[sflag:s15] =	ssyncadd.s32 $0xFFFFE000  }
0xf5: {  	_ =	swait.ge [sflag:s29], $0x2000  }
0xf6: {  	[sflag:s29] =	ssyncset.done $0x0  }
0xf7: {  	[sflag:s29] =	ssyncadd.s32 $0xFFFFE000  }
0xf8: {  	[spmem:s3] =	stream.indirect.scatter.add.f32 [tilespmem:s24], [sflag:$0x5], $0x40, s0, s18, $0xb8;
	[tilespmem:$0x1E800] =	vst v63  }
0xf9: {  	_ =	swait.ge [sflag:s15], $0x2000  }
0xfa: {  	s5 =	sadd.s32 $0x1, s5;
	[sflag:s15] =	ssyncset.done $0x0  }
0xfb: {  	p0 =	sne.s32 s5, s13;
	[sflag:s15] =	ssyncadd.s32 $0xFFFFE000  }
.Ltmp2:
0xfc: {  	[bflag:$0x0] =	sbarrier.arrive $0xFFFF;
	(pc) =	sbr.rel @p0 .LBB2_1-.Ltmp2, $4  }
0xfd: {  	[hbm:s12], [sflag:s7] =	dma.local [spmem:s16], $0x1400  }
0xfe: {  	_ =	swait.ge [sflag:s15], $0x1400  }
0xff: {  	[sflag:s15] =	ssyncset.done $0x0  }
0x100: {  	[sflag:s15] =	ssyncadd.s32 $0xFFFFEC00  }
0x101: {  	_ =	sfence.sel $0x180000  }
0x102: {  	[bflag:$0x0] =	sbarrier.arrive $0xFFFF  }
0x103: {  	_ =	strace $0x90000050  }
0x104: {  	s0 =	stileid.u32;
	[bflag:$0x2] =	sbarrier.arrive $0xFFFF  }
0x105: {  	p0 =	sne.s32 s0, $0x0;
	s0 =	rddreg [dreg:$0x4]  }
0x106: {  	s0 =	sadd.s32 @!p0 $0x100000, s0  }
0x107: {  	[sflag:s0] =	ssyncadd.tile.s32 @!p0 $0x1;
	_ =	shalt  }
.Lfunc_end2:
_tile_overlayer_lowered:
.L_overlay_start_2:
0x108: {  	(tag) =	ssettag $0x2  }
0x109: {  	s0 =	rddreg [dreg:$0x0];
	s2 =	stileid.u32  }
0x10a: {  	s1 =	rddreg [dreg:$0x1];
	p0 =	sne.s32 s2, $0x0  }
0x10b: {  	s3 =	rddreg [dreg:$0x2];
	[bflag:$0x3] =	sbarrier.arrive $0xFFFF;
	s2 =	simm.s32 @!p0 $0x1C05  }
0x10c: {  	[timem:s3], [sflag:s2] =	dma.local @!p0 [hbm:s0], s1  }
0x10d: {  	s0 =	simm.s32 @!p0 $0x5  }
0x10e: {  	_ =	swait.ge @!p0 [sflag:s0], s1  }
0x10f: {  	s1 =	ssub.s32 @!p0 $0x0, s1;
	[sflag:s0] =	ssyncset.done @!p0 $0x0  }
0x110: {  	[sflag:s0] =	ssyncadd.s32 @!p0 s1  }
0x111: {  	[bflag:$0x3] =	sbarrier.arrive $0xFFFF  }
0x112: {  	_ =	shalt  }

// kernel: kernel.9.cloned.1.call-start
scs
__scs_entry_jumppad:
0x0: {  	(pc) =	sbr.rel $0x88, $3  }
0x1: {  	(tag) =	ssettag $0x0;
	lr =	simm.s32 $0x1  }
0x2: {  	[smem:$0x3F9B] =	sst lr;
	_ =	strace $0xD0000000  }
0x3: {  	_ = 	snop  }
0x4: {  	_ = 	snop  }
0x5: {  	_ = 	snop  }
0x6: {  	_ = 	snop  }
0x7: {  	_ = 	snop  }
__scs_overlays_trampoline_lowered:
0x8: {  	[smem:$0x3FAA] =	sst s0  }
0x9: {  	[smem:$0x3FAB] =	sst s1  }
0xa: {  	[smem:$0x3FAC] =	sst s2  }
0xb: {  	[smem:$0x3FAD] =	sst s3  }
0xc: {  	[smem:$0x3FAE] =	sst s4  }
0xd: {  	[smem:$0x3FAF] =	sst s5  }
0xe: {  	[smem:$0x3FB0] =	sst s6  }
0xf: {  	[smem:$0x3FB1] =	sst s7  }
0x10: {  	[smem:$0x3FB2] =	sst s8  }
0x11: {  	[smem:$0x3FB3] =	sst s9;
	s0 =	simm.s32 @!p0 $0x0  }
0x12: {  	s1 =	sld [smem:$0x3F99];
	s0 =	simm.s32 @p0 $0x1  }
0x13: {  	[smem:$0x3FB4] =	sst s0;
	s0 =	simm.s32 @!p1 $0x0  }
0x14: {  	s2 =	sld [smem:$0x3F98];
	s0 =	simm.s32 @p1 $0x1  }
0x15: {  	[smem:$0x3FB5] =	sst s0;
	s0 =	simm.s32 @!p2 $0x0  }
0x16: {  	s3 =	sld [smem:$0x3FDB];
	s0 =	simm.s32 @p2 $0x1  }
0x17: {  	s4 =	simm.s32 $0x1BF5;
	[smem:$0x3FB7] =	sst s0  }
0x18: {  	s0 =	sld [smem:$0x3F9A];
	_ =	swait.ge [sflag:s4], $0x0  }
0x19: {  	s7 =	sld [smem:$0x3F9B]  }
0x1a: {  	s8 =	sadd.s32 $0xFFFFE003, lr  }
0x1b: {  	s9 =	sadd.s32 $0xFFFFFEF7, lr;
	s5 =	simm.s32 $0xFFFFFFFF;
	p2 =	slt.u32 s8, $0xFFFFF086  }
0x1c: {  	p1 =	slt.u32 s9, $0xF7A;
	s5 =	simm.s32 @!p2 $0x0  }
0x1d: {  	s5 =	simm.s32 @p1 $0x1;
	p0 =	seq.s32 s7, s2  }
0x1e: {  	s7 =	smul.u32 @!p0 $0xF7A, s2;
	p2 =	seq.s32 @!p0 s5, $0x0  }
0x1f: {  	s9 =	smul.u32 $0xF7A, s1;
	s8 =	simm.s32 @!p0 $0x1BF5;
	p2 =	por !p2, p0  }
0x20: {  	[sflag:s8] =	ssyncset.s32 @!p0 $0xFFFFF086;
	s6 =	sadd.s32 @!p0 s3, s7;
	s7 =	simm.s32 @!p0 $0x108  }
0x21: {  	s3 =	sadd.s32 s3, s9;
	s6 =	sadd.s32 @!p0 $0x88, s6;
	s7 =	simm.s32 @p2 $0x1082  }
0x22: {  	[simem:s7], [sflag:s8] =	dma.local @!p0 [hbm:s6], $0xF7A  }
0x23: {  	s9 =	sor.u32 $0xD0000000, s2;
	s6 =	simm.s32 $0x108;
	_ =	swait.ge @!p0 [sflag:s8], $0x0  }
0x24: {  	s3 =	sadd.s32 $0x88, s3;
	s6 =	simm.s32 @!p1 $0x1082;
	[sflag:s4] =	ssyncset.s32 $0xFFFFF086  }
0x25: {  	[simem:s6], [sflag:s4] =	dma.local [hbm:s3], $0xF7A  }
0x26: {  	[smem:$0x3F9B] =	sst s1;
	(tag) =	ssettag s2;
	_ =	strace s9  }
0x27: {  	s1 =	sld [smem:$0x3FAB]  }
0x28: {  	s2 =	sld [smem:$0x3FAC]  }
0x29: {  	s4 =	sld [smem:$0x3FAE]  }
0x2a: {  	p0 =	seq.s32 s5, $0x0;
	s5 =	sld [smem:$0x3FAF]  }
0x2b: {  	s6 =	sld [smem:$0x3FB0]  }
0x2c: {  	s7 =	sld [smem:$0x3FB1]  }
0x2d: {  	s3 =	simm.s32 $0x108;
	s8 =	sld [smem:$0x3FB2]  }
0x2e: {  	s3 =	simm.s32 @!p0 $0x1082;
	s9 =	sld [smem:$0x3FB3]  }
0x2f: {  	lr =	sadd.s32 s0, s3;
	s0 =	sld [smem:$0x3FAA]  }
0x30: {  	s3 =	sld [smem:$0x3FAD]  }
0x31: {  	[smem:$0x3FB6] =	sst s10  }
0x32: {  	s10 =	sld [smem:$0x3FB4];
	_ =	sdelay $0x3  }
0x33: {  	p0 =	seq.s32 s10, $0x1;
	s10 =	sld [smem:$0x3FB6];
	_ =	sdelay $0x3  }
0x34: {  	[smem:$0x3FB6] =	sst s10  }
0x35: {  	s10 =	sld [smem:$0x3FB5];
	_ =	sdelay $0x3  }
0x36: {  	p1 =	seq.s32 s10, $0x1;
	s10 =	sld [smem:$0x3FB6];
	_ =	sdelay $0x3  }
0x37: {  	[smem:$0x3FB6] =	sst s10  }
0x38: {  	s10 =	sld [smem:$0x3FB7]  }
0x39: {  	_ = 	snop;
	(pc) =	sbr.ind lr, $3  }
0x3a: {  	_ = 	snop  }
0x3b: {  	_ = 	snop  }
0x3c: {  	p2 =	seq.s32 s10, $0x1;
	s10 =	sld [smem:$0x3FB6]  }
0x3d: {  	_ =	shalt  }
0x3e: {  	_ =	shalt  }
0x3f: {  	_ =	shalt  }
0x40: {  	_ =	shalt  }
0x41: {  	_ =	shalt  }
0x42: {  	_ =	shalt  }
0x43: {  	_ =	shalt  }
0x44: {  	_ =	shalt  }
0x45: {  	_ =	shalt  }
0x46: {  	_ =	shalt  }
0x47: {  	_ =	shalt  }
0x48: {  	_ =	shalt  }
0x49: {  	_ =	shalt  }
0x4a: {  	_ =	shalt  }
0x4b: {  	_ =	shalt  }
0x4c: {  	_ =	shalt  }
0x4d: {  	_ =	shalt  }
0x4e: {  	_ =	shalt  }
0x4f: {  	_ =	shalt  }
0x50: {  	_ =	shalt  }
0x51: {  	_ =	shalt  }
0x52: {  	_ =	shalt  }
0x53: {  	_ =	shalt  }
0x54: {  	_ =	shalt  }
0x55: {  	_ =	shalt  }
0x56: {  	_ =	shalt  }
0x57: {  	_ =	shalt  }
0x58: {  	_ =	shalt  }
0x59: {  	_ =	shalt  }
0x5a: {  	_ =	shalt  }
0x5b: {  	_ =	shalt  }
0x5c: {  	_ =	shalt  }
0x5d: {  	_ =	shalt  }
0x5e: {  	_ =	shalt  }
0x5f: {  	_ =	shalt  }
0x60: {  	_ =	shalt  }
0x61: {  	_ =	shalt  }
0x62: {  	_ =	shalt  }
0x63: {  	_ =	shalt  }
0x64: {  	_ =	shalt  }
0x65: {  	_ =	shalt  }
0x66: {  	_ =	shalt  }
0x67: {  	_ =	shalt  }
0x68: {  	_ =	shalt  }
0x69: {  	_ =	shalt  }
0x6a: {  	_ =	shalt  }
0x6b: {  	_ =	shalt  }
0x6c: {  	_ =	shalt  }
0x6d: {  	_ =	shalt  }
0x6e: {  	_ =	shalt  }
0x6f: {  	_ =	shalt  }
0x70: {  	_ =	shalt  }
0x71: {  	_ =	shalt  }
0x72: {  	_ =	shalt  }
0x73: {  	_ =	shalt  }
0x74: {  	_ =	shalt  }
0x75: {  	_ =	shalt  }
0x76: {  	_ =	shalt  }
0x77: {  	_ =	shalt  }
0x78: {  	_ =	shalt  }
0x79: {  	_ =	shalt  }
0x7a: {  	_ =	shalt  }
0x7b: {  	_ =	shalt  }
0x7c: {  	_ =	shalt  }
0x7d: {  	_ =	shalt  }
0x7e: {  	_ =	shalt  }
0x7f: {  	_ =	shalt  }
0x80: {  	_ =	shalt  }
0x81: {  	_ =	shalt  }
0x82: {  	_ =	shalt  }
0x83: {  	_ =	shalt  }
0x84: {  	_ =	shalt  }
0x85: {  	_ =	shalt  }
0x86: {  	_ =	shalt  }
0x87: {  	_ =	shalt  }
.Lfunc_end0:
.L_simem_size_0:
called_computation_lowered:
.L_overlay_start_0:
0x88: {  	s2 =	sld [smem:$0x3FD9]  }
0x89: {  	s3 =	sld [smem:$0x3FFE];
	_ =	sdelay $0x1  }
0x8a: {  	s1 =	srdreg.scid  }
0x8b: {  	s0 =	sand.u32 $0x1, s1  }
0x8c: {  	s16 =	sshll.u32 s0, $0xA;
	s2 =	sadd.s32 s3, s2  }
0x8d: {  	s2 =	sadd.s32 s2, s16  }
0x8e: {  	[smem:$0x3FC2] =	sst s2  }
0x8f: {  	_ = 	snop  }
0x90: {  	(tm) =	ssettm $0x1  }
0x91: {  	s17 =	sld [smem:$0x3FFB];
	_ =	sdelay $0x3  }
0x92: {  	_ =	strace s17  }
0x93: {  	s2 =	sld [smem:$0x3FFC];
	_ =	sdelay $0x3  }
0x94: {  	_ =	strace s2  }
0x95: {  	s2 =	sld [smem:$0x3FFD];
	_ =	sdelay $0x3  }
0x96: {  	_ =	strace s2  }
0x97: {  	_ =	strace $0x8FFFFFFF  }
0x98: {  	s18 =	sld [smem:$0x3FDB];
	_ =	sdelay $0x1  }
0x99: {  	s19 =	simm.s32 $_scs_section_size  }
0x9a: {  	s4 =	simm.s32 $_size__tile_overlayer_lowered;
	s5 =	simm.s32 $_tile_overlayer_lowered  }
0x9b: {  	s22 =	simm.s32 $0x1BFF;
	s21 =	sshll.u32 s5, $0x1;
	s2 =	sadd.s32 s19, s18  }
0x9c: {  	s6 =	simm.s32 $0x0;
	s20 =	sshll.u32 s4, $0x1;
	s4 =	sadd.s32 s21, s2  }
0x9d: {  	[timem:s6], [sflag:s22] =	dma.local [hbm:s4], s20  }
0x9e: {  	_ =	swait.ge [sflag:s22], s20  }
0x9f: {  	s3 =	ssub.s32 $0x0, s20;
	[sflag:s22] =	ssyncset.done $0x0  }
0xa0: {  	[sflag:s22] =	ssyncadd.s32 s3;
	_ =	sdelay $0x1  }
0xa1: {  	s23 =	simm.s32 $0x1B8B  }
0xa2: {  	_ =	swait.ge [sflag:s23], $0x1  }
0xa3: {  	[sflag:s23] =	ssyncset.done $0x0  }
0xa4: {  	s25 =	simm.s32 $0x1B8E;
	s24 =	sld [smem:$0x3FFE];
	[sflag:s23] =	ssyncadd.s32 $0xFFFFFFFF  }
0xa5: {  	s26 =	simm.s32 $execute0_lowered;
	[smem:$0x3FD2] =	sst s25  }
0xa6: {  	s4 =	sshll.u32 s26, $0x1;
	_ =	strace $0x80000046;
	[dreg:$0x1] =	wrdreg $0xFFFFFFFF  }
0xa7: {  	s28 =	simm.s32 $_size_execute0_lowered;
	s2 =	sadd.s32 s2, s4;
	[dreg:$0x0] =	wrdreg $0x0  }
0xa8: {  	s4 =	sshll.u32 s28, $0x1;
	[dreg:$0x2] =	wrdreg s2  }
0xa9: {  	[dreg:$0x3] =	wrdreg s4  }
0xaa: {  	[dreg:$0x4] =	wrdreg $0xC0  }
0xab: {  	_ =	task [dreg:s6], $0x5FFFF  }
0xac: {  	[dreg:$0x1] =	wrdreg $0xFFFFFFFF  }
0xad: {  	[dreg:$0x0] =	wrdreg $0x60  }
0xae: {  	[dreg:$0x2] =	wrdreg s24  }
0xaf: {  	[dreg:$0x3] =	wrdreg $0x9  }
0xb0: {  	_ =	task.clear_ibuf [dreg:s6], $0x4FFFF;
	_ =	strace $0x90000046  }
0xb1: {  	s29 =	simm.s32 $0x9;
	_ =	strace $0x80000048  }
0xb2: {  	_ =	swait.ge [sflag:s29], $0x1  }
0xb3: {  	[sflag:s29] =	ssyncadd.s32 $0xFFFFFFFF  }
0xb4: {  	_ =	strace $0x90000048  }
0xb5: {  	_ =	sfence  }
0xb6: {  	s30 =	sld [smem:$0x0];
	_ =	sdelay $0x2  }
0xb7: {  	s31 =	sshll.u32 s1, $0xD;
	s1 =	sshrl.u32 s1, $0x2  }
0xb8: {  	s3 =	sand.u32 $0x4000, s31;
	s1 =	sadd.s32 s1, s30  }
0xb9: {  	s0 =	sor.u32 s3, s0;
	s1 =	sshll.u32 s1, $0x11  }
0xba: {  	s0 =	sor.u32 s1, s0  }
0xbb: {  	s0 =	sadd.s32 $0x8F2B, s0  }
0xbc: {  	[sflag:s0] =	ssyncadd.remote.s32 $0x1  }
0xbd: {  	_ =	sfence.sel $0xFFFF  }
0xbe: {  	[dreg:$0x0] =	wrdreg $0xFFFFFFFF;
	(pc) =	sbr.abs _section_cstart, $3  }
0xbf: {  	[dreg:$0x1] =	wrdreg $0xFFFFFFFF  }
0xc0: {  	_ =	task.clear_ibuf [dreg:s6], $0x2FFFF;
	_ =	strace $0x9FFFFFFF  }
0xc1: {  	(tm) =	ssettm $0x7FFFFFFF  }
tec
execute0_lowered:
.L_overlay_start_1:
0x0: {  	(tag) =	ssettag $0x1  }
0x1: {  	s1 =	srdreg.scid  }
0x2: {  	s0 =	stileid.u32;
	s5 =	rddreg [dreg:$0x0]  }
0x3: {  	s2 =	simm.s32 $0x0;
	s8 =	simm.s32 $0x80;
	s9 =	simm.s32 $0x400  }
0x4: {  	s10 =	simm.s32 $0x0;
	s3 =	sand.u32 $0x1, s1;
	s29 =	sshll.u32 s0, $0x1  }
0x5: {  	s30 =	sshrl.u32 s0, $0x2;
	s1 =	rddreg [dreg:$0x1];
	s4 =	sor.u32 s3, s29  }
0x6: {  	[smem:$0x7FF] =	sst s2;
	s6 =	smul.u32 $0x14000, s30;
	s7 =	sshll.u32 s4, $0x7  }
0x7: {  	s3 =	ssub.s32 $0x2, s3;
	s4 =	smul.u32 $0x500, s4;
	s7 =	sand.u32 $0x380, s7  }
0x8: {  	_ =	strace $0x80000047;
	s31 =	sshrl.u32 s3, $0x1;
	s6 =	sor.u32 s6, s7  }
0x9: {  	s4 =	sadd.s32 s4, s5;
	s7 =	simm.s32 $0x2800;
	s6 =	sshrl.u32 s6, $0x3  }
0xa: {  	s5 =	sadd.s32 s6, s5;
	s6 =	ssub.s32 s3, s31;
	s3 =	sadd.s32 $0x2800, s4  }
0xb: {  	v0 =	vimm.f32 $0.0e+00;
	v1 =	vimm.f32 $1.000000000e+00;
	s4 =	sadd.s32 $0xC800, s5;
	s5 =	smax.u32 s6, $0x1;
	s6 =	simm.s32 $0x1  }
.LBB2_1:
0xc: {  	[tilespmem:s2], [sflag:$0x1] =	stream.linear.gather [hbm4b:s3+s2], $0x2800, $0x38;
	[tilespmem:$0x5000] =	vst v63  }
0xd: {  	_ =	swait.ge [sflag:s6], $0x2800  }
0xe: {  	[sflag:s6] =	ssyncset.done $0x0  }
0xf: {  	s11 =	simm.s32 $0x0;
	[sflag:s6] =	ssyncadd.s32 $0xFFFFD800  }
.LBB2_2:
0x10: {  	p0 =	sne.s32 s11, $0x9FC0  }
.Ltmp0:
0x11: {  	_ = 	snop;
	(pc) =	sbr.rel @p0 .LBB2_2-.Ltmp0, $3  }
0x12: {  	_ =	sdelay $0x1  }
0x13: {  	s12 =	sshra.s32 s11, $0x2  }
0x14: {  	s11 =	sadd.s32 $0x40, s11;
	[tilespmem:s12+$0x2800] =	vst v0  }
0x15: {  	s11 =	simm.s32 $0x0  }
.LBB2_4:
0x16: {  	s12 =	sshra.s32 s11, $0x2  }
0x17: {  	v2 =	vld [tilespmem:s12+$0x0];
	_ =	sdelay $0x7  }
0x18: {  	[tilespmem:v2+s7+$0x0] =	vst.idx.add.f32.msk $0xffff, v1  }
0x19: {  	v2 =	vld [tilespmem:s12+$0x10];
	_ =	sdelay $0x7  }
0x1a: {  	[tilespmem:v2+s7+$0x0] =	vst.idx.add.f32.msk $0xffff, v1  }
0x1b: {  	v2 =	vld [tilespmem:s12+$0x20];
	_ =	sdelay $0x7  }
0x1c: {  	[tilespmem:v2+s7+$0x0] =	vst.idx.add.f32.msk $0xffff, v1  }
0x1d: {  	v2 =	vld [tilespmem:s12+$0x30];
	_ =	sdelay $0x7  }
0x1e: {  	[tilespmem:v2+s7+$0x0] =	vst.idx.add.f32.msk $0xffff, v1  }
0x1f: {  	v2 =	vld [tilespmem:s12+$0x40];
	_ =	sdelay $0x7  }
0x20: {  	[tilespmem:v2+s7+$0x0] =	vst.idx.add.f32.msk $0xffff, v1  }
0x21: {  	v2 =	vld [tilespmem:s12+$0x50];
	_ =	sdelay $0x7  }
0x22: {  	[tilespmem:v2+s7+$0x0] =	vst.idx.add.f32.msk $0xffff, v1  }
0x23: {  	v2 =	vld [tilespmem:s12+$0x60];
	_ =	sdelay $0x7  }
0x24: {  	[tilespmem:v2+s7+$0x0] =	vst.idx.add.f32.msk $0xffff, v1  }
0x25: {  	v2 =	vld [tilespmem:s12+$0x70];
	_ =	sdelay $0x2  }
0x26: {  	p0 =	sne.s32 s11, $0x9E00  }
.Ltmp1:
0x27: {  	_ = 	snop;
	(pc) =	sbr.rel @p0 .LBB2_4-.Ltmp1, $2  }
0x28: {  	_ =	sdelay $0x2  }
0x29: {  	s11 =	sadd.s32 $0x200, s11;
	[tilespmem:v2+s7+$0x0] =	vst.idx.add.f32.msk $0xffff, v1  }
0x2a: {  	s10 =	sadd.s32 $0x1, s10  }
0x2b: {  	p0 =	sne.s32 s10, s5  }
.Ltmp2:
0x2c: {  	_ = 	snop;
	(pc) =	sbr.rel @p0 .LBB2_1-.Ltmp2, $4  }
0x2d: {  	[hbm4b:s4+s8] =	stream.strided.scatter [tilespmem:s7], [sflag:$0x1], $0x2800, s9, s8, $0x38;
	[tilespmem:$0x5000] =	vst v63  }
0x2e: {  	_ =	swait.ge [sflag:s6], $0x2800  }
0x2f: {  	[sflag:s6] =	ssyncset.done $0x0  }
0x30: {  	[sflag:s6] =	ssyncadd.s32 $0xFFFFD800  }
0x31: {  	_ =	sfence.sel $0x180000  }
0x32: {  	[bflag:$0x0] =	sbarrier.arrive $0xFFFF  }
0x33: {  	p0 =	sne.s32 s0, $0x0;
	_ =	strace $0x90000047  }
0x34: {  	s0 =	sadd.s32 @!p0 $0x100000, s1;
	[bflag:$0x2] =	sbarrier.arrive $0xFFFF  }
0x35: {  	[sflag:s0] =	ssyncadd.tile.s32 @!p0 $0x1;
	_ =	shalt  }
.Lfunc_end2:
_tile_overlayer_lowered:
.L_overlay_start_2:
0x36: {  	(tag) =	ssettag $0x2  }
0x37: {  	s0 =	rddreg [dreg:$0x0];
	s2 =	stileid.u32  }
0x38: {  	s1 =	rddreg [dreg:$0x1];
	p0 =	sne.s32 s2, $0x0  }
0x39: {  	s3 =	rddreg [dreg:$0x2];
	[bflag:$0x3] =	sbarrier.arrive $0xFFFF;
	s2 =	simm.s32 @!p0 $0x1C01  }
0x3a: {  	[timem:s3], [sflag:s2] =	dma.local @!p0 [hbm:s0], s1  }
0x3b: {  	s0 =	simm.s32 @!p0 $0x1  }
0x3c: {  	_ =	swait.ge @!p0 [sflag:s0], s1  }
0x3d: {  	s1 =	ssub.s32 @!p0 $0x0, s1;
	[sflag:s0] =	ssyncset.done @!p0 $0x0  }
0x3e: {  	[sflag:s0] =	ssyncadd.s32 @!p0 s1  }
0x3f: {  	[bflag:$0x3] =	sbarrier.arrive $0xFFFF  }
0x40: {  	_ =	shalt  }

</sc_bundles>
